<compile_context>
chip_gen: v7x
topology: tpu7x:2x2x1
jax: 0.10.2.dev20260603
libtpu: 0.0.44.dev20260713+nightly
codegen_flags: <defaults>
</compile_context>

<pallas_src>
import functools

import jax
import jax.numpy as jnp
from jax import lax
from jax.experimental import pallas as pl
from jax.experimental.pallas import tpu as pltpu
from jax.experimental.pallas import tpu_sc as plsc

B, N, K, H = 16, 1024, 4, 128
R = 512
T = B * N
NC, NS = 2, 16
NW = NC * NS
TPW = T // NW

G_TOK = 128
NG = TPW // G_TOK


def _sc_body(idx_hbm, table_hbm, ent_hbm, idx_v,
             e0, e1, b0, b1, b2, b3, b4,
             se0, se1, sb0, sb1, sb2, sb3, sb4, ss0, ss1):
    wid = lax.axis_index("s") * NC + lax.axis_index("c")
    pltpu.sync_copy(idx_hbm.at[pl.ds(wid * (TPW * K // 128), TPW * K // 128)],
                    idx_v)

    def gath(g, k, buf, sem):
        pltpu.make_async_copy(table_hbm.at[idx_v.at[4 * g + k]], buf,
                              sem).start()

    def wait(buf, sem):
        pltpu.make_async_copy(table_hbm.at[idx_v.at[0]], buf, sem).wait()

    def reduce(e, a, b, c):
        def red(u, _):
            for dt in range(4):
                t = 4 * u + dt
                for j in range(H // 16):
                    s = pl.ds(j * 16, 16)
                    e[t, s] = e[t, s] + a[t, s] + b[t, s] + c[t, s]
            return 0
        lax.fori_loop(0, G_TOK // 4, red, 0)

    def store(g, e, sem):
        pltpu.make_async_copy(
            e, ent_hbm.at[pl.ds(wid * TPW + g * G_TOK, G_TOK)], sem).start()

    def swait(e, g, sem):
        pltpu.make_async_copy(
            e, ent_hbm.at[pl.ds(wid * TPW + g * G_TOK, G_TOK)], sem).wait()

    gath(0, 0, e0, se0)
    gath(0, 1, b0, sb0)
    gath(0, 2, b1, sb1)
    gath(0, 3, b2, sb2)
    wait(e0, se0); wait(b0, sb0); wait(b1, sb1); wait(b2, sb2)
    gath(1, 0, e1, se1)
    gath(1, 1, b3, sb3)
    gath(1, 2, b4, sb4)
    reduce(e0, b0, b1, b2)
    store(0, e0, ss0)
    gath(1, 3, b0, sb0)
    gath(2, 1, b1, sb1)
    gath(2, 2, b2, sb2)
    wait(e1, se1); wait(b3, sb3); wait(b4, sb4); wait(b0, sb0)
    reduce(e1, b3, b4, b0)
    store(1, e1, ss1)
    swait(e0, 0, ss0)
    gath(2, 0, e0, se0)
    gath(2, 3, b3, sb3)
    gath(3, 1, b4, sb4)
    wait(e0, se0); wait(b1, sb1); wait(b2, sb2); wait(b3, sb3)
    reduce(e0, b1, b2, b3)
    store(2, e0, ss0)
    gath(3, 2, b0, sb0)
    gath(3, 3, b1, sb1)
    swait(e1, 1, ss1)
    gath(3, 0, e1, se1)
    wait(e1, se1); wait(b4, sb4); wait(b0, sb0); wait(b1, sb1)
    reduce(e1, b4, b0, b1)
    store(3, e1, ss1)
    swait(e0, 2, ss0)
    swait(e1, 3, ss1)


_sc_call = functools.partial(
    pl.kernel,
    mesh=plsc.VectorSubcoreMesh(core_axis_name="c", subcore_axis_name="s"),
    out_type=jax.ShapeDtypeStruct((T, H), jnp.float32),
    scratch_types=[
        pltpu.VMEM((TPW * K // 128, 128), jnp.int32),
        pltpu.VMEM((G_TOK, H), jnp.float32),
        pltpu.VMEM((G_TOK, H), jnp.float32),
        pltpu.VMEM((G_TOK, H), jnp.float32),
        pltpu.VMEM((G_TOK, H), jnp.float32),
        pltpu.VMEM((G_TOK, H), jnp.float32),
        pltpu.VMEM((G_TOK, H), jnp.float32),
        pltpu.VMEM((G_TOK, H), jnp.float32),
        pltpu.SemaphoreType.DMA,
        pltpu.SemaphoreType.DMA,
        pltpu.SemaphoreType.DMA,
        pltpu.SemaphoreType.DMA,
        pltpu.SemaphoreType.DMA,
        pltpu.SemaphoreType.DMA,
        pltpu.SemaphoreType.DMA,
        pltpu.SemaphoreType.DMA,
        pltpu.SemaphoreType.DMA,
    ],
)(_sc_body)


TBLK = 1024


def _rel_body(rt_ref, fw_ref, link_ref, out_ref, w2_ref):
    @pl.when(pl.program_id(0) == 0)
    def _():
        w2_ref[...] = jnp.dot(rt_ref[...], fw_ref[...],
                              preferred_element_type=jnp.float32)

    ls = (link_ref[:, 0, :] + link_ref[:, 1, :]
          + link_ref[:, 2, :] + link_ref[:, 3, :])
    out_ref[...] = jnp.dot(ls, w2_ref[...],
                           preferred_element_type=jnp.float32
                           ).astype(jnp.bfloat16)


FB = 8


def _fin_body(rel_ref, ent_ref, gt_ref, g_ref, b_ref, out_ref):
    acc = rel_ref[...].astype(jnp.float32) + ent_ref[...]
    mu = jnp.mean(acc, axis=-1, keepdims=True)
    d = acc - mu
    var = jnp.mean(d * d, axis=-1, keepdims=True)
    y = d * lax.rsqrt(var + 1e-6) * g_ref[...] + b_ref[...]
    out_ref[1:, :, :] = jnp.transpose(y, (1, 0, 2))
    out_ref[0:1, :, :] = jnp.broadcast_to(
        gt_ref[...].reshape(1, 1, H), (1, FB, H))


def kernel(x, in_degree, out_degree, link, length, entity_table,
           in_deg_table, out_deg_table, rel_table, ffn_W,
           ln_gamma, ln_beta, graph_token):
    idx = (x.astype(jnp.int32)
           .reshape(B, N // 128, 128, K)
           .transpose(0, 1, 3, 2)
           .reshape(T * K // 128, 128))
    link_flat = link.reshape(T, K, R)
    ent = _sc_call(idx, entity_table)

    rel = pl.pallas_call(
        _rel_body,
        grid=(T // TBLK,),
        in_specs=[
            pl.BlockSpec((R, H), lambda i: (0, 0)),
            pl.BlockSpec((H, H), lambda i: (0, 0)),
            pl.BlockSpec((TBLK, K, R), lambda i: (i, 0, 0)),
        ],
        out_specs=pl.BlockSpec((TBLK, H), lambda i: (i, 0)),
        out_shape=jax.ShapeDtypeStruct((T, H), jnp.bfloat16),
        scratch_shapes=[pltpu.VMEM((R, H), jnp.float32)],
    )(rel_table, ffn_W, link_flat)

    g2 = ln_gamma.reshape(1, H)
    b2 = ln_beta.reshape(1, H)
    out_t = pl.pallas_call(
        _fin_body,
        grid=(B // FB,),
        in_specs=[
            pl.BlockSpec((FB, N, H), lambda i: (i, 0, 0)),
            pl.BlockSpec((FB, N, H), lambda i: (i, 0, 0)),
            pl.BlockSpec((1, H), lambda i: (0, 0)),
            pl.BlockSpec((1, H), lambda i: (0, 0)),
            pl.BlockSpec((1, H), lambda i: (0, 0)),
        ],
        out_specs=pl.BlockSpec((N + 1, FB, H), lambda i: (0, i, 0)),
        out_shape=jax.ShapeDtypeStruct((N + 1, B, H), jnp.float32),
    )(rel.reshape(B, N, H), ent.reshape(B, N, H), graph_token, g2, b2)
    return out_t.transpose(1, 0, 2)

# --- scband reference (transcript-rebuilt; emitter-appended) ---
"""Pipeline reference for scband-local-level-encoding-90159953477842 (READ-ONLY COPY).

The authoritative reference and input builder live on the scoring server;
editing this copy changes nothing except your own understanding.
"""

import jax, jax.numpy as jnp
import numpy as np
import math

B, N, K, H = 16, 1024, 4, 128
V = 100000 + 1
D_IN, D_OUT, R = 512, 512, 512
N_LAYERS = 12

def setup_inputs(seed: int = 0) -> dict:
    key = jax.random.key(seed)
    ks = jax.random.split(key, 14)
    x = jax.random.randint(ks[0], (B, N, K), 0, 100000)
    in_degree = jax.random.randint(ks[1], (B, N), 0, D_IN)
    out_degree = jax.random.randint(ks[2], (B, N), 0, D_OUT)
    link = jax.random.uniform(ks[3], (B, N, K, R), dtype=jnp.float32)
    length = jax.random.randint(ks[4], (B,), 0, N)
    std = 0.02
    entity_table = jax.random.normal(ks[5], (V, H), dtype=jnp.float32) * std
    in_deg_table = jax.random.normal(ks[6], (D_IN, H), dtype=jnp.float32) * std
    out_deg_table = jax.random.normal(ks[7], (D_OUT, H), dtype=jnp.float32) * std
    rel_table = jax.random.normal(ks[8], (R, H), dtype=jnp.float32) * std
    ffn_W = jax.random.normal(ks[9], (H, H), dtype=jnp.float32) * (std / math.sqrt(N_LAYERS))
    ln_gamma = jnp.ones((H,), dtype=jnp.float32)
    ln_beta = jnp.zeros((H,), dtype=jnp.float32)
    graph_token = jax.random.normal(ks[10], (1, H), dtype=jnp.float32) * std
    return {
        'x': x, 'in_degree': in_degree, 'out_degree': out_degree,
        'link': link, 'length': length,
        'entity_table': entity_table, 'in_deg_table': in_deg_table,
        'out_deg_table': out_deg_table, 'rel_table': rel_table,
        'ffn_W': ffn_W, 'ln_gamma': ln_gamma, 'ln_beta': ln_beta,
        'graph_token': graph_token,
    }

def reference(x, in_degree, out_degree, link, length, entity_table,
              in_deg_table, out_deg_table, rel_table, ffn_W,
              ln_gamma, ln_beta, graph_token):
    n_graph = x.shape[0]
    # entity embedding gather + sum over sub-token axis
    entity_feature = jnp.take(entity_table, x, axis=0).sum(axis=-2)  # [B, N, H]
    # relation extractor: link @ relation_table @ ffn_W
    relation_feature = jnp.matmul(jnp.matmul(link, rel_table), ffn_W)  # [B, N, K, H]
    entity_feature = entity_feature + relation_feature.sum(axis=-2)
    # layer norm (eps=1e-6)
    mu = entity_feature.mean(axis=-1, keepdims=True)
    var = entity_feature.var(axis=-1, keepdims=True)
    entity_feature = (entity_feature - mu) / jnp.sqrt(var + 1e-6) * ln_gamma + ln_beta
    # graph token prepend
    gt = jnp.tile(graph_token[None, :, :], (n_graph, 1, 1))  # [B, 1, H]
    return jnp.concatenate([gt, entity_feature], axis=1)  # [B, N+1, H]

if __name__ == "__main__":
    import jax
    _d = setup_inputs()
    print(jax.jit(kernel)(*tuple(_d.values())))

</pallas_src>

<mosaic_0001>
#map = affine_map<(d0, d1) -> (0, 0)>
module attributes {stable_mosaic.version = 14 : i64} {
  func.func @_sc_body(%arg0: i32, %arg1: i32, %arg2: memref<512x128xi32, #tpu.memory_space<hbm>>, %arg3: memref<100001x128xf32, #tpu.memory_space<hbm>>, %arg4: memref<16384x128xf32, #tpu.memory_space<hbm>>, %arg5: memref<16x128xi32, #tpu.memory_space<vmem>>, %arg6: memref<128x128xf32, #tpu.memory_space<vmem>>, %arg7: memref<128x128xf32, #tpu.memory_space<vmem>>, %arg8: memref<128x128xf32, #tpu.memory_space<vmem>>, %arg9: memref<128x128xf32, #tpu.memory_space<vmem>>, %arg10: memref<128x128xf32, #tpu.memory_space<vmem>>, %arg11: memref<128x128xf32, #tpu.memory_space<vmem>>, %arg12: memref<128x128xf32, #tpu.memory_space<vmem>>, %arg13: memref<!tpu.dma_semaphore, #tpu.memory_space<semaphore_mem>>, %arg14: memref<!tpu.dma_semaphore, #tpu.memory_space<semaphore_mem>>, %arg15: memref<!tpu.dma_semaphore, #tpu.memory_space<semaphore_mem>>, %arg16: memref<!tpu.dma_semaphore, #tpu.memory_space<semaphore_mem>>, %arg17: memref<!tpu.dma_semaphore, #tpu.memory_space<semaphore_mem>>, %arg18: memref<!tpu.dma_semaphore, #tpu.memory_space<semaphore_mem>>, %arg19: memref<!tpu.dma_semaphore, #tpu.memory_space<semaphore_mem>>, %arg20: memref<!tpu.dma_semaphore, #tpu.memory_space<semaphore_mem>>, %arg21: memref<!tpu.dma_semaphore, #tpu.memory_space<semaphore_mem>>) attributes {dimension_semantics = [#tpu.dimension_semantics<core_parallel>, #tpu.dimension_semantics<subcore_parallel>], iteration_bounds = array<i64: 2, 16>, scalar_prefetch = 0 : i64, scratch_operands = 17 : i64, tpu.core_type = #tpu.core_type<sc_vector_subcore>, window_params = [{transform_indices = #map}, {transform_indices = #map}, {transform_indices = #map}]} {
    %mul3A = arith.constant 2 : i32
    %mul3A_0 = arith.muli %arg1, %mul3A : i32
    %add3A = arith.addi %mul3A_0, %arg0 : i32
    %mul3A_1 = arith.constant 16 : i32
    %mul3A_2 = arith.muli %add3A, %mul3A_1 : i32
    "tpu.region"() ({
      %run_scoped3A = tpu.sem_alloc : memref<!tpu.dma_semaphore, #tpu.memory_space<semaphore_mem>>
      %dma_start3A_316 = arith.constant 0 : i32
      %dma_start3A_317 = tpu.memref_slice %arg2[%mul3A_2, %dma_start3A_316] : memref<512x128xi32, #tpu.memory_space<hbm>> -> memref<16x128xi32, #tpu.memory_space<hbm>>
      %dma_start3A_318 = arith.constant 0 : i32
      %dma_start3A_319 = tpu.memref_slice %arg2[%mul3A_2, %dma_start3A_318] : memref<512x128xi32, #tpu.memory_space<hbm>> -> memref<16x128xi32, #tpu.memory_space<hbm>>
      tpu.enqueue_dma source(%dma_start3A_319 : memref<16x128xi32, #tpu.memory_space<hbm>>) target(%arg5 : memref<16x128xi32, #tpu.memory_space<vmem>>) target_semaphore(%run_scoped3A : memref<!tpu.dma_semaphore, #tpu.memory_space<semaphore_mem>>)
      %dma_wait3A_320 = arith.constant 0 : i32
      %dma_wait3A_321 = tpu.memref_slice %arg2[%mul3A_2, %dma_wait3A_320] : memref<512x128xi32, #tpu.memory_space<hbm>> -> memref<16x128xi32, #tpu.memory_space<hbm>>
      %dma_wait3A_322 = arith.constant 0 : i32
      %dma_wait3A_323 = tpu.memref_slice %arg2[%mul3A_2, %dma_wait3A_322] : memref<512x128xi32, #tpu.memory_space<hbm>> -> memref<16x128xi32, #tpu.memory_space<hbm>>
      tpu.wait_dma2 semaphore(%run_scoped3A : memref<!tpu.dma_semaphore, #tpu.memory_space<semaphore_mem>>) src(%dma_wait3A_323 : memref<16x128xi32, #tpu.memory_space<hbm>>) dst(%arg5 : memref<16x128xi32, #tpu.memory_space<vmem>>)
      tpu.yield
    }) : () -> ()
    %dma_start3A = arith.constant 0 : i32
    %dma_start3A_3 = arith.constant 0 : i32
    %dma_start3A_4 = tpu.memref_slice %arg5[%dma_start3A, %dma_start3A_3] : memref<16x128xi32, #tpu.memory_space<vmem>> -> memref<1x128xi32, #tpu.memory_space<vmem>>
    %dma_start3A_5 = tpu.memref_squeeze %dma_start3A_4 : memref<1x128xi32, #tpu.memory_space<vmem>> -> memref<128xi32, #tpu.memory_space<vmem>>
    %dma_start3A_6 = arith.constant 0 : i32
    %dma_start3A_7 = arith.constant 0 : i32
    %dma_start3A_8 = tpu.memref_slice %arg3[%dma_start3A_6, %dma_start3A_7] : memref<100001x128xf32, #tpu.memory_space<hbm>> -> memref<100001x128xf32, #tpu.memory_space<hbm>>
    tpu.enqueue_indirect_dma source(%dma_start3A_8 : memref<100001x128xf32, #tpu.memory_space<hbm>>) target(%arg6 : memref<128x128xf32, #tpu.memory_space<vmem>>) offsets(%dma_start3A_5 : memref<128xi32, #tpu.memory_space<vmem>>) semaphore(%arg13 : memref<!tpu.dma_semaphore, #tpu.memory_space<semaphore_mem>>)
    %dma_start3A_9 = arith.constant 1 : i32
    %dma_start3A_10 = arith.constant 0 : i32
    %dma_start3A_11 = tpu.memref_slice %arg5[%dma_start3A_9, %dma_start3A_10] : memref<16x128xi32, #tpu.memory_space<vmem>> -> memref<1x128xi32, #tpu.memory_space<vmem>>
    %dma_start3A_12 = tpu.memref_squeeze %dma_start3A_11 : memref<1x128xi32, #tpu.memory_space<vmem>> -> memref<128xi32, #tpu.memory_space<vmem>>
    %dma_start3A_13 = arith.constant 0 : i32
    %dma_start3A_14 = arith.constant 0 : i32
    %dma_start3A_15 = tpu.memref_slice %arg3[%dma_start3A_13, %dma_start3A_14] : memref<100001x128xf32, #tpu.memory_space<hbm>> -> memref<100001x128xf32, #tpu.memory_space<hbm>>
    tpu.enqueue_indirect_dma source(%dma_start3A_15 : memref<100001x128xf32, #tpu.memory_space<hbm>>) target(%arg8 : memref<128x128xf32, #tpu.memory_space<vmem>>) offsets(%dma_start3A_12 : memref<128xi32, #tpu.memory_space<vmem>>) semaphore(%arg15 : memref<!tpu.dma_semaphore, #tpu.memory_space<semaphore_mem>>)
    %dma_start3A_16 = arith.constant 2 : i32
    %dma_start3A_17 = arith.constant 0 : i32
    %dma_start3A_18 = tpu.memref_slice %arg5[%dma_start3A_16, %dma_start3A_17] : memref<16x128xi32, #tpu.memory_space<vmem>> -> memref<1x128xi32, #tpu.memory_space<vmem>>
    %dma_start3A_19 = tpu.memref_squeeze %dma_start3A_18 : memref<1x128xi32, #tpu.memory_space<vmem>> -> memref<128xi32, #tpu.memory_space<vmem>>
    %dma_start3A_20 = arith.constant 0 : i32
    %dma_start3A_21 = arith.constant 0 : i32
    %dma_start3A_22 = tpu.memref_slice %arg3[%dma_start3A_20, %dma_start3A_21] : memref<100001x128xf32, #tpu.memory_space<hbm>> -> memref<100001x128xf32, #tpu.memory_space<hbm>>
    tpu.enqueue_indirect_dma source(%dma_start3A_22 : memref<100001x128xf32, #tpu.memory_space<hbm>>) target(%arg9 : memref<128x128xf32, #tpu.memory_space<vmem>>) offsets(%dma_start3A_19 : memref<128xi32, #tpu.memory_space<vmem>>) semaphore(%arg16 : memref<!tpu.dma_semaphore, #tpu.memory_space<semaphore_mem>>)
    %dma_start3A_23 = arith.constant 3 : i32
    %dma_start3A_24 = arith.constant 0 : i32
    %dma_start3A_25 = tpu.memref_slice %arg5[%dma_start3A_23, %dma_start3A_24] : memref<16x128xi32, #tpu.memory_space<vmem>> -> memref<1x128xi32, #tpu.memory_space<vmem>>
    %dma_start3A_26 = tpu.memref_squeeze %dma_start3A_25 : memref<1x128xi32, #tpu.memory_space<vmem>> -> memref<128xi32, #tpu.memory_space<vmem>>
    %dma_start3A_27 = arith.constant 0 : i32
    %dma_start3A_28 = arith.constant 0 : i32
    %dma_start3A_29 = tpu.memref_slice %arg3[%dma_start3A_27, %dma_start3A_28] : memref<100001x128xf32, #tpu.memory_space<hbm>> -> memref<100001x128xf32, #tpu.memory_space<hbm>>
    tpu.enqueue_indirect_dma source(%dma_start3A_29 : memref<100001x128xf32, #tpu.memory_space<hbm>>) target(%arg10 : memref<128x128xf32, #tpu.memory_space<vmem>>) offsets(%dma_start3A_26 : memref<128xi32, #tpu.memory_space<vmem>>) semaphore(%arg17 : memref<!tpu.dma_semaphore, #tpu.memory_space<semaphore_mem>>)
    %dma_wait3A = arith.constant 0 : i32
    %dma_wait3A_30 = arith.constant 0 : i32
    %dma_wait3A_31 = tpu.memref_slice %arg5[%dma_wait3A, %dma_wait3A_30] : memref<16x128xi32, #tpu.memory_space<vmem>> -> memref<1x128xi32, #tpu.memory_space<vmem>>
    %dma_wait3A_32 = tpu.memref_squeeze %dma_wait3A_31 : memref<1x128xi32, #tpu.memory_space<vmem>> -> memref<128xi32, #tpu.memory_space<vmem>>
    %dma_wait3A_33 = arith.constant 0 : i32
    %dma_wait3A_34 = arith.constant 0 : i32
    %dma_wait3A_35 = tpu.memref_slice %arg3[%dma_wait3A_33, %dma_wait3A_34] : memref<100001x128xf32, #tpu.memory_space<hbm>> -> memref<100001x128xf32, #tpu.memory_space<hbm>>
    tpu.wait_indirect_dma semaphore(%arg13 : memref<!tpu.dma_semaphore, #tpu.memory_space<semaphore_mem>>) src(%dma_wait3A_35 : memref<100001x128xf32, #tpu.memory_space<hbm>>) dst(%arg6 : memref<128x128xf32, #tpu.memory_space<vmem>>)
    %dma_wait3A_36 = arith.constant 0 : i32
    %dma_wait3A_37 = arith.constant 0 : i32
    %dma_wait3A_38 = tpu.memref_slice %arg5[%dma_wait3A_36, %dma_wait3A_37] : memref<16x128xi32, #tpu.memory_space<vmem>> -> memref<1x128xi32, #tpu.memory_space<vmem>>
    %dma_wait3A_39 = tpu.memref_squeeze %dma_wait3A_38 : memref<1x128xi32, #tpu.memory_space<vmem>> -> memref<128xi32, #tpu.memory_space<vmem>>
    %dma_wait3A_40 = arith.constant 0 : i32
    %dma_wait3A_41 = arith.constant 0 : i32
    %dma_wait3A_42 = tpu.memref_slice %arg3[%dma_wait3A_40, %dma_wait3A_41] : memref<100001x128xf32, #tpu.memory_space<hbm>> -> memref<100001x128xf32, #tpu.memory_space<hbm>>
    tpu.wait_indirect_dma semaphore(%arg15 : memref<!tpu.dma_semaphore, #tpu.memory_space<semaphore_mem>>) src(%dma_wait3A_42 : memref<100001x128xf32, #tpu.memory_space<hbm>>) dst(%arg8 : memref<128x128xf32, #tpu.memory_space<vmem>>)
    %dma_wait3A_43 = arith.constant 0 : i32
    %dma_wait3A_44 = arith.constant 0 : i32
    %dma_wait3A_45 = tpu.memref_slice %arg5[%dma_wait3A_43, %dma_wait3A_44] : memref<16x128xi32, #tpu.memory_space<vmem>> -> memref<1x128xi32, #tpu.memory_space<vmem>>
    %dma_wait3A_46 = tpu.memref_squeeze %dma_wait3A_45 : memref<1x128xi32, #tpu.memory_space<vmem>> -> memref<128xi32, #tpu.memory_space<vmem>>
    %dma_wait3A_47 = arith.constant 0 : i32
    %dma_wait3A_48 = arith.constant 0 : i32
    %dma_wait3A_49 = tpu.memref_slice %arg3[%dma_wait3A_47, %dma_wait3A_48] : memref<100001x128xf32, #tpu.memory_space<hbm>> -> memref<100001x128xf32, #tpu.memory_space<hbm>>
    tpu.wait_indirect_dma semaphore(%arg16 : memref<!tpu.dma_semaphore, #tpu.memory_space<semaphore_mem>>) src(%dma_wait3A_49 : memref<100001x128xf32, #tpu.memory_space<hbm>>) dst(%arg9 : memref<128x128xf32, #tpu.memory_space<vmem>>)
    %dma_wait3A_50 = arith.constant 0 : i32
    %dma_wait3A_51 = arith.constant 0 : i32
    %dma_wait3A_52 = tpu.memref_slice %arg5[%dma_wait3A_50, %dma_wait3A_51] : memref<16x128xi32, #tpu.memory_space<vmem>> -> memref<1x128xi32, #tpu.memory_space<vmem>>
    %dma_wait3A_53 = tpu.memref_squeeze %dma_wait3A_52 : memref<1x128xi32, #tpu.memory_space<vmem>> -> memref<128xi32, #tpu.memory_space<vmem>>
    %dma_wait3A_54 = arith.constant 0 : i32
    %dma_wait3A_55 = arith.constant 0 : i32
    %dma_wait3A_56 = tpu.memref_slice %arg3[%dma_wait3A_54, %dma_wait3A_55] : memref<100001x128xf32, #tpu.memory_space<hbm>> -> memref<100001x128xf32, #tpu.memory_space<hbm>>
    tpu.wait_indirect_dma semaphore(%arg17 : memref<!tpu.dma_semaphore, #tpu.memory_space<semaphore_mem>>) src(%dma_wait3A_56 : memref<100001x128xf32, #tpu.memory_space<hbm>>) dst(%arg10 : memref<128x128xf32, #tpu.memory_space<vmem>>)
    %dma_start3A_57 = arith.constant 4 : i32
    %dma_start3A_58 = arith.constant 0 : i32
    %dma_start3A_59 = tpu.memref_slice %arg5[%dma_start3A_57, %dma_start3A_58] : memref<16x128xi32, #tpu.memory_space<vmem>> -> memref<1x128xi32, #tpu.memory_space<vmem>>
    %dma_start3A_60 = tpu.memref_squeeze %dma_start3A_59 : memref<1x128xi32, #tpu.memory_space<vmem>> -> memref<128xi32, #tpu.memory_space<vmem>>
    %dma_start3A_61 = arith.constant 0 : i32
    %dma_start3A_62 = arith.constant 0 : i32
    %dma_start3A_63 = tpu.memref_slice %arg3[%dma_start3A_61, %dma_start3A_62] : memref<100001x128xf32, #tpu.memory_space<hbm>> -> memref<100001x128xf32, #tpu.memory_space<hbm>>
    tpu.enqueue_indirect_dma source(%dma_start3A_63 : memref<100001x128xf32, #tpu.memory_space<hbm>>) target(%arg7 : memref<128x128xf32, #tpu.memory_space<vmem>>) offsets(%dma_start3A_60 : memref<128xi32, #tpu.memory_space<vmem>>) semaphore(%arg14 : memref<!tpu.dma_semaphore, #tpu.memory_space<semaphore_mem>>)
    %dma_start3A_64 = arith.constant 5 : i32
    %dma_start3A_65 = arith.constant 0 : i32
    %dma_start3A_66 = tpu.memref_slice %arg5[%dma_start3A_64, %dma_start3A_65] : memref<16x128xi32, #tpu.memory_space<vmem>> -> memref<1x128xi32, #tpu.memory_space<vmem>>
    %dma_start3A_67 = tpu.memref_squeeze %dma_start3A_66 : memref<1x128xi32, #tpu.memory_space<vmem>> -> memref<128xi32, #tpu.memory_space<vmem>>
    %dma_start3A_68 = arith.constant 0 : i32
    %dma_start3A_69 = arith.constant 0 : i32
    %dma_start3A_70 = tpu.memref_slice %arg3[%dma_start3A_68, %dma_start3A_69] : memref<100001x128xf32, #tpu.memory_space<hbm>> -> memref<100001x128xf32, #tpu.memory_space<hbm>>
    tpu.enqueue_indirect_dma source(%dma_start3A_70 : memref<100001x128xf32, #tpu.memory_space<hbm>>) target(%arg11 : memref<128x128xf32, #tpu.memory_space<vmem>>) offsets(%dma_start3A_67 : memref<128xi32, #tpu.memory_space<vmem>>) semaphore(%arg18 : memref<!tpu.dma_semaphore, #tpu.memory_space<semaphore_mem>>)
    %dma_start3A_71 = arith.constant 6 : i32
    %dma_start3A_72 = arith.constant 0 : i32
    %dma_start3A_73 = tpu.memref_slice %arg5[%dma_start3A_71, %dma_start3A_72] : memref<16x128xi32, #tpu.memory_space<vmem>> -> memref<1x128xi32, #tpu.memory_space<vmem>>
    %dma_start3A_74 = tpu.memref_squeeze %dma_start3A_73 : memref<1x128xi32, #tpu.memory_space<vmem>> -> memref<128xi32, #tpu.memory_space<vmem>>
    %dma_start3A_75 = arith.constant 0 : i32
    %dma_start3A_76 = arith.constant 0 : i32
    %dma_start3A_77 = tpu.memref_slice %arg3[%dma_start3A_75, %dma_start3A_76] : memref<100001x128xf32, #tpu.memory_space<hbm>> -> memref<100001x128xf32, #tpu.memory_space<hbm>>
    tpu.enqueue_indirect_dma source(%dma_start3A_77 : memref<100001x128xf32, #tpu.memory_space<hbm>>) target(%arg12 : memref<128x128xf32, #tpu.memory_space<vmem>>) offsets(%dma_start3A_74 : memref<128xi32, #tpu.memory_space<vmem>>) semaphore(%arg19 : memref<!tpu.dma_semaphore, #tpu.memory_space<semaphore_mem>>)
    %scan3A = arith.constant 0 : i32
    %scan3A_78 = arith.constant 0 : i32
    %scan3A_79 = arith.constant 32 : i32
    %scan3A_80 = arith.addi %scan3A_78, %scan3A_79 : i32
    %scan3A_81 = arith.constant 1 : i32
    %scan3A_82 = scf.for %scan3A_316 = %scan3A_78 to %scan3A_80 step %scan3A_81 iter_args(%scan3A_317 = %scan3A) -> (i32)  : i32 {
      %mul3A_318 = arith.constant 4 : i32
      %mul3A_319 = arith.muli %mul3A_318, %scan3A_316 : i32
      %add3A_320 = arith.constant 0 : i32
      %add3A_321 = arith.addi %mul3A_319, %add3A_320 : i32
      %get3A = arith.index_cast %add3A_321 : i32 to index
      %get3A_322 = arith.constant 0 : index
      %get3A_323 = tpu.vector_load %arg6[%get3A, %get3A_322] {strides = array<i32>} : memref<128x128xf32, #tpu.memory_space<vmem>>, vector<1x16xf32>,
      %get3A_324 = vector.shape_cast %get3A_323 : vector<1x16xf32> to vector<16xf32>
      %get3A_325 = arith.index_cast %add3A_321 : i32 to index
      %get3A_326 = arith.constant 0 : index
      %get3A_327 = tpu.vector_load %arg8[%get3A_325, %get3A_326] {strides = array<i32>} : memref<128x128xf32, #tpu.memory_space<vmem>>, vector<1x16xf32>,
      %get3A_328 = vector.shape_cast %get3A_327 : vector<1x16xf32> to vector<16xf32>
      %add3A_329 = arith.addf %get3A_324, %get3A_328 : vector<16xf32>
      %get3A_330 = arith.index_cast %add3A_321 : i32 to index
      %get3A_331 = arith.constant 0 : index
      %get3A_332 = tpu.vector_load %arg9[%get3A_330, %get3A_331] {strides = array<i32>} : memref<128x128xf32, #tpu.memory_space<vmem>>, vector<1x16xf32>,
      %get3A_333 = vector.shape_cast %get3A_332 : vector<1x16xf32> to vector<16xf32>
      %add3A_334 = arith.addf %add3A_329, %get3A_333 : vector<16xf32>
      %get3A_335 = arith.index_cast %add3A_321 : i32 to index
      %get3A_336 = arith.constant 0 : index
      %get3A_337 = tpu.vector_load %arg10[%get3A_335, %get3A_336] {strides = array<i32>} : memref<128x128xf32, #tpu.memory_space<vmem>>, vector<1x16xf32>,
      %get3A_338 = vector.shape_cast %get3A_337 : vector<1x16xf32> to vector<16xf32>
      %add3A_339 = arith.addf %add3A_334, %get3A_338 : vector<16xf32>
      %swap3A = arith.index_cast %add3A_321 : i32 to index
      %swap3A_340 = arith.constant 0 : index
      %swap3A_341 = tpu.vector_load %arg6[%swap3A, %swap3A_340] {strides = array<i32>} : memref<128x128xf32, #tpu.memory_space<vmem>>, vector<1x16xf32>,
      %swap3A_342 = vector.shape_cast %swap3A_341 : vector<1x16xf32> to vector<16xf32>
      %swap3A_343 = vector.shape_cast %add3A_339 : vector<16xf32> to vector<1x16xf32>
      tpu.vector_store %arg6[%swap3A, %swap3A_340], %swap3A_343 {strides = array<i32>} : memref<128x128xf32, #tpu.memory_space<vmem>>, vector<1x16xf32>,
      %get3A_344 = arith.index_cast %add3A_321 : i32 to index
      %get3A_345 = arith.constant 16 : index
      %get3A_346 = tpu.vector_load %arg6[%get3A_344, %get3A_345] {strides = array<i32>} : memref<128x128xf32, #tpu.memory_space<vmem>>, vector<1x16xf32>,
      %get3A_347 = vector.shape_cast %get3A_346 : vector<1x16xf32> to vector<16xf32>
      %get3A_348 = arith.index_cast %add3A_321 : i32 to index
      %get3A_349 = arith.constant 16 : index
      %get3A_350 = tpu.vector_load %arg8[%get3A_348, %get3A_349] {strides = array<i32>} : memref<128x128xf32, #tpu.memory_space<vmem>>, vector<1x16xf32>,
      %get3A_351 = vector.shape_cast %get3A_350 : vector<1x16xf32> to vector<16xf32>
      %add3A_352 = arith.addf %get3A_347, %get3A_351 : vector<16xf32>
      %get3A_353 = arith.index_cast %add3A_321 : i32 to index
      %get3A_354 = arith.constant 16 : index
      %get3A_355 = tpu.vector_load %arg9[%get3A_353, %get3A_354] {strides = array<i32>} : memref<128x128xf32, #tpu.memory_space<vmem>>, vector<1x16xf32>,
      %get3A_356 = vector.shape_cast %get3A_355 : vector<1x16xf32> to vector<16xf32>
      %add3A_357 = arith.addf %add3A_352, %get3A_356 : vector<16xf32>
      %get3A_358 = arith.index_cast %add3A_321 : i32 to index
      %get3A_359 = arith.constant 16 : index
      %get3A_360 = tpu.vector_load %arg10[%get3A_358, %get3A_359] {strides = array<i32>} : memref<128x128xf32, #tpu.memory_space<vmem>>, vector<1x16xf32>,
      %get3A_361 = vector.shape_cast %get3A_360 : vector<1x16xf32> to vector<16xf32>
      %add3A_362 = arith.addf %add3A_357, %get3A_361 : vector<16xf32>
      %swap3A_363 = arith.index_cast %add3A_321 : i32 to index
      %swap3A_364 = arith.constant 16 : index
      %swap3A_365 = tpu.vector_load %arg6[%swap3A_363, %swap3A_364] {strides = array<i32>} : memref<128x128xf32, #tpu.memory_space<vmem>>, vector<1x16xf32>,
      %swap3A_366 = vector.shape_cast %swap3A_365 : vector<1x16xf32> to vector<16xf32>
      %swap3A_367 = vector.shape_cast %add3A_362 : vector<16xf32> to vector<1x16xf32>
      tpu.vector_store %arg6[%swap3A_363, %swap3A_364], %swap3A_367 {strides = array<i32>} : memref<128x128xf32, #tpu.memory_space<vmem>>, vector<1x16xf32>,
      %get3A_368 = arith.index_cast %add3A_321 : i32 to index
      %get3A_369 = arith.constant 32 : index
      %get3A_370 = tpu.vector_load %arg6[%get3A_368, %get3A_369] {strides = array<i32>} : memref<128x128xf32, #tpu.memory_space<vmem>>, vector<1x16xf32>,
      %get3A_371 = vector.shape_cast %get3A_370 : vector<1x16xf32> to vector<16xf32>
      %get3A_372 = arith.index_cast %add3A_321 : i32 to index
      %get3A_373 = arith.constant 32 : index
      %get3A_374 = tpu.vector_load %arg8[%get3A_372, %get3A_373] {strides = array<i32>} : memref<128x128xf32, #tpu.memory_space<vmem>>, vector<1x16xf32>,
      %get3A_375 = vector.shape_cast %get3A_374 : vector<1x16xf32> to vector<16xf32>
      %add3A_376 = arith.addf %get3A_371, %get3A_375 : vector<16xf32>
      %get3A_377 = arith.index_cast %add3A_321 : i32 to index
      %get3A_378 = arith.constant 32 : index
      %get3A_379 = tpu.vector_load %arg9[%get3A_377, %get3A_378] {strides = array<i32>} : memref<128x128xf32, #tpu.memory_space<vmem>>, vector<1x16xf32>,
      %get3A_380 = vector.shape_cast %get3A_379 : vector<1x16xf32> to vector<16xf32>
      %add3A_381 = arith.addf %add3A_376, %get3A_380 : vector<16xf32>
      %get3A_382 = arith.index_cast %add3A_321 : i32 to index
      %get3A_383 = arith.constant 32 : index
      %get3A_384 = tpu.vector_load %arg10[%get3A_382, %get3A_383] {strides = array<i32>} : memref<128x128xf32, #tpu.memory_space<vmem>>, vector<1x16xf32>,
      %get3A_385 = vector.shape_cast %get3A_384 : vector<1x16xf32> to vector<16xf32>
      %add3A_386 = arith.addf %add3A_381, %get3A_385 : vector<16xf32>
      %swap3A_387 = arith.index_cast %add3A_321 : i32 to index
      %swap3A_388 = arith.constant 32 : index
      %swap3A_389 = tpu.vector_load %arg6[%swap3A_387, %swap3A_388] {strides = array<i32>} : memref<128x128xf32, #tpu.memory_space<vmem>>, vector<1x16xf32>,
      %swap3A_390 = vector.shape_cast %swap3A_389 : vector<1x16xf32> to vector<16xf32>
      %swap3A_391 = vector.shape_cast %add3A_386 : vector<16xf32> to vector<1x16xf32>
      tpu.vector_store %arg6[%swap3A_387, %swap3A_388], %swap3A_391 {strides = array<i32>} : memref<128x128xf32, #tpu.memory_space<vmem>>, vector<1x16xf32>,
      %get3A_392 = arith.index_cast %add3A_321 : i32 to index
      %get3A_393 = arith.constant 48 : index
      %get3A_394 = tpu.vector_load %arg6[%get3A_392, %get3A_393] {strides = array<i32>} : memref<128x128xf32, #tpu.memory_space<vmem>>, vector<1x16xf32>,
      %get3A_395 = vector.shape_cast %get3A_394 : vector<1x16xf32> to vector<16xf32>
      %get3A_396 = arith.index_cast %add3A_321 : i32 to index
      %get3A_397 = arith.constant 48 : index
      %get3A_398 = tpu.vector_load %arg8[%get3A_396, %get3A_397] {strides = array<i32>} : memref<128x128xf32, #tpu.memory_space<vmem>>, vector<1x16xf32>,
      %get3A_399 = vector.shape_cast %get3A_398 : vector<1x16xf32> to vector<16xf32>
      %add3A_400 = arith.addf %get3A_395, %get3A_399 : vector<16xf32>
      %get3A_401 = arith.index_cast %add3A_321 : i32 to index
      %get3A_402 = arith.constant 48 : index
      %get3A_403 = tpu.vector_load %arg9[%get3A_401, %get3A_402] {strides = array<i32>} : memref<128x128xf32, #tpu.memory_space<vmem>>, vector<1x16xf32>,
      %get3A_404 = vector.shape_cast %get3A_403 : vector<1x16xf32> to vector<16xf32>
      %add3A_405 = arith.addf %add3A_400, %get3A_404 : vector<16xf32>
      %get3A_406 = arith.index_cast %add3A_321 : i32 to index
      %get3A_407 = arith.constant 48 : index
      %get3A_408 = tpu.vector_load %arg10[%get3A_406, %get3A_407] {strides = array<i32>} : memref<128x128xf32, #tpu.memory_space<vmem>>, vector<1x16xf32>,
      %get3A_409 = vector.shape_cast %get3A_408 : vector<1x16xf32> to vector<16xf32>
      %add3A_410 = arith.addf %add3A_405, %get3A_409 : vector<16xf32>
      %swap3A_411 = arith.index_cast %add3A_321 : i32 to index
      %swap3A_412 = arith.constant 48 : index
      %swap3A_413 = tpu.vector_load %arg6[%swap3A_411, %swap3A_412] {strides = array<i32>} : memref<128x128xf32, #tpu.memory_space<vmem>>, vector<1x16xf32>,
      %swap3A_414 = vector.shape_cast %swap3A_413 : vector<1x16xf32> to vector<16xf32>
      %swap3A_415 = vector.shape_cast %add3A_410 : vector<16xf32> to vector<1x16xf32>
      tpu.vector_store %arg6[%swap3A_411, %swap3A_412], %swap3A_415 {strides = array<i32>} : memref<128x128xf32, #tpu.memory_space<vmem>>, vector<1x16xf32>,
      %get3A_416 = arith.index_cast %add3A_321 : i32 to index
      %get3A_417 = arith.constant 64 : index
      %get3A_418 = tpu.vector_load %arg6[%get3A_416, %get3A_417] {strides = array<i32>} : memref<128x128xf32, #tpu.memory_space<vmem>>, vector<1x16xf32>,
      %get3A_419 = vector.shape_cast %get3A_418 : vector<1x16xf32> to vector<16xf32>
      %get3A_420 = arith.index_cast %add3A_321 : i32 to index
      %get3A_421 = arith.constant 64 : index
      %get3A_422 = tpu.vector_load %arg8[%get3A_420, %get3A_421] {strides = array<i32>} : memref<128x128xf32, #tpu.memory_space<vmem>>, vector<1x16xf32>,
      %get3A_423 = vector.shape_cast %get3A_422 : vector<1x16xf32> to vector<16xf32>
      %add3A_424 = arith.addf %get3A_419, %get3A_423 : vector<16xf32>
      %get3A_425 = arith.index_cast %add3A_321 : i32 to index
      %get3A_426 = arith.constant 64 : index
      %get3A_427 = tpu.vector_load %arg9[%get3A_425, %get3A_426] {strides = array<i32>} : memref<128x128xf32, #tpu.memory_space<vmem>>, vector<1x16xf32>,
      %get3A_428 = vector.shape_cast %get3A_427 : vector<1x16xf32> to vector<16xf32>
      %add3A_429 = arith.addf %add3A_424, %get3A_428 : vector<16xf32>
      %get3A_430 = arith.index_cast %add3A_321 : i32 to index
      %get3A_431 = arith.constant 64 : index
      %get3A_432 = tpu.vector_load %arg10[%get3A_430, %get3A_431] {strides = array<i32>} : memref<128x128xf32, #tpu.memory_space<vmem>>, vector<1x16xf32>,
      %get3A_433 = vector.shape_cast %get3A_432 : vector<1x16xf32> to vector<16xf32>
      %add3A_434 = arith.addf %add3A_429, %get3A_433 : vector<16xf32>
      %swap3A_435 = arith.index_cast %add3A_321 : i32 to index
      %swap3A_436 = arith.constant 64 : index
      %swap3A_437 = tpu.vector_load %arg6[%swap3A_435, %swap3A_436] {strides = array<i32>} : memref<128x128xf32, #tpu.memory_space<vmem>>, vector<1x16xf32>,
      %swap3A_438 = vector.shape_cast %swap3A_437 : vector<1x16xf32> to vector<16xf32>
      %swap3A_439 = vector.shape_cast %add3A_434 : vector<16xf32> to vector<1x16xf32>
      tpu.vector_store %arg6[%swap3A_435, %swap3A_436], %swap3A_439 {strides = array<i32>} : memref<128x128xf32, #tpu.memory_space<vmem>>, vector<1x16xf32>,
      %get3A_440 = arith.index_cast %add3A_321 : i32 to index
      %get3A_441 = arith.constant 80 : index
      %get3A_442 = tpu.vector_load %arg6[%get3A_440, %get3A_441] {strides = array<i32>} : memref<128x128xf32, #tpu.memory_space<vmem>>, vector<1x16xf32>,
      %get3A_443 = vector.shape_cast %get3A_442 : vector<1x16xf32> to vector<16xf32>
      %get3A_444 = arith.index_cast %add3A_321 : i32 to index
      %get3A_445 = arith.constant 80 : index
      %get3A_446 = tpu.vector_load %arg8[%get3A_444, %get3A_445] {strides = array<i32>} : memref<128x128xf32, #tpu.memory_space<vmem>>, vector<1x16xf32>,
      %get3A_447 = vector.shape_cast %get3A_446 : vector<1x16xf32> to vector<16xf32>
      %add3A_448 = arith.addf %get3A_443, %get3A_447 : vector<16xf32>
      %get3A_449 = arith.index_cast %add3A_321 : i32 to index
      %get3A_450 = arith.constant 80 : index
      %get3A_451 = tpu.vector_load %arg9[%get3A_449, %get3A_450] {strides = array<i32>} : memref<128x128xf32, #tpu.memory_space<vmem>>, vector<1x16xf32>,
      %get3A_452 = vector.shape_cast %get3A_451 : vector<1x16xf32> to vector<16xf32>
      %add3A_453 = arith.addf %add3A_448, %get3A_452 : vector<16xf32>
      %get3A_454 = arith.index_cast %add3A_321 : i32 to index
      %get3A_455 = arith.constant 80 : index
      %get3A_456 = tpu.vector_load %arg10[%get3A_454, %get3A_455] {strides = array<i32>} : memref<128x128xf32, #tpu.memory_space<vmem>>, vector<1x16xf32>,
      %get3A_457 = vector.shape_cast %get3A_456 : vector<1x16xf32> to vector<16xf32>
      %add3A_458 = arith.addf %add3A_453, %get3A_457 : vector<16xf32>
      %swap3A_459 = arith.index_cast %add3A_321 : i32 to index
      %swap3A_460 = arith.constant 80 : index
      %swap3A_461 = tpu.vector_load %arg6[%swap3A_459, %swap3A_460] {strides = array<i32>} : memref<128x128xf32, #tpu.memory_space<vmem>>, vector<1x16xf32>,
      %swap3A_462 = vector.shape_cast %swap3A_461 : vector<1x16xf32> to vector<16xf32>
      %swap3A_463 = vector.shape_cast %add3A_458 : vector<16xf32> to vector<1x16xf32>
      tpu.vector_store %arg6[%swap3A_459, %swap3A_460], %swap3A_463 {strides = array<i32>} : memref<128x128xf32, #tpu.memory_space<vmem>>, vector<1x16xf32>,
      %get3A_464 = arith.index_cast %add3A_321 : i32 to index
      %get3A_465 = arith.constant 96 : index
      %get3A_466 = tpu.vector_load %arg6[%get3A_464, %get3A_465] {strides = array<i32>} : memref<128x128xf32, #tpu.memory_space<vmem>>, vector<1x16xf32>,
      %get3A_467 = vector.shape_cast %get3A_466 : vector<1x16xf32> to vector<16xf32>
      %get3A_468 = arith.index_cast %add3A_321 : i32 to index
      %get3A_469 = arith.constant 96 : index
      %get3A_470 = tpu.vector_load %arg8[%get3A_468, %get3A_469] {strides = array<i32>} : memref<128x128xf32, #tpu.memory_space<vmem>>, vector<1x16xf32>,
      %get3A_471 = vector.shape_cast %get3A_470 : vector<1x16xf32> to vector<16xf32>
      %add3A_472 = arith.addf %get3A_467, %get3A_471 : vector<16xf32>
      %get3A_473 = arith.index_cast %add3A_321 : i32 to index
      %get3A_474 = arith.constant 96 : index
      %get3A_475 = tpu.vector_load %arg9[%get3A_473, %get3A_474] {strides = array<i32>} : memref<128x128xf32, #tpu.memory_space<vmem>>, vector<1x16xf32>,
      %get3A_476 = vector.shape_cast %get3A_475 : vector<1x16xf32> to vector<16xf32>
      %add3A_477 = arith.addf %add3A_472, %get3A_476 : vector<16xf32>
      %get3A_478 = arith.index_cast %add3A_321 : i32 to index
      %get3A_479 = arith.constant 96 : index
      %get3A_480 = tpu.vector_load %arg10[%get3A_478, %get3A_479] {strides = array<i32>} : memref<128x128xf32, #tpu.memory_space<vmem>>, vector<1x16xf32>,
      %get3A_481 = vector.shape_cast %get3A_480 : vector<1x16xf32> to vector<16xf32>
      %add3A_482 = arith.addf %add3A_477, %get3A_481 : vector<16xf32>
      %swap3A_483 = arith.index_cast %add3A_321 : i32 to index
      %swap3A_484 = arith.constant 96 : index
      %swap3A_485 = tpu.vector_load %arg6[%swap3A_483, %swap3A_484] {strides = array<i32>} : memref<128x128xf32, #tpu.memory_space<vmem>>, vector<1x16xf32>,
      %swap3A_486 = vector.shape_cast %swap3A_485 : vector<1x16xf32> to vector<16xf32>
      %swap3A_487 = vector.shape_cast %add3A_482 : vector<16xf32> to vector<1x16xf32>
      tpu.vector_store %arg6[%swap3A_483, %swap3A_484], %swap3A_487 {strides = array<i32>} : memref<128x128xf32, #tpu.memory_space<vmem>>, vector<1x16xf32>,
      %get3A_488 = arith.index_cast %add3A_321 : i32 to index
      %get3A_489 = arith.constant 112 : index
      %get3A_490 = tpu.vector_load %arg6[%get3A_488, %get3A_489] {strides = array<i32>} : memref<128x128xf32, #tpu.memory_space<vmem>>, vector<1x16xf32>,
      %get3A_491 = vector.shape_cast %get3A_490 : vector<1x16xf32> to vector<16xf32>
      %get3A_492 = arith.index_cast %add3A_321 : i32 to index
      %get3A_493 = arith.constant 112 : index
      %get3A_494 = tpu.vector_load %arg8[%get3A_492, %get3A_493] {strides = array<i32>} : memref<128x128xf32, #tpu.memory_space<vmem>>, vector<1x16xf32>,
      %get3A_495 = vector.shape_cast %get3A_494 : vector<1x16xf32> to vector<16xf32>
      %add3A_496 = arith.addf %get3A_491, %get3A_495 : vector<16xf32>
      %get3A_497 = arith.index_cast %add3A_321 : i32 to index
      %get3A_498 = arith.constant 112 : index
      %get3A_499 = tpu.vector_load %arg9[%get3A_497, %get3A_498] {strides = array<i32>} : memref<128x128xf32, #tpu.memory_space<vmem>>, vector<1x16xf32>,
      %get3A_500 = vector.shape_cast %get3A_499 : vector<1x16xf32> to vector<16xf32>
      %add3A_501 = arith.addf %add3A_496, %get3A_500 : vector<16xf32>
      %get3A_502 = arith.index_cast %add3A_321 : i32 to index
      %get3A_503 = arith.constant 112 : index
      %get3A_504 = tpu.vector_load %arg10[%get3A_502, %get3A_503] {strides = array<i32>} : memref<128x128xf32, #tpu.memory_space<vmem>>, vector<1x16xf32>,
      %get3A_505 = vector.shape_cast %get3A_504 : vector<1x16xf32> to vector<16xf32>
      %add3A_506 = arith.addf %add3A_501, %get3A_505 : vector<16xf32>
      %swap3A_507 = arith.index_cast %add3A_321 : i32 to index
      %swap3A_508 = arith.constant 112 : index
      %swap3A_509 = tpu.vector_load %arg6[%swap3A_507, %swap3A_508] {strides = array<i32>} : memref<128x128xf32, #tpu.memory_space<vmem>>, vector<1x16xf32>,
      %swap3A_510 = vector.shape_cast %swap3A_509 : vector<1x16xf32> to vector<16xf32>
      %swap3A_511 = vector.shape_cast %add3A_506 : vector<16xf32> to vector<1x16xf32>
      tpu.vector_store %arg6[%swap3A_507, %swap3A_508], %swap3A_511 {strides = array<i32>} : memref<128x128xf32, #tpu.memory_space<vmem>>, vector<1x16xf32>,
      %mul3A_512 = arith.constant 4 : i32
      %mul3A_513 = arith.muli %mul3A_512, %scan3A_316 : i32
      %add3A_514 = arith.constant 1 : i32
      %add3A_515 = arith.addi %mul3A_513, %add3A_514 : i32
      %get3A_516 = arith.index_cast %add3A_515 : i32 to index
      %get3A_517 = arith.constant 0 : index
      %get3A_518 = tpu.vector_load %arg6[%get3A_516, %get3A_517] {strides = array<i32>} : memref<128x128xf32, #tpu.memory_space<vmem>>, vector<1x16xf32>,
      %get3A_519 = vector.shape_cast %get3A_518 : vector<1x16xf32> to vector<16xf32>
      %get3A_520 = arith.index_cast %add3A_515 : i32 to index
      %get3A_521 = arith.constant 0 : index
      %get3A_522 = tpu.vector_load %arg8[%get3A_520, %get3A_521] {strides = array<i32>} : memref<128x128xf32, #tpu.memory_space<vmem>>, vector<1x16xf32>,
      %get3A_523 = vector.shape_cast %get3A_522 : vector<1x16xf32> to vector<16xf32>
      %add3A_524 = arith.addf %get3A_519, %get3A_523 : vector<16xf32>
      %get3A_525 = arith.index_cast %add3A_515 : i32 to index
      %get3A_526 = arith.constant 0 : index
      %get3A_527 = tpu.vector_load %arg9[%get3A_525, %get3A_526] {strides = array<i32>} : memref<128x128xf32, #tpu.memory_space<vmem>>, vector<1x16xf32>,
      %get3A_528 = vector.shape_cast %get3A_527 : vector<1x16xf32> to vector<16xf32>
      %add3A_529 = arith.addf %add3A_524, %get3A_528 : vector<16xf32>
      %get3A_530 = arith.index_cast %add3A_515 : i32 to index
      %get3A_531 = arith.constant 0 : index
      %get3A_532 = tpu.vector_load %arg10[%get3A_530, %get3A_531] {strides = array<i32>} : memref<128x128xf32, #tpu.memory_space<vmem>>, vector<1x16xf32>,
      %get3A_533 = vector.shape_cast %get3A_532 : vector<1x16xf32> to vector<16xf32>
      %add3A_534 = arith.addf %add3A_529, %get3A_533 : vector<16xf32>
      %swap3A_535 = arith.index_cast %add3A_515 : i32 to index
      %swap3A_536 = arith.constant 0 : index
      %swap3A_537 = tpu.vector_load %arg6[%swap3A_535, %swap3A_536] {strides = array<i32>} : memref<128x128xf32, #tpu.memory_space<vmem>>, vector<1x16xf32>,
      %swap3A_538 = vector.shape_cast %swap3A_537 : vector<1x16xf32> to vector<16xf32>
      %swap3A_539 = vector.shape_cast %add3A_534 : vector<16xf32> to vector<1x16xf32>
      tpu.vector_store %arg6[%swap3A_535, %swap3A_536], %swap3A_539 {strides = array<i32>} : memref<128x128xf32, #tpu.memory_space<vmem>>, vector<1x16xf32>,
      %get3A_540 = arith.index_cast %add3A_515 : i32 to index
      %get3A_541 = arith.constant 16 : index
      %get3A_542 = tpu.vector_load %arg6[%get3A_540, %get3A_541] {strides = array<i32>} : memref<128x128xf32, #tpu.memory_space<vmem>>, vector<1x16xf32>,
      %get3A_543 = vector.shape_cast %get3A_542 : vector<1x16xf32> to vector<16xf32>
      %get3A_544 = arith.index_cast %add3A_515 : i32 to index
      %get3A_545 = arith.constant 16 : index
      %get3A_546 = tpu.vector_load %arg8[%get3A_544, %get3A_545] {strides = array<i32>} : memref<128x128xf32, #tpu.memory_space<vmem>>, vector<1x16xf32>,
      %get3A_547 = vector.shape_cast %get3A_546 : vector<1x16xf32> to vector<16xf32>
      %add3A_548 = arith.addf %get3A_543, %get3A_547 : vector<16xf32>
      %get3A_549 = arith.index_cast %add3A_515 : i32 to index
      %get3A_550 = arith.constant 16 : index
      %get3A_551 = tpu.vector_load %arg9[%get3A_549, %get3A_550] {strides = array<i32>} : memref<128x128xf32, #tpu.memory_space<vmem>>, vector<1x16xf32>,
      %get3A_552 = vector.shape_cast %get3A_551 : vector<1x16xf32> to vector<16xf32>
      %add3A_553 = arith.addf %add3A_548, %get3A_552 : vector<16xf32>
      %get3A_554 = arith.index_cast %add3A_515 : i32 to index
      %get3A_555 = arith.constant 16 : index
      %get3A_556 = tpu.vector_load %arg10[%get3A_554, %get3A_555] {strides = array<i32>} : memref<128x128xf32, #tpu.memory_space<vmem>>, vector<1x16xf32>,
      %get3A_557 = vector.shape_cast %get3A_556 : vector<1x16xf32> to vector<16xf32>
      %add3A_558 = arith.addf %add3A_553, %get3A_557 : vector<16xf32>
      %swap3A_559 = arith.index_cast %add3A_515 : i32 to index
      %swap3A_560 = arith.constant 16 : index
      %swap3A_561 = tpu.vector_load %arg6[%swap3A_559, %swap3A_560] {strides = array<i32>} : memref<128x128xf32, #tpu.memory_space<vmem>>, vector<1x16xf32>,
      %swap3A_562 = vector.shape_cast %swap3A_561 : vector<1x16xf32> to vector<16xf32>
      %swap3A_563 = vector.shape_cast %add3A_558 : vector<16xf32> to vector<1x16xf32>
      tpu.vector_store %arg6[%swap3A_559, %swap3A_560], %swap3A_563 {strides = array<i32>} : memref<128x128xf32, #tpu.memory_space<vmem>>, vector<1x16xf32>,
      %get3A_564 = arith.index_cast %add3A_515 : i32 to index
      %get3A_565 = arith.constant 32 : index
      %get3A_566 = tpu.vector_load %arg6[%get3A_564, %get3A_565] {strides = array<i32>} : memref<128x128xf32, #tpu.memory_space<vmem>>, vector<1x16xf32>,
      %get3A_567 = vector.shape_cast %get3A_566 : vector<1x16xf32> to vector<16xf32>
      %get3A_568 = arith.index_cast %add3A_515 : i32 to index
      %get3A_569 = arith.constant 32 : index
      %get3A_570 = tpu.vector_load %arg8[%get3A_568, %get3A_569] {strides = array<i32>} : memref<128x128xf32, #tpu.memory_space<vmem>>, vector<1x16xf32>,
      %get3A_571 = vector.shape_cast %get3A_570 : vector<1x16xf32> to vector<16xf32>
      %add3A_572 = arith.addf %get3A_567, %get3A_571 : vector<16xf32>
      %get3A_573 = arith.index_cast %add3A_515 : i32 to index
      %get3A_574 = arith.constant 32 : index
      %get3A_575 = tpu.vector_load %arg9[%get3A_573, %get3A_574] {strides = array<i32>} : memref<128x128xf32, #tpu.memory_space<vmem>>, vector<1x16xf32>,
      %get3A_576 = vector.shape_cast %get3A_575 : vector<1x16xf32> to vector<16xf32>
      %add3A_577 = arith.addf %add3A_572, %get3A_576 : vector<16xf32>
      %get3A_578 = arith.index_cast %add3A_515 : i32 to index
      %get3A_579 = arith.constant 32 : index
      %get3A_580 = tpu.vector_load %arg10[%get3A_578, %get3A_579] {strides = array<i32>} : memref<128x128xf32, #tpu.memory_space<vmem>>, vector<1x16xf32>,
      %get3A_581 = vector.shape_cast %get3A_580 : vector<1x16xf32> to vector<16xf32>
      %add3A_582 = arith.addf %add3A_577, %get3A_581 : vector<16xf32>
      %swap3A_583 = arith.index_cast %add3A_515 : i32 to index
      %swap3A_584 = arith.constant 32 : index
      %swap3A_585 = tpu.vector_load %arg6[%swap3A_583, %swap3A_584] {strides = array<i32>} : memref<128x128xf32, #tpu.memory_space<vmem>>, vector<1x16xf32>,
      %swap3A_586 = vector.shape_cast %swap3A_585 : vector<1x16xf32> to vector<16xf32>
      %swap3A_587 = vector.shape_cast %add3A_582 : vector<16xf32> to vector<1x16xf32>
      tpu.vector_store %arg6[%swap3A_583, %swap3A_584], %swap3A_587 {strides = array<i32>} : memref<128x128xf32, #tpu.memory_space<vmem>>, vector<1x16xf32>,
      %get3A_588 = arith.index_cast %add3A_515 : i32 to index
      %get3A_589 = arith.constant 48 : index
      %get3A_590 = tpu.vector_load %arg6[%get3A_588, %get3A_589] {strides = array<i32>} : memref<128x128xf32, #tpu.memory_space<vmem>>, vector<1x16xf32>,
      %get3A_591 = vector.shape_cast %get3A_590 : vector<1x16xf32> to vector<16xf32>
      %get3A_592 = arith.index_cast %add3A_515 : i32 to index
      %get3A_593 = arith.constant 48 : index
      %get3A_594 = tpu.vector_load %arg8[%get3A_592, %get3A_593] {strides = array<i32>} : memref<128x128xf32, #tpu.memory_space<vmem>>, vector<1x16xf32>,
      %get3A_595 = vector.shape_cast %get3A_594 : vector<1x16xf32> to vector<16xf32>
      %add3A_596 = arith.addf %get3A_591, %get3A_595 : vector<16xf32>
      %get3A_597 = arith.index_cast %add3A_515 : i32 to index
      %get3A_598 = arith.constant 48 : index
      %get3A_599 = tpu.vector_load %arg9[%get3A_597, %get3A_598] {strides = array<i32>} : memref<128x128xf32, #tpu.memory_space<vmem>>, vector<1x16xf32>,
      %get3A_600 = vector.shape_cast %get3A_599 : vector<1x16xf32> to vector<16xf32>
      %add3A_601 = arith.addf %add3A_596, %get3A_600 : vector<16xf32>
      %get3A_602 = arith.index_cast %add3A_515 : i32 to index
      %get3A_603 = arith.constant 48 : index
      %get3A_604 = tpu.vector_load %arg10[%get3A_602, %get3A_603] {strides = array<i32>} : memref<128x128xf32, #tpu.memory_space<vmem>>, vector<1x16xf32>,
      %get3A_605 = vector.shape_cast %get3A_604 : vector<1x16xf32> to vector<16xf32>
      %add3A_606 = arith.addf %add3A_601, %get3A_605 : vector<16xf32>
      %swap3A_607 = arith.index_cast %add3A_515 : i32 to index
      %swap3A_608 = arith.constant 48 : index
      %swap3A_609 = tpu.vector_load %arg6[%swap3A_607, %swap3A_608] {strides = array<i32>} : memref<128x128xf32, #tpu.memory_space<vmem>>, vector<1x16xf32>,
      %swap3A_610 = vector.shape_cast %swap3A_609 : vector<1x16xf32> to vector<16xf32>
      %swap3A_611 = vector.shape_cast %add3A_606 : vector<16xf32> to vector<1x16xf32>
      tpu.vector_store %arg6[%swap3A_607, %swap3A_608], %swap3A_611 {strides = array<i32>} : memref<128x128xf32, #tpu.memory_space<vmem>>, vector<1x16xf32>,
      %get3A_612 = arith.index_cast %add3A_515 : i32 to index
      %get3A_613 = arith.constant 64 : index
      %get3A_614 = tpu.vector_load %arg6[%get3A_612, %get3A_613] {strides = array<i32>} : memref<128x128xf32, #tpu.memory_space<vmem>>, vector<1x16xf32>,
      %get3A_615 = vector.shape_cast %get3A_614 : vector<1x16xf32> to vector<16xf32>
      %get3A_616 = arith.index_cast %add3A_515 : i32 to index
      %get3A_617 = arith.constant 64 : index
      %get3A_618 = tpu.vector_load %arg8[%get3A_616, %get3A_617] {strides = array<i32>} : memref<128x128xf32, #tpu.memory_space<vmem>>, vector<1x16xf32>,
      %get3A_619 = vector.shape_cast %get3A_618 : vector<1x16xf32> to vector<16xf32>
      %add3A_620 = arith.addf %get3A_615, %get3A_619 : vector<16xf32>
      %get3A_621 = arith.index_cast %add3A_515 : i32 to index
      %get3A_622 = arith.constant 64 : index
      %get3A_623 = tpu.vector_load %arg9[%get3A_621, %get3A_622] {strides = array<i32>} : memref<128x128xf32, #tpu.memory_space<vmem>>, vector<1x16xf32>,
      %get3A_624 = vector.shape_cast %get3A_623 : vector<1x16xf32> to vector<16xf32>
      %add3A_625 = arith.addf %add3A_620, %get3A_624 : vector<16xf32>
      %get3A_626 = arith.index_cast %add3A_515 : i32 to index
      %get3A_627 = arith.constant 64 : index
      %get3A_628 = tpu.vector_load %arg10[%get3A_626, %get3A_627] {strides = array<i32>} : memref<128x128xf32, #tpu.memory_space<vmem>>, vector<1x16xf32>,
      %get3A_629 = vector.shape_cast %get3A_628 : vector<1x16xf32> to vector<16xf32>
      %add3A_630 = arith.addf %add3A_625, %get3A_629 : vector<16xf32>
      %swap3A_631 = arith.index_cast %add3A_515 : i32 to index
      %swap3A_632 = arith.constant 64 : index
      %swap3A_633 = tpu.vector_load %arg6[%swap3A_631, %swap3A_632] {strides = array<i32>} : memref<128x128xf32, #tpu.memory_space<vmem>>, vector<1x16xf32>,
      %swap3A_634 = vector.shape_cast %swap3A_633 : vector<1x16xf32> to vector<16xf32>
      %swap3A_635 = vector.shape_cast %add3A_630 : vector<16xf32> to vector<1x16xf32>
      tpu.vector_store %arg6[%swap3A_631, %swap3A_632], %swap3A_635 {strides = array<i32>} : memref<128x128xf32, #tpu.memory_space<vmem>>, vector<1x16xf32>,
      %get3A_636 = arith.index_cast %add3A_515 : i32 to index
      %get3A_637 = arith.constant 80 : index
      %get3A_638 = tpu.vector_load %arg6[%get3A_636, %get3A_637] {strides = array<i32>} : memref<128x128xf32, #tpu.memory_space<vmem>>, vector<1x16xf32>,
      %get3A_639 = vector.shape_cast %get3A_638 : vector<1x16xf32> to vector<16xf32>
      %get3A_640 = arith.index_cast %add3A_515 : i32 to index
      %get3A_641 = arith.constant 80 : index
      %get3A_642 = tpu.vector_load %arg8[%get3A_640, %get3A_641] {strides = array<i32>} : memref<128x128xf32, #tpu.memory_space<vmem>>, vector<1x16xf32>,
      %get3A_643 = vector.shape_cast %get3A_642 : vector<1x16xf32> to vector<16xf32>
      %add3A_644 = arith.addf %get3A_639, %get3A_643 : vector<16xf32>
      %get3A_645 = arith.index_cast %add3A_515 : i32 to index
      %get3A_646 = arith.constant 80 : index
      %get3A_647 = tpu.vector_load %arg9[%get3A_645, %get3A_646] {strides = array<i32>} : memref<128x128xf32, #tpu.memory_space<vmem>>, vector<1x16xf32>,
      %get3A_648 = vector.shape_cast %get3A_647 : vector<1x16xf32> to vector<16xf32>
      %add3A_649 = arith.addf %add3A_644, %get3A_648 : vector<16xf32>
      %get3A_650 = arith.index_cast %add3A_515 : i32 to index
      %get3A_651 = arith.constant 80 : index
      %get3A_652 = tpu.vector_load %arg10[%get3A_650, %get3A_651] {strides = array<i32>} : memref<128x128xf32, #tpu.memory_space<vmem>>, vector<1x16xf32>,
      %get3A_653 = vector.shape_cast %get3A_652 : vector<1x16xf32> to vector<16xf32>
      %add3A_654 = arith.addf %add3A_649, %get3A_653 : vector<16xf32>
      %swap3A_655 = arith.index_cast %add3A_515 : i32 to index
      %swap3A_656 = arith.constant 80 : index
      %swap3A_657 = tpu.vector_load %arg6[%swap3A_655, %swap3A_656] {strides = array<i32>} : memref<128x128xf32, #tpu.memory_space<vmem>>, vector<1x16xf32>,
      %swap3A_658 = vector.shape_cast %swap3A_657 : vector<1x16xf32> to vector<16xf32>
      %swap3A_659 = vector.shape_cast %add3A_654 : vector<16xf32> to vector<1x16xf32>
      tpu.vector_store %arg6[%swap3A_655, %swap3A_656], %swap3A_659 {strides = array<i32>} : memref<128x128xf32, #tpu.memory_space<vmem>>, vector<1x16xf32>,
      %get3A_660 = arith.index_cast %add3A_515 : i32 to index
      %get3A_661 = arith.constant 96 : index
      %get3A_662 = tpu.vector_load %arg6[%get3A_660, %get3A_661] {strides = array<i32>} : memref<128x128xf32, #tpu.memory_space<vmem>>, vector<1x16xf32>,
      %get3A_663 = vector.shape_cast %get3A_662 : vector<1x16xf32> to vector<16xf32>
      %get3A_664 = arith.index_cast %add3A_515 : i32 to index
      %get3A_665 = arith.constant 96 : index
      %get3A_666 = tpu.vector_load %arg8[%get3A_664, %get3A_665] {strides = array<i32>} : memref<128x128xf32, #tpu.memory_space<vmem>>, vector<1x16xf32>,
      %get3A_667 = vector.shape_cast %get3A_666 : vector<1x16xf32> to vector<16xf32>
      %add3A_668 = arith.addf %get3A_663, %get3A_667 : vector<16xf32>
      %get3A_669 = arith.index_cast %add3A_515 : i32 to index
      %get3A_670 = arith.constant 96 : index
      %get3A_671 = tpu.vector_load %arg9[%get3A_669, %get3A_670] {strides = array<i32>} : memref<128x128xf32, #tpu.memory_space<vmem>>, vector<1x16xf32>,
      %get3A_672 = vector.shape_cast %get3A_671 : vector<1x16xf32> to vector<16xf32>
      %add3A_673 = arith.addf %add3A_668, %get3A_672 : vector<16xf32>
      %get3A_674 = arith.index_cast %add3A_515 : i32 to index
      %get3A_675 = arith.constant 96 : index
      %get3A_676 = tpu.vector_load %arg10[%get3A_674, %get3A_675] {strides = array<i32>} : memref<128x128xf32, #tpu.memory_space<vmem>>, vector<1x16xf32>,
      %get3A_677 = vector.shape_cast %get3A_676 : vector<1x16xf32> to vector<16xf32>
      %add3A_678 = arith.addf %add3A_673, %get3A_677 : vector<16xf32>
      %swap3A_679 = arith.index_cast %add3A_515 : i32 to index
      %swap3A_680 = arith.constant 96 : index
      %swap3A_681 = tpu.vector_load %arg6[%swap3A_679, %swap3A_680] {strides = array<i32>} : memref<128x128xf32, #tpu.memory_space<vmem>>, vector<1x16xf32>,
      %swap3A_682 = vector.shape_cast %swap3A_681 : vector<1x16xf32> to vector<16xf32>
      %swap3A_683 = vector.shape_cast %add3A_678 : vector<16xf32> to vector<1x16xf32>
      tpu.vector_store %arg6[%swap3A_679, %swap3A_680], %swap3A_683 {strides = array<i32>} : memref<128x128xf32, #tpu.memory_space<vmem>>, vector<1x16xf32>,
      %get3A_684 = arith.index_cast %add3A_515 : i32 to index
      %get3A_685 = arith.constant 112 : index
      %get3A_686 = tpu.vector_load %arg6[%get3A_684, %get3A_685] {strides = array<i32>} : memref<128x128xf32, #tpu.memory_space<vmem>>, vector<1x16xf32>,
      %get3A_687 = vector.shape_cast %get3A_686 : vector<1x16xf32> to vector<16xf32>
      %get3A_688 = arith.index_cast %add3A_515 : i32 to index
      %get3A_689 = arith.constant 112 : index
      %get3A_690 = tpu.vector_load %arg8[%get3A_688, %get3A_689] {strides = array<i32>} : memref<128x128xf32, #tpu.memory_space<vmem>>, vector<1x16xf32>,
      %get3A_691 = vector.shape_cast %get3A_690 : vector<1x16xf32> to vector<16xf32>
      %add3A_692 = arith.addf %get3A_687, %get3A_691 : vector<16xf32>
      %get3A_693 = arith.index_cast %add3A_515 : i32 to index
      %get3A_694 = arith.constant 112 : index
      %get3A_695 = tpu.vector_load %arg9[%get3A_693, %get3A_694] {strides = array<i32>} : memref<128x128xf32, #tpu.memory_space<vmem>>, vector<1x16xf32>,
      %get3A_696 = vector.shape_cast %get3A_695 : vector<1x16xf32> to vector<16xf32>
      %add3A_697 = arith.addf %add3A_692, %get3A_696 : vector<16xf32>
      %get3A_698 = arith.index_cast %add3A_515 : i32 to index
      %get3A_699 = arith.constant 112 : index
      %get3A_700 = tpu.vector_load %arg10[%get3A_698, %get3A_699] {strides = array<i32>} : memref<128x128xf32, #tpu.memory_space<vmem>>, vector<1x16xf32>,
      %get3A_701 = vector.shape_cast %get3A_700 : vector<1x16xf32> to vector<16xf32>
      %add3A_702 = arith.addf %add3A_697, %get3A_701 : vector<16xf32>
      %swap3A_703 = arith.index_cast %add3A_515 : i32 to index
      %swap3A_704 = arith.constant 112 : index
      %swap3A_705 = tpu.vector_load %arg6[%swap3A_703, %swap3A_704] {strides = array<i32>} : memref<128x128xf32, #tpu.memory_space<vmem>>, vector<1x16xf32>,
      %swap3A_706 = vector.shape_cast %swap3A_705 : vector<1x16xf32> to vector<16xf32>
      %swap3A_707 = vector.shape_cast %add3A_702 : vector<16xf32> to vector<1x16xf32>
      tpu.vector_store %arg6[%swap3A_703, %swap3A_704], %swap3A_707 {strides = array<i32>} : memref<128x128xf32, #tpu.memory_space<vmem>>, vector<1x16xf32>,
      %mul3A_708 = arith.constant 4 : i32
      %mul3A_709 = arith.muli %mul3A_708, %scan3A_316 : i32
      %add3A_710 = arith.constant 2 : i32
      %add3A_711 = arith.addi %mul3A_709, %add3A_710 : i32
      %get3A_712 = arith.index_cast %add3A_711 : i32 to index
      %get3A_713 = arith.constant 0 : index
      %get3A_714 = tpu.vector_load %arg6[%get3A_712, %get3A_713] {strides = array<i32>} : memref<128x128xf32, #tpu.memory_space<vmem>>, vector<1x16xf32>,
      %get3A_715 = vector.shape_cast %get3A_714 : vector<1x16xf32> to vector<16xf32>
      %get3A_716 = arith.index_cast %add3A_711 : i32 to index
      %get3A_717 = arith.constant 0 : index
      %get3A_718 = tpu.vector_load %arg8[%get3A_716, %get3A_717] {strides = array<i32>} : memref<128x128xf32, #tpu.memory_space<vmem>>, vector<1x16xf32>,
      %get3A_719 = vector.shape_cast %get3A_718 : vector<1x16xf32> to vector<16xf32>
      %add3A_720 = arith.addf %get3A_715, %get3A_719 : vector<16xf32>
      %get3A_721 = arith.index_cast %add3A_711 : i32 to index
      %get3A_722 = arith.constant 0 : index
      %get3A_723 = tpu.vector_load %arg9[%get3A_721, %get3A_722] {strides = array<i32>} : memref<128x128xf32, #tpu.memory_space<vmem>>, vector<1x16xf32>,
      %get3A_724 = vector.shape_cast %get3A_723 : vector<1x16xf32> to vector<16xf32>
      %add3A_725 = arith.addf %add3A_720, %get3A_724 : vector<16xf32>
      %get3A_726 = arith.index_cast %add3A_711 : i32 to index
      %get3A_727 = arith.constant 0 : index
      %get3A_728 = tpu.vector_load %arg10[%get3A_726, %get3A_727] {strides = array<i32>} : memref<128x128xf32, #tpu.memory_space<vmem>>, vector<1x16xf32>,
      %get3A_729 = vector.shape_cast %get3A_728 : vector<1x16xf32> to vector<16xf32>
      %add3A_730 = arith.addf %add3A_725, %get3A_729 : vector<16xf32>
      %swap3A_731 = arith.index_cast %add3A_711 : i32 to index
      %swap3A_732 = arith.constant 0 : index
      %swap3A_733 = tpu.vector_load %arg6[%swap3A_731, %swap3A_732] {strides = array<i32>} : memref<128x128xf32, #tpu.memory_space<vmem>>, vector<1x16xf32>,
      %swap3A_734 = vector.shape_cast %swap3A_733 : vector<1x16xf32> to vector<16xf32>
      %swap3A_735 = vector.shape_cast %add3A_730 : vector<16xf32> to vector<1x16xf32>
      tpu.vector_store %arg6[%swap3A_731, %swap3A_732], %swap3A_735 {strides = array<i32>} : memref<128x128xf32, #tpu.memory_space<vmem>>, vector<1x16xf32>,
      %get3A_736 = arith.index_cast %add3A_711 : i32 to index
      %get3A_737 = arith.constant 16 : index
      %get3A_738 = tpu.vector_load %arg6[%get3A_736, %get3A_737] {strides = array<i32>} : memref<128x128xf32, #tpu.memory_space<vmem>>, vector<1x16xf32>,
      %get3A_739 = vector.shape_cast %get3A_738 : vector<1x16xf32> to vector<16xf32>
      %get3A_740 = arith.index_cast %add3A_711 : i32 to index
      %get3A_741 = arith.constant 16 : index
      %get3A_742 = tpu.vector_load %arg8[%get3A_740, %get3A_741] {strides = array<i32>} : memref<128x128xf32, #tpu.memory_space<vmem>>, vector<1x16xf32>,
      %get3A_743 = vector.shape_cast %get3A_742 : vector<1x16xf32> to vector<16xf32>
      %add3A_744 = arith.addf %get3A_739, %get3A_743 : vector<16xf32>
      %get3A_745 = arith.index_cast %add3A_711 : i32 to index
      %get3A_746 = arith.constant 16 : index
      %get3A_747 = tpu.vector_load %arg9[%get3A_745, %get3A_746] {strides = array<i32>} : memref<128x128xf32, #tpu.memory_space<vmem>>, vector<1x16xf32>,
      %get3A_748 = vector.shape_cast %get3A_747 : vector<1x16xf32> to vector<16xf32>
      %add3A_749 = arith.addf %add3A_744, %get3A_748 : vector<16xf32>
      %get3A_750 = arith.index_cast %add3A_711 : i32 to index
      %get3A_751 = arith.constant 16 : index
      %get3A_752 = tpu.vector_load %arg10[%get3A_750, %get3A_751] {strides = array<i32>} : memref<128x128xf32, #tpu.memory_space<vmem>>, vector<1x16xf32>,
      %get3A_753 = vector.shape_cast %get3A_752 : vector<1x16xf32> to vector<16xf32>
      %add3A_754 = arith.addf %add3A_749, %get3A_753 : vector<16xf32>
      %swap3A_755 = arith.index_cast %add3A_711 : i32 to index
      %swap3A_756 = arith.constant 16 : index
      %swap3A_757 = tpu.vector_load %arg6[%swap3A_755, %swap3A_756] {strides = array<i32>} : memref<128x128xf32, #tpu.memory_space<vmem>>, vector<1x16xf32>,
      %swap3A_758 = vector.shape_cast %swap3A_757 : vector<1x16xf32> to vector<16xf32>
      %swap3A_759 = vector.shape_cast %add3A_754 : vector<16xf32> to vector<1x16xf32>
      tpu.vector_store %arg6[%swap3A_755, %swap3A_756], %swap3A_759 {strides = array<i32>} : memref<128x128xf32, #tpu.memory_space<vmem>>, vector<1x16xf32>,
      %get3A_760 = arith.index_cast %add3A_711 : i32 to index
      %get3A_761 = arith.constant 32 : index
      %get3A_762 = tpu.vector_load %arg6[%get3A_760, %get3A_761] {strides = array<i32>} : memref<128x128xf32, #tpu.memory_space<vmem>>, vector<1x16xf32>,
      %get3A_763 = vector.shape_cast %get3A_762 : vector<1x16xf32> to vector<16xf32>
      %get3A_764 = arith.index_cast %add3A_711 : i32 to index
      %get3A_765 = arith.constant 32 : index
      %get3A_766 = tpu.vector_load %arg8[%get3A_764, %get3A_765] {strides = array<i32>} : memref<128x128xf32, #tpu.memory_space<vmem>>, vector<1x16xf32>,
      %get3A_767 = vector.shape_cast %get3A_766 : vector<1x16xf32> to vector<16xf32>
      %add3A_768 = arith.addf %get3A_763, %get3A_767 : vector<16xf32>
      %get3A_769 = arith.index_cast %add3A_711 : i32 to index
      %get3A_770 = arith.constant 32 : index
      %get3A_771 = tpu.vector_load %arg9[%get3A_769, %get3A_770] {strides = array<i32>} : memref<128x128xf32, #tpu.memory_space<vmem>>, vector<1x16xf32>,
      %get3A_772 = vector.shape_cast %get3A_771 : vector<1x16xf32> to vector<16xf32>
      %add3A_773 = arith.addf %add3A_768, %get3A_772 : vector<16xf32>
      %get3A_774 = arith.index_cast %add3A_711 : i32 to index
      %get3A_775 = arith.constant 32 : index
      %get3A_776 = tpu.vector_load %arg10[%get3A_774, %get3A_775] {strides = array<i32>} : memref<128x128xf32, #tpu.memory_space<vmem>>, vector<1x16xf32>,
      %get3A_777 = vector.shape_cast %get3A_776 : vector<1x16xf32> to vector<16xf32>
      %add3A_778 = arith.addf %add3A_773, %get3A_777 : vector<16xf32>
      %swap3A_779 = arith.index_cast %add3A_711 : i32 to index
      %swap3A_780 = arith.constant 32 : index
      %swap3A_781 = tpu.vector_load %arg6[%swap3A_779, %swap3A_780] {strides = array<i32>} : memref<128x128xf32, #tpu.memory_space<vmem>>, vector<1x16xf32>,
      %swap3A_782 = vector.shape_cast %swap3A_781 : vector<1x16xf32> to vector<16xf32>
      %swap3A_783 = vector.shape_cast %add3A_778 : vector<16xf32> to vector<1x16xf32>
      tpu.vector_store %arg6[%swap3A_779, %swap3A_780], %swap3A_783 {strides = array<i32>} : memref<128x128xf32, #tpu.memory_space<vmem>>, vector<1x16xf32>,
      %get3A_784 = arith.index_cast %add3A_711 : i32 to index
      %get3A_785 = arith.constant 48 : index
      %get3A_786 = tpu.vector_load %arg6[%get3A_784, %get3A_785] {strides = array<i32>} : memref<128x128xf32, #tpu.memory_space<vmem>>, vector<1x16xf32>,
      %get3A_787 = vector.shape_cast %get3A_786 : vector<1x16xf32> to vector<16xf32>
      %get3A_788 = arith.index_cast %add3A_711 : i32 to index
      %get3A_789 = arith.constant 48 : index
      %get3A_790 = tpu.vector_load %arg8[%get3A_788, %get3A_789] {strides = array<i32>} : memref<128x128xf32, #tpu.memory_space<vmem>>, vector<1x16xf32>,
      %get3A_791 = vector.shape_cast %get3A_790 : vector<1x16xf32> to vector<16xf32>
      %add3A_792 = arith.addf %get3A_787, %get3A_791 : vector<16xf32>
      %get3A_793 = arith.index_cast %add3A_711 : i32 to index
      %get3A_794 = arith.constant 48 : index
      %get3A_795 = tpu.vector_load %arg9[%get3A_793, %get3A_794] {strides = array<i32>} : memref<128x128xf32, #tpu.memory_space<vmem>>, vector<1x16xf32>,
      %get3A_796 = vector.shape_cast %get3A_795 : vector<1x16xf32> to vector<16xf32>
      %add3A_797 = arith.addf %add3A_792, %get3A_796 : vector<16xf32>
      %get3A_798 = arith.index_cast %add3A_711 : i32 to index
      %get3A_799 = arith.constant 48 : index
      %get3A_800 = tpu.vector_load %arg10[%get3A_798, %get3A_799] {strides = array<i32>} : memref<128x128xf32, #tpu.memory_space<vmem>>, vector<1x16xf32>,
      %get3A_801 = vector.shape_cast %get3A_800 : vector<1x16xf32> to vector<16xf32>
      %add3A_802 = arith.addf %add3A_797, %get3A_801 : vector<16xf32>
      %swap3A_803 = arith.index_cast %add3A_711 : i32 to index
      %swap3A_804 = arith.constant 48 : index
      %swap3A_805 = tpu.vector_load %arg6[%swap3A_803, %swap3A_804] {strides = array<i32>} : memref<128x128xf32, #tpu.memory_space<vmem>>, vector<1x16xf32>,
      %swap3A_806 = vector.shape_cast %swap3A_805 : vector<1x16xf32> to vector<16xf32>
      %swap3A_807 = vector.shape_cast %add3A_802 : vector<16xf32> to vector<1x16xf32>
      tpu.vector_store %arg6[%swap3A_803, %swap3A_804], %swap3A_807 {strides = array<i32>} : memref<128x128xf32, #tpu.memory_space<vmem>>, vector<1x16xf32>,
      %get3A_808 = arith.index_cast %add3A_711 : i32 to index
      %get3A_809 = arith.constant 64 : index
      %get3A_810 = tpu.vector_load %arg6[%get3A_808, %get3A_809] {strides = array<i32>} : memref<128x128xf32, #tpu.memory_space<vmem>>, vector<1x16xf32>,
      %get3A_811 = vector.shape_cast %get3A_810 : vector<1x16xf32> to vector<16xf32>
      %get3A_812 = arith.index_cast %add3A_711 : i32 to index
      %get3A_813 = arith.constant 64 : index
      %get3A_814 = tpu.vector_load %arg8[%get3A_812, %get3A_813] {strides = array<i32>} : memref<128x128xf32, #tpu.memory_space<vmem>>, vector<1x16xf32>,
      %get3A_815 = vector.shape_cast %get3A_814 : vector<1x16xf32> to vector<16xf32>
      %add3A_816 = arith.addf %get3A_811, %get3A_815 : vector<16xf32>
      %get3A_817 = arith.index_cast %add3A_711 : i32 to index
      %get3A_818 = arith.constant 64 : index
      %get3A_819 = tpu.vector_load %arg9[%get3A_817, %get3A_818] {strides = array<i32>} : memref<128x128xf32, #tpu.memory_space<vmem>>, vector<1x16xf32>,
      %get3A_820 = vector.shape_cast %get3A_819 : vector<1x16xf32> to vector<16xf32>
      %add3A_821 = arith.addf %add3A_816, %get3A_820 : vector<16xf32>
      %get3A_822 = arith.index_cast %add3A_711 : i32 to index
      %get3A_823 = arith.constant 64 : index
      %get3A_824 = tpu.vector_load %arg10[%get3A_822, %get3A_823] {strides = array<i32>} : memref<128x128xf32, #tpu.memory_space<vmem>>, vector<1x16xf32>,
      %get3A_825 = vector.shape_cast %get3A_824 : vector<1x16xf32> to vector<16xf32>
      %add3A_826 = arith.addf %add3A_821, %get3A_825 : vector<16xf32>
      %swap3A_827 = arith.index_cast %add3A_711 : i32 to index
      %swap3A_828 = arith.constant 64 : index
      %swap3A_829 = tpu.vector_load %arg6[%swap3A_827, %swap3A_828] {strides = array<i32>} : memref<128x128xf32, #tpu.memory_space<vmem>>, vector<1x16xf32>,
      %swap3A_830 = vector.shape_cast %swap3A_829 : vector<1x16xf32> to vector<16xf32>
      %swap3A_831 = vector.shape_cast %add3A_826 : vector<16xf32> to vector<1x16xf32>
      tpu.vector_store %arg6[%swap3A_827, %swap3A_828], %swap3A_831 {strides = array<i32>} : memref<128x128xf32, #tpu.memory_space<vmem>>, vector<1x16xf32>,
      %get3A_832 = arith.index_cast %add3A_711 : i32 to index
      %get3A_833 = arith.constant 80 : index
      %get3A_834 = tpu.vector_load %arg6[%get3A_832, %get3A_833] {strides = array<i32>} : memref<128x128xf32, #tpu.memory_space<vmem>>, vector<1x16xf32>,
      %get3A_835 = vector.shape_cast %get3A_834 : vector<1x16xf32> to vector<16xf32>
      %get3A_836 = arith.index_cast %add3A_711 : i32 to index
      %get3A_837 = arith.constant 80 : index
      %get3A_838 = tpu.vector_load %arg8[%get3A_836, %get3A_837] {strides = array<i32>} : memref<128x128xf32, #tpu.memory_space<vmem>>, vector<1x16xf32>,
      %get3A_839 = vector.shape_cast %get3A_838 : vector<1x16xf32> to vector<16xf32>
      %add3A_840 = arith.addf %get3A_835, %get3A_839 : vector<16xf32>
      %get3A_841 = arith.index_cast %add3A_711 : i32 to index
      %get3A_842 = arith.constant 80 : index
      %get3A_843 = tpu.vector_load %arg9[%get3A_841, %get3A_842] {strides = array<i32>} : memref<128x128xf32, #tpu.memory_space<vmem>>, vector<1x16xf32>,
      %get3A_844 = vector.shape_cast %get3A_843 : vector<1x16xf32> to vector<16xf32>
      %add3A_845 = arith.addf %add3A_840, %get3A_844 : vector<16xf32>
      %get3A_846 = arith.index_cast %add3A_711 : i32 to index
      %get3A_847 = arith.constant 80 : index
      %get3A_848 = tpu.vector_load %arg10[%get3A_846, %get3A_847] {strides = array<i32>} : memref<128x128xf32, #tpu.memory_space<vmem>>, vector<1x16xf32>,
      %get3A_849 = vector.shape_cast %get3A_848 : vector<1x16xf32> to vector<16xf32>
      %add3A_850 = arith.addf %add3A_845, %get3A_849 : vector<16xf32>
      %swap3A_851 = arith.index_cast %add3A_711 : i32 to index
      %swap3A_852 = arith.constant 80 : index
      %swap3A_853 = tpu.vector_load %arg6[%swap3A_851, %swap3A_852] {strides = array<i32>} : memref<128x128xf32, #tpu.memory_space<vmem>>, vector<1x16xf32>,
      %swap3A_854 = vector.shape_cast %swap3A_853 : vector<1x16xf32> to vector<16xf32>
      %swap3A_855 = vector.shape_cast %add3A_850 : vector<16xf32> to vector<1x16xf32>
      tpu.vector_store %arg6[%swap3A_851, %swap3A_852], %swap3A_855 {strides = array<i32>} : memref<128x128xf32, #tpu.memory_space<vmem>>, vector<1x16xf32>,
      %get3A_856 = arith.index_cast %add3A_711 : i32 to index
      %get3A_857 = arith.constant 96 : index
      %get3A_858 = tpu.vector_load %arg6[%get3A_856, %get3A_857] {strides = array<i32>} : memref<128x128xf32, #tpu.memory_space<vmem>>, vector<1x16xf32>,
      %get3A_859 = vector.shape_cast %get3A_858 : vector<1x16xf32> to vector<16xf32>
      %get3A_860 = arith.index_cast %add3A_711 : i32 to index
      %get3A_861 = arith.constant 96 : index
      %get3A_862 = tpu.vector_load %arg8[%get3A_860, %get3A_861] {strides = array<i32>} : memref<128x128xf32, #tpu.memory_space<vmem>>, vector<1x16xf32>,
      %get3A_863 = vector.shape_cast %get3A_862 : vector<1x16xf32> to vector<16xf32>
      %add3A_864 = arith.addf %get3A_859, %get3A_863 : vector<16xf32>
      %get3A_865 = arith.index_cast %add3A_711 : i32 to index
      %get3A_866 = arith.constant 96 : index
      %get3A_867 = tpu.vector_load %arg9[%get3A_865, %get3A_866] {strides = array<i32>} : memref<128x128xf32, #tpu.memory_space<vmem>>, vector<1x16xf32>,
      %get3A_868 = vector.shape_cast %get3A_867 : vector<1x16xf32> to vector<16xf32>
      %add3A_869 = arith.addf %add3A_864, %get3A_868 : vector<16xf32>
      %get3A_870 = arith.index_cast %add3A_711 : i32 to index
      %get3A_871 = arith.constant 96 : index
      %get3A_872 = tpu.vector_load %arg10[%get3A_870, %get3A_871] {strides = array<i32>} : memref<128x128xf32, #tpu.memory_space<vmem>>, vector<1x16xf32>,
      %get3A_873 = vector.shape_cast %get3A_872 : vector<1x16xf32> to vector<16xf32>
      %add3A_874 = arith.addf %add3A_869, %get3A_873 : vector<16xf32>
      %swap3A_875 = arith.index_cast %add3A_711 : i32 to index
      %swap3A_876 = arith.constant 96 : index
      %swap3A_877 = tpu.vector_load %arg6[%swap3A_875, %swap3A_876] {strides = array<i32>} : memref<128x128xf32, #tpu.memory_space<vmem>>, vector<1x16xf32>,
      %swap3A_878 = vector.shape_cast %swap3A_877 : vector<1x16xf32> to vector<16xf32>
      %swap3A_879 = vector.shape_cast %add3A_874 : vector<16xf32> to vector<1x16xf32>
      tpu.vector_store %arg6[%swap3A_875, %swap3A_876], %swap3A_879 {strides = array<i32>} : memref<128x128xf32, #tpu.memory_space<vmem>>, vector<1x16xf32>,
      %get3A_880 = arith.index_cast %add3A_711 : i32 to index
      %get3A_881 = arith.constant 112 : index
      %get3A_882 = tpu.vector_load %arg6[%get3A_880, %get3A_881] {strides = array<i32>} : memref<128x128xf32, #tpu.memory_space<vmem>>, vector<1x16xf32>,
      %get3A_883 = vector.shape_cast %get3A_882 : vector<1x16xf32> to vector<16xf32>
      %get3A_884 = arith.index_cast %add3A_711 : i32 to index
      %get3A_885 = arith.constant 112 : index
      %get3A_886 = tpu.vector_load %arg8[%get3A_884, %get3A_885] {strides = array<i32>} : memref<128x128xf32, #tpu.memory_space<vmem>>, vector<1x16xf32>,
      %get3A_887 = vector.shape_cast %get3A_886 : vector<1x16xf32> to vector<16xf32>
      %add3A_888 = arith.addf %get3A_883, %get3A_887 : vector<16xf32>
      %get3A_889 = arith.index_cast %add3A_711 : i32 to index
      %get3A_890 = arith.constant 112 : index
      %get3A_891 = tpu.vector_load %arg9[%get3A_889, %get3A_890] {strides = array<i32>} : memref<128x128xf32, #tpu.memory_space<vmem>>, vector<1x16xf32>,
      %get3A_892 = vector.shape_cast %get3A_891 : vector<1x16xf32> to vector<16xf32>
      %add3A_893 = arith.addf %add3A_888, %get3A_892 : vector<16xf32>
      %get3A_894 = arith.index_cast %add3A_711 : i32 to index
      %get3A_895 = arith.constant 112 : index
      %get3A_896 = tpu.vector_load %arg10[%get3A_894, %get3A_895] {strides = array<i32>} : memref<128x128xf32, #tpu.memory_space<vmem>>, vector<1x16xf32>,
      %get3A_897 = vector.shape_cast %get3A_896 : vector<1x16xf32> to vector<16xf32>
      %add3A_898 = arith.addf %add3A_893, %get3A_897 : vector<16xf32>
      %swap3A_899 = arith.index_cast %add3A_711 : i32 to index
      %swap3A_900 = arith.constant 112 : index
      %swap3A_901 = tpu.vector_load %arg6[%swap3A_899, %swap3A_900] {strides = array<i32>} : memref<128x128xf32, #tpu.memory_space<vmem>>, vector<1x16xf32>,
      %swap3A_902 = vector.shape_cast %swap3A_901 : vector<1x16xf32> to vector<16xf32>
      %swap3A_903 = vector.shape_cast %add3A_898 : vector<16xf32> to vector<1x16xf32>
      tpu.vector_store %arg6[%swap3A_899, %swap3A_900], %swap3A_903 {strides = array<i32>} : memref<128x128xf32, #tpu.memory_space<vmem>>, vector<1x16xf32>,
      %mul3A_904 = arith.constant 4 : i32
      %mul3A_905 = arith.muli %mul3A_904, %scan3A_316 : i32
      %add3A_906 = arith.constant 3 : i32
      %add3A_907 = arith.addi %mul3A_905, %add3A_906 : i32
      %get3A_908 = arith.index_cast %add3A_907 : i32 to index
      %get3A_909 = arith.constant 0 : index
      %get3A_910 = tpu.vector_load %arg6[%get3A_908, %get3A_909] {strides = array<i32>} : memref<128x128xf32, #tpu.memory_space<vmem>>, vector<1x16xf32>,
      %get3A_911 = vector.shape_cast %get3A_910 : vector<1x16xf32> to vector<16xf32>
      %get3A_912 = arith.index_cast %add3A_907 : i32 to index
      %get3A_913 = arith.constant 0 : index
      %get3A_914 = tpu.vector_load %arg8[%get3A_912, %get3A_913] {strides = array<i32>} : memref<128x128xf32, #tpu.memory_space<vmem>>, vector<1x16xf32>,
      %get3A_915 = vector.shape_cast %get3A_914 : vector<1x16xf32> to vector<16xf32>
      %add3A_916 = arith.addf %get3A_911, %get3A_915 : vector<16xf32>
      %get3A_917 = arith.index_cast %add3A_907 : i32 to index
      %get3A_918 = arith.constant 0 : index
      %get3A_919 = tpu.vector_load %arg9[%get3A_917, %get3A_918] {strides = array<i32>} : memref<128x128xf32, #tpu.memory_space<vmem>>, vector<1x16xf32>,
      %get3A_920 = vector.shape_cast %get3A_919 : vector<1x16xf32> to vector<16xf32>
      %add3A_921 = arith.addf %add3A_916, %get3A_920 : vector<16xf32>
      %get3A_922 = arith.index_cast %add3A_907 : i32 to index
      %get3A_923 = arith.constant 0 : index
      %get3A_924 = tpu.vector_load %arg10[%get3A_922, %get3A_923] {strides = array<i32>} : memref<128x128xf32, #tpu.memory_space<vmem>>, vector<1x16xf32>,
      %get3A_925 = vector.shape_cast %get3A_924 : vector<1x16xf32> to vector<16xf32>
      %add3A_926 = arith.addf %add3A_921, %get3A_925 : vector<16xf32>
      %swap3A_927 = arith.index_cast %add3A_907 : i32 to index
      %swap3A_928 = arith.constant 0 : index
      %swap3A_929 = tpu.vector_load %arg6[%swap3A_927, %swap3A_928] {strides = array<i32>} : memref<128x128xf32, #tpu.memory_space<vmem>>, vector<1x16xf32>,
      %swap3A_930 = vector.shape_cast %swap3A_929 : vector<1x16xf32> to vector<16xf32>
      %swap3A_931 = vector.shape_cast %add3A_926 : vector<16xf32> to vector<1x16xf32>
      tpu.vector_store %arg6[%swap3A_927, %swap3A_928], %swap3A_931 {strides = array<i32>} : memref<128x128xf32, #tpu.memory_space<vmem>>, vector<1x16xf32>,
      %get3A_932 = arith.index_cast %add3A_907 : i32 to index
      %get3A_933 = arith.constant 16 : index
      %get3A_934 = tpu.vector_load %arg6[%get3A_932, %get3A_933] {strides = array<i32>} : memref<128x128xf32, #tpu.memory_space<vmem>>, vector<1x16xf32>,
      %get3A_935 = vector.shape_cast %get3A_934 : vector<1x16xf32> to vector<16xf32>
      %get3A_936 = arith.index_cast %add3A_907 : i32 to index
      %get3A_937 = arith.constant 16 : index
      %get3A_938 = tpu.vector_load %arg8[%get3A_936, %get3A_937] {strides = array<i32>} : memref<128x128xf32, #tpu.memory_space<vmem>>, vector<1x16xf32>,
      %get3A_939 = vector.shape_cast %get3A_938 : vector<1x16xf32> to vector<16xf32>
      %add3A_940 = arith.addf %get3A_935, %get3A_939 : vector<16xf32>
      %get3A_941 = arith.index_cast %add3A_907 : i32 to index
      %get3A_942 = arith.constant 16 : index
      %get3A_943 = tpu.vector_load %arg9[%get3A_941, %get3A_942] {strides = array<i32>} : memref<128x128xf32, #tpu.memory_space<vmem>>, vector<1x16xf32>,
      %get3A_944 = vector.shape_cast %get3A_943 : vector<1x16xf32> to vector<16xf32>
      %add3A_945 = arith.addf %add3A_940, %get3A_944 : vector<16xf32>
      %get3A_946 = arith.index_cast %add3A_907 : i32 to index
      %get3A_947 = arith.constant 16 : index
      %get3A_948 = tpu.vector_load %arg10[%get3A_946, %get3A_947] {strides = array<i32>} : memref<128x128xf32, #tpu.memory_space<vmem>>, vector<1x16xf32>,
      %get3A_949 = vector.shape_cast %get3A_948 : vector<1x16xf32> to vector<16xf32>
      %add3A_950 = arith.addf %add3A_945, %get3A_949 : vector<16xf32>
      %swap3A_951 = arith.index_cast %add3A_907 : i32 to index
      %swap3A_952 = arith.constant 16 : index
      %swap3A_953 = tpu.vector_load %arg6[%swap3A_951, %swap3A_952] {strides = array<i32>} : memref<128x128xf32, #tpu.memory_space<vmem>>, vector<1x16xf32>,
      %swap3A_954 = vector.shape_cast %swap3A_953 : vector<1x16xf32> to vector<16xf32>
      %swap3A_955 = vector.shape_cast %add3A_950 : vector<16xf32> to vector<1x16xf32>
      tpu.vector_store %arg6[%swap3A_951, %swap3A_952], %swap3A_955 {strides = array<i32>} : memref<128x128xf32, #tpu.memory_space<vmem>>, vector<1x16xf32>,
      %get3A_956 = arith.index_cast %add3A_907 : i32 to index
      %get3A_957 = arith.constant 32 : index
      %get3A_958 = tpu.vector_load %arg6[%get3A_956, %get3A_957] {strides = array<i32>} : memref<128x128xf32, #tpu.memory_space<vmem>>, vector<1x16xf32>,
      %get3A_959 = vector.shape_cast %get3A_958 : vector<1x16xf32> to vector<16xf32>
      %get3A_960 = arith.index_cast %add3A_907 : i32 to index
      %get3A_961 = arith.constant 32 : index
      %get3A_962 = tpu.vector_load %arg8[%get3A_960, %get3A_961] {strides = array<i32>} : memref<128x128xf32, #tpu.memory_space<vmem>>, vector<1x16xf32>,
      %get3A_963 = vector.shape_cast %get3A_962 : vector<1x16xf32> to vector<16xf32>
      %add3A_964 = arith.addf %get3A_959, %get3A_963 : vector<16xf32>
      %get3A_965 = arith.index_cast %add3A_907 : i32 to index
      %get3A_966 = arith.constant 32 : index
      %get3A_967 = tpu.vector_load %arg9[%get3A_965, %get3A_966] {strides = array<i32>} : memref<128x128xf32, #tpu.memory_space<vmem>>, vector<1x16xf32>,
      %get3A_968 = vector.shape_cast %get3A_967 : vector<1x16xf32> to vector<16xf32>
      %add3A_969 = arith.addf %add3A_964, %get3A_968 : vector<16xf32>
      %get3A_970 = arith.index_cast %add3A_907 : i32 to index
      %get3A_971 = arith.constant 32 : index
      %get3A_972 = tpu.vector_load %arg10[%get3A_970, %get3A_971] {strides = array<i32>} : memref<128x128xf32, #tpu.memory_space<vmem>>, vector<1x16xf32>,
      %get3A_973 = vector.shape_cast %get3A_972 : vector<1x16xf32> to vector<16xf32>
      %add3A_974 = arith.addf %add3A_969, %get3A_973 : vector<16xf32>
      %swap3A_975 = arith.index_cast %add3A_907 : i32 to index
      %swap3A_976 = arith.constant 32 : index
      %swap3A_977 = tpu.vector_load %arg6[%swap3A_975, %swap3A_976] {strides = array<i32>} : memref<128x128xf32, #tpu.memory_space<vmem>>, vector<1x16xf32>,
      %swap3A_978 = vector.shape_cast %swap3A_977 : vector<1x16xf32> to vector<16xf32>
      %swap3A_979 = vector.shape_cast %add3A_974 : vector<16xf32> to vector<1x16xf32>
      tpu.vector_store %arg6[%swap3A_975, %swap3A_976], %swap3A_979 {strides = array<i32>} : memref<128x128xf32, #tpu.memory_space<vmem>>, vector<1x16xf32>,
      %get3A_980 = arith.index_cast %add3A_907 : i32 to index
      %get3A_981 = arith.constant 48 : index
      %get3A_982 = tpu.vector_load %arg6[%get3A_980, %get3A_981] {strides = array<i32>} : memref<128x128xf32, #tpu.memory_space<vmem>>, vector<1x16xf32>,
      %get3A_983 = vector.shape_cast %get3A_982 : vector<1x16xf32> to vector<16xf32>
      %get3A_984 = arith.index_cast %add3A_907 : i32 to index
      %get3A_985 = arith.constant 48 : index
      %get3A_986 = tpu.vector_load %arg8[%get3A_984, %get3A_985] {strides = array<i32>} : memref<128x128xf32, #tpu.memory_space<vmem>>, vector<1x16xf32>,
      %get3A_987 = vector.shape_cast %get3A_986 : vector<1x16xf32> to vector<16xf32>
      %add3A_988 = arith.addf %get3A_983, %get3A_987 : vector<16xf32>
      %get3A_989 = arith.index_cast %add3A_907 : i32 to index
      %get3A_990 = arith.constant 48 : index
      %get3A_991 = tpu.vector_load %arg9[%get3A_989, %get3A_990] {strides = array<i32>} : memref<128x128xf32, #tpu.memory_space<vmem>>, vector<1x16xf32>,
      %get3A_992 = vector.shape_cast %get3A_991 : vector<1x16xf32> to vector<16xf32>
      %add3A_993 = arith.addf %add3A_988, %get3A_992 : vector<16xf32>
      %get3A_994 = arith.index_cast %add3A_907 : i32 to index
      %get3A_995 = arith.constant 48 : index
      %get3A_996 = tpu.vector_load %arg10[%get3A_994, %get3A_995] {strides = array<i32>} : memref<128x128xf32, #tpu.memory_space<vmem>>, vector<1x16xf32>,
      %get3A_997 = vector.shape_cast %get3A_996 : vector<1x16xf32> to vector<16xf32>
      %add3A_998 = arith.addf %add3A_993, %get3A_997 : vector<16xf32>
      %swap3A_999 = arith.index_cast %add3A_907 : i32 to index
      %swap3A_1000 = arith.constant 48 : index
      %swap3A_1001 = tpu.vector_load %arg6[%swap3A_999, %swap3A_1000] {strides = array<i32>} : memref<128x128xf32, #tpu.memory_space<vmem>>, vector<1x16xf32>,
      %swap3A_1002 = vector.shape_cast %swap3A_1001 : vector<1x16xf32> to vector<16xf32>
      %swap3A_1003 = vector.shape_cast %add3A_998 : vector<16xf32> to vector<1x16xf32>
      tpu.vector_store %arg6[%swap3A_999, %swap3A_1000], %swap3A_1003 {strides = array<i32>} : memref<128x128xf32, #tpu.memory_space<vmem>>, vector<1x16xf32>,
      %get3A_1004 = arith.index_cast %add3A_907 : i32 to index
      %get3A_1005 = arith.constant 64 : index
      %get3A_1006 = tpu.vector_load %arg6[%get3A_1004, %get3A_1005] {strides = array<i32>} : memref<128x128xf32, #tpu.memory_space<vmem>>, vector<1x16xf32>,
      %get3A_1007 = vector.shape_cast %get3A_1006 : vector<1x16xf32> to vector<16xf32>
      %get3A_1008 = arith.index_cast %add3A_907 : i32 to index
      %get3A_1009 = arith.constant 64 : index
      %get3A_1010 = tpu.vector_load %arg8[%get3A_1008, %get3A_1009] {strides = array<i32>} : memref<128x128xf32, #tpu.memory_space<vmem>>, vector<1x16xf32>,
      %get3A_1011 = vector.shape_cast %get3A_1010 : vector<1x16xf32> to vector<16xf32>
      %add3A_1012 = arith.addf %get3A_1007, %get3A_1011 : vector<16xf32>
      %get3A_1013 = arith.index_cast %add3A_907 : i32 to index
      %get3A_1014 = arith.constant 64 : index
      %get3A_1015 = tpu.vector_load %arg9[%get3A_1013, %get3A_1014] {strides = array<i32>} : memref<128x128xf32, #tpu.memory_space<vmem>>, vector<1x16xf32>,
      %get3A_1016 = vector.shape_cast %get3A_1015 : vector<1x16xf32> to vector<16xf32>
      %add3A_1017 = arith.addf %add3A_1012, %get3A_1016 : vector<16xf32>
      %get3A_1018 = arith.index_cast %add3A_907 : i32 to index
      %get3A_1019 = arith.constant 64 : index
      %get3A_1020 = tpu.vector_load %arg10[%get3A_1018, %get3A_1019] {strides = array<i32>} : memref<128x128xf32, #tpu.memory_space<vmem>>, vector<1x16xf32>,
      %get3A_1021 = vector.shape_cast %get3A_1020 : vector<1x16xf32> to vector<16xf32>
      %add3A_1022 = arith.addf %add3A_1017, %get3A_1021 : vector<16xf32>
      %swap3A_1023 = arith.index_cast %add3A_907 : i32 to index
      %swap3A_1024 = arith.constant 64 : index
      %swap3A_1025 = tpu.vector_load %arg6[%swap3A_1023, %swap3A_1024] {strides = array<i32>} : memref<128x128xf32, #tpu.memory_space<vmem>>, vector<1x16xf32>,
      %swap3A_1026 = vector.shape_cast %swap3A_1025 : vector<1x16xf32> to vector<16xf32>
      %swap3A_1027 = vector.shape_cast %add3A_1022 : vector<16xf32> to vector<1x16xf32>
      tpu.vector_store %arg6[%swap3A_1023, %swap3A_1024], %swap3A_1027 {strides = array<i32>} : memref<128x128xf32, #tpu.memory_space<vmem>>, vector<1x16xf32>,
      %get3A_1028 = arith.index_cast %add3A_907 : i32 to index
      %get3A_1029 = arith.constant 80 : index
      %get3A_1030 = tpu.vector_load %arg6[%get3A_1028, %get3A_1029] {strides = array<i32>} : memref<128x128xf32, #tpu.memory_space<vmem>>, vector<1x16xf32>,
      %get3A_1031 = vector.shape_cast %get3A_1030 : vector<1x16xf32> to vector<16xf32>
      %get3A_1032 = arith.index_cast %add3A_907 : i32 to index
      %get3A_1033 = arith.constant 80 : index
      %get3A_1034 = tpu.vector_load %arg8[%get3A_1032, %get3A_1033] {strides = array<i32>} : memref<128x128xf32, #tpu.memory_space<vmem>>, vector<1x16xf32>,
      %get3A_1035 = vector.shape_cast %get3A_1034 : vector<1x16xf32> to vector<16xf32>
      %add3A_1036 = arith.addf %get3A_1031, %get3A_1035 : vector<16xf32>
      %get3A_1037 = arith.index_cast %add3A_907 : i32 to index
      %get3A_1038 = arith.constant 80 : index
      %get3A_1039 = tpu.vector_load %arg9[%get3A_1037, %get3A_1038] {strides = array<i32>} : memref<128x128xf32, #tpu.memory_space<vmem>>, vector<1x16xf32>,
      %get3A_1040 = vector.shape_cast %get3A_1039 : vector<1x16xf32> to vector<16xf32>
      %add3A_1041 = arith.addf %add3A_1036, %get3A_1040 : vector<16xf32>
      %get3A_1042 = arith.index_cast %add3A_907 : i32 to index
      %get3A_1043 = arith.constant 80 : index
      %get3A_1044 = tpu.vector_load %arg10[%get3A_1042, %get3A_1043] {strides = array<i32>} : memref<128x128xf32, #tpu.memory_space<vmem>>, vector<1x16xf32>,
      %get3A_1045 = vector.shape_cast %get3A_1044 : vector<1x16xf32> to vector<16xf32>
      %add3A_1046 = arith.addf %add3A_1041, %get3A_1045 : vector<16xf32>
      %swap3A_1047 = arith.index_cast %add3A_907 : i32 to index
      %swap3A_1048 = arith.constant 80 : index
      %swap3A_1049 = tpu.vector_load %arg6[%swap3A_1047, %swap3A_1048] {strides = array<i32>} : memref<128x128xf32, #tpu.memory_space<vmem>>, vector<1x16xf32>,
      %swap3A_1050 = vector.shape_cast %swap3A_1049 : vector<1x16xf32> to vector<16xf32>
      %swap3A_1051 = vector.shape_cast %add3A_1046 : vector<16xf32> to vector<1x16xf32>
      tpu.vector_store %arg6[%swap3A_1047, %swap3A_1048], %swap3A_1051 {strides = array<i32>} : memref<128x128xf32, #tpu.memory_space<vmem>>, vector<1x16xf32>,
      %get3A_1052 = arith.index_cast %add3A_907 : i32 to index
      %get3A_1053 = arith.constant 96 : index
      %get3A_1054 = tpu.vector_load %arg6[%get3A_1052, %get3A_1053] {strides = array<i32>} : memref<128x128xf32, #tpu.memory_space<vmem>>, vector<1x16xf32>,
      %get3A_1055 = vector.shape_cast %get3A_1054 : vector<1x16xf32> to vector<16xf32>
      %get3A_1056 = arith.index_cast %add3A_907 : i32 to index
      %get3A_1057 = arith.constant 96 : index
      %get3A_1058 = tpu.vector_load %arg8[%get3A_1056, %get3A_1057] {strides = array<i32>} : memref<128x128xf32, #tpu.memory_space<vmem>>, vector<1x16xf32>,
      %get3A_1059 = vector.shape_cast %get3A_1058 : vector<1x16xf32> to vector<16xf32>
      %add3A_1060 = arith.addf %get3A_1055, %get3A_1059 : vector<16xf32>
      %get3A_1061 = arith.index_cast %add3A_907 : i32 to index
      %get3A_1062 = arith.constant 96 : index
      %get3A_1063 = tpu.vector_load %arg9[%get3A_1061, %get3A_1062] {strides = array<i32>} : memref<128x128xf32, #tpu.memory_space<vmem>>, vector<1x16xf32>,
      %get3A_1064 = vector.shape_cast %get3A_1063 : vector<1x16xf32> to vector<16xf32>
      %add3A_1065 = arith.addf %add3A_1060, %get3A_1064 : vector<16xf32>
      %get3A_1066 = arith.index_cast %add3A_907 : i32 to index
      %get3A_1067 = arith.constant 96 : index
      %get3A_1068 = tpu.vector_load %arg10[%get3A_1066, %get3A_1067] {strides = array<i32>} : memref<128x128xf32, #tpu.memory_space<vmem>>, vector<1x16xf32>,
      %get3A_1069 = vector.shape_cast %get3A_1068 : vector<1x16xf32> to vector<16xf32>
      %add3A_1070 = arith.addf %add3A_1065, %get3A_1069 : vector<16xf32>
      %swap3A_1071 = arith.index_cast %add3A_907 : i32 to index
      %swap3A_1072 = arith.constant 96 : index
      %swap3A_1073 = tpu.vector_load %arg6[%swap3A_1071, %swap3A_1072] {strides = array<i32>} : memref<128x128xf32, #tpu.memory_space<vmem>>, vector<1x16xf32>,
      %swap3A_1074 = vector.shape_cast %swap3A_1073 : vector<1x16xf32> to vector<16xf32>
      %swap3A_1075 = vector.shape_cast %add3A_1070 : vector<16xf32> to vector<1x16xf32>
      tpu.vector_store %arg6[%swap3A_1071, %swap3A_1072], %swap3A_1075 {strides = array<i32>} : memref<128x128xf32, #tpu.memory_space<vmem>>, vector<1x16xf32>,
      %get3A_1076 = arith.index_cast %add3A_907 : i32 to index
      %get3A_1077 = arith.constant 112 : index
      %get3A_1078 = tpu.vector_load %arg6[%get3A_1076, %get3A_1077] {strides = array<i32>} : memref<128x128xf32, #tpu.memory_space<vmem>>, vector<1x16xf32>,
      %get3A_1079 = vector.shape_cast %get3A_1078 : vector<1x16xf32> to vector<16xf32>
      %get3A_1080 = arith.index_cast %add3A_907 : i32 to index
      %get3A_1081 = arith.constant 112 : index
      %get3A_1082 = tpu.vector_load %arg8[%get3A_1080, %get3A_1081] {strides = array<i32>} : memref<128x128xf32, #tpu.memory_space<vmem>>, vector<1x16xf32>,
      %get3A_1083 = vector.shape_cast %get3A_1082 : vector<1x16xf32> to vector<16xf32>
      %add3A_1084 = arith.addf %get3A_1079, %get3A_1083 : vector<16xf32>
      %get3A_1085 = arith.index_cast %add3A_907 : i32 to index
      %get3A_1086 = arith.constant 112 : index
      %get3A_1087 = tpu.vector_load %arg9[%get3A_1085, %get3A_1086] {strides = array<i32>} : memref<128x128xf32, #tpu.memory_space<vmem>>, vector<1x16xf32>,
      %get3A_1088 = vector.shape_cast %get3A_1087 : vector<1x16xf32> to vector<16xf32>
      %add3A_1089 = arith.addf %add3A_1084, %get3A_1088 : vector<16xf32>
      %get3A_1090 = arith.index_cast %add3A_907 : i32 to index
      %get3A_1091 = arith.constant 112 : index
      %get3A_1092 = tpu.vector_load %arg10[%get3A_1090, %get3A_1091] {strides = array<i32>} : memref<128x128xf32, #tpu.memory_space<vmem>>, vector<1x16xf32>,
      %get3A_1093 = vector.shape_cast %get3A_1092 : vector<1x16xf32> to vector<16xf32>
      %add3A_1094 = arith.addf %add3A_1089, %get3A_1093 : vector<16xf32>
      %swap3A_1095 = arith.index_cast %add3A_907 : i32 to index
      %swap3A_1096 = arith.constant 112 : index
      %swap3A_1097 = tpu.vector_load %arg6[%swap3A_1095, %swap3A_1096] {strides = array<i32>} : memref<128x128xf32, #tpu.memory_space<vmem>>, vector<1x16xf32>,
      %swap3A_1098 = vector.shape_cast %swap3A_1097 : vector<1x16xf32> to vector<16xf32>
      %swap3A_1099 = vector.shape_cast %add3A_1094 : vector<16xf32> to vector<1x16xf32>
      tpu.vector_store %arg6[%swap3A_1095, %swap3A_1096], %swap3A_1099 {strides = array<i32>} : memref<128x128xf32, #tpu.memory_space<vmem>>, vector<1x16xf32>,
      %scan3A_1100 = arith.constant 0 : i32
      scf.yield %scan3A_1100 : i32
    }
    %scan3A_83 = arith.constant 32 : i32
    %mul3A_84 = arith.constant 512 : i32
    %mul3A_85 = arith.muli %add3A, %mul3A_84 : i32
    %add3A_86 = arith.constant 0 : i32
    %add3A_87 = arith.addi %mul3A_85, %add3A_86 : i32
    %dma_start3A_88 = arith.constant 0 : i32
    %dma_start3A_89 = tpu.memref_slice %arg4[%add3A_87, %dma_start3A_88] : memref<16384x128xf32, #tpu.memory_space<hbm>> -> memref<128x128xf32, #tpu.memory_space<hbm>>
    %dma_start3A_90 = arith.constant 0 : i32
    %dma_start3A_91 = tpu.memref_slice %arg4[%add3A_87, %dma_start3A_90] : memref<16384x128xf32, #tpu.memory_space<hbm>> -> memref<128x128xf32, #tpu.memory_space<hbm>>
    tpu.enqueue_dma source(%arg6 : memref<128x128xf32, #tpu.memory_space<vmem>>) target(%dma_start3A_91 : memref<128x128xf32, #tpu.memory_space<hbm>>) target_semaphore(%arg20 : memref<!tpu.dma_semaphore, #tpu.memory_space<semaphore_mem>>)
    %dma_start3A_92 = arith.constant 7 : i32
    %dma_start3A_93 = arith.constant 0 : i32
    %dma_start3A_94 = tpu.memref_slice %arg5[%dma_start3A_92, %dma_start3A_93] : memref<16x128xi32, #tpu.memory_space<vmem>> -> memref<1x128xi32, #tpu.memory_space<vmem>>
    %dma_start3A_95 = tpu.memref_squeeze %dma_start3A_94 : memref<1x128xi32, #tpu.memory_space<vmem>> -> memref<128xi32, #tpu.memory_space<vmem>>
    %dma_start3A_96 = arith.constant 0 : i32
    %dma_start3A_97 = arith.constant 0 : i32
    %dma_start3A_98 = tpu.memref_slice %arg3[%dma_start3A_96, %dma_start3A_97] : memref<100001x128xf32, #tpu.memory_space<hbm>> -> memref<100001x128xf32, #tpu.memory_space<hbm>>
    tpu.enqueue_indirect_dma source(%dma_start3A_98 : memref<100001x128xf32, #tpu.memory_space<hbm>>) target(%arg8 : memref<128x128xf32, #tpu.memory_space<vmem>>) offsets(%dma_start3A_95 : memref<128xi32, #tpu.memory_space<vmem>>) semaphore(%arg15 : memref<!tpu.dma_semaphore, #tpu.memory_space<semaphore_mem>>)
    %dma_start3A_99 = arith.constant 9 : i32
    %dma_start3A_100 = arith.constant 0 : i32
    %dma_start3A_101 = tpu.memref_slice %arg5[%dma_start3A_99, %dma_start3A_100] : memref<16x128xi32, #tpu.memory_space<vmem>> -> memref<1x128xi32, #tpu.memory_space<vmem>>
    %dma_start3A_102 = tpu.memref_squeeze %dma_start3A_101 : memref<1x128xi32, #tpu.memory_space<vmem>> -> memref<128xi32, #tpu.memory_space<vmem>>
    %dma_start3A_103 = arith.constant 0 : i32
    %dma_start3A_104 = arith.constant 0 : i32
    %dma_start3A_105 = tpu.memref_slice %arg3[%dma_start3A_103, %dma_start3A_104] : memref<100001x128xf32, #tpu.memory_space<hbm>> -> memref<100001x128xf32, #tpu.memory_space<hbm>>
    tpu.enqueue_indirect_dma source(%dma_start3A_105 : memref<100001x128xf32, #tpu.memory_space<hbm>>) target(%arg9 : memref<128x128xf32, #tpu.memory_space<vmem>>) offsets(%dma_start3A_102 : memref<128xi32, #tpu.memory_space<vmem>>) semaphore(%arg16 : memref<!tpu.dma_semaphore, #tpu.memory_space<semaphore_mem>>)
    %dma_start3A_106 = arith.constant 10 : i32
    %dma_start3A_107 = arith.constant 0 : i32
    %dma_start3A_108 = tpu.memref_slice %arg5[%dma_start3A_106, %dma_start3A_107] : memref<16x128xi32, #tpu.memory_space<vmem>> -> memref<1x128xi32, #tpu.memory_space<vmem>>
    %dma_start3A_109 = tpu.memref_squeeze %dma_start3A_108 : memref<1x128xi32, #tpu.memory_space<vmem>> -> memref<128xi32, #tpu.memory_space<vmem>>
    %dma_start3A_110 = arith.constant 0 : i32
    %dma_start3A_111 = arith.constant 0 : i32
    %dma_start3A_112 = tpu.memref_slice %arg3[%dma_start3A_110, %dma_start3A_111] : memref<100001x128xf32, #tpu.memory_space<hbm>> -> memref<100001x128xf32, #tpu.memory_space<hbm>>
    tpu.enqueue_indirect_dma source(%dma_start3A_112 : memref<100001x128xf32, #tpu.memory_space<hbm>>) target(%arg10 : memref<128x128xf32, #tpu.memory_space<vmem>>) offsets(%dma_start3A_109 : memref<128xi32, #tpu.memory_space<vmem>>) semaphore(%arg17 : memref<!tpu.dma_semaphore, #tpu.memory_space<semaphore_mem>>)
    %dma_wait3A_113 = arith.constant 0 : i32
    %dma_wait3A_114 = arith.constant 0 : i32
    %dma_wait3A_115 = tpu.memref_slice %arg5[%dma_wait3A_113, %dma_wait3A_114] : memref<16x128xi32, #tpu.memory_space<vmem>> -> memref<1x128xi32, #tpu.memory_space<vmem>>
    %dma_wait3A_116 = tpu.memref_squeeze %dma_wait3A_115 : memref<1x128xi32, #tpu.memory_space<vmem>> -> memref<128xi32, #tpu.memory_space<vmem>>
    %dma_wait3A_117 = arith.constant 0 : i32
    %dma_wait3A_118 = arith.constant 0 : i32
    %dma_wait3A_119 = tpu.memref_slice %arg3[%dma_wait3A_117, %dma_wait3A_118] : memref<100001x128xf32, #tpu.memory_space<hbm>> -> memref<100001x128xf32, #tpu.memory_space<hbm>>
    tpu.wait_indirect_dma semaphore(%arg14 : memref<!tpu.dma_semaphore, #tpu.memory_space<semaphore_mem>>) src(%dma_wait3A_119 : memref<100001x128xf32, #tpu.memory_space<hbm>>) dst(%arg7 : memref<128x128xf32, #tpu.memory_space<vmem>>)
    %dma_wait3A_120 = arith.constant 0 : i32
    %dma_wait3A_121 = arith.constant 0 : i32
    %dma_wait3A_122 = tpu.memref_slice %arg5[%dma_wait3A_120, %dma_wait3A_121] : memref<16x128xi32, #tpu.memory_space<vmem>> -> memref<1x128xi32, #tpu.memory_space<vmem>>
    %dma_wait3A_123 = tpu.memref_squeeze %dma_wait3A_122 : memref<1x128xi32, #tpu.memory_space<vmem>> -> memref<128xi32, #tpu.memory_space<vmem>>
    %dma_wait3A_124 = arith.constant 0 : i32
    %dma_wait3A_125 = arith.constant 0 : i32
    %dma_wait3A_126 = tpu.memref_slice %arg3[%dma_wait3A_124, %dma_wait3A_125] : memref<100001x128xf32, #tpu.memory_space<hbm>> -> memref<100001x128xf32, #tpu.memory_space<hbm>>
    tpu.wait_indirect_dma semaphore(%arg18 : memref<!tpu.dma_semaphore, #tpu.memory_space<semaphore_mem>>) src(%dma_wait3A_126 : memref<100001x128xf32, #tpu.memory_space<hbm>>) dst(%arg11 : memref<128x128xf32, #tpu.memory_space<vmem>>)
    %dma_wait3A_127 = arith.constant 0 : i32
    %dma_wait3A_128 = arith.constant 0 : i32
    %dma_wait3A_129 = tpu.memref_slice %arg5[%dma_wait3A_127, %dma_wait3A_128] : memref<16x128xi32, #tpu.memory_space<vmem>> -> memref<1x128xi32, #tpu.memory_space<vmem>>
    %dma_wait3A_130 = tpu.memref_squeeze %dma_wait3A_129 : memref<1x128xi32, #tpu.memory_space<vmem>> -> memref<128xi32, #tpu.memory_space<vmem>>
    %dma_wait3A_131 = arith.constant 0 : i32
    %dma_wait3A_132 = arith.constant 0 : i32
    %dma_wait3A_133 = tpu.memref_slice %arg3[%dma_wait3A_131, %dma_wait3A_132] : memref<100001x128xf32, #tpu.memory_space<hbm>> -> memref<100001x128xf32, #tpu.memory_space<hbm>>
    tpu.wait_indirect_dma semaphore(%arg19 : memref<!tpu.dma_semaphore, #tpu.memory_space<semaphore_mem>>) src(%dma_wait3A_133 : memref<100001x128xf32, #tpu.memory_space<hbm>>) dst(%arg12 : memref<128x128xf32, #tpu.memory_space<vmem>>)
    %dma_wait3A_134 = arith.constant 0 : i32
    %dma_wait3A_135 = arith.constant 0 : i32
    %dma_wait3A_136 = tpu.memref_slice %arg5[%dma_wait3A_134, %dma_wait3A_135] : memref<16x128xi32, #tpu.memory_space<vmem>> -> memref<1x128xi32, #tpu.memory_space<vmem>>
    %dma_wait3A_137 = tpu.memref_squeeze %dma_wait3A_136 : memref<1x128xi32, #tpu.memory_space<vmem>> -> memref<128xi32, #tpu.memory_space<vmem>>
    %dma_wait3A_138 = arith.constant 0 : i32
    %dma_wait3A_139 = arith.constant 0 : i32
    %dma_wait3A_140 = tpu.memref_slice %arg3[%dma_wait3A_138, %dma_wait3A_139] : memref<100001x128xf32, #tpu.memory_space<hbm>> -> memref<100001x128xf32, #tpu.memory_space<hbm>>
    tpu.wait_indirect_dma semaphore(%arg15 : memref<!tpu.dma_semaphore, #tpu.memory_space<semaphore_mem>>) src(%dma_wait3A_140 : memref<100001x128xf32, #tpu.memory_space<hbm>>) dst(%arg8 : memref<128x128xf32, #tpu.memory_space<vmem>>)
    %scan3A_141 = arith.constant 0 : i32
    %scan3A_142 = arith.constant 0 : i32
    %scan3A_143 = arith.constant 32 : i32
    %scan3A_144 = arith.addi %scan3A_142, %scan3A_143 : i32
    %scan3A_145 = arith.constant 1 : i32
    %scan3A_146 = scf.for %scan3A_316 = %scan3A_142 to %scan3A_144 step %scan3A_145 iter_args(%scan3A_317 = %scan3A_141) -> (i32)  : i32 {
      %mul3A_318 = arith.constant 4 : i32
      %mul3A_319 = arith.muli %mul3A_318, %scan3A_316 : i32
      %add3A_320 = arith.constant 0 : i32
      %add3A_321 = arith.addi %mul3A_319, %add3A_320 : i32
      %get3A = arith.index_cast %add3A_321 : i32 to index
      %get3A_322 = arith.constant 0 : index
      %get3A_323 = tpu.vector_load %arg7[%get3A, %get3A_322] {strides = array<i32>} : memref<128x128xf32, #tpu.memory_space<vmem>>, vector<1x16xf32>,
      %get3A_324 = vector.shape_cast %get3A_323 : vector<1x16xf32> to vector<16xf32>
      %get3A_325 = arith.index_cast %add3A_321 : i32 to index
      %get3A_326 = arith.constant 0 : index
      %get3A_327 = tpu.vector_load %arg11[%get3A_325, %get3A_326] {strides = array<i32>} : memref<128x128xf32, #tpu.memory_space<vmem>>, vector<1x16xf32>,
      %get3A_328 = vector.shape_cast %get3A_327 : vector<1x16xf32> to vector<16xf32>
      %add3A_329 = arith.addf %get3A_324, %get3A_328 : vector<16xf32>
      %get3A_330 = arith.index_cast %add3A_321 : i32 to index
      %get3A_331 = arith.constant 0 : index
      %get3A_332 = tpu.vector_load %arg12[%get3A_330, %get3A_331] {strides = array<i32>} : memref<128x128xf32, #tpu.memory_space<vmem>>, vector<1x16xf32>,
      %get3A_333 = vector.shape_cast %get3A_332 : vector<1x16xf32> to vector<16xf32>
      %add3A_334 = arith.addf %add3A_329, %get3A_333 : vector<16xf32>
      %get3A_335 = arith.index_cast %add3A_321 : i32 to index
      %get3A_336 = arith.constant 0 : index
      %get3A_337 = tpu.vector_load %arg8[%get3A_335, %get3A_336] {strides = array<i32>} : memref<128x128xf32, #tpu.memory_space<vmem>>, vector<1x16xf32>,
      %get3A_338 = vector.shape_cast %get3A_337 : vector<1x16xf32> to vector<16xf32>
      %add3A_339 = arith.addf %add3A_334, %get3A_338 : vector<16xf32>
      %swap3A = arith.index_cast %add3A_321 : i32 to index
      %swap3A_340 = arith.constant 0 : index
      %swap3A_341 = tpu.vector_load %arg7[%swap3A, %swap3A_340] {strides = array<i32>} : memref<128x128xf32, #tpu.memory_space<vmem>>, vector<1x16xf32>,
      %swap3A_342 = vector.shape_cast %swap3A_341 : vector<1x16xf32> to vector<16xf32>
      %swap3A_343 = vector.shape_cast %add3A_339 : vector<16xf32> to vector<1x16xf32>
      tpu.vector_store %arg7[%swap3A, %swap3A_340], %swap3A_343 {strides = array<i32>} : memref<128x128xf32, #tpu.memory_space<vmem>>, vector<1x16xf32>,
      %get3A_344 = arith.index_cast %add3A_321 : i32 to index
      %get3A_345 = arith.constant 16 : index
      %get3A_346 = tpu.vector_load %arg7[%get3A_344, %get3A_345] {strides = array<i32>} : memref<128x128xf32, #tpu.memory_space<vmem>>, vector<1x16xf32>,
      %get3A_347 = vector.shape_cast %get3A_346 : vector<1x16xf32> to vector<16xf32>
      %get3A_348 = arith.index_cast %add3A_321 : i32 to index
      %get3A_349 = arith.constant 16 : index
      %get3A_350 = tpu.vector_load %arg11[%get3A_348, %get3A_349] {strides = array<i32>} : memref<128x128xf32, #tpu.memory_space<vmem>>, vector<1x16xf32>,
      %get3A_351 = vector.shape_cast %get3A_350 : vector<1x16xf32> to vector<16xf32>
      %add3A_352 = arith.addf %get3A_347, %get3A_351 : vector<16xf32>
      %get3A_353 = arith.index_cast %add3A_321 : i32 to index
      %get3A_354 = arith.constant 16 : index
      %get3A_355 = tpu.vector_load %arg12[%get3A_353, %get3A_354] {strides = array<i32>} : memref<128x128xf32, #tpu.memory_space<vmem>>, vector<1x16xf32>,
      %get3A_356 = vector.shape_cast %get3A_355 : vector<1x16xf32> to vector<16xf32>
      %add3A_357 = arith.addf %add3A_352, %get3A_356 : vector<16xf32>
      %get3A_358 = arith.index_cast %add3A_321 : i32 to index
      %get3A_359 = arith.constant 16 : index
      %get3A_360 = tpu.vector_load %arg8[%get3A_358, %get3A_359] {strides = array<i32>} : memref<128x128xf32, #tpu.memory_space<vmem>>, vector<1x16xf32>,
      %get3A_361 = vector.shape_cast %get3A_360 : vector<1x16xf32> to vector<16xf32>
      %add3A_362 = arith.addf %add3A_357, %get3A_361 : vector<16xf32>
      %swap3A_363 = arith.index_cast %add3A_321 : i32 to index
      %swap3A_364 = arith.constant 16 : index
      %swap3A_365 = tpu.vector_load %arg7[%swap3A_363, %swap3A_364] {strides = array<i32>} : memref<128x128xf32, #tpu.memory_space<vmem>>, vector<1x16xf32>,
      %swap3A_366 = vector.shape_cast %swap3A_365 : vector<1x16xf32> to vector<16xf32>
      %swap3A_367 = vector.shape_cast %add3A_362 : vector<16xf32> to vector<1x16xf32>
      tpu.vector_store %arg7[%swap3A_363, %swap3A_364], %swap3A_367 {strides = array<i32>} : memref<128x128xf32, #tpu.memory_space<vmem>>, vector<1x16xf32>,
      %get3A_368 = arith.index_cast %add3A_321 : i32 to index
      %get3A_369 = arith.constant 32 : index
      %get3A_370 = tpu.vector_load %arg7[%get3A_368, %get3A_369] {strides = array<i32>} : memref<128x128xf32, #tpu.memory_space<vmem>>, vector<1x16xf32>,
      %get3A_371 = vector.shape_cast %get3A_370 : vector<1x16xf32> to vector<16xf32>
      %get3A_372 = arith.index_cast %add3A_321 : i32 to index
      %get3A_373 = arith.constant 32 : index
      %get3A_374 = tpu.vector_load %arg11[%get3A_372, %get3A_373] {strides = array<i32>} : memref<128x128xf32, #tpu.memory_space<vmem>>, vector<1x16xf32>,
      %get3A_375 = vector.shape_cast %get3A_374 : vector<1x16xf32> to vector<16xf32>
      %add3A_376 = arith.addf %get3A_371, %get3A_375 : vector<16xf32>
      %get3A_377 = arith.index_cast %add3A_321 : i32 to index
      %get3A_378 = arith.constant 32 : index
      %get3A_379 = tpu.vector_load %arg12[%get3A_377, %get3A_378] {strides = array<i32>} : memref<128x128xf32, #tpu.memory_space<vmem>>, vector<1x16xf32>,
      %get3A_380 = vector.shape_cast %get3A_379 : vector<1x16xf32> to vector<16xf32>
      %add3A_381 = arith.addf %add3A_376, %get3A_380 : vector<16xf32>
      %get3A_382 = arith.index_cast %add3A_321 : i32 to index
      %get3A_383 = arith.constant 32 : index
      %get3A_384 = tpu.vector_load %arg8[%get3A_382, %get3A_383] {strides = array<i32>} : memref<128x128xf32, #tpu.memory_space<vmem>>, vector<1x16xf32>,
      %get3A_385 = vector.shape_cast %get3A_384 : vector<1x16xf32> to vector<16xf32>
      %add3A_386 = arith.addf %add3A_381, %get3A_385 : vector<16xf32>
      %swap3A_387 = arith.index_cast %add3A_321 : i32 to index
      %swap3A_388 = arith.constant 32 : index
      %swap3A_389 = tpu.vector_load %arg7[%swap3A_387, %swap3A_388] {strides = array<i32>} : memref<128x128xf32, #tpu.memory_space<vmem>>, vector<1x16xf32>,
      %swap3A_390 = vector.shape_cast %swap3A_389 : vector<1x16xf32> to vector<16xf32>
      %swap3A_391 = vector.shape_cast %add3A_386 : vector<16xf32> to vector<1x16xf32>
      tpu.vector_store %arg7[%swap3A_387, %swap3A_388], %swap3A_391 {strides = array<i32>} : memref<128x128xf32, #tpu.memory_space<vmem>>, vector<1x16xf32>,
      %get3A_392 = arith.index_cast %add3A_321 : i32 to index
      %get3A_393 = arith.constant 48 : index
      %get3A_394 = tpu.vector_load %arg7[%get3A_392, %get3A_393] {strides = array<i32>} : memref<128x128xf32, #tpu.memory_space<vmem>>, vector<1x16xf32>,
      %get3A_395 = vector.shape_cast %get3A_394 : vector<1x16xf32> to vector<16xf32>
      %get3A_396 = arith.index_cast %add3A_321 : i32 to index
      %get3A_397 = arith.constant 48 : index
      %get3A_398 = tpu.vector_load %arg11[%get3A_396, %get3A_397] {strides = array<i32>} : memref<128x128xf32, #tpu.memory_space<vmem>>, vector<1x16xf32>,
      %get3A_399 = vector.shape_cast %get3A_398 : vector<1x16xf32> to vector<16xf32>
      %add3A_400 = arith.addf %get3A_395, %get3A_399 : vector<16xf32>
      %get3A_401 = arith.index_cast %add3A_321 : i32 to index
      %get3A_402 = arith.constant 48 : index
      %get3A_403 = tpu.vector_load %arg12[%get3A_401, %get3A_402] {strides = array<i32>} : memref<128x128xf32, #tpu.memory_space<vmem>>, vector<1x16xf32>,
      %get3A_404 = vector.shape_cast %get3A_403 : vector<1x16xf32> to vector<16xf32>
      %add3A_405 = arith.addf %add3A_400, %get3A_404 : vector<16xf32>
      %get3A_406 = arith.index_cast %add3A_321 : i32 to index
      %get3A_407 = arith.constant 48 : index
      %get3A_408 = tpu.vector_load %arg8[%get3A_406, %get3A_407] {strides = array<i32>} : memref<128x128xf32, #tpu.memory_space<vmem>>, vector<1x16xf32>,
      %get3A_409 = vector.shape_cast %get3A_408 : vector<1x16xf32> to vector<16xf32>
      %add3A_410 = arith.addf %add3A_405, %get3A_409 : vector<16xf32>
      %swap3A_411 = arith.index_cast %add3A_321 : i32 to index
      %swap3A_412 = arith.constant 48 : index
      %swap3A_413 = tpu.vector_load %arg7[%swap3A_411, %swap3A_412] {strides = array<i32>} : memref<128x128xf32, #tpu.memory_space<vmem>>, vector<1x16xf32>,
      %swap3A_414 = vector.shape_cast %swap3A_413 : vector<1x16xf32> to vector<16xf32>
      %swap3A_415 = vector.shape_cast %add3A_410 : vector<16xf32> to vector<1x16xf32>
      tpu.vector_store %arg7[%swap3A_411, %swap3A_412], %swap3A_415 {strides = array<i32>} : memref<128x128xf32, #tpu.memory_space<vmem>>, vector<1x16xf32>,
      %get3A_416 = arith.index_cast %add3A_321 : i32 to index
      %get3A_417 = arith.constant 64 : index
      %get3A_418 = tpu.vector_load %arg7[%get3A_416, %get3A_417] {strides = array<i32>} : memref<128x128xf32, #tpu.memory_space<vmem>>, vector<1x16xf32>,
      %get3A_419 = vector.shape_cast %get3A_418 : vector<1x16xf32> to vector<16xf32>
      %get3A_420 = arith.index_cast %add3A_321 : i32 to index
      %get3A_421 = arith.constant 64 : index
      %get3A_422 = tpu.vector_load %arg11[%get3A_420, %get3A_421] {strides = array<i32>} : memref<128x128xf32, #tpu.memory_space<vmem>>, vector<1x16xf32>,
      %get3A_423 = vector.shape_cast %get3A_422 : vector<1x16xf32> to vector<16xf32>
      %add3A_424 = arith.addf %get3A_419, %get3A_423 : vector<16xf32>
      %get3A_425 = arith.index_cast %add3A_321 : i32 to index
      %get3A_426 = arith.constant 64 : index
      %get3A_427 = tpu.vector_load %arg12[%get3A_425, %get3A_426] {strides = array<i32>} : memref<128x128xf32, #tpu.memory_space<vmem>>, vector<1x16xf32>,
      %get3A_428 = vector.shape_cast %get3A_427 : vector<1x16xf32> to vector<16xf32>
      %add3A_429 = arith.addf %add3A_424, %get3A_428 : vector<16xf32>
      %get3A_430 = arith.index_cast %add3A_321 : i32 to index
      %get3A_431 = arith.constant 64 : index
      %get3A_432 = tpu.vector_load %arg8[%get3A_430, %get3A_431] {strides = array<i32>} : memref<128x128xf32, #tpu.memory_space<vmem>>, vector<1x16xf32>,
      %get3A_433 = vector.shape_cast %get3A_432 : vector<1x16xf32> to vector<16xf32>
      %add3A_434 = arith.addf %add3A_429, %get3A_433 : vector<16xf32>
      %swap3A_435 = arith.index_cast %add3A_321 : i32 to index
      %swap3A_436 = arith.constant 64 : index
      %swap3A_437 = tpu.vector_load %arg7[%swap3A_435, %swap3A_436] {strides = array<i32>} : memref<128x128xf32, #tpu.memory_space<vmem>>, vector<1x16xf32>,
      %swap3A_438 = vector.shape_cast %swap3A_437 : vector<1x16xf32> to vector<16xf32>
      %swap3A_439 = vector.shape_cast %add3A_434 : vector<16xf32> to vector<1x16xf32>
      tpu.vector_store %arg7[%swap3A_435, %swap3A_436], %swap3A_439 {strides = array<i32>} : memref<128x128xf32, #tpu.memory_space<vmem>>, vector<1x16xf32>,
      %get3A_440 = arith.index_cast %add3A_321 : i32 to index
      %get3A_441 = arith.constant 80 : index
      %get3A_442 = tpu.vector_load %arg7[%get3A_440, %get3A_441] {strides = array<i32>} : memref<128x128xf32, #tpu.memory_space<vmem>>, vector<1x16xf32>,
      %get3A_443 = vector.shape_cast %get3A_442 : vector<1x16xf32> to vector<16xf32>
      %get3A_444 = arith.index_cast %add3A_321 : i32 to index
      %get3A_445 = arith.constant 80 : index
      %get3A_446 = tpu.vector_load %arg11[%get3A_444, %get3A_445] {strides = array<i32>} : memref<128x128xf32, #tpu.memory_space<vmem>>, vector<1x16xf32>,
      %get3A_447 = vector.shape_cast %get3A_446 : vector<1x16xf32> to vector<16xf32>
      %add3A_448 = arith.addf %get3A_443, %get3A_447 : vector<16xf32>
      %get3A_449 = arith.index_cast %add3A_321 : i32 to index
      %get3A_450 = arith.constant 80 : index
      %get3A_451 = tpu.vector_load %arg12[%get3A_449, %get3A_450] {strides = array<i32>} : memref<128x128xf32, #tpu.memory_space<vmem>>, vector<1x16xf32>,
      %get3A_452 = vector.shape_cast %get3A_451 : vector<1x16xf32> to vector<16xf32>
      %add3A_453 = arith.addf %add3A_448, %get3A_452 : vector<16xf32>
      %get3A_454 = arith.index_cast %add3A_321 : i32 to index
      %get3A_455 = arith.constant 80 : index
      %get3A_456 = tpu.vector_load %arg8[%get3A_454, %get3A_455] {strides = array<i32>} : memref<128x128xf32, #tpu.memory_space<vmem>>, vector<1x16xf32>,
      %get3A_457 = vector.shape_cast %get3A_456 : vector<1x16xf32> to vector<16xf32>
      %add3A_458 = arith.addf %add3A_453, %get3A_457 : vector<16xf32>
      %swap3A_459 = arith.index_cast %add3A_321 : i32 to index
      %swap3A_460 = arith.constant 80 : index
      %swap3A_461 = tpu.vector_load %arg7[%swap3A_459, %swap3A_460] {strides = array<i32>} : memref<128x128xf32, #tpu.memory_space<vmem>>, vector<1x16xf32>,
      %swap3A_462 = vector.shape_cast %swap3A_461 : vector<1x16xf32> to vector<16xf32>
      %swap3A_463 = vector.shape_cast %add3A_458 : vector<16xf32> to vector<1x16xf32>
      tpu.vector_store %arg7[%swap3A_459, %swap3A_460], %swap3A_463 {strides = array<i32>} : memref<128x128xf32, #tpu.memory_space<vmem>>, vector<1x16xf32>,
      %get3A_464 = arith.index_cast %add3A_321 : i32 to index
      %get3A_465 = arith.constant 96 : index
      %get3A_466 = tpu.vector_load %arg7[%get3A_464, %get3A_465] {strides = array<i32>} : memref<128x128xf32, #tpu.memory_space<vmem>>, vector<1x16xf32>,
      %get3A_467 = vector.shape_cast %get3A_466 : vector<1x16xf32> to vector<16xf32>
      %get3A_468 = arith.index_cast %add3A_321 : i32 to index
      %get3A_469 = arith.constant 96 : index
      %get3A_470 = tpu.vector_load %arg11[%get3A_468, %get3A_469] {strides = array<i32>} : memref<128x128xf32, #tpu.memory_space<vmem>>, vector<1x16xf32>,
      %get3A_471 = vector.shape_cast %get3A_470 : vector<1x16xf32> to vector<16xf32>
      %add3A_472 = arith.addf %get3A_467, %get3A_471 : vector<16xf32>
      %get3A_473 = arith.index_cast %add3A_321 : i32 to index
      %get3A_474 = arith.constant 96 : index
      %get3A_475 = tpu.vector_load %arg12[%get3A_473, %get3A_474] {strides = array<i32>} : memref<128x128xf32, #tpu.memory_space<vmem>>, vector<1x16xf32>,
      %get3A_476 = vector.shape_cast %get3A_475 : vector<1x16xf32> to vector<16xf32>
      %add3A_477 = arith.addf %add3A_472, %get3A_476 : vector<16xf32>
      %get3A_478 = arith.index_cast %add3A_321 : i32 to index
      %get3A_479 = arith.constant 96 : index
      %get3A_480 = tpu.vector_load %arg8[%get3A_478, %get3A_479] {strides = array<i32>} : memref<128x128xf32, #tpu.memory_space<vmem>>, vector<1x16xf32>,
      %get3A_481 = vector.shape_cast %get3A_480 : vector<1x16xf32> to vector<16xf32>
      %add3A_482 = arith.addf %add3A_477, %get3A_481 : vector<16xf32>
      %swap3A_483 = arith.index_cast %add3A_321 : i32 to index
      %swap3A_484 = arith.constant 96 : index
      %swap3A_485 = tpu.vector_load %arg7[%swap3A_483, %swap3A_484] {strides = array<i32>} : memref<128x128xf32, #tpu.memory_space<vmem>>, vector<1x16xf32>,
      %swap3A_486 = vector.shape_cast %swap3A_485 : vector<1x16xf32> to vector<16xf32>
      %swap3A_487 = vector.shape_cast %add3A_482 : vector<16xf32> to vector<1x16xf32>
      tpu.vector_store %arg7[%swap3A_483, %swap3A_484], %swap3A_487 {strides = array<i32>} : memref<128x128xf32, #tpu.memory_space<vmem>>, vector<1x16xf32>,
      %get3A_488 = arith.index_cast %add3A_321 : i32 to index
      %get3A_489 = arith.constant 112 : index
      %get3A_490 = tpu.vector_load %arg7[%get3A_488, %get3A_489] {strides = array<i32>} : memref<128x128xf32, #tpu.memory_space<vmem>>, vector<1x16xf32>,
      %get3A_491 = vector.shape_cast %get3A_490 : vector<1x16xf32> to vector<16xf32>
      %get3A_492 = arith.index_cast %add3A_321 : i32 to index
      %get3A_493 = arith.constant 112 : index
      %get3A_494 = tpu.vector_load %arg11[%get3A_492, %get3A_493] {strides = array<i32>} : memref<128x128xf32, #tpu.memory_space<vmem>>, vector<1x16xf32>,
      %get3A_495 = vector.shape_cast %get3A_494 : vector<1x16xf32> to vector<16xf32>
      %add3A_496 = arith.addf %get3A_491, %get3A_495 : vector<16xf32>
      %get3A_497 = arith.index_cast %add3A_321 : i32 to index
      %get3A_498 = arith.constant 112 : index
      %get3A_499 = tpu.vector_load %arg12[%get3A_497, %get3A_498] {strides = array<i32>} : memref<128x128xf32, #tpu.memory_space<vmem>>, vector<1x16xf32>,
      %get3A_500 = vector.shape_cast %get3A_499 : vector<1x16xf32> to vector<16xf32>
      %add3A_501 = arith.addf %add3A_496, %get3A_500 : vector<16xf32>
      %get3A_502 = arith.index_cast %add3A_321 : i32 to index
      %get3A_503 = arith.constant 112 : index
      %get3A_504 = tpu.vector_load %arg8[%get3A_502, %get3A_503] {strides = array<i32>} : memref<128x128xf32, #tpu.memory_space<vmem>>, vector<1x16xf32>,
      %get3A_505 = vector.shape_cast %get3A_504 : vector<1x16xf32> to vector<16xf32>
      %add3A_506 = arith.addf %add3A_501, %get3A_505 : vector<16xf32>
      %swap3A_507 = arith.index_cast %add3A_321 : i32 to index
      %swap3A_508 = arith.constant 112 : index
      %swap3A_509 = tpu.vector_load %arg7[%swap3A_507, %swap3A_508] {strides = array<i32>} : memref<128x128xf32, #tpu.memory_space<vmem>>, vector<1x16xf32>,
      %swap3A_510 = vector.shape_cast %swap3A_509 : vector<1x16xf32> to vector<16xf32>
      %swap3A_511 = vector.shape_cast %add3A_506 : vector<16xf32> to vector<1x16xf32>
      tpu.vector_store %arg7[%swap3A_507, %swap3A_508], %swap3A_511 {strides = array<i32>} : memref<128x128xf32, #tpu.memory_space<vmem>>, vector<1x16xf32>,
      %mul3A_512 = arith.constant 4 : i32
      %mul3A_513 = arith.muli %mul3A_512, %scan3A_316 : i32
      %add3A_514 = arith.constant 1 : i32
      %add3A_515 = arith.addi %mul3A_513, %add3A_514 : i32
      %get3A_516 = arith.index_cast %add3A_515 : i32 to index
      %get3A_517 = arith.constant 0 : index
      %get3A_518 = tpu.vector_load %arg7[%get3A_516, %get3A_517] {strides = array<i32>} : memref<128x128xf32, #tpu.memory_space<vmem>>, vector<1x16xf32>,
      %get3A_519 = vector.shape_cast %get3A_518 : vector<1x16xf32> to vector<16xf32>
      %get3A_520 = arith.index_cast %add3A_515 : i32 to index
      %get3A_521 = arith.constant 0 : index
      %get3A_522 = tpu.vector_load %arg11[%get3A_520, %get3A_521] {strides = array<i32>} : memref<128x128xf32, #tpu.memory_space<vmem>>, vector<1x16xf32>,
      %get3A_523 = vector.shape_cast %get3A_522 : vector<1x16xf32> to vector<16xf32>
      %add3A_524 = arith.addf %get3A_519, %get3A_523 : vector<16xf32>
      %get3A_525 = arith.index_cast %add3A_515 : i32 to index
      %get3A_526 = arith.constant 0 : index
      %get3A_527 = tpu.vector_load %arg12[%get3A_525, %get3A_526] {strides = array<i32>} : memref<128x128xf32, #tpu.memory_space<vmem>>, vector<1x16xf32>,
      %get3A_528 = vector.shape_cast %get3A_527 : vector<1x16xf32> to vector<16xf32>
      %add3A_529 = arith.addf %add3A_524, %get3A_528 : vector<16xf32>
      %get3A_530 = arith.index_cast %add3A_515 : i32 to index
      %get3A_531 = arith.constant 0 : index
      %get3A_532 = tpu.vector_load %arg8[%get3A_530, %get3A_531] {strides = array<i32>} : memref<128x128xf32, #tpu.memory_space<vmem>>, vector<1x16xf32>,
      %get3A_533 = vector.shape_cast %get3A_532 : vector<1x16xf32> to vector<16xf32>
      %add3A_534 = arith.addf %add3A_529, %get3A_533 : vector<16xf32>
      %swap3A_535 = arith.index_cast %add3A_515 : i32 to index
      %swap3A_536 = arith.constant 0 : index
      %swap3A_537 = tpu.vector_load %arg7[%swap3A_535, %swap3A_536] {strides = array<i32>} : memref<128x128xf32, #tpu.memory_space<vmem>>, vector<1x16xf32>,
      %swap3A_538 = vector.shape_cast %swap3A_537 : vector<1x16xf32> to vector<16xf32>
      %swap3A_539 = vector.shape_cast %add3A_534 : vector<16xf32> to vector<1x16xf32>
      tpu.vector_store %arg7[%swap3A_535, %swap3A_536], %swap3A_539 {strides = array<i32>} : memref<128x128xf32, #tpu.memory_space<vmem>>, vector<1x16xf32>,
      %get3A_540 = arith.index_cast %add3A_515 : i32 to index
      %get3A_541 = arith.constant 16 : index
      %get3A_542 = tpu.vector_load %arg7[%get3A_540, %get3A_541] {strides = array<i32>} : memref<128x128xf32, #tpu.memory_space<vmem>>, vector<1x16xf32>,
      %get3A_543 = vector.shape_cast %get3A_542 : vector<1x16xf32> to vector<16xf32>
      %get3A_544 = arith.index_cast %add3A_515 : i32 to index
      %get3A_545 = arith.constant 16 : index
      %get3A_546 = tpu.vector_load %arg11[%get3A_544, %get3A_545] {strides = array<i32>} : memref<128x128xf32, #tpu.memory_space<vmem>>, vector<1x16xf32>,
      %get3A_547 = vector.shape_cast %get3A_546 : vector<1x16xf32> to vector<16xf32>
      %add3A_548 = arith.addf %get3A_543, %get3A_547 : vector<16xf32>
      %get3A_549 = arith.index_cast %add3A_515 : i32 to index
      %get3A_550 = arith.constant 16 : index
      %get3A_551 = tpu.vector_load %arg12[%get3A_549, %get3A_550] {strides = array<i32>} : memref<128x128xf32, #tpu.memory_space<vmem>>, vector<1x16xf32>,
      %get3A_552 = vector.shape_cast %get3A_551 : vector<1x16xf32> to vector<16xf32>
      %add3A_553 = arith.addf %add3A_548, %get3A_552 : vector<16xf32>
      %get3A_554 = arith.index_cast %add3A_515 : i32 to index
      %get3A_555 = arith.constant 16 : index
      %get3A_556 = tpu.vector_load %arg8[%get3A_554, %get3A_555] {strides = array<i32>} : memref<128x128xf32, #tpu.memory_space<vmem>>, vector<1x16xf32>,
      %get3A_557 = vector.shape_cast %get3A_556 : vector<1x16xf32> to vector<16xf32>
      %add3A_558 = arith.addf %add3A_553, %get3A_557 : vector<16xf32>
      %swap3A_559 = arith.index_cast %add3A_515 : i32 to index
      %swap3A_560 = arith.constant 16 : index
      %swap3A_561 = tpu.vector_load %arg7[%swap3A_559, %swap3A_560] {strides = array<i32>} : memref<128x128xf32, #tpu.memory_space<vmem>>, vector<1x16xf32>,
      %swap3A_562 = vector.shape_cast %swap3A_561 : vector<1x16xf32> to vector<16xf32>
      %swap3A_563 = vector.shape_cast %add3A_558 : vector<16xf32> to vector<1x16xf32>
      tpu.vector_store %arg7[%swap3A_559, %swap3A_560], %swap3A_563 {strides = array<i32>} : memref<128x128xf32, #tpu.memory_space<vmem>>, vector<1x16xf32>,
      %get3A_564 = arith.index_cast %add3A_515 : i32 to index
      %get3A_565 = arith.constant 32 : index
      %get3A_566 = tpu.vector_load %arg7[%get3A_564, %get3A_565] {strides = array<i32>} : memref<128x128xf32, #tpu.memory_space<vmem>>, vector<1x16xf32>,
      %get3A_567 = vector.shape_cast %get3A_566 : vector<1x16xf32> to vector<16xf32>
      %get3A_568 = arith.index_cast %add3A_515 : i32 to index
      %get3A_569 = arith.constant 32 : index
      %get3A_570 = tpu.vector_load %arg11[%get3A_568, %get3A_569] {strides = array<i32>} : memref<128x128xf32, #tpu.memory_space<vmem>>, vector<1x16xf32>,
      %get3A_571 = vector.shape_cast %get3A_570 : vector<1x16xf32> to vector<16xf32>
      %add3A_572 = arith.addf %get3A_567, %get3A_571 : vector<16xf32>
      %get3A_573 = arith.index_cast %add3A_515 : i32 to index
      %get3A_574 = arith.constant 32 : index
      %get3A_575 = tpu.vector_load %arg12[%get3A_573, %get3A_574] {strides = array<i32>} : memref<128x128xf32, #tpu.memory_space<vmem>>, vector<1x16xf32>,
      %get3A_576 = vector.shape_cast %get3A_575 : vector<1x16xf32> to vector<16xf32>
      %add3A_577 = arith.addf %add3A_572, %get3A_576 : vector<16xf32>
      %get3A_578 = arith.index_cast %add3A_515 : i32 to index
      %get3A_579 = arith.constant 32 : index
      %get3A_580 = tpu.vector_load %arg8[%get3A_578, %get3A_579] {strides = array<i32>} : memref<128x128xf32, #tpu.memory_space<vmem>>, vector<1x16xf32>,
      %get3A_581 = vector.shape_cast %get3A_580 : vector<1x16xf32> to vector<16xf32>
      %add3A_582 = arith.addf %add3A_577, %get3A_581 : vector<16xf32>
      %swap3A_583 = arith.index_cast %add3A_515 : i32 to index
      %swap3A_584 = arith.constant 32 : index
      %swap3A_585 = tpu.vector_load %arg7[%swap3A_583, %swap3A_584] {strides = array<i32>} : memref<128x128xf32, #tpu.memory_space<vmem>>, vector<1x16xf32>,
      %swap3A_586 = vector.shape_cast %swap3A_585 : vector<1x16xf32> to vector<16xf32>
      %swap3A_587 = vector.shape_cast %add3A_582 : vector<16xf32> to vector<1x16xf32>
      tpu.vector_store %arg7[%swap3A_583, %swap3A_584], %swap3A_587 {strides = array<i32>} : memref<128x128xf32, #tpu.memory_space<vmem>>, vector<1x16xf32>,
      %get3A_588 = arith.index_cast %add3A_515 : i32 to index
      %get3A_589 = arith.constant 48 : index
      %get3A_590 = tpu.vector_load %arg7[%get3A_588, %get3A_589] {strides = array<i32>} : memref<128x128xf32, #tpu.memory_space<vmem>>, vector<1x16xf32>,
      %get3A_591 = vector.shape_cast %get3A_590 : vector<1x16xf32> to vector<16xf32>
      %get3A_592 = arith.index_cast %add3A_515 : i32 to index
      %get3A_593 = arith.constant 48 : index
      %get3A_594 = tpu.vector_load %arg11[%get3A_592, %get3A_593] {strides = array<i32>} : memref<128x128xf32, #tpu.memory_space<vmem>>, vector<1x16xf32>,
      %get3A_595 = vector.shape_cast %get3A_594 : vector<1x16xf32> to vector<16xf32>
      %add3A_596 = arith.addf %get3A_591, %get3A_595 : vector<16xf32>
      %get3A_597 = arith.index_cast %add3A_515 : i32 to index
      %get3A_598 = arith.constant 48 : index
      %get3A_599 = tpu.vector_load %arg12[%get3A_597, %get3A_598] {strides = array<i32>} : memref<128x128xf32, #tpu.memory_space<vmem>>, vector<1x16xf32>,
      %get3A_600 = vector.shape_cast %get3A_599 : vector<1x16xf32> to vector<16xf32>
      %add3A_601 = arith.addf %add3A_596, %get3A_600 : vector<16xf32>
      %get3A_602 = arith.index_cast %add3A_515 : i32 to index
      %get3A_603 = arith.constant 48 : index
      %get3A_604 = tpu.vector_load %arg8[%get3A_602, %get3A_603] {strides = array<i32>} : memref<128x128xf32, #tpu.memory_space<vmem>>, vector<1x16xf32>,
      %get3A_605 = vector.shape_cast %get3A_604 : vector<1x16xf32> to vector<16xf32>
      %add3A_606 = arith.addf %add3A_601, %get3A_605 : vector<16xf32>
      %swap3A_607 = arith.index_cast %add3A_515 : i32 to index
      %swap3A_608 = arith.constant 48 : index
      %swap3A_609 = tpu.vector_load %arg7[%swap3A_607, %swap3A_608] {strides = array<i32>} : memref<128x128xf32, #tpu.memory_space<vmem>>, vector<1x16xf32>,
      %swap3A_610 = vector.shape_cast %swap3A_609 : vector<1x16xf32> to vector<16xf32>
      %swap3A_611 = vector.shape_cast %add3A_606 : vector<16xf32> to vector<1x16xf32>
      tpu.vector_store %arg7[%swap3A_607, %swap3A_608], %swap3A_611 {strides = array<i32>} : memref<128x128xf32, #tpu.memory_space<vmem>>, vector<1x16xf32>,
      %get3A_612 = arith.index_cast %add3A_515 : i32 to index
      %get3A_613 = arith.constant 64 : index
      %get3A_614 = tpu.vector_load %arg7[%get3A_612, %get3A_613] {strides = array<i32>} : memref<128x128xf32, #tpu.memory_space<vmem>>, vector<1x16xf32>,
      %get3A_615 = vector.shape_cast %get3A_614 : vector<1x16xf32> to vector<16xf32>
      %get3A_616 = arith.index_cast %add3A_515 : i32 to index
      %get3A_617 = arith.constant 64 : index
      %get3A_618 = tpu.vector_load %arg11[%get3A_616, %get3A_617] {strides = array<i32>} : memref<128x128xf32, #tpu.memory_space<vmem>>, vector<1x16xf32>,
      %get3A_619 = vector.shape_cast %get3A_618 : vector<1x16xf32> to vector<16xf32>
      %add3A_620 = arith.addf %get3A_615, %get3A_619 : vector<16xf32>
      %get3A_621 = arith.index_cast %add3A_515 : i32 to index
      %get3A_622 = arith.constant 64 : index
      %get3A_623 = tpu.vector_load %arg12[%get3A_621, %get3A_622] {strides = array<i32>} : memref<128x128xf32, #tpu.memory_space<vmem>>, vector<1x16xf32>,
      %get3A_624 = vector.shape_cast %get3A_623 : vector<1x16xf32> to vector<16xf32>
      %add3A_625 = arith.addf %add3A_620, %get3A_624 : vector<16xf32>
      %get3A_626 = arith.index_cast %add3A_515 : i32 to index
      %get3A_627 = arith.constant 64 : index
      %get3A_628 = tpu.vector_load %arg8[%get3A_626, %get3A_627] {strides = array<i32>} : memref<128x128xf32, #tpu.memory_space<vmem>>, vector<1x16xf32>,
      %get3A_629 = vector.shape_cast %get3A_628 : vector<1x16xf32> to vector<16xf32>
      %add3A_630 = arith.addf %add3A_625, %get3A_629 : vector<16xf32>
      %swap3A_631 = arith.index_cast %add3A_515 : i32 to index
      %swap3A_632 = arith.constant 64 : index
      %swap3A_633 = tpu.vector_load %arg7[%swap3A_631, %swap3A_632] {strides = array<i32>} : memref<128x128xf32, #tpu.memory_space<vmem>>, vector<1x16xf32>,
      %swap3A_634 = vector.shape_cast %swap3A_633 : vector<1x16xf32> to vector<16xf32>
      %swap3A_635 = vector.shape_cast %add3A_630 : vector<16xf32> to vector<1x16xf32>
      tpu.vector_store %arg7[%swap3A_631, %swap3A_632], %swap3A_635 {strides = array<i32>} : memref<128x128xf32, #tpu.memory_space<vmem>>, vector<1x16xf32>,
      %get3A_636 = arith.index_cast %add3A_515 : i32 to index
      %get3A_637 = arith.constant 80 : index
      %get3A_638 = tpu.vector_load %arg7[%get3A_636, %get3A_637] {strides = array<i32>} : memref<128x128xf32, #tpu.memory_space<vmem>>, vector<1x16xf32>,
      %get3A_639 = vector.shape_cast %get3A_638 : vector<1x16xf32> to vector<16xf32>
      %get3A_640 = arith.index_cast %add3A_515 : i32 to index
      %get3A_641 = arith.constant 80 : index
      %get3A_642 = tpu.vector_load %arg11[%get3A_640, %get3A_641] {strides = array<i32>} : memref<128x128xf32, #tpu.memory_space<vmem>>, vector<1x16xf32>,
      %get3A_643 = vector.shape_cast %get3A_642 : vector<1x16xf32> to vector<16xf32>
      %add3A_644 = arith.addf %get3A_639, %get3A_643 : vector<16xf32>
      %get3A_645 = arith.index_cast %add3A_515 : i32 to index
      %get3A_646 = arith.constant 80 : index
      %get3A_647 = tpu.vector_load %arg12[%get3A_645, %get3A_646] {strides = array<i32>} : memref<128x128xf32, #tpu.memory_space<vmem>>, vector<1x16xf32>,
      %get3A_648 = vector.shape_cast %get3A_647 : vector<1x16xf32> to vector<16xf32>
      %add3A_649 = arith.addf %add3A_644, %get3A_648 : vector<16xf32>
      %get3A_650 = arith.index_cast %add3A_515 : i32 to index
      %get3A_651 = arith.constant 80 : index
      %get3A_652 = tpu.vector_load %arg8[%get3A_650, %get3A_651] {strides = array<i32>} : memref<128x128xf32, #tpu.memory_space<vmem>>, vector<1x16xf32>,
      %get3A_653 = vector.shape_cast %get3A_652 : vector<1x16xf32> to vector<16xf32>
      %add3A_654 = arith.addf %add3A_649, %get3A_653 : vector<16xf32>
      %swap3A_655 = arith.index_cast %add3A_515 : i32 to index
      %swap3A_656 = arith.constant 80 : index
      %swap3A_657 = tpu.vector_load %arg7[%swap3A_655, %swap3A_656] {strides = array<i32>} : memref<128x128xf32, #tpu.memory_space<vmem>>, vector<1x16xf32>,
      %swap3A_658 = vector.shape_cast %swap3A_657 : vector<1x16xf32> to vector<16xf32>
      %swap3A_659 = vector.shape_cast %add3A_654 : vector<16xf32> to vector<1x16xf32>
      tpu.vector_store %arg7[%swap3A_655, %swap3A_656], %swap3A_659 {strides = array<i32>} : memref<128x128xf32, #tpu.memory_space<vmem>>, vector<1x16xf32>,
      %get3A_660 = arith.index_cast %add3A_515 : i32 to index
      %get3A_661 = arith.constant 96 : index
      %get3A_662 = tpu.vector_load %arg7[%get3A_660, %get3A_661] {strides = array<i32>} : memref<128x128xf32, #tpu.memory_space<vmem>>, vector<1x16xf32>,
      %get3A_663 = vector.shape_cast %get3A_662 : vector<1x16xf32> to vector<16xf32>
      %get3A_664 = arith.index_cast %add3A_515 : i32 to index
      %get3A_665 = arith.constant 96 : index
      %get3A_666 = tpu.vector_load %arg11[%get3A_664, %get3A_665] {strides = array<i32>} : memref<128x128xf32, #tpu.memory_space<vmem>>, vector<1x16xf32>,
      %get3A_667 = vector.shape_cast %get3A_666 : vector<1x16xf32> to vector<16xf32>
      %add3A_668 = arith.addf %get3A_663, %get3A_667 : vector<16xf32>
      %get3A_669 = arith.index_cast %add3A_515 : i32 to index
      %get3A_670 = arith.constant 96 : index
      %get3A_671 = tpu.vector_load %arg12[%get3A_669, %get3A_670] {strides = array<i32>} : memref<128x128xf32, #tpu.memory_space<vmem>>, vector<1x16xf32>,
      %get3A_672 = vector.shape_cast %get3A_671 : vector<1x16xf32> to vector<16xf32>
      %add3A_673 = arith.addf %add3A_668, %get3A_672 : vector<16xf32>
      %get3A_674 = arith.index_cast %add3A_515 : i32 to index
      %get3A_675 = arith.constant 96 : index
      %get3A_676 = tpu.vector_load %arg8[%get3A_674, %get3A_675] {strides = array<i32>} : memref<128x128xf32, #tpu.memory_space<vmem>>, vector<1x16xf32>,
      %get3A_677 = vector.shape_cast %get3A_676 : vector<1x16xf32> to vector<16xf32>
      %add3A_678 = arith.addf %add3A_673, %get3A_677 : vector<16xf32>
      %swap3A_679 = arith.index_cast %add3A_515 : i32 to index
      %swap3A_680 = arith.constant 96 : index
      %swap3A_681 = tpu.vector_load %arg7[%swap3A_679, %swap3A_680] {strides = array<i32>} : memref<128x128xf32, #tpu.memory_space<vmem>>, vector<1x16xf32>,
      %swap3A_682 = vector.shape_cast %swap3A_681 : vector<1x16xf32> to vector<16xf32>
      %swap3A_683 = vector.shape_cast %add3A_678 : vector<16xf32> to vector<1x16xf32>
      tpu.vector_store %arg7[%swap3A_679, %swap3A_680], %swap3A_683 {strides = array<i32>} : memref<128x128xf32, #tpu.memory_space<vmem>>, vector<1x16xf32>,
      %get3A_684 = arith.index_cast %add3A_515 : i32 to index
      %get3A_685 = arith.constant 112 : index
      %get3A_686 = tpu.vector_load %arg7[%get3A_684, %get3A_685] {strides = array<i32>} : memref<128x128xf32, #tpu.memory_space<vmem>>, vector<1x16xf32>,
      %get3A_687 = vector.shape_cast %get3A_686 : vector<1x16xf32> to vector<16xf32>
      %get3A_688 = arith.index_cast %add3A_515 : i32 to index
      %get3A_689 = arith.constant 112 : index
      %get3A_690 = tpu.vector_load %arg11[%get3A_688, %get3A_689] {strides = array<i32>} : memref<128x128xf32, #tpu.memory_space<vmem>>, vector<1x16xf32>,
      %get3A_691 = vector.shape_cast %get3A_690 : vector<1x16xf32> to vector<16xf32>
      %add3A_692 = arith.addf %get3A_687, %get3A_691 : vector<16xf32>
      %get3A_693 = arith.index_cast %add3A_515 : i32 to index
      %get3A_694 = arith.constant 112 : index
      %get3A_695 = tpu.vector_load %arg12[%get3A_693, %get3A_694] {strides = array<i32>} : memref<128x128xf32, #tpu.memory_space<vmem>>, vector<1x16xf32>,
      %get3A_696 = vector.shape_cast %get3A_695 : vector<1x16xf32> to vector<16xf32>
      %add3A_697 = arith.addf %add3A_692, %get3A_696 : vector<16xf32>
      %get3A_698 = arith.index_cast %add3A_515 : i32 to index
      %get3A_699 = arith.constant 112 : index
      %get3A_700 = tpu.vector_load %arg8[%get3A_698, %get3A_699] {strides = array<i32>} : memref<128x128xf32, #tpu.memory_space<vmem>>, vector<1x16xf32>,
      %get3A_701 = vector.shape_cast %get3A_700 : vector<1x16xf32> to vector<16xf32>
      %add3A_702 = arith.addf %add3A_697, %get3A_701 : vector<16xf32>
      %swap3A_703 = arith.index_cast %add3A_515 : i32 to index
      %swap3A_704 = arith.constant 112 : index
      %swap3A_705 = tpu.vector_load %arg7[%swap3A_703, %swap3A_704] {strides = array<i32>} : memref<128x128xf32, #tpu.memory_space<vmem>>, vector<1x16xf32>,
      %swap3A_706 = vector.shape_cast %swap3A_705 : vector<1x16xf32> to vector<16xf32>
      %swap3A_707 = vector.shape_cast %add3A_702 : vector<16xf32> to vector<1x16xf32>
      tpu.vector_store %arg7[%swap3A_703, %swap3A_704], %swap3A_707 {strides = array<i32>} : memref<128x128xf32, #tpu.memory_space<vmem>>, vector<1x16xf32>,
      %mul3A_708 = arith.constant 4 : i32
      %mul3A_709 = arith.muli %mul3A_708, %scan3A_316 : i32
      %add3A_710 = arith.constant 2 : i32
      %add3A_711 = arith.addi %mul3A_709, %add3A_710 : i32
      %get3A_712 = arith.index_cast %add3A_711 : i32 to index
      %get3A_713 = arith.constant 0 : index
      %get3A_714 = tpu.vector_load %arg7[%get3A_712, %get3A_713] {strides = array<i32>} : memref<128x128xf32, #tpu.memory_space<vmem>>, vector<1x16xf32>,
      %get3A_715 = vector.shape_cast %get3A_714 : vector<1x16xf32> to vector<16xf32>
      %get3A_716 = arith.index_cast %add3A_711 : i32 to index
      %get3A_717 = arith.constant 0 : index
      %get3A_718 = tpu.vector_load %arg11[%get3A_716, %get3A_717] {strides = array<i32>} : memref<128x128xf32, #tpu.memory_space<vmem>>, vector<1x16xf32>,
      %get3A_719 = vector.shape_cast %get3A_718 : vector<1x16xf32> to vector<16xf32>
      %add3A_720 = arith.addf %get3A_715, %get3A_719 : vector<16xf32>
      %get3A_721 = arith.index_cast %add3A_711 : i32 to index
      %get3A_722 = arith.constant 0 : index
      %get3A_723 = tpu.vector_load %arg12[%get3A_721, %get3A_722] {strides = array<i32>} : memref<128x128xf32, #tpu.memory_space<vmem>>, vector<1x16xf32>,
      %get3A_724 = vector.shape_cast %get3A_723 : vector<1x16xf32> to vector<16xf32>
      %add3A_725 = arith.addf %add3A_720, %get3A_724 : vector<16xf32>
      %get3A_726 = arith.index_cast %add3A_711 : i32 to index
      %get3A_727 = arith.constant 0 : index
      %get3A_728 = tpu.vector_load %arg8[%get3A_726, %get3A_727] {strides = array<i32>} : memref<128x128xf32, #tpu.memory_space<vmem>>, vector<1x16xf32>,
      %get3A_729 = vector.shape_cast %get3A_728 : vector<1x16xf32> to vector<16xf32>
      %add3A_730 = arith.addf %add3A_725, %get3A_729 : vector<16xf32>
      %swap3A_731 = arith.index_cast %add3A_711 : i32 to index
      %swap3A_732 = arith.constant 0 : index
      %swap3A_733 = tpu.vector_load %arg7[%swap3A_731, %swap3A_732] {strides = array<i32>} : memref<128x128xf32, #tpu.memory_space<vmem>>, vector<1x16xf32>,
      %swap3A_734 = vector.shape_cast %swap3A_733 : vector<1x16xf32> to vector<16xf32>
      %swap3A_735 = vector.shape_cast %add3A_730 : vector<16xf32> to vector<1x16xf32>
      tpu.vector_store %arg7[%swap3A_731, %swap3A_732], %swap3A_735 {strides = array<i32>} : memref<128x128xf32, #tpu.memory_space<vmem>>, vector<1x16xf32>,
      %get3A_736 = arith.index_cast %add3A_711 : i32 to index
      %get3A_737 = arith.constant 16 : index
      %get3A_738 = tpu.vector_load %arg7[%get3A_736, %get3A_737] {strides = array<i32>} : memref<128x128xf32, #tpu.memory_space<vmem>>, vector<1x16xf32>,
      %get3A_739 = vector.shape_cast %get3A_738 : vector<1x16xf32> to vector<16xf32>
      %get3A_740 = arith.index_cast %add3A_711 : i32 to index
      %get3A_741 = arith.constant 16 : index
      %get3A_742 = tpu.vector_load %arg11[%get3A_740, %get3A_741] {strides = array<i32>} : memref<128x128xf32, #tpu.memory_space<vmem>>, vector<1x16xf32>,
      %get3A_743 = vector.shape_cast %get3A_742 : vector<1x16xf32> to vector<16xf32>
      %add3A_744 = arith.addf %get3A_739, %get3A_743 : vector<16xf32>
      %get3A_745 = arith.index_cast %add3A_711 : i32 to index
      %get3A_746 = arith.constant 16 : index
      %get3A_747 = tpu.vector_load %arg12[%get3A_745, %get3A_746] {strides = array<i32>} : memref<128x128xf32, #tpu.memory_space<vmem>>, vector<1x16xf32>,
      %get3A_748 = vector.shape_cast %get3A_747 : vector<1x16xf32> to vector<16xf32>
      %add3A_749 = arith.addf %add3A_744, %get3A_748 : vector<16xf32>
      %get3A_750 = arith.index_cast %add3A_711 : i32 to index
      %get3A_751 = arith.constant 16 : index
      %get3A_752 = tpu.vector_load %arg8[%get3A_750, %get3A_751] {strides = array<i32>} : memref<128x128xf32, #tpu.memory_space<vmem>>, vector<1x16xf32>,
      %get3A_753 = vector.shape_cast %get3A_752 : vector<1x16xf32> to vector<16xf32>
      %add3A_754 = arith.addf %add3A_749, %get3A_753 : vector<16xf32>
      %swap3A_755 = arith.index_cast %add3A_711 : i32 to index
      %swap3A_756 = arith.constant 16 : index
      %swap3A_757 = tpu.vector_load %arg7[%swap3A_755, %swap3A_756] {strides = array<i32>} : memref<128x128xf32, #tpu.memory_space<vmem>>, vector<1x16xf32>,
      %swap3A_758 = vector.shape_cast %swap3A_757 : vector<1x16xf32> to vector<16xf32>
      %swap3A_759 = vector.shape_cast %add3A_754 : vector<16xf32> to vector<1x16xf32>
      tpu.vector_store %arg7[%swap3A_755, %swap3A_756], %swap3A_759 {strides = array<i32>} : memref<128x128xf32, #tpu.memory_space<vmem>>, vector<1x16xf32>,
      %get3A_760 = arith.index_cast %add3A_711 : i32 to index
      %get3A_761 = arith.constant 32 : index
      %get3A_762 = tpu.vector_load %arg7[%get3A_760, %get3A_761] {strides = array<i32>} : memref<128x128xf32, #tpu.memory_space<vmem>>, vector<1x16xf32>,
      %get3A_763 = vector.shape_cast %get3A_762 : vector<1x16xf32> to vector<16xf32>
      %get3A_764 = arith.index_cast %add3A_711 : i32 to index
      %get3A_765 = arith.constant 32 : index
      %get3A_766 = tpu.vector_load %arg11[%get3A_764, %get3A_765] {strides = array<i32>} : memref<128x128xf32, #tpu.memory_space<vmem>>, vector<1x16xf32>,
      %get3A_767 = vector.shape_cast %get3A_766 : vector<1x16xf32> to vector<16xf32>
      %add3A_768 = arith.addf %get3A_763, %get3A_767 : vector<16xf32>
      %get3A_769 = arith.index_cast %add3A_711 : i32 to index
      %get3A_770 = arith.constant 32 : index
      %get3A_771 = tpu.vector_load %arg12[%get3A_769, %get3A_770] {strides = array<i32>} : memref<128x128xf32, #tpu.memory_space<vmem>>, vector<1x16xf32>,
      %get3A_772 = vector.shape_cast %get3A_771 : vector<1x16xf32> to vector<16xf32>
      %add3A_773 = arith.addf %add3A_768, %get3A_772 : vector<16xf32>
      %get3A_774 = arith.index_cast %add3A_711 : i32 to index
      %get3A_775 = arith.constant 32 : index
      %get3A_776 = tpu.vector_load %arg8[%get3A_774, %get3A_775] {strides = array<i32>} : memref<128x128xf32, #tpu.memory_space<vmem>>, vector<1x16xf32>,
      %get3A_777 = vector.shape_cast %get3A_776 : vector<1x16xf32> to vector<16xf32>
      %add3A_778 = arith.addf %add3A_773, %get3A_777 : vector<16xf32>
      %swap3A_779 = arith.index_cast %add3A_711 : i32 to index
      %swap3A_780 = arith.constant 32 : index
      %swap3A_781 = tpu.vector_load %arg7[%swap3A_779, %swap3A_780] {strides = array<i32>} : memref<128x128xf32, #tpu.memory_space<vmem>>, vector<1x16xf32>,
      %swap3A_782 = vector.shape_cast %swap3A_781 : vector<1x16xf32> to vector<16xf32>
      %swap3A_783 = vector.shape_cast %add3A_778 : vector<16xf32> to vector<1x16xf32>
      tpu.vector_store %arg7[%swap3A_779, %swap3A_780], %swap3A_783 {strides = array<i32>} : memref<128x128xf32, #tpu.memory_space<vmem>>, vector<1x16xf32>,
      %get3A_784 = arith.index_cast %add3A_711 : i32 to index
      %get3A_785 = arith.constant 48 : index
      %get3A_786 = tpu.vector_load %arg7[%get3A_784, %get3A_785] {strides = array<i32>} : memref<128x128xf32, #tpu.memory_space<vmem>>, vector<1x16xf32>,
      %get3A_787 = vector.shape_cast %get3A_786 : vector<1x16xf32> to vector<16xf32>
      %get3A_788 = arith.index_cast %add3A_711 : i32 to index
      %get3A_789 = arith.constant 48 : index
      %get3A_790 = tpu.vector_load %arg11[%get3A_788, %get3A_789] {strides = array<i32>} : memref<128x128xf32, #tpu.memory_space<vmem>>, vector<1x16xf32>,
      %get3A_791 = vector.shape_cast %get3A_790 : vector<1x16xf32> to vector<16xf32>
      %add3A_792 = arith.addf %get3A_787, %get3A_791 : vector<16xf32>
      %get3A_793 = arith.index_cast %add3A_711 : i32 to index
      %get3A_794 = arith.constant 48 : index
      %get3A_795 = tpu.vector_load %arg12[%get3A_793, %get3A_794] {strides = array<i32>} : memref<128x128xf32, #tpu.memory_space<vmem>>, vector<1x16xf32>,
      %get3A_796 = vector.shape_cast %get3A_795 : vector<1x16xf32> to vector<16xf32>
      %add3A_797 = arith.addf %add3A_792, %get3A_796 : vector<16xf32>
      %get3A_798 = arith.index_cast %add3A_711 : i32 to index
      %get3A_799 = arith.constant 48 : index
      %get3A_800 = tpu.vector_load %arg8[%get3A_798, %get3A_799] {strides = array<i32>} : memref<128x128xf32, #tpu.memory_space<vmem>>, vector<1x16xf32>,
      %get3A_801 = vector.shape_cast %get3A_800 : vector<1x16xf32> to vector<16xf32>
      %add3A_802 = arith.addf %add3A_797, %get3A_801 : vector<16xf32>
      %swap3A_803 = arith.index_cast %add3A_711 : i32 to index
      %swap3A_804 = arith.constant 48 : index
      %swap3A_805 = tpu.vector_load %arg7[%swap3A_803, %swap3A_804] {strides = array<i32>} : memref<128x128xf32, #tpu.memory_space<vmem>>, vector<1x16xf32>,
      %swap3A_806 = vector.shape_cast %swap3A_805 : vector<1x16xf32> to vector<16xf32>
      %swap3A_807 = vector.shape_cast %add3A_802 : vector<16xf32> to vector<1x16xf32>
      tpu.vector_store %arg7[%swap3A_803, %swap3A_804], %swap3A_807 {strides = array<i32>} : memref<128x128xf32, #tpu.memory_space<vmem>>, vector<1x16xf32>,
      %get3A_808 = arith.index_cast %add3A_711 : i32 to index
      %get3A_809 = arith.constant 64 : index
      %get3A_810 = tpu.vector_load %arg7[%get3A_808, %get3A_809] {strides = array<i32>} : memref<128x128xf32, #tpu.memory_space<vmem>>, vector<1x16xf32>,
      %get3A_811 = vector.shape_cast %get3A_810 : vector<1x16xf32> to vector<16xf32>
      %get3A_812 = arith.index_cast %add3A_711 : i32 to index
      %get3A_813 = arith.constant 64 : index
      %get3A_814 = tpu.vector_load %arg11[%get3A_812, %get3A_813] {strides = array<i32>} : memref<128x128xf32, #tpu.memory_space<vmem>>, vector<1x16xf32>,
      %get3A_815 = vector.shape_cast %get3A_814 : vector<1x16xf32> to vector<16xf32>
      %add3A_816 = arith.addf %get3A_811, %get3A_815 : vector<16xf32>
      %get3A_817 = arith.index_cast %add3A_711 : i32 to index
      %get3A_818 = arith.constant 64 : index
      %get3A_819 = tpu.vector_load %arg12[%get3A_817, %get3A_818] {strides = array<i32>} : memref<128x128xf32, #tpu.memory_space<vmem>>, vector<1x16xf32>,
      %get3A_820 = vector.shape_cast %get3A_819 : vector<1x16xf32> to vector<16xf32>
      %add3A_821 = arith.addf %add3A_816, %get3A_820 : vector<16xf32>
      %get3A_822 = arith.index_cast %add3A_711 : i32 to index
      %get3A_823 = arith.constant 64 : index
      %get3A_824 = tpu.vector_load %arg8[%get3A_822, %get3A_823] {strides = array<i32>} : memref<128x128xf32, #tpu.memory_space<vmem>>, vector<1x16xf32>,
      %get3A_825 = vector.shape_cast %get3A_824 : vector<1x16xf32> to vector<16xf32>
      %add3A_826 = arith.addf %add3A_821, %get3A_825 : vector<16xf32>
      %swap3A_827 = arith.index_cast %add3A_711 : i32 to index
      %swap3A_828 = arith.constant 64 : index
      %swap3A_829 = tpu.vector_load %arg7[%swap3A_827, %swap3A_828] {strides = array<i32>} : memref<128x128xf32, #tpu.memory_space<vmem>>, vector<1x16xf32>,
      %swap3A_830 = vector.shape_cast %swap3A_829 : vector<1x16xf32> to vector<16xf32>
      %swap3A_831 = vector.shape_cast %add3A_826 : vector<16xf32> to vector<1x16xf32>
      tpu.vector_store %arg7[%swap3A_827, %swap3A_828], %swap3A_831 {strides = array<i32>} : memref<128x128xf32, #tpu.memory_space<vmem>>, vector<1x16xf32>,
      %get3A_832 = arith.index_cast %add3A_711 : i32 to index
      %get3A_833 = arith.constant 80 : index
      %get3A_834 = tpu.vector_load %arg7[%get3A_832, %get3A_833] {strides = array<i32>} : memref<128x128xf32, #tpu.memory_space<vmem>>, vector<1x16xf32>,
      %get3A_835 = vector.shape_cast %get3A_834 : vector<1x16xf32> to vector<16xf32>
      %get3A_836 = arith.index_cast %add3A_711 : i32 to index
      %get3A_837 = arith.constant 80 : index
      %get3A_838 = tpu.vector_load %arg11[%get3A_836, %get3A_837] {strides = array<i32>} : memref<128x128xf32, #tpu.memory_space<vmem>>, vector<1x16xf32>,
      %get3A_839 = vector.shape_cast %get3A_838 : vector<1x16xf32> to vector<16xf32>
      %add3A_840 = arith.addf %get3A_835, %get3A_839 : vector<16xf32>
      %get3A_841 = arith.index_cast %add3A_711 : i32 to index
      %get3A_842 = arith.constant 80 : index
      %get3A_843 = tpu.vector_load %arg12[%get3A_841, %get3A_842] {strides = array<i32>} : memref<128x128xf32, #tpu.memory_space<vmem>>, vector<1x16xf32>,
      %get3A_844 = vector.shape_cast %get3A_843 : vector<1x16xf32> to vector<16xf32>
      %add3A_845 = arith.addf %add3A_840, %get3A_844 : vector<16xf32>
      %get3A_846 = arith.index_cast %add3A_711 : i32 to index
      %get3A_847 = arith.constant 80 : index
      %get3A_848 = tpu.vector_load %arg8[%get3A_846, %get3A_847] {strides = array<i32>} : memref<128x128xf32, #tpu.memory_space<vmem>>, vector<1x16xf32>,
      %get3A_849 = vector.shape_cast %get3A_848 : vector<1x16xf32> to vector<16xf32>
      %add3A_850 = arith.addf %add3A_845, %get3A_849 : vector<16xf32>
      %swap3A_851 = arith.index_cast %add3A_711 : i32 to index
      %swap3A_852 = arith.constant 80 : index
      %swap3A_853 = tpu.vector_load %arg7[%swap3A_851, %swap3A_852] {strides = array<i32>} : memref<128x128xf32, #tpu.memory_space<vmem>>, vector<1x16xf32>,
      %swap3A_854 = vector.shape_cast %swap3A_853 : vector<1x16xf32> to vector<16xf32>
      %swap3A_855 = vector.shape_cast %add3A_850 : vector<16xf32> to vector<1x16xf32>
      tpu.vector_store %arg7[%swap3A_851, %swap3A_852], %swap3A_855 {strides = array<i32>} : memref<128x128xf32, #tpu.memory_space<vmem>>, vector<1x16xf32>,
      %get3A_856 = arith.index_cast %add3A_711 : i32 to index
      %get3A_857 = arith.constant 96 : index
      %get3A_858 = tpu.vector_load %arg7[%get3A_856, %get3A_857] {strides = array<i32>} : memref<128x128xf32, #tpu.memory_space<vmem>>, vector<1x16xf32>,
      %get3A_859 = vector.shape_cast %get3A_858 : vector<1x16xf32> to vector<16xf32>
      %get3A_860 = arith.index_cast %add3A_711 : i32 to index
      %get3A_861 = arith.constant 96 : index
      %get3A_862 = tpu.vector_load %arg11[%get3A_860, %get3A_861] {strides = array<i32>} : memref<128x128xf32, #tpu.memory_space<vmem>>, vector<1x16xf32>,
      %get3A_863 = vector.shape_cast %get3A_862 : vector<1x16xf32> to vector<16xf32>
      %add3A_864 = arith.addf %get3A_859, %get3A_863 : vector<16xf32>
      %get3A_865 = arith.index_cast %add3A_711 : i32 to index
      %get3A_866 = arith.constant 96 : index
      %get3A_867 = tpu.vector_load %arg12[%get3A_865, %get3A_866] {strides = array<i32>} : memref<128x128xf32, #tpu.memory_space<vmem>>, vector<1x16xf32>,
      %get3A_868 = vector.shape_cast %get3A_867 : vector<1x16xf32> to vector<16xf32>
      %add3A_869 = arith.addf %add3A_864, %get3A_868 : vector<16xf32>
      %get3A_870 = arith.index_cast %add3A_711 : i32 to index
      %get3A_871 = arith.constant 96 : index
      %get3A_872 = tpu.vector_load %arg8[%get3A_870, %get3A_871] {strides = array<i32>} : memref<128x128xf32, #tpu.memory_space<vmem>>, vector<1x16xf32>,
      %get3A_873 = vector.shape_cast %get3A_872 : vector<1x16xf32> to vector<16xf32>
      %add3A_874 = arith.addf %add3A_869, %get3A_873 : vector<16xf32>
      %swap3A_875 = arith.index_cast %add3A_711 : i32 to index
      %swap3A_876 = arith.constant 96 : index
      %swap3A_877 = tpu.vector_load %arg7[%swap3A_875, %swap3A_876] {strides = array<i32>} : memref<128x128xf32, #tpu.memory_space<vmem>>, vector<1x16xf32>,
      %swap3A_878 = vector.shape_cast %swap3A_877 : vector<1x16xf32> to vector<16xf32>
      %swap3A_879 = vector.shape_cast %add3A_874 : vector<16xf32> to vector<1x16xf32>
      tpu.vector_store %arg7[%swap3A_875, %swap3A_876], %swap3A_879 {strides = array<i32>} : memref<128x128xf32, #tpu.memory_space<vmem>>, vector<1x16xf32>,
      %get3A_880 = arith.index_cast %add3A_711 : i32 to index
      %get3A_881 = arith.constant 112 : index
      %get3A_882 = tpu.vector_load %arg7[%get3A_880, %get3A_881] {strides = array<i32>} : memref<128x128xf32, #tpu.memory_space<vmem>>, vector<1x16xf32>,
      %get3A_883 = vector.shape_cast %get3A_882 : vector<1x16xf32> to vector<16xf32>
      %get3A_884 = arith.index_cast %add3A_711 : i32 to index
      %get3A_885 = arith.constant 112 : index
      %get3A_886 = tpu.vector_load %arg11[%get3A_884, %get3A_885] {strides = array<i32>} : memref<128x128xf32, #tpu.memory_space<vmem>>, vector<1x16xf32>,
      %get3A_887 = vector.shape_cast %get3A_886 : vector<1x16xf32> to vector<16xf32>
      %add3A_888 = arith.addf %get3A_883, %get3A_887 : vector<16xf32>
      %get3A_889 = arith.index_cast %add3A_711 : i32 to index
      %get3A_890 = arith.constant 112 : index
      %get3A_891 = tpu.vector_load %arg12[%get3A_889, %get3A_890] {strides = array<i32>} : memref<128x128xf32, #tpu.memory_space<vmem>>, vector<1x16xf32>,
      %get3A_892 = vector.shape_cast %get3A_891 : vector<1x16xf32> to vector<16xf32>
      %add3A_893 = arith.addf %add3A_888, %get3A_892 : vector<16xf32>
      %get3A_894 = arith.index_cast %add3A_711 : i32 to index
      %get3A_895 = arith.constant 112 : index
      %get3A_896 = tpu.vector_load %arg8[%get3A_894, %get3A_895] {strides = array<i32>} : memref<128x128xf32, #tpu.memory_space<vmem>>, vector<1x16xf32>,
      %get3A_897 = vector.shape_cast %get3A_896 : vector<1x16xf32> to vector<16xf32>
      %add3A_898 = arith.addf %add3A_893, %get3A_897 : vector<16xf32>
      %swap3A_899 = arith.index_cast %add3A_711 : i32 to index
      %swap3A_900 = arith.constant 112 : index
      %swap3A_901 = tpu.vector_load %arg7[%swap3A_899, %swap3A_900] {strides = array<i32>} : memref<128x128xf32, #tpu.memory_space<vmem>>, vector<1x16xf32>,
      %swap3A_902 = vector.shape_cast %swap3A_901 : vector<1x16xf32> to vector<16xf32>
      %swap3A_903 = vector.shape_cast %add3A_898 : vector<16xf32> to vector<1x16xf32>
      tpu.vector_store %arg7[%swap3A_899, %swap3A_900], %swap3A_903 {strides = array<i32>} : memref<128x128xf32, #tpu.memory_space<vmem>>, vector<1x16xf32>,
      %mul3A_904 = arith.constant 4 : i32
      %mul3A_905 = arith.muli %mul3A_904, %scan3A_316 : i32
      %add3A_906 = arith.constant 3 : i32
      %add3A_907 = arith.addi %mul3A_905, %add3A_906 : i32
      %get3A_908 = arith.index_cast %add3A_907 : i32 to index
      %get3A_909 = arith.constant 0 : index
      %get3A_910 = tpu.vector_load %arg7[%get3A_908, %get3A_909] {strides = array<i32>} : memref<128x128xf32, #tpu.memory_space<vmem>>, vector<1x16xf32>,
      %get3A_911 = vector.shape_cast %get3A_910 : vector<1x16xf32> to vector<16xf32>
      %get3A_912 = arith.index_cast %add3A_907 : i32 to index
      %get3A_913 = arith.constant 0 : index
      %get3A_914 = tpu.vector_load %arg11[%get3A_912, %get3A_913] {strides = array<i32>} : memref<128x128xf32, #tpu.memory_space<vmem>>, vector<1x16xf32>,
      %get3A_915 = vector.shape_cast %get3A_914 : vector<1x16xf32> to vector<16xf32>
      %add3A_916 = arith.addf %get3A_911, %get3A_915 : vector<16xf32>
      %get3A_917 = arith.index_cast %add3A_907 : i32 to index
      %get3A_918 = arith.constant 0 : index
      %get3A_919 = tpu.vector_load %arg12[%get3A_917, %get3A_918] {strides = array<i32>} : memref<128x128xf32, #tpu.memory_space<vmem>>, vector<1x16xf32>,
      %get3A_920 = vector.shape_cast %get3A_919 : vector<1x16xf32> to vector<16xf32>
      %add3A_921 = arith.addf %add3A_916, %get3A_920 : vector<16xf32>
      %get3A_922 = arith.index_cast %add3A_907 : i32 to index
      %get3A_923 = arith.constant 0 : index
      %get3A_924 = tpu.vector_load %arg8[%get3A_922, %get3A_923] {strides = array<i32>} : memref<128x128xf32, #tpu.memory_space<vmem>>, vector<1x16xf32>,
      %get3A_925 = vector.shape_cast %get3A_924 : vector<1x16xf32> to vector<16xf32>
      %add3A_926 = arith.addf %add3A_921, %get3A_925 : vector<16xf32>
      %swap3A_927 = arith.index_cast %add3A_907 : i32 to index
      %swap3A_928 = arith.constant 0 : index
      %swap3A_929 = tpu.vector_load %arg7[%swap3A_927, %swap3A_928] {strides = array<i32>} : memref<128x128xf32, #tpu.memory_space<vmem>>, vector<1x16xf32>,
      %swap3A_930 = vector.shape_cast %swap3A_929 : vector<1x16xf32> to vector<16xf32>
      %swap3A_931 = vector.shape_cast %add3A_926 : vector<16xf32> to vector<1x16xf32>
      tpu.vector_store %arg7[%swap3A_927, %swap3A_928], %swap3A_931 {strides = array<i32>} : memref<128x128xf32, #tpu.memory_space<vmem>>, vector<1x16xf32>,
      %get3A_932 = arith.index_cast %add3A_907 : i32 to index
      %get3A_933 = arith.constant 16 : index
      %get3A_934 = tpu.vector_load %arg7[%get3A_932, %get3A_933] {strides = array<i32>} : memref<128x128xf32, #tpu.memory_space<vmem>>, vector<1x16xf32>,
      %get3A_935 = vector.shape_cast %get3A_934 : vector<1x16xf32> to vector<16xf32>
      %get3A_936 = arith.index_cast %add3A_907 : i32 to index
      %get3A_937 = arith.constant 16 : index
      %get3A_938 = tpu.vector_load %arg11[%get3A_936, %get3A_937] {strides = array<i32>} : memref<128x128xf32, #tpu.memory_space<vmem>>, vector<1x16xf32>,
      %get3A_939 = vector.shape_cast %get3A_938 : vector<1x16xf32> to vector<16xf32>
      %add3A_940 = arith.addf %get3A_935, %get3A_939 : vector<16xf32>
      %get3A_941 = arith.index_cast %add3A_907 : i32 to index
      %get3A_942 = arith.constant 16 : index
      %get3A_943 = tpu.vector_load %arg12[%get3A_941, %get3A_942] {strides = array<i32>} : memref<128x128xf32, #tpu.memory_space<vmem>>, vector<1x16xf32>,
      %get3A_944 = vector.shape_cast %get3A_943 : vector<1x16xf32> to vector<16xf32>
      %add3A_945 = arith.addf %add3A_940, %get3A_944 : vector<16xf32>
      %get3A_946 = arith.index_cast %add3A_907 : i32 to index
      %get3A_947 = arith.constant 16 : index
      %get3A_948 = tpu.vector_load %arg8[%get3A_946, %get3A_947] {strides = array<i32>} : memref<128x128xf32, #tpu.memory_space<vmem>>, vector<1x16xf32>,
      %get3A_949 = vector.shape_cast %get3A_948 : vector<1x16xf32> to vector<16xf32>
      %add3A_950 = arith.addf %add3A_945, %get3A_949 : vector<16xf32>
      %swap3A_951 = arith.index_cast %add3A_907 : i32 to index
      %swap3A_952 = arith.constant 16 : index
      %swap3A_953 = tpu.vector_load %arg7[%swap3A_951, %swap3A_952] {strides = array<i32>} : memref<128x128xf32, #tpu.memory_space<vmem>>, vector<1x16xf32>,
      %swap3A_954 = vector.shape_cast %swap3A_953 : vector<1x16xf32> to vector<16xf32>
      %swap3A_955 = vector.shape_cast %add3A_950 : vector<16xf32> to vector<1x16xf32>
      tpu.vector_store %arg7[%swap3A_951, %swap3A_952], %swap3A_955 {strides = array<i32>} : memref<128x128xf32, #tpu.memory_space<vmem>>, vector<1x16xf32>,
      %get3A_956 = arith.index_cast %add3A_907 : i32 to index
      %get3A_957 = arith.constant 32 : index
      %get3A_958 = tpu.vector_load %arg7[%get3A_956, %get3A_957] {strides = array<i32>} : memref<128x128xf32, #tpu.memory_space<vmem>>, vector<1x16xf32>,
      %get3A_959 = vector.shape_cast %get3A_958 : vector<1x16xf32> to vector<16xf32>
      %get3A_960 = arith.index_cast %add3A_907 : i32 to index
      %get3A_961 = arith.constant 32 : index
      %get3A_962 = tpu.vector_load %arg11[%get3A_960, %get3A_961] {strides = array<i32>} : memref<128x128xf32, #tpu.memory_space<vmem>>, vector<1x16xf32>,
      %get3A_963 = vector.shape_cast %get3A_962 : vector<1x16xf32> to vector<16xf32>
      %add3A_964 = arith.addf %get3A_959, %get3A_963 : vector<16xf32>
      %get3A_965 = arith.index_cast %add3A_907 : i32 to index
      %get3A_966 = arith.constant 32 : index
      %get3A_967 = tpu.vector_load %arg12[%get3A_965, %get3A_966] {strides = array<i32>} : memref<128x128xf32, #tpu.memory_space<vmem>>, vector<1x16xf32>,
      %get3A_968 = vector.shape_cast %get3A_967 : vector<1x16xf32> to vector<16xf32>
      %add3A_969 = arith.addf %add3A_964, %get3A_968 : vector<16xf32>
      %get3A_970 = arith.index_cast %add3A_907 : i32 to index
      %get3A_971 = arith.constant 32 : index
      %get3A_972 = tpu.vector_load %arg8[%get3A_970, %get3A_971] {strides = array<i32>} : memref<128x128xf32, #tpu.memory_space<vmem>>, vector<1x16xf32>,
      %get3A_973 = vector.shape_cast %get3A_972 : vector<1x16xf32> to vector<16xf32>
      %add3A_974 = arith.addf %add3A_969, %get3A_973 : vector<16xf32>
      %swap3A_975 = arith.index_cast %add3A_907 : i32 to index
      %swap3A_976 = arith.constant 32 : index
      %swap3A_977 = tpu.vector_load %arg7[%swap3A_975, %swap3A_976] {strides = array<i32>} : memref<128x128xf32, #tpu.memory_space<vmem>>, vector<1x16xf32>,
      %swap3A_978 = vector.shape_cast %swap3A_977 : vector<1x16xf32> to vector<16xf32>
      %swap3A_979 = vector.shape_cast %add3A_974 : vector<16xf32> to vector<1x16xf32>
      tpu.vector_store %arg7[%swap3A_975, %swap3A_976], %swap3A_979 {strides = array<i32>} : memref<128x128xf32, #tpu.memory_space<vmem>>, vector<1x16xf32>,
      %get3A_980 = arith.index_cast %add3A_907 : i32 to index
      %get3A_981 = arith.constant 48 : index
      %get3A_982 = tpu.vector_load %arg7[%get3A_980, %get3A_981] {strides = array<i32>} : memref<128x128xf32, #tpu.memory_space<vmem>>, vector<1x16xf32>,
      %get3A_983 = vector.shape_cast %get3A_982 : vector<1x16xf32> to vector<16xf32>
      %get3A_984 = arith.index_cast %add3A_907 : i32 to index
      %get3A_985 = arith.constant 48 : index
      %get3A_986 = tpu.vector_load %arg11[%get3A_984, %get3A_985] {strides = array<i32>} : memref<128x128xf32, #tpu.memory_space<vmem>>, vector<1x16xf32>,
      %get3A_987 = vector.shape_cast %get3A_986 : vector<1x16xf32> to vector<16xf32>
      %add3A_988 = arith.addf %get3A_983, %get3A_987 : vector<16xf32>
      %get3A_989 = arith.index_cast %add3A_907 : i32 to index
      %get3A_990 = arith.constant 48 : index
      %get3A_991 = tpu.vector_load %arg12[%get3A_989, %get3A_990] {strides = array<i32>} : memref<128x128xf32, #tpu.memory_space<vmem>>, vector<1x16xf32>,
      %get3A_992 = vector.shape_cast %get3A_991 : vector<1x16xf32> to vector<16xf32>
      %add3A_993 = arith.addf %add3A_988, %get3A_992 : vector<16xf32>
      %get3A_994 = arith.index_cast %add3A_907 : i32 to index
      %get3A_995 = arith.constant 48 : index
      %get3A_996 = tpu.vector_load %arg8[%get3A_994, %get3A_995] {strides = array<i32>} : memref<128x128xf32, #tpu.memory_space<vmem>>, vector<1x16xf32>,
      %get3A_997 = vector.shape_cast %get3A_996 : vector<1x16xf32> to vector<16xf32>
      %add3A_998 = arith.addf %add3A_993, %get3A_997 : vector<16xf32>
      %swap3A_999 = arith.index_cast %add3A_907 : i32 to index
      %swap3A_1000 = arith.constant 48 : index
      %swap3A_1001 = tpu.vector_load %arg7[%swap3A_999, %swap3A_1000] {strides = array<i32>} : memref<128x128xf32, #tpu.memory_space<vmem>>, vector<1x16xf32>,
      %swap3A_1002 = vector.shape_cast %swap3A_1001 : vector<1x16xf32> to vector<16xf32>
      %swap3A_1003 = vector.shape_cast %add3A_998 : vector<16xf32> to vector<1x16xf32>
      tpu.vector_store %arg7[%swap3A_999, %swap3A_1000], %swap3A_1003 {strides = array<i32>} : memref<128x128xf32, #tpu.memory_space<vmem>>, vector<1x16xf32>,
      %get3A_1004 = arith.index_cast %add3A_907 : i32 to index
      %get3A_1005 = arith.constant 64 : index
      %get3A_1006 = tpu.vector_load %arg7[%get3A_1004, %get3A_1005] {strides = array<i32>} : memref<128x128xf32, #tpu.memory_space<vmem>>, vector<1x16xf32>,
      %get3A_1007 = vector.shape_cast %get3A_1006 : vector<1x16xf32> to vector<16xf32>
      %get3A_1008 = arith.index_cast %add3A_907 : i32 to index
      %get3A_1009 = arith.constant 64 : index
      %get3A_1010 = tpu.vector_load %arg11[%get3A_1008, %get3A_1009] {strides = array<i32>} : memref<128x128xf32, #tpu.memory_space<vmem>>, vector<1x16xf32>,
      %get3A_1011 = vector.shape_cast %get3A_1010 : vector<1x16xf32> to vector<16xf32>
      %add3A_1012 = arith.addf %get3A_1007, %get3A_1011 : vector<16xf32>
      %get3A_1013 = arith.index_cast %add3A_907 : i32 to index
      %get3A_1014 = arith.constant 64 : index
      %get3A_1015 = tpu.vector_load %arg12[%get3A_1013, %get3A_1014] {strides = array<i32>} : memref<128x128xf32, #tpu.memory_space<vmem>>, vector<1x16xf32>,
      %get3A_1016 = vector.shape_cast %get3A_1015 : vector<1x16xf32> to vector<16xf32>
      %add3A_1017 = arith.addf %add3A_1012, %get3A_1016 : vector<16xf32>
      %get3A_1018 = arith.index_cast %add3A_907 : i32 to index
      %get3A_1019 = arith.constant 64 : index
      %get3A_1020 = tpu.vector_load %arg8[%get3A_1018, %get3A_1019] {strides = array<i32>} : memref<128x128xf32, #tpu.memory_space<vmem>>, vector<1x16xf32>,
      %get3A_1021 = vector.shape_cast %get3A_1020 : vector<1x16xf32> to vector<16xf32>
      %add3A_1022 = arith.addf %add3A_1017, %get3A_1021 : vector<16xf32>
      %swap3A_1023 = arith.index_cast %add3A_907 : i32 to index
      %swap3A_1024 = arith.constant 64 : index
      %swap3A_1025 = tpu.vector_load %arg7[%swap3A_1023, %swap3A_1024] {strides = array<i32>} : memref<128x128xf32, #tpu.memory_space<vmem>>, vector<1x16xf32>,
      %swap3A_1026 = vector.shape_cast %swap3A_1025 : vector<1x16xf32> to vector<16xf32>
      %swap3A_1027 = vector.shape_cast %add3A_1022 : vector<16xf32> to vector<1x16xf32>
      tpu.vector_store %arg7[%swap3A_1023, %swap3A_1024], %swap3A_1027 {strides = array<i32>} : memref<128x128xf32, #tpu.memory_space<vmem>>, vector<1x16xf32>,
      %get3A_1028 = arith.index_cast %add3A_907 : i32 to index
      %get3A_1029 = arith.constant 80 : index
      %get3A_1030 = tpu.vector_load %arg7[%get3A_1028, %get3A_1029] {strides = array<i32>} : memref<128x128xf32, #tpu.memory_space<vmem>>, vector<1x16xf32>,
      %get3A_1031 = vector.shape_cast %get3A_1030 : vector<1x16xf32> to vector<16xf32>
      %get3A_1032 = arith.index_cast %add3A_907 : i32 to index
      %get3A_1033 = arith.constant 80 : index
      %get3A_1034 = tpu.vector_load %arg11[%get3A_1032, %get3A_1033] {strides = array<i32>} : memref<128x128xf32, #tpu.memory_space<vmem>>, vector<1x16xf32>,
      %get3A_1035 = vector.shape_cast %get3A_1034 : vector<1x16xf32> to vector<16xf32>
      %add3A_1036 = arith.addf %get3A_1031, %get3A_1035 : vector<16xf32>
      %get3A_1037 = arith.index_cast %add3A_907 : i32 to index
      %get3A_1038 = arith.constant 80 : index
      %get3A_1039 = tpu.vector_load %arg12[%get3A_1037, %get3A_1038] {strides = array<i32>} : memref<128x128xf32, #tpu.memory_space<vmem>>, vector<1x16xf32>,
      %get3A_1040 = vector.shape_cast %get3A_1039 : vector<1x16xf32> to vector<16xf32>
      %add3A_1041 = arith.addf %add3A_1036, %get3A_1040 : vector<16xf32>
      %get3A_1042 = arith.index_cast %add3A_907 : i32 to index
      %get3A_1043 = arith.constant 80 : index
      %get3A_1044 = tpu.vector_load %arg8[%get3A_1042, %get3A_1043] {strides = array<i32>} : memref<128x128xf32, #tpu.memory_space<vmem>>, vector<1x16xf32>,
      %get3A_1045 = vector.shape_cast %get3A_1044 : vector<1x16xf32> to vector<16xf32>
      %add3A_1046 = arith.addf %add3A_1041, %get3A_1045 : vector<16xf32>
      %swap3A_1047 = arith.index_cast %add3A_907 : i32 to index
      %swap3A_1048 = arith.constant 80 : index
      %swap3A_1049 = tpu.vector_load %arg7[%swap3A_1047, %swap3A_1048] {strides = array<i32>} : memref<128x128xf32, #tpu.memory_space<vmem>>, vector<1x16xf32>,
      %swap3A_1050 = vector.shape_cast %swap3A_1049 : vector<1x16xf32> to vector<16xf32>
      %swap3A_1051 = vector.shape_cast %add3A_1046 : vector<16xf32> to vector<1x16xf32>
      tpu.vector_store %arg7[%swap3A_1047, %swap3A_1048], %swap3A_1051 {strides = array<i32>} : memref<128x128xf32, #tpu.memory_space<vmem>>, vector<1x16xf32>,
      %get3A_1052 = arith.index_cast %add3A_907 : i32 to index
      %get3A_1053 = arith.constant 96 : index
      %get3A_1054 = tpu.vector_load %arg7[%get3A_1052, %get3A_1053] {strides = array<i32>} : memref<128x128xf32, #tpu.memory_space<vmem>>, vector<1x16xf32>,
      %get3A_1055 = vector.shape_cast %get3A_1054 : vector<1x16xf32> to vector<16xf32>
      %get3A_1056 = arith.index_cast %add3A_907 : i32 to index
      %get3A_1057 = arith.constant 96 : index
      %get3A_1058 = tpu.vector_load %arg11[%get3A_1056, %get3A_1057] {strides = array<i32>} : memref<128x128xf32, #tpu.memory_space<vmem>>, vector<1x16xf32>,
      %get3A_1059 = vector.shape_cast %get3A_1058 : vector<1x16xf32> to vector<16xf32>
      %add3A_1060 = arith.addf %get3A_1055, %get3A_1059 : vector<16xf32>
      %get3A_1061 = arith.index_cast %add3A_907 : i32 to index
      %get3A_1062 = arith.constant 96 : index
      %get3A_1063 = tpu.vector_load %arg12[%get3A_1061, %get3A_1062] {strides = array<i32>} : memref<128x128xf32, #tpu.memory_space<vmem>>, vector<1x16xf32>,
      %get3A_1064 = vector.shape_cast %get3A_1063 : vector<1x16xf32> to vector<16xf32>
      %add3A_1065 = arith.addf %add3A_1060, %get3A_1064 : vector<16xf32>
      %get3A_1066 = arith.index_cast %add3A_907 : i32 to index
      %get3A_1067 = arith.constant 96 : index
      %get3A_1068 = tpu.vector_load %arg8[%get3A_1066, %get3A_1067] {strides = array<i32>} : memref<128x128xf32, #tpu.memory_space<vmem>>, vector<1x16xf32>,
      %get3A_1069 = vector.shape_cast %get3A_1068 : vector<1x16xf32> to vector<16xf32>
      %add3A_1070 = arith.addf %add3A_1065, %get3A_1069 : vector<16xf32>
      %swap3A_1071 = arith.index_cast %add3A_907 : i32 to index
      %swap3A_1072 = arith.constant 96 : index
      %swap3A_1073 = tpu.vector_load %arg7[%swap3A_1071, %swap3A_1072] {strides = array<i32>} : memref<128x128xf32, #tpu.memory_space<vmem>>, vector<1x16xf32>,
      %swap3A_1074 = vector.shape_cast %swap3A_1073 : vector<1x16xf32> to vector<16xf32>
      %swap3A_1075 = vector.shape_cast %add3A_1070 : vector<16xf32> to vector<1x16xf32>
      tpu.vector_store %arg7[%swap3A_1071, %swap3A_1072], %swap3A_1075 {strides = array<i32>} : memref<128x128xf32, #tpu.memory_space<vmem>>, vector<1x16xf32>,
      %get3A_1076 = arith.index_cast %add3A_907 : i32 to index
      %get3A_1077 = arith.constant 112 : index
      %get3A_1078 = tpu.vector_load %arg7[%get3A_1076, %get3A_1077] {strides = array<i32>} : memref<128x128xf32, #tpu.memory_space<vmem>>, vector<1x16xf32>,
      %get3A_1079 = vector.shape_cast %get3A_1078 : vector<1x16xf32> to vector<16xf32>
      %get3A_1080 = arith.index_cast %add3A_907 : i32 to index
      %get3A_1081 = arith.constant 112 : index
      %get3A_1082 = tpu.vector_load %arg11[%get3A_1080, %get3A_1081] {strides = array<i32>} : memref<128x128xf32, #tpu.memory_space<vmem>>, vector<1x16xf32>,
      %get3A_1083 = vector.shape_cast %get3A_1082 : vector<1x16xf32> to vector<16xf32>
      %add3A_1084 = arith.addf %get3A_1079, %get3A_1083 : vector<16xf32>
      %get3A_1085 = arith.index_cast %add3A_907 : i32 to index
      %get3A_1086 = arith.constant 112 : index
      %get3A_1087 = tpu.vector_load %arg12[%get3A_1085, %get3A_1086] {strides = array<i32>} : memref<128x128xf32, #tpu.memory_space<vmem>>, vector<1x16xf32>,
      %get3A_1088 = vector.shape_cast %get3A_1087 : vector<1x16xf32> to vector<16xf32>
      %add3A_1089 = arith.addf %add3A_1084, %get3A_1088 : vector<16xf32>
      %get3A_1090 = arith.index_cast %add3A_907 : i32 to index
      %get3A_1091 = arith.constant 112 : index
      %get3A_1092 = tpu.vector_load %arg8[%get3A_1090, %get3A_1091] {strides = array<i32>} : memref<128x128xf32, #tpu.memory_space<vmem>>, vector<1x16xf32>,
      %get3A_1093 = vector.shape_cast %get3A_1092 : vector<1x16xf32> to vector<16xf32>
      %add3A_1094 = arith.addf %add3A_1089, %get3A_1093 : vector<16xf32>
      %swap3A_1095 = arith.index_cast %add3A_907 : i32 to index
      %swap3A_1096 = arith.constant 112 : index
      %swap3A_1097 = tpu.vector_load %arg7[%swap3A_1095, %swap3A_1096] {strides = array<i32>} : memref<128x128xf32, #tpu.memory_space<vmem>>, vector<1x16xf32>,
      %swap3A_1098 = vector.shape_cast %swap3A_1097 : vector<1x16xf32> to vector<16xf32>
      %swap3A_1099 = vector.shape_cast %add3A_1094 : vector<16xf32> to vector<1x16xf32>
      tpu.vector_store %arg7[%swap3A_1095, %swap3A_1096], %swap3A_1099 {strides = array<i32>} : memref<128x128xf32, #tpu.memory_space<vmem>>, vector<1x16xf32>,
      %scan3A_1100 = arith.constant 0 : i32
      scf.yield %scan3A_1100 : i32
    }
    %scan3A_147 = arith.constant 32 : i32
    %mul3A_148 = arith.constant 512 : i32
    %mul3A_149 = arith.muli %add3A, %mul3A_148 : i32
    %add3A_150 = arith.constant 128 : i32
    %add3A_151 = arith.addi %mul3A_149, %add3A_150 : i32
    %dma_start3A_152 = arith.constant 0 : i32
    %dma_start3A_153 = tpu.memref_slice %arg4[%add3A_151, %dma_start3A_152] : memref<16384x128xf32, #tpu.memory_space<hbm>> -> memref<128x128xf32, #tpu.memory_space<hbm>>
    %dma_start3A_154 = arith.constant 0 : i32
    %dma_start3A_155 = tpu.memref_slice %arg4[%add3A_151, %dma_start3A_154] : memref<16384x128xf32, #tpu.memory_space<hbm>> -> memref<128x128xf32, #tpu.memory_space<hbm>>
    tpu.enqueue_dma source(%arg7 : memref<128x128xf32, #tpu.memory_space<vmem>>) target(%dma_start3A_155 : memref<128x128xf32, #tpu.memory_space<hbm>>) target_semaphore(%arg21 : memref<!tpu.dma_semaphore, #tpu.memory_space<semaphore_mem>>)
    %mul3A_156 = arith.constant 512 : i32
    %mul3A_157 = arith.muli %add3A, %mul3A_156 : i32
    %add3A_158 = arith.constant 0 : i32
    %add3A_159 = arith.addi %mul3A_157, %add3A_158 : i32
    %dma_wait3A_160 = arith.constant 0 : i32
    %dma_wait3A_161 = tpu.memref_slice %arg4[%add3A_159, %dma_wait3A_160] : memref<16384x128xf32, #tpu.memory_space<hbm>> -> memref<128x128xf32, #tpu.memory_space<hbm>>
    %dma_wait3A_162 = arith.constant 0 : i32
    %dma_wait3A_163 = tpu.memref_slice %arg4[%add3A_159, %dma_wait3A_162] : memref<16384x128xf32, #tpu.memory_space<hbm>> -> memref<128x128xf32, #tpu.memory_space<hbm>>
    tpu.wait_dma2 semaphore(%arg20 : memref<!tpu.dma_semaphore, #tpu.memory_space<semaphore_mem>>) src(%arg6 : memref<128x128xf32, #tpu.memory_space<vmem>>) dst(%dma_wait3A_163 : memref<128x128xf32, #tpu.memory_space<hbm>>)
    %dma_start3A_164 = arith.constant 8 : i32
    %dma_start3A_165 = arith.constant 0 : i32
    %dma_start3A_166 = tpu.memref_slice %arg5[%dma_start3A_164, %dma_start3A_165] : memref<16x128xi32, #tpu.memory_space<vmem>> -> memref<1x128xi32, #tpu.memory_space<vmem>>
    %dma_start3A_167 = tpu.memref_squeeze %dma_start3A_166 : memref<1x128xi32, #tpu.memory_space<vmem>> -> memref<128xi32, #tpu.memory_space<vmem>>
    %dma_start3A_168 = arith.constant 0 : i32
    %dma_start3A_169 = arith.constant 0 : i32
    %dma_start3A_170 = tpu.memref_slice %arg3[%dma_start3A_168, %dma_start3A_169] : memref<100001x128xf32, #tpu.memory_space<hbm>> -> memref<100001x128xf32, #tpu.memory_space<hbm>>
    tpu.enqueue_indirect_dma source(%dma_start3A_170 : memref<100001x128xf32, #tpu.memory_space<hbm>>) target(%arg6 : memref<128x128xf32, #tpu.memory_space<vmem>>) offsets(%dma_start3A_167 : memref<128xi32, #tpu.memory_space<vmem>>) semaphore(%arg13 : memref<!tpu.dma_semaphore, #tpu.memory_space<semaphore_mem>>)
    %dma_start3A_171 = arith.constant 11 : i32
    %dma_start3A_172 = arith.constant 0 : i32
    %dma_start3A_173 = tpu.memref_slice %arg5[%dma_start3A_171, %dma_start3A_172] : memref<16x128xi32, #tpu.memory_space<vmem>> -> memref<1x128xi32, #tpu.memory_space<vmem>>
    %dma_start3A_174 = tpu.memref_squeeze %dma_start3A_173 : memref<1x128xi32, #tpu.memory_space<vmem>> -> memref<128xi32, #tpu.memory_space<vmem>>
    %dma_start3A_175 = arith.constant 0 : i32
    %dma_start3A_176 = arith.constant 0 : i32
    %dma_start3A_177 = tpu.memref_slice %arg3[%dma_start3A_175, %dma_start3A_176] : memref<100001x128xf32, #tpu.memory_space<hbm>> -> memref<100001x128xf32, #tpu.memory_space<hbm>>
    tpu.enqueue_indirect_dma source(%dma_start3A_177 : memref<100001x128xf32, #tpu.memory_space<hbm>>) target(%arg11 : memref<128x128xf32, #tpu.memory_space<vmem>>) offsets(%dma_start3A_174 : memref<128xi32, #tpu.memory_space<vmem>>) semaphore(%arg18 : memref<!tpu.dma_semaphore, #tpu.memory_space<semaphore_mem>>)
    %dma_start3A_178 = arith.constant 13 : i32
    %dma_start3A_179 = arith.constant 0 : i32
    %dma_start3A_180 = tpu.memref_slice %arg5[%dma_start3A_178, %dma_start3A_179] : memref<16x128xi32, #tpu.memory_space<vmem>> -> memref<1x128xi32, #tpu.memory_space<vmem>>
    %dma_start3A_181 = tpu.memref_squeeze %dma_start3A_180 : memref<1x128xi32, #tpu.memory_space<vmem>> -> memref<128xi32, #tpu.memory_space<vmem>>
    %dma_start3A_182 = arith.constant 0 : i32
    %dma_start3A_183 = arith.constant 0 : i32
    %dma_start3A_184 = tpu.memref_slice %arg3[%dma_start3A_182, %dma_start3A_183] : memref<100001x128xf32, #tpu.memory_space<hbm>> -> memref<100001x128xf32, #tpu.memory_space<hbm>>
    tpu.enqueue_indirect_dma source(%dma_start3A_184 : memref<100001x128xf32, #tpu.memory_space<hbm>>) target(%arg12 : memref<128x128xf32, #tpu.memory_space<vmem>>) offsets(%dma_start3A_181 : memref<128xi32, #tpu.memory_space<vmem>>) semaphore(%arg19 : memref<!tpu.dma_semaphore, #tpu.memory_space<semaphore_mem>>)
    %dma_wait3A_185 = arith.constant 0 : i32
    %dma_wait3A_186 = arith.constant 0 : i32
    %dma_wait3A_187 = tpu.memref_slice %arg5[%dma_wait3A_185, %dma_wait3A_186] : memref<16x128xi32, #tpu.memory_space<vmem>> -> memref<1x128xi32, #tpu.memory_space<vmem>>
    %dma_wait3A_188 = tpu.memref_squeeze %dma_wait3A_187 : memref<1x128xi32, #tpu.memory_space<vmem>> -> memref<128xi32, #tpu.memory_space<vmem>>
    %dma_wait3A_189 = arith.constant 0 : i32
    %dma_wait3A_190 = arith.constant 0 : i32
    %dma_wait3A_191 = tpu.memref_slice %arg3[%dma_wait3A_189, %dma_wait3A_190] : memref<100001x128xf32, #tpu.memory_space<hbm>> -> memref<100001x128xf32, #tpu.memory_space<hbm>>
    tpu.wait_indirect_dma semaphore(%arg13 : memref<!tpu.dma_semaphore, #tpu.memory_space<semaphore_mem>>) src(%dma_wait3A_191 : memref<100001x128xf32, #tpu.memory_space<hbm>>) dst(%arg6 : memref<128x128xf32, #tpu.memory_space<vmem>>)
    %dma_wait3A_192 = arith.constant 0 : i32
    %dma_wait3A_193 = arith.constant 0 : i32
    %dma_wait3A_194 = tpu.memref_slice %arg5[%dma_wait3A_192, %dma_wait3A_193] : memref<16x128xi32, #tpu.memory_space<vmem>> -> memref<1x128xi32, #tpu.memory_space<vmem>>
    %dma_wait3A_195 = tpu.memref_squeeze %dma_wait3A_194 : memref<1x128xi32, #tpu.memory_space<vmem>> -> memref<128xi32, #tpu.memory_space<vmem>>
    %dma_wait3A_196 = arith.constant 0 : i32
    %dma_wait3A_197 = arith.constant 0 : i32
    %dma_wait3A_198 = tpu.memref_slice %arg3[%dma_wait3A_196, %dma_wait3A_197] : memref<100001x128xf32, #tpu.memory_space<hbm>> -> memref<100001x128xf32, #tpu.memory_space<hbm>>
    tpu.wait_indirect_dma semaphore(%arg16 : memref<!tpu.dma_semaphore, #tpu.memory_space<semaphore_mem>>) src(%dma_wait3A_198 : memref<100001x128xf32, #tpu.memory_space<hbm>>) dst(%arg9 : memref<128x128xf32, #tpu.memory_space<vmem>>)
    %dma_wait3A_199 = arith.constant 0 : i32
    %dma_wait3A_200 = arith.constant 0 : i32
    %dma_wait3A_201 = tpu.memref_slice %arg5[%dma_wait3A_199, %dma_wait3A_200] : memref<16x128xi32, #tpu.memory_space<vmem>> -> memref<1x128xi32, #tpu.memory_space<vmem>>
    %dma_wait3A_202 = tpu.memref_squeeze %dma_wait3A_201 : memref<1x128xi32, #tpu.memory_space<vmem>> -> memref<128xi32, #tpu.memory_space<vmem>>
    %dma_wait3A_203 = arith.constant 0 : i32
    %dma_wait3A_204 = arith.constant 0 : i32
    %dma_wait3A_205 = tpu.memref_slice %arg3[%dma_wait3A_203, %dma_wait3A_204] : memref<100001x128xf32, #tpu.memory_space<hbm>> -> memref<100001x128xf32, #tpu.memory_space<hbm>>
    tpu.wait_indirect_dma semaphore(%arg17 : memref<!tpu.dma_semaphore, #tpu.memory_space<semaphore_mem>>) src(%dma_wait3A_205 : memref<100001x128xf32, #tpu.memory_space<hbm>>) dst(%arg10 : memref<128x128xf32, #tpu.memory_space<vmem>>)
    %dma_wait3A_206 = arith.constant 0 : i32
    %dma_wait3A_207 = arith.constant 0 : i32
    %dma_wait3A_208 = tpu.memref_slice %arg5[%dma_wait3A_206, %dma_wait3A_207] : memref<16x128xi32, #tpu.memory_space<vmem>> -> memref<1x128xi32, #tpu.memory_space<vmem>>
    %dma_wait3A_209 = tpu.memref_squeeze %dma_wait3A_208 : memref<1x128xi32, #tpu.memory_space<vmem>> -> memref<128xi32, #tpu.memory_space<vmem>>
    %dma_wait3A_210 = arith.constant 0 : i32
    %dma_wait3A_211 = arith.constant 0 : i32
    %dma_wait3A_212 = tpu.memref_slice %arg3[%dma_wait3A_210, %dma_wait3A_211] : memref<100001x128xf32, #tpu.memory_space<hbm>> -> memref<100001x128xf32, #tpu.memory_space<hbm>>
    tpu.wait_indirect_dma semaphore(%arg18 : memref<!tpu.dma_semaphore, #tpu.memory_space<semaphore_mem>>) src(%dma_wait3A_212 : memref<100001x128xf32, #tpu.memory_space<hbm>>) dst(%arg11 : memref<128x128xf32, #tpu.memory_space<vmem>>)
    %scan3A_213 = arith.constant 0 : i32
    %scan3A_214 = arith.constant 0 : i32
    %scan3A_215 = arith.constant 32 : i32
    %scan3A_216 = arith.addi %scan3A_214, %scan3A_215 : i32
    %scan3A_217 = arith.constant 1 : i32
    %scan3A_218 = scf.for %scan3A_316 = %scan3A_214 to %scan3A_216 step %scan3A_217 iter_args(%scan3A_317 = %scan3A_213) -> (i32)  : i32 {
      %mul3A_318 = arith.constant 4 : i32
      %mul3A_319 = arith.muli %mul3A_318, %scan3A_316 : i32
      %add3A_320 = arith.constant 0 : i32
      %add3A_321 = arith.addi %mul3A_319, %add3A_320 : i32
      %get3A = arith.index_cast %add3A_321 : i32 to index
      %get3A_322 = arith.constant 0 : index
      %get3A_323 = tpu.vector_load %arg6[%get3A, %get3A_322] {strides = array<i32>} : memref<128x128xf32, #tpu.memory_space<vmem>>, vector<1x16xf32>,
      %get3A_324 = vector.shape_cast %get3A_323 : vector<1x16xf32> to vector<16xf32>
      %get3A_325 = arith.index_cast %add3A_321 : i32 to index
      %get3A_326 = arith.constant 0 : index
      %get3A_327 = tpu.vector_load %arg9[%get3A_325, %get3A_326] {strides = array<i32>} : memref<128x128xf32, #tpu.memory_space<vmem>>, vector<1x16xf32>,
      %get3A_328 = vector.shape_cast %get3A_327 : vector<1x16xf32> to vector<16xf32>
      %add3A_329 = arith.addf %get3A_324, %get3A_328 : vector<16xf32>
      %get3A_330 = arith.index_cast %add3A_321 : i32 to index
      %get3A_331 = arith.constant 0 : index
      %get3A_332 = tpu.vector_load %arg10[%get3A_330, %get3A_331] {strides = array<i32>} : memref<128x128xf32, #tpu.memory_space<vmem>>, vector<1x16xf32>,
      %get3A_333 = vector.shape_cast %get3A_332 : vector<1x16xf32> to vector<16xf32>
      %add3A_334 = arith.addf %add3A_329, %get3A_333 : vector<16xf32>
      %get3A_335 = arith.index_cast %add3A_321 : i32 to index
      %get3A_336 = arith.constant 0 : index
      %get3A_337 = tpu.vector_load %arg11[%get3A_335, %get3A_336] {strides = array<i32>} : memref<128x128xf32, #tpu.memory_space<vmem>>, vector<1x16xf32>,
      %get3A_338 = vector.shape_cast %get3A_337 : vector<1x16xf32> to vector<16xf32>
      %add3A_339 = arith.addf %add3A_334, %get3A_338 : vector<16xf32>
      %swap3A = arith.index_cast %add3A_321 : i32 to index
      %swap3A_340 = arith.constant 0 : index
      %swap3A_341 = tpu.vector_load %arg6[%swap3A, %swap3A_340] {strides = array<i32>} : memref<128x128xf32, #tpu.memory_space<vmem>>, vector<1x16xf32>,
      %swap3A_342 = vector.shape_cast %swap3A_341 : vector<1x16xf32> to vector<16xf32>
      %swap3A_343 = vector.shape_cast %add3A_339 : vector<16xf32> to vector<1x16xf32>
      tpu.vector_store %arg6[%swap3A, %swap3A_340], %swap3A_343 {strides = array<i32>} : memref<128x128xf32, #tpu.memory_space<vmem>>, vector<1x16xf32>,
      %get3A_344 = arith.index_cast %add3A_321 : i32 to index
      %get3A_345 = arith.constant 16 : index
      %get3A_346 = tpu.vector_load %arg6[%get3A_344, %get3A_345] {strides = array<i32>} : memref<128x128xf32, #tpu.memory_space<vmem>>, vector<1x16xf32>,
      %get3A_347 = vector.shape_cast %get3A_346 : vector<1x16xf32> to vector<16xf32>
      %get3A_348 = arith.index_cast %add3A_321 : i32 to index
      %get3A_349 = arith.constant 16 : index
      %get3A_350 = tpu.vector_load %arg9[%get3A_348, %get3A_349] {strides = array<i32>} : memref<128x128xf32, #tpu.memory_space<vmem>>, vector<1x16xf32>,
      %get3A_351 = vector.shape_cast %get3A_350 : vector<1x16xf32> to vector<16xf32>
      %add3A_352 = arith.addf %get3A_347, %get3A_351 : vector<16xf32>
      %get3A_353 = arith.index_cast %add3A_321 : i32 to index
      %get3A_354 = arith.constant 16 : index
      %get3A_355 = tpu.vector_load %arg10[%get3A_353, %get3A_354] {strides = array<i32>} : memref<128x128xf32, #tpu.memory_space<vmem>>, vector<1x16xf32>,
      %get3A_356 = vector.shape_cast %get3A_355 : vector<1x16xf32> to vector<16xf32>
      %add3A_357 = arith.addf %add3A_352, %get3A_356 : vector<16xf32>
      %get3A_358 = arith.index_cast %add3A_321 : i32 to index
      %get3A_359 = arith.constant 16 : index
      %get3A_360 = tpu.vector_load %arg11[%get3A_358, %get3A_359] {strides = array<i32>} : memref<128x128xf32, #tpu.memory_space<vmem>>, vector<1x16xf32>,
      %get3A_361 = vector.shape_cast %get3A_360 : vector<1x16xf32> to vector<16xf32>
      %add3A_362 = arith.addf %add3A_357, %get3A_361 : vector<16xf32>
      %swap3A_363 = arith.index_cast %add3A_321 : i32 to index
      %swap3A_364 = arith.constant 16 : index
      %swap3A_365 = tpu.vector_load %arg6[%swap3A_363, %swap3A_364] {strides = array<i32>} : memref<128x128xf32, #tpu.memory_space<vmem>>, vector<1x16xf32>,
      %swap3A_366 = vector.shape_cast %swap3A_365 : vector<1x16xf32> to vector<16xf32>
      %swap3A_367 = vector.shape_cast %add3A_362 : vector<16xf32> to vector<1x16xf32>
      tpu.vector_store %arg6[%swap3A_363, %swap3A_364], %swap3A_367 {strides = array<i32>} : memref<128x128xf32, #tpu.memory_space<vmem>>, vector<1x16xf32>,
      %get3A_368 = arith.index_cast %add3A_321 : i32 to index
      %get3A_369 = arith.constant 32 : index
      %get3A_370 = tpu.vector_load %arg6[%get3A_368, %get3A_369] {strides = array<i32>} : memref<128x128xf32, #tpu.memory_space<vmem>>, vector<1x16xf32>,
      %get3A_371 = vector.shape_cast %get3A_370 : vector<1x16xf32> to vector<16xf32>
      %get3A_372 = arith.index_cast %add3A_321 : i32 to index
      %get3A_373 = arith.constant 32 : index
      %get3A_374 = tpu.vector_load %arg9[%get3A_372, %get3A_373] {strides = array<i32>} : memref<128x128xf32, #tpu.memory_space<vmem>>, vector<1x16xf32>,
      %get3A_375 = vector.shape_cast %get3A_374 : vector<1x16xf32> to vector<16xf32>
      %add3A_376 = arith.addf %get3A_371, %get3A_375 : vector<16xf32>
      %get3A_377 = arith.index_cast %add3A_321 : i32 to index
      %get3A_378 = arith.constant 32 : index
      %get3A_379 = tpu.vector_load %arg10[%get3A_377, %get3A_378] {strides = array<i32>} : memref<128x128xf32, #tpu.memory_space<vmem>>, vector<1x16xf32>,
      %get3A_380 = vector.shape_cast %get3A_379 : vector<1x16xf32> to vector<16xf32>
      %add3A_381 = arith.addf %add3A_376, %get3A_380 : vector<16xf32>
      %get3A_382 = arith.index_cast %add3A_321 : i32 to index
      %get3A_383 = arith.constant 32 : index
      %get3A_384 = tpu.vector_load %arg11[%get3A_382, %get3A_383] {strides = array<i32>} : memref<128x128xf32, #tpu.memory_space<vmem>>, vector<1x16xf32>,
      %get3A_385 = vector.shape_cast %get3A_384 : vector<1x16xf32> to vector<16xf32>
      %add3A_386 = arith.addf %add3A_381, %get3A_385 : vector<16xf32>
      %swap3A_387 = arith.index_cast %add3A_321 : i32 to index
      %swap3A_388 = arith.constant 32 : index
      %swap3A_389 = tpu.vector_load %arg6[%swap3A_387, %swap3A_388] {strides = array<i32>} : memref<128x128xf32, #tpu.memory_space<vmem>>, vector<1x16xf32>,
      %swap3A_390 = vector.shape_cast %swap3A_389 : vector<1x16xf32> to vector<16xf32>
      %swap3A_391 = vector.shape_cast %add3A_386 : vector<16xf32> to vector<1x16xf32>
      tpu.vector_store %arg6[%swap3A_387, %swap3A_388], %swap3A_391 {strides = array<i32>} : memref<128x128xf32, #tpu.memory_space<vmem>>, vector<1x16xf32>,
      %get3A_392 = arith.index_cast %add3A_321 : i32 to index
      %get3A_393 = arith.constant 48 : index
      %get3A_394 = tpu.vector_load %arg6[%get3A_392, %get3A_393] {strides = array<i32>} : memref<128x128xf32, #tpu.memory_space<vmem>>, vector<1x16xf32>,
      %get3A_395 = vector.shape_cast %get3A_394 : vector<1x16xf32> to vector<16xf32>
      %get3A_396 = arith.index_cast %add3A_321 : i32 to index
      %get3A_397 = arith.constant 48 : index
      %get3A_398 = tpu.vector_load %arg9[%get3A_396, %get3A_397] {strides = array<i32>} : memref<128x128xf32, #tpu.memory_space<vmem>>, vector<1x16xf32>,
      %get3A_399 = vector.shape_cast %get3A_398 : vector<1x16xf32> to vector<16xf32>
      %add3A_400 = arith.addf %get3A_395, %get3A_399 : vector<16xf32>
      %get3A_401 = arith.index_cast %add3A_321 : i32 to index
      %get3A_402 = arith.constant 48 : index
      %get3A_403 = tpu.vector_load %arg10[%get3A_401, %get3A_402] {strides = array<i32>} : memref<128x128xf32, #tpu.memory_space<vmem>>, vector<1x16xf32>,
      %get3A_404 = vector.shape_cast %get3A_403 : vector<1x16xf32> to vector<16xf32>
      %add3A_405 = arith.addf %add3A_400, %get3A_404 : vector<16xf32>
      %get3A_406 = arith.index_cast %add3A_321 : i32 to index
      %get3A_407 = arith.constant 48 : index
      %get3A_408 = tpu.vector_load %arg11[%get3A_406, %get3A_407] {strides = array<i32>} : memref<128x128xf32, #tpu.memory_space<vmem>>, vector<1x16xf32>,
      %get3A_409 = vector.shape_cast %get3A_408 : vector<1x16xf32> to vector<16xf32>
      %add3A_410 = arith.addf %add3A_405, %get3A_409 : vector<16xf32>
      %swap3A_411 = arith.index_cast %add3A_321 : i32 to index
      %swap3A_412 = arith.constant 48 : index
      %swap3A_413 = tpu.vector_load %arg6[%swap3A_411, %swap3A_412] {strides = array<i32>} : memref<128x128xf32, #tpu.memory_space<vmem>>, vector<1x16xf32>,
      %swap3A_414 = vector.shape_cast %swap3A_413 : vector<1x16xf32> to vector<16xf32>
      %swap3A_415 = vector.shape_cast %add3A_410 : vector<16xf32> to vector<1x16xf32>
      tpu.vector_store %arg6[%swap3A_411, %swap3A_412], %swap3A_415 {strides = array<i32>} : memref<128x128xf32, #tpu.memory_space<vmem>>, vector<1x16xf32>,
      %get3A_416 = arith.index_cast %add3A_321 : i32 to index
      %get3A_417 = arith.constant 64 : index
      %get3A_418 = tpu.vector_load %arg6[%get3A_416, %get3A_417] {strides = array<i32>} : memref<128x128xf32, #tpu.memory_space<vmem>>, vector<1x16xf32>,
      %get3A_419 = vector.shape_cast %get3A_418 : vector<1x16xf32> to vector<16xf32>
      %get3A_420 = arith.index_cast %add3A_321 : i32 to index
      %get3A_421 = arith.constant 64 : index
      %get3A_422 = tpu.vector_load %arg9[%get3A_420, %get3A_421] {strides = array<i32>} : memref<128x128xf32, #tpu.memory_space<vmem>>, vector<1x16xf32>,
      %get3A_423 = vector.shape_cast %get3A_422 : vector<1x16xf32> to vector<16xf32>
      %add3A_424 = arith.addf %get3A_419, %get3A_423 : vector<16xf32>
      %get3A_425 = arith.index_cast %add3A_321 : i32 to index
      %get3A_426 = arith.constant 64 : index
      %get3A_427 = tpu.vector_load %arg10[%get3A_425, %get3A_426] {strides = array<i32>} : memref<128x128xf32, #tpu.memory_space<vmem>>, vector<1x16xf32>,
      %get3A_428 = vector.shape_cast %get3A_427 : vector<1x16xf32> to vector<16xf32>
      %add3A_429 = arith.addf %add3A_424, %get3A_428 : vector<16xf32>
      %get3A_430 = arith.index_cast %add3A_321 : i32 to index
      %get3A_431 = arith.constant 64 : index
      %get3A_432 = tpu.vector_load %arg11[%get3A_430, %get3A_431] {strides = array<i32>} : memref<128x128xf32, #tpu.memory_space<vmem>>, vector<1x16xf32>,
      %get3A_433 = vector.shape_cast %get3A_432 : vector<1x16xf32> to vector<16xf32>
      %add3A_434 = arith.addf %add3A_429, %get3A_433 : vector<16xf32>
      %swap3A_435 = arith.index_cast %add3A_321 : i32 to index
      %swap3A_436 = arith.constant 64 : index
      %swap3A_437 = tpu.vector_load %arg6[%swap3A_435, %swap3A_436] {strides = array<i32>} : memref<128x128xf32, #tpu.memory_space<vmem>>, vector<1x16xf32>,
      %swap3A_438 = vector.shape_cast %swap3A_437 : vector<1x16xf32> to vector<16xf32>
      %swap3A_439 = vector.shape_cast %add3A_434 : vector<16xf32> to vector<1x16xf32>
      tpu.vector_store %arg6[%swap3A_435, %swap3A_436], %swap3A_439 {strides = array<i32>} : memref<128x128xf32, #tpu.memory_space<vmem>>, vector<1x16xf32>,
      %get3A_440 = arith.index_cast %add3A_321 : i32 to index
      %get3A_441 = arith.constant 80 : index
      %get3A_442 = tpu.vector_load %arg6[%get3A_440, %get3A_441] {strides = array<i32>} : memref<128x128xf32, #tpu.memory_space<vmem>>, vector<1x16xf32>,
      %get3A_443 = vector.shape_cast %get3A_442 : vector<1x16xf32> to vector<16xf32>
      %get3A_444 = arith.index_cast %add3A_321 : i32 to index
      %get3A_445 = arith.constant 80 : index
      %get3A_446 = tpu.vector_load %arg9[%get3A_444, %get3A_445] {strides = array<i32>} : memref<128x128xf32, #tpu.memory_space<vmem>>, vector<1x16xf32>,
      %get3A_447 = vector.shape_cast %get3A_446 : vector<1x16xf32> to vector<16xf32>
      %add3A_448 = arith.addf %get3A_443, %get3A_447 : vector<16xf32>
      %get3A_449 = arith.index_cast %add3A_321 : i32 to index
      %get3A_450 = arith.constant 80 : index
      %get3A_451 = tpu.vector_load %arg10[%get3A_449, %get3A_450] {strides = array<i32>} : memref<128x128xf32, #tpu.memory_space<vmem>>, vector<1x16xf32>,
      %get3A_452 = vector.shape_cast %get3A_451 : vector<1x16xf32> to vector<16xf32>
      %add3A_453 = arith.addf %add3A_448, %get3A_452 : vector<16xf32>
      %get3A_454 = arith.index_cast %add3A_321 : i32 to index
      %get3A_455 = arith.constant 80 : index
      %get3A_456 = tpu.vector_load %arg11[%get3A_454, %get3A_455] {strides = array<i32>} : memref<128x128xf32, #tpu.memory_space<vmem>>, vector<1x16xf32>,
      %get3A_457 = vector.shape_cast %get3A_456 : vector<1x16xf32> to vector<16xf32>
      %add3A_458 = arith.addf %add3A_453, %get3A_457 : vector<16xf32>
      %swap3A_459 = arith.index_cast %add3A_321 : i32 to index
      %swap3A_460 = arith.constant 80 : index
      %swap3A_461 = tpu.vector_load %arg6[%swap3A_459, %swap3A_460] {strides = array<i32>} : memref<128x128xf32, #tpu.memory_space<vmem>>, vector<1x16xf32>,
      %swap3A_462 = vector.shape_cast %swap3A_461 : vector<1x16xf32> to vector<16xf32>
      %swap3A_463 = vector.shape_cast %add3A_458 : vector<16xf32> to vector<1x16xf32>
      tpu.vector_store %arg6[%swap3A_459, %swap3A_460], %swap3A_463 {strides = array<i32>} : memref<128x128xf32, #tpu.memory_space<vmem>>, vector<1x16xf32>,
      %get3A_464 = arith.index_cast %add3A_321 : i32 to index
      %get3A_465 = arith.constant 96 : index
      %get3A_466 = tpu.vector_load %arg6[%get3A_464, %get3A_465] {strides = array<i32>} : memref<128x128xf32, #tpu.memory_space<vmem>>, vector<1x16xf32>,
      %get3A_467 = vector.shape_cast %get3A_466 : vector<1x16xf32> to vector<16xf32>
      %get3A_468 = arith.index_cast %add3A_321 : i32 to index
      %get3A_469 = arith.constant 96 : index
      %get3A_470 = tpu.vector_load %arg9[%get3A_468, %get3A_469] {strides = array<i32>} : memref<128x128xf32, #tpu.memory_space<vmem>>, vector<1x16xf32>,
      %get3A_471 = vector.shape_cast %get3A_470 : vector<1x16xf32> to vector<16xf32>
      %add3A_472 = arith.addf %get3A_467, %get3A_471 : vector<16xf32>
      %get3A_473 = arith.index_cast %add3A_321 : i32 to index
      %get3A_474 = arith.constant 96 : index
      %get3A_475 = tpu.vector_load %arg10[%get3A_473, %get3A_474] {strides = array<i32>} : memref<128x128xf32, #tpu.memory_space<vmem>>, vector<1x16xf32>,
      %get3A_476 = vector.shape_cast %get3A_475 : vector<1x16xf32> to vector<16xf32>
      %add3A_477 = arith.addf %add3A_472, %get3A_476 : vector<16xf32>
      %get3A_478 = arith.index_cast %add3A_321 : i32 to index
      %get3A_479 = arith.constant 96 : index
      %get3A_480 = tpu.vector_load %arg11[%get3A_478, %get3A_479] {strides = array<i32>} : memref<128x128xf32, #tpu.memory_space<vmem>>, vector<1x16xf32>,
      %get3A_481 = vector.shape_cast %get3A_480 : vector<1x16xf32> to vector<16xf32>
      %add3A_482 = arith.addf %add3A_477, %get3A_481 : vector<16xf32>
      %swap3A_483 = arith.index_cast %add3A_321 : i32 to index
      %swap3A_484 = arith.constant 96 : index
      %swap3A_485 = tpu.vector_load %arg6[%swap3A_483, %swap3A_484] {strides = array<i32>} : memref<128x128xf32, #tpu.memory_space<vmem>>, vector<1x16xf32>,
      %swap3A_486 = vector.shape_cast %swap3A_485 : vector<1x16xf32> to vector<16xf32>
      %swap3A_487 = vector.shape_cast %add3A_482 : vector<16xf32> to vector<1x16xf32>
      tpu.vector_store %arg6[%swap3A_483, %swap3A_484], %swap3A_487 {strides = array<i32>} : memref<128x128xf32, #tpu.memory_space<vmem>>, vector<1x16xf32>,
      %get3A_488 = arith.index_cast %add3A_321 : i32 to index
      %get3A_489 = arith.constant 112 : index
      %get3A_490 = tpu.vector_load %arg6[%get3A_488, %get3A_489] {strides = array<i32>} : memref<128x128xf32, #tpu.memory_space<vmem>>, vector<1x16xf32>,
      %get3A_491 = vector.shape_cast %get3A_490 : vector<1x16xf32> to vector<16xf32>
      %get3A_492 = arith.index_cast %add3A_321 : i32 to index
      %get3A_493 = arith.constant 112 : index
      %get3A_494 = tpu.vector_load %arg9[%get3A_492, %get3A_493] {strides = array<i32>} : memref<128x128xf32, #tpu.memory_space<vmem>>, vector<1x16xf32>,
      %get3A_495 = vector.shape_cast %get3A_494 : vector<1x16xf32> to vector<16xf32>
      %add3A_496 = arith.addf %get3A_491, %get3A_495 : vector<16xf32>
      %get3A_497 = arith.index_cast %add3A_321 : i32 to index
      %get3A_498 = arith.constant 112 : index
      %get3A_499 = tpu.vector_load %arg10[%get3A_497, %get3A_498] {strides = array<i32>} : memref<128x128xf32, #tpu.memory_space<vmem>>, vector<1x16xf32>,
      %get3A_500 = vector.shape_cast %get3A_499 : vector<1x16xf32> to vector<16xf32>
      %add3A_501 = arith.addf %add3A_496, %get3A_500 : vector<16xf32>
      %get3A_502 = arith.index_cast %add3A_321 : i32 to index
      %get3A_503 = arith.constant 112 : index
      %get3A_504 = tpu.vector_load %arg11[%get3A_502, %get3A_503] {strides = array<i32>} : memref<128x128xf32, #tpu.memory_space<vmem>>, vector<1x16xf32>,
      %get3A_505 = vector.shape_cast %get3A_504 : vector<1x16xf32> to vector<16xf32>
      %add3A_506 = arith.addf %add3A_501, %get3A_505 : vector<16xf32>
      %swap3A_507 = arith.index_cast %add3A_321 : i32 to index
      %swap3A_508 = arith.constant 112 : index
      %swap3A_509 = tpu.vector_load %arg6[%swap3A_507, %swap3A_508] {strides = array<i32>} : memref<128x128xf32, #tpu.memory_space<vmem>>, vector<1x16xf32>,
      %swap3A_510 = vector.shape_cast %swap3A_509 : vector<1x16xf32> to vector<16xf32>
      %swap3A_511 = vector.shape_cast %add3A_506 : vector<16xf32> to vector<1x16xf32>
      tpu.vector_store %arg6[%swap3A_507, %swap3A_508], %swap3A_511 {strides = array<i32>} : memref<128x128xf32, #tpu.memory_space<vmem>>, vector<1x16xf32>,
      %mul3A_512 = arith.constant 4 : i32
      %mul3A_513 = arith.muli %mul3A_512, %scan3A_316 : i32
      %add3A_514 = arith.constant 1 : i32
      %add3A_515 = arith.addi %mul3A_513, %add3A_514 : i32
      %get3A_516 = arith.index_cast %add3A_515 : i32 to index
      %get3A_517 = arith.constant 0 : index
      %get3A_518 = tpu.vector_load %arg6[%get3A_516, %get3A_517] {strides = array<i32>} : memref<128x128xf32, #tpu.memory_space<vmem>>, vector<1x16xf32>,
      %get3A_519 = vector.shape_cast %get3A_518 : vector<1x16xf32> to vector<16xf32>
      %get3A_520 = arith.index_cast %add3A_515 : i32 to index
      %get3A_521 = arith.constant 0 : index
      %get3A_522 = tpu.vector_load %arg9[%get3A_520, %get3A_521] {strides = array<i32>} : memref<128x128xf32, #tpu.memory_space<vmem>>, vector<1x16xf32>,
      %get3A_523 = vector.shape_cast %get3A_522 : vector<1x16xf32> to vector<16xf32>
      %add3A_524 = arith.addf %get3A_519, %get3A_523 : vector<16xf32>
      %get3A_525 = arith.index_cast %add3A_515 : i32 to index
      %get3A_526 = arith.constant 0 : index
      %get3A_527 = tpu.vector_load %arg10[%get3A_525, %get3A_526] {strides = array<i32>} : memref<128x128xf32, #tpu.memory_space<vmem>>, vector<1x16xf32>,
      %get3A_528 = vector.shape_cast %get3A_527 : vector<1x16xf32> to vector<16xf32>
      %add3A_529 = arith.addf %add3A_524, %get3A_528 : vector<16xf32>
      %get3A_530 = arith.index_cast %add3A_515 : i32 to index
      %get3A_531 = arith.constant 0 : index
      %get3A_532 = tpu.vector_load %arg11[%get3A_530, %get3A_531] {strides = array<i32>} : memref<128x128xf32, #tpu.memory_space<vmem>>, vector<1x16xf32>,
      %get3A_533 = vector.shape_cast %get3A_532 : vector<1x16xf32> to vector<16xf32>
      %add3A_534 = arith.addf %add3A_529, %get3A_533 : vector<16xf32>
      %swap3A_535 = arith.index_cast %add3A_515 : i32 to index
      %swap3A_536 = arith.constant 0 : index
      %swap3A_537 = tpu.vector_load %arg6[%swap3A_535, %swap3A_536] {strides = array<i32>} : memref<128x128xf32, #tpu.memory_space<vmem>>, vector<1x16xf32>,
      %swap3A_538 = vector.shape_cast %swap3A_537 : vector<1x16xf32> to vector<16xf32>
      %swap3A_539 = vector.shape_cast %add3A_534 : vector<16xf32> to vector<1x16xf32>
      tpu.vector_store %arg6[%swap3A_535, %swap3A_536], %swap3A_539 {strides = array<i32>} : memref<128x128xf32, #tpu.memory_space<vmem>>, vector<1x16xf32>,
      %get3A_540 = arith.index_cast %add3A_515 : i32 to index
      %get3A_541 = arith.constant 16 : index
      %get3A_542 = tpu.vector_load %arg6[%get3A_540, %get3A_541] {strides = array<i32>} : memref<128x128xf32, #tpu.memory_space<vmem>>, vector<1x16xf32>,
      %get3A_543 = vector.shape_cast %get3A_542 : vector<1x16xf32> to vector<16xf32>
      %get3A_544 = arith.index_cast %add3A_515 : i32 to index
      %get3A_545 = arith.constant 16 : index
      %get3A_546 = tpu.vector_load %arg9[%get3A_544, %get3A_545] {strides = array<i32>} : memref<128x128xf32, #tpu.memory_space<vmem>>, vector<1x16xf32>,
      %get3A_547 = vector.shape_cast %get3A_546 : vector<1x16xf32> to vector<16xf32>
      %add3A_548 = arith.addf %get3A_543, %get3A_547 : vector<16xf32>
      %get3A_549 = arith.index_cast %add3A_515 : i32 to index
      %get3A_550 = arith.constant 16 : index
      %get3A_551 = tpu.vector_load %arg10[%get3A_549, %get3A_550] {strides = array<i32>} : memref<128x128xf32, #tpu.memory_space<vmem>>, vector<1x16xf32>,
      %get3A_552 = vector.shape_cast %get3A_551 : vector<1x16xf32> to vector<16xf32>
      %add3A_553 = arith.addf %add3A_548, %get3A_552 : vector<16xf32>
      %get3A_554 = arith.index_cast %add3A_515 : i32 to index
      %get3A_555 = arith.constant 16 : index
      %get3A_556 = tpu.vector_load %arg11[%get3A_554, %get3A_555] {strides = array<i32>} : memref<128x128xf32, #tpu.memory_space<vmem>>, vector<1x16xf32>,
      %get3A_557 = vector.shape_cast %get3A_556 : vector<1x16xf32> to vector<16xf32>
      %add3A_558 = arith.addf %add3A_553, %get3A_557 : vector<16xf32>
      %swap3A_559 = arith.index_cast %add3A_515 : i32 to index
      %swap3A_560 = arith.constant 16 : index
      %swap3A_561 = tpu.vector_load %arg6[%swap3A_559, %swap3A_560] {strides = array<i32>} : memref<128x128xf32, #tpu.memory_space<vmem>>, vector<1x16xf32>,
      %swap3A_562 = vector.shape_cast %swap3A_561 : vector<1x16xf32> to vector<16xf32>
      %swap3A_563 = vector.shape_cast %add3A_558 : vector<16xf32> to vector<1x16xf32>
      tpu.vector_store %arg6[%swap3A_559, %swap3A_560], %swap3A_563 {strides = array<i32>} : memref<128x128xf32, #tpu.memory_space<vmem>>, vector<1x16xf32>,
      %get3A_564 = arith.index_cast %add3A_515 : i32 to index
      %get3A_565 = arith.constant 32 : index
      %get3A_566 = tpu.vector_load %arg6[%get3A_564, %get3A_565] {strides = array<i32>} : memref<128x128xf32, #tpu.memory_space<vmem>>, vector<1x16xf32>,
      %get3A_567 = vector.shape_cast %get3A_566 : vector<1x16xf32> to vector<16xf32>
      %get3A_568 = arith.index_cast %add3A_515 : i32 to index
      %get3A_569 = arith.constant 32 : index
      %get3A_570 = tpu.vector_load %arg9[%get3A_568, %get3A_569] {strides = array<i32>} : memref<128x128xf32, #tpu.memory_space<vmem>>, vector<1x16xf32>,
      %get3A_571 = vector.shape_cast %get3A_570 : vector<1x16xf32> to vector<16xf32>
      %add3A_572 = arith.addf %get3A_567, %get3A_571 : vector<16xf32>
      %get3A_573 = arith.index_cast %add3A_515 : i32 to index
      %get3A_574 = arith.constant 32 : index
      %get3A_575 = tpu.vector_load %arg10[%get3A_573, %get3A_574] {strides = array<i32>} : memref<128x128xf32, #tpu.memory_space<vmem>>, vector<1x16xf32>,
      %get3A_576 = vector.shape_cast %get3A_575 : vector<1x16xf32> to vector<16xf32>
      %add3A_577 = arith.addf %add3A_572, %get3A_576 : vector<16xf32>
      %get3A_578 = arith.index_cast %add3A_515 : i32 to index
      %get3A_579 = arith.constant 32 : index
      %get3A_580 = tpu.vector_load %arg11[%get3A_578, %get3A_579] {strides = array<i32>} : memref<128x128xf32, #tpu.memory_space<vmem>>, vector<1x16xf32>,
      %get3A_581 = vector.shape_cast %get3A_580 : vector<1x16xf32> to vector<16xf32>
      %add3A_582 = arith.addf %add3A_577, %get3A_581 : vector<16xf32>
      %swap3A_583 = arith.index_cast %add3A_515 : i32 to index
      %swap3A_584 = arith.constant 32 : index
      %swap3A_585 = tpu.vector_load %arg6[%swap3A_583, %swap3A_584] {strides = array<i32>} : memref<128x128xf32, #tpu.memory_space<vmem>>, vector<1x16xf32>,
      %swap3A_586 = vector.shape_cast %swap3A_585 : vector<1x16xf32> to vector<16xf32>
      %swap3A_587 = vector.shape_cast %add3A_582 : vector<16xf32> to vector<1x16xf32>
      tpu.vector_store %arg6[%swap3A_583, %swap3A_584], %swap3A_587 {strides = array<i32>} : memref<128x128xf32, #tpu.memory_space<vmem>>, vector<1x16xf32>,
      %get3A_588 = arith.index_cast %add3A_515 : i32 to index
      %get3A_589 = arith.constant 48 : index
      %get3A_590 = tpu.vector_load %arg6[%get3A_588, %get3A_589] {strides = array<i32>} : memref<128x128xf32, #tpu.memory_space<vmem>>, vector<1x16xf32>,
      %get3A_591 = vector.shape_cast %get3A_590 : vector<1x16xf32> to vector<16xf32>
      %get3A_592 = arith.index_cast %add3A_515 : i32 to index
      %get3A_593 = arith.constant 48 : index
      %get3A_594 = tpu.vector_load %arg9[%get3A_592, %get3A_593] {strides = array<i32>} : memref<128x128xf32, #tpu.memory_space<vmem>>, vector<1x16xf32>,
      %get3A_595 = vector.shape_cast %get3A_594 : vector<1x16xf32> to vector<16xf32>
      %add3A_596 = arith.addf %get3A_591, %get3A_595 : vector<16xf32>
      %get3A_597 = arith.index_cast %add3A_515 : i32 to index
      %get3A_598 = arith.constant 48 : index
      %get3A_599 = tpu.vector_load %arg10[%get3A_597, %get3A_598] {strides = array<i32>} : memref<128x128xf32, #tpu.memory_space<vmem>>, vector<1x16xf32>,
      %get3A_600 = vector.shape_cast %get3A_599 : vector<1x16xf32> to vector<16xf32>
      %add3A_601 = arith.addf %add3A_596, %get3A_600 : vector<16xf32>
      %get3A_602 = arith.index_cast %add3A_515 : i32 to index
      %get3A_603 = arith.constant 48 : index
      %get3A_604 = tpu.vector_load %arg11[%get3A_602, %get3A_603] {strides = array<i32>} : memref<128x128xf32, #tpu.memory_space<vmem>>, vector<1x16xf32>,
      %get3A_605 = vector.shape_cast %get3A_604 : vector<1x16xf32> to vector<16xf32>
      %add3A_606 = arith.addf %add3A_601, %get3A_605 : vector<16xf32>
      %swap3A_607 = arith.index_cast %add3A_515 : i32 to index
      %swap3A_608 = arith.constant 48 : index
      %swap3A_609 = tpu.vector_load %arg6[%swap3A_607, %swap3A_608] {strides = array<i32>} : memref<128x128xf32, #tpu.memory_space<vmem>>, vector<1x16xf32>,
      %swap3A_610 = vector.shape_cast %swap3A_609 : vector<1x16xf32> to vector<16xf32>
      %swap3A_611 = vector.shape_cast %add3A_606 : vector<16xf32> to vector<1x16xf32>
      tpu.vector_store %arg6[%swap3A_607, %swap3A_608], %swap3A_611 {strides = array<i32>} : memref<128x128xf32, #tpu.memory_space<vmem>>, vector<1x16xf32>,
      %get3A_612 = arith.index_cast %add3A_515 : i32 to index
      %get3A_613 = arith.constant 64 : index
      %get3A_614 = tpu.vector_load %arg6[%get3A_612, %get3A_613] {strides = array<i32>} : memref<128x128xf32, #tpu.memory_space<vmem>>, vector<1x16xf32>,
      %get3A_615 = vector.shape_cast %get3A_614 : vector<1x16xf32> to vector<16xf32>
      %get3A_616 = arith.index_cast %add3A_515 : i32 to index
      %get3A_617 = arith.constant 64 : index
      %get3A_618 = tpu.vector_load %arg9[%get3A_616, %get3A_617] {strides = array<i32>} : memref<128x128xf32, #tpu.memory_space<vmem>>, vector<1x16xf32>,
      %get3A_619 = vector.shape_cast %get3A_618 : vector<1x16xf32> to vector<16xf32>
      %add3A_620 = arith.addf %get3A_615, %get3A_619 : vector<16xf32>
      %get3A_621 = arith.index_cast %add3A_515 : i32 to index
      %get3A_622 = arith.constant 64 : index
      %get3A_623 = tpu.vector_load %arg10[%get3A_621, %get3A_622] {strides = array<i32>} : memref<128x128xf32, #tpu.memory_space<vmem>>, vector<1x16xf32>,
      %get3A_624 = vector.shape_cast %get3A_623 : vector<1x16xf32> to vector<16xf32>
      %add3A_625 = arith.addf %add3A_620, %get3A_624 : vector<16xf32>
      %get3A_626 = arith.index_cast %add3A_515 : i32 to index
      %get3A_627 = arith.constant 64 : index
      %get3A_628 = tpu.vector_load %arg11[%get3A_626, %get3A_627] {strides = array<i32>} : memref<128x128xf32, #tpu.memory_space<vmem>>, vector<1x16xf32>,
      %get3A_629 = vector.shape_cast %get3A_628 : vector<1x16xf32> to vector<16xf32>
      %add3A_630 = arith.addf %add3A_625, %get3A_629 : vector<16xf32>
      %swap3A_631 = arith.index_cast %add3A_515 : i32 to index
      %swap3A_632 = arith.constant 64 : index
      %swap3A_633 = tpu.vector_load %arg6[%swap3A_631, %swap3A_632] {strides = array<i32>} : memref<128x128xf32, #tpu.memory_space<vmem>>, vector<1x16xf32>,
      %swap3A_634 = vector.shape_cast %swap3A_633 : vector<1x16xf32> to vector<16xf32>
      %swap3A_635 = vector.shape_cast %add3A_630 : vector<16xf32> to vector<1x16xf32>
      tpu.vector_store %arg6[%swap3A_631, %swap3A_632], %swap3A_635 {strides = array<i32>} : memref<128x128xf32, #tpu.memory_space<vmem>>, vector<1x16xf32>,
      %get3A_636 = arith.index_cast %add3A_515 : i32 to index
      %get3A_637 = arith.constant 80 : index
      %get3A_638 = tpu.vector_load %arg6[%get3A_636, %get3A_637] {strides = array<i32>} : memref<128x128xf32, #tpu.memory_space<vmem>>, vector<1x16xf32>,
      %get3A_639 = vector.shape_cast %get3A_638 : vector<1x16xf32> to vector<16xf32>
      %get3A_640 = arith.index_cast %add3A_515 : i32 to index
      %get3A_641 = arith.constant 80 : index
      %get3A_642 = tpu.vector_load %arg9[%get3A_640, %get3A_641] {strides = array<i32>} : memref<128x128xf32, #tpu.memory_space<vmem>>, vector<1x16xf32>,
      %get3A_643 = vector.shape_cast %get3A_642 : vector<1x16xf32> to vector<16xf32>
      %add3A_644 = arith.addf %get3A_639, %get3A_643 : vector<16xf32>
      %get3A_645 = arith.index_cast %add3A_515 : i32 to index
      %get3A_646 = arith.constant 80 : index
      %get3A_647 = tpu.vector_load %arg10[%get3A_645, %get3A_646] {strides = array<i32>} : memref<128x128xf32, #tpu.memory_space<vmem>>, vector<1x16xf32>,
      %get3A_648 = vector.shape_cast %get3A_647 : vector<1x16xf32> to vector<16xf32>
      %add3A_649 = arith.addf %add3A_644, %get3A_648 : vector<16xf32>
      %get3A_650 = arith.index_cast %add3A_515 : i32 to index
      %get3A_651 = arith.constant 80 : index
      %get3A_652 = tpu.vector_load %arg11[%get3A_650, %get3A_651] {strides = array<i32>} : memref<128x128xf32, #tpu.memory_space<vmem>>, vector<1x16xf32>,
      %get3A_653 = vector.shape_cast %get3A_652 : vector<1x16xf32> to vector<16xf32>
      %add3A_654 = arith.addf %add3A_649, %get3A_653 : vector<16xf32>
      %swap3A_655 = arith.index_cast %add3A_515 : i32 to index
      %swap3A_656 = arith.constant 80 : index
      %swap3A_657 = tpu.vector_load %arg6[%swap3A_655, %swap3A_656] {strides = array<i32>} : memref<128x128xf32, #tpu.memory_space<vmem>>, vector<1x16xf32>,
      %swap3A_658 = vector.shape_cast %swap3A_657 : vector<1x16xf32> to vector<16xf32>
      %swap3A_659 = vector.shape_cast %add3A_654 : vector<16xf32> to vector<1x16xf32>
      tpu.vector_store %arg6[%swap3A_655, %swap3A_656], %swap3A_659 {strides = array<i32>} : memref<128x128xf32, #tpu.memory_space<vmem>>, vector<1x16xf32>,
      %get3A_660 = arith.index_cast %add3A_515 : i32 to index
      %get3A_661 = arith.constant 96 : index
      %get3A_662 = tpu.vector_load %arg6[%get3A_660, %get3A_661] {strides = array<i32>} : memref<128x128xf32, #tpu.memory_space<vmem>>, vector<1x16xf32>,
      %get3A_663 = vector.shape_cast %get3A_662 : vector<1x16xf32> to vector<16xf32>
      %get3A_664 = arith.index_cast %add3A_515 : i32 to index
      %get3A_665 = arith.constant 96 : index
      %get3A_666 = tpu.vector_load %arg9[%get3A_664, %get3A_665] {strides = array<i32>} : memref<128x128xf32, #tpu.memory_space<vmem>>, vector<1x16xf32>,
      %get3A_667 = vector.shape_cast %get3A_666 : vector<1x16xf32> to vector<16xf32>
      %add3A_668 = arith.addf %get3A_663, %get3A_667 : vector<16xf32>
      %get3A_669 = arith.index_cast %add3A_515 : i32 to index
      %get3A_670 = arith.constant 96 : index
      %get3A_671 = tpu.vector_load %arg10[%get3A_669, %get3A_670] {strides = array<i32>} : memref<128x128xf32, #tpu.memory_space<vmem>>, vector<1x16xf32>,
      %get3A_672 = vector.shape_cast %get3A_671 : vector<1x16xf32> to vector<16xf32>
      %add3A_673 = arith.addf %add3A_668, %get3A_672 : vector<16xf32>
      %get3A_674 = arith.index_cast %add3A_515 : i32 to index
      %get3A_675 = arith.constant 96 : index
      %get3A_676 = tpu.vector_load %arg11[%get3A_674, %get3A_675] {strides = array<i32>} : memref<128x128xf32, #tpu.memory_space<vmem>>, vector<1x16xf32>,
      %get3A_677 = vector.shape_cast %get3A_676 : vector<1x16xf32> to vector<16xf32>
      %add3A_678 = arith.addf %add3A_673, %get3A_677 : vector<16xf32>
      %swap3A_679 = arith.index_cast %add3A_515 : i32 to index
      %swap3A_680 = arith.constant 96 : index
      %swap3A_681 = tpu.vector_load %arg6[%swap3A_679, %swap3A_680] {strides = array<i32>} : memref<128x128xf32, #tpu.memory_space<vmem>>, vector<1x16xf32>,
      %swap3A_682 = vector.shape_cast %swap3A_681 : vector<1x16xf32> to vector<16xf32>
      %swap3A_683 = vector.shape_cast %add3A_678 : vector<16xf32> to vector<1x16xf32>
      tpu.vector_store %arg6[%swap3A_679, %swap3A_680], %swap3A_683 {strides = array<i32>} : memref<128x128xf32, #tpu.memory_space<vmem>>, vector<1x16xf32>,
      %get3A_684 = arith.index_cast %add3A_515 : i32 to index
      %get3A_685 = arith.constant 112 : index
      %get3A_686 = tpu.vector_load %arg6[%get3A_684, %get3A_685] {strides = array<i32>} : memref<128x128xf32, #tpu.memory_space<vmem>>, vector<1x16xf32>,
      %get3A_687 = vector.shape_cast %get3A_686 : vector<1x16xf32> to vector<16xf32>
      %get3A_688 = arith.index_cast %add3A_515 : i32 to index
      %get3A_689 = arith.constant 112 : index
      %get3A_690 = tpu.vector_load %arg9[%get3A_688, %get3A_689] {strides = array<i32>} : memref<128x128xf32, #tpu.memory_space<vmem>>, vector<1x16xf32>,
      %get3A_691 = vector.shape_cast %get3A_690 : vector<1x16xf32> to vector<16xf32>
      %add3A_692 = arith.addf %get3A_687, %get3A_691 : vector<16xf32>
      %get3A_693 = arith.index_cast %add3A_515 : i32 to index
      %get3A_694 = arith.constant 112 : index
      %get3A_695 = tpu.vector_load %arg10[%get3A_693, %get3A_694] {strides = array<i32>} : memref<128x128xf32, #tpu.memory_space<vmem>>, vector<1x16xf32>,
      %get3A_696 = vector.shape_cast %get3A_695 : vector<1x16xf32> to vector<16xf32>
      %add3A_697 = arith.addf %add3A_692, %get3A_696 : vector<16xf32>
      %get3A_698 = arith.index_cast %add3A_515 : i32 to index
      %get3A_699 = arith.constant 112 : index
      %get3A_700 = tpu.vector_load %arg11[%get3A_698, %get3A_699] {strides = array<i32>} : memref<128x128xf32, #tpu.memory_space<vmem>>, vector<1x16xf32>,
      %get3A_701 = vector.shape_cast %get3A_700 : vector<1x16xf32> to vector<16xf32>
      %add3A_702 = arith.addf %add3A_697, %get3A_701 : vector<16xf32>
      %swap3A_703 = arith.index_cast %add3A_515 : i32 to index
      %swap3A_704 = arith.constant 112 : index
      %swap3A_705 = tpu.vector_load %arg6[%swap3A_703, %swap3A_704] {strides = array<i32>} : memref<128x128xf32, #tpu.memory_space<vmem>>, vector<1x16xf32>,
      %swap3A_706 = vector.shape_cast %swap3A_705 : vector<1x16xf32> to vector<16xf32>
      %swap3A_707 = vector.shape_cast %add3A_702 : vector<16xf32> to vector<1x16xf32>
      tpu.vector_store %arg6[%swap3A_703, %swap3A_704], %swap3A_707 {strides = array<i32>} : memref<128x128xf32, #tpu.memory_space<vmem>>, vector<1x16xf32>,
      %mul3A_708 = arith.constant 4 : i32
      %mul3A_709 = arith.muli %mul3A_708, %scan3A_316 : i32
      %add3A_710 = arith.constant 2 : i32
      %add3A_711 = arith.addi %mul3A_709, %add3A_710 : i32
      %get3A_712 = arith.index_cast %add3A_711 : i32 to index
      %get3A_713 = arith.constant 0 : index
      %get3A_714 = tpu.vector_load %arg6[%get3A_712, %get3A_713] {strides = array<i32>} : memref<128x128xf32, #tpu.memory_space<vmem>>, vector<1x16xf32>,
      %get3A_715 = vector.shape_cast %get3A_714 : vector<1x16xf32> to vector<16xf32>
      %get3A_716 = arith.index_cast %add3A_711 : i32 to index
      %get3A_717 = arith.constant 0 : index
      %get3A_718 = tpu.vector_load %arg9[%get3A_716, %get3A_717] {strides = array<i32>} : memref<128x128xf32, #tpu.memory_space<vmem>>, vector<1x16xf32>,
      %get3A_719 = vector.shape_cast %get3A_718 : vector<1x16xf32> to vector<16xf32>
      %add3A_720 = arith.addf %get3A_715, %get3A_719 : vector<16xf32>
      %get3A_721 = arith.index_cast %add3A_711 : i32 to index
      %get3A_722 = arith.constant 0 : index
      %get3A_723 = tpu.vector_load %arg10[%get3A_721, %get3A_722] {strides = array<i32>} : memref<128x128xf32, #tpu.memory_space<vmem>>, vector<1x16xf32>,
      %get3A_724 = vector.shape_cast %get3A_723 : vector<1x16xf32> to vector<16xf32>
      %add3A_725 = arith.addf %add3A_720, %get3A_724 : vector<16xf32>
      %get3A_726 = arith.index_cast %add3A_711 : i32 to index
      %get3A_727 = arith.constant 0 : index
      %get3A_728 = tpu.vector_load %arg11[%get3A_726, %get3A_727] {strides = array<i32>} : memref<128x128xf32, #tpu.memory_space<vmem>>, vector<1x16xf32>,
      %get3A_729 = vector.shape_cast %get3A_728 : vector<1x16xf32> to vector<16xf32>
      %add3A_730 = arith.addf %add3A_725, %get3A_729 : vector<16xf32>
      %swap3A_731 = arith.index_cast %add3A_711 : i32 to index
      %swap3A_732 = arith.constant 0 : index
      %swap3A_733 = tpu.vector_load %arg6[%swap3A_731, %swap3A_732] {strides = array<i32>} : memref<128x128xf32, #tpu.memory_space<vmem>>, vector<1x16xf32>,
      %swap3A_734 = vector.shape_cast %swap3A_733 : vector<1x16xf32> to vector<16xf32>
      %swap3A_735 = vector.shape_cast %add3A_730 : vector<16xf32> to vector<1x16xf32>
      tpu.vector_store %arg6[%swap3A_731, %swap3A_732], %swap3A_735 {strides = array<i32>} : memref<128x128xf32, #tpu.memory_space<vmem>>, vector<1x16xf32>,
      %get3A_736 = arith.index_cast %add3A_711 : i32 to index
      %get3A_737 = arith.constant 16 : index
      %get3A_738 = tpu.vector_load %arg6[%get3A_736, %get3A_737] {strides = array<i32>} : memref<128x128xf32, #tpu.memory_space<vmem>>, vector<1x16xf32>,
      %get3A_739 = vector.shape_cast %get3A_738 : vector<1x16xf32> to vector<16xf32>
      %get3A_740 = arith.index_cast %add3A_711 : i32 to index
      %get3A_741 = arith.constant 16 : index
      %get3A_742 = tpu.vector_load %arg9[%get3A_740, %get3A_741] {strides = array<i32>} : memref<128x128xf32, #tpu.memory_space<vmem>>, vector<1x16xf32>,
      %get3A_743 = vector.shape_cast %get3A_742 : vector<1x16xf32> to vector<16xf32>
      %add3A_744 = arith.addf %get3A_739, %get3A_743 : vector<16xf32>
      %get3A_745 = arith.index_cast %add3A_711 : i32 to index
      %get3A_746 = arith.constant 16 : index
      %get3A_747 = tpu.vector_load %arg10[%get3A_745, %get3A_746] {strides = array<i32>} : memref<128x128xf32, #tpu.memory_space<vmem>>, vector<1x16xf32>,
      %get3A_748 = vector.shape_cast %get3A_747 : vector<1x16xf32> to vector<16xf32>
      %add3A_749 = arith.addf %add3A_744, %get3A_748 : vector<16xf32>
      %get3A_750 = arith.index_cast %add3A_711 : i32 to index
      %get3A_751 = arith.constant 16 : index
      %get3A_752 = tpu.vector_load %arg11[%get3A_750, %get3A_751] {strides = array<i32>} : memref<128x128xf32, #tpu.memory_space<vmem>>, vector<1x16xf32>,
      %get3A_753 = vector.shape_cast %get3A_752 : vector<1x16xf32> to vector<16xf32>
      %add3A_754 = arith.addf %add3A_749, %get3A_753 : vector<16xf32>
      %swap3A_755 = arith.index_cast %add3A_711 : i32 to index
      %swap3A_756 = arith.constant 16 : index
      %swap3A_757 = tpu.vector_load %arg6[%swap3A_755, %swap3A_756] {strides = array<i32>} : memref<128x128xf32, #tpu.memory_space<vmem>>, vector<1x16xf32>,
      %swap3A_758 = vector.shape_cast %swap3A_757 : vector<1x16xf32> to vector<16xf32>
      %swap3A_759 = vector.shape_cast %add3A_754 : vector<16xf32> to vector<1x16xf32>
      tpu.vector_store %arg6[%swap3A_755, %swap3A_756], %swap3A_759 {strides = array<i32>} : memref<128x128xf32, #tpu.memory_space<vmem>>, vector<1x16xf32>,
      %get3A_760 = arith.index_cast %add3A_711 : i32 to index
      %get3A_761 = arith.constant 32 : index
      %get3A_762 = tpu.vector_load %arg6[%get3A_760, %get3A_761] {strides = array<i32>} : memref<128x128xf32, #tpu.memory_space<vmem>>, vector<1x16xf32>,
      %get3A_763 = vector.shape_cast %get3A_762 : vector<1x16xf32> to vector<16xf32>
      %get3A_764 = arith.index_cast %add3A_711 : i32 to index
      %get3A_765 = arith.constant 32 : index
      %get3A_766 = tpu.vector_load %arg9[%get3A_764, %get3A_765] {strides = array<i32>} : memref<128x128xf32, #tpu.memory_space<vmem>>, vector<1x16xf32>,
      %get3A_767 = vector.shape_cast %get3A_766 : vector<1x16xf32> to vector<16xf32>
      %add3A_768 = arith.addf %get3A_763, %get3A_767 : vector<16xf32>
      %get3A_769 = arith.index_cast %add3A_711 : i32 to index
      %get3A_770 = arith.constant 32 : index
      %get3A_771 = tpu.vector_load %arg10[%get3A_769, %get3A_770] {strides = array<i32>} : memref<128x128xf32, #tpu.memory_space<vmem>>, vector<1x16xf32>,
      %get3A_772 = vector.shape_cast %get3A_771 : vector<1x16xf32> to vector<16xf32>
      %add3A_773 = arith.addf %add3A_768, %get3A_772 : vector<16xf32>
      %get3A_774 = arith.index_cast %add3A_711 : i32 to index
      %get3A_775 = arith.constant 32 : index
      %get3A_776 = tpu.vector_load %arg11[%get3A_774, %get3A_775] {strides = array<i32>} : memref<128x128xf32, #tpu.memory_space<vmem>>, vector<1x16xf32>,
      %get3A_777 = vector.shape_cast %get3A_776 : vector<1x16xf32> to vector<16xf32>
      %add3A_778 = arith.addf %add3A_773, %get3A_777 : vector<16xf32>
      %swap3A_779 = arith.index_cast %add3A_711 : i32 to index
      %swap3A_780 = arith.constant 32 : index
      %swap3A_781 = tpu.vector_load %arg6[%swap3A_779, %swap3A_780] {strides = array<i32>} : memref<128x128xf32, #tpu.memory_space<vmem>>, vector<1x16xf32>,
      %swap3A_782 = vector.shape_cast %swap3A_781 : vector<1x16xf32> to vector<16xf32>
      %swap3A_783 = vector.shape_cast %add3A_778 : vector<16xf32> to vector<1x16xf32>
      tpu.vector_store %arg6[%swap3A_779, %swap3A_780], %swap3A_783 {strides = array<i32>} : memref<128x128xf32, #tpu.memory_space<vmem>>, vector<1x16xf32>,
      %get3A_784 = arith.index_cast %add3A_711 : i32 to index
      %get3A_785 = arith.constant 48 : index
      %get3A_786 = tpu.vector_load %arg6[%get3A_784, %get3A_785] {strides = array<i32>} : memref<128x128xf32, #tpu.memory_space<vmem>>, vector<1x16xf32>,
      %get3A_787 = vector.shape_cast %get3A_786 : vector<1x16xf32> to vector<16xf32>
      %get3A_788 = arith.index_cast %add3A_711 : i32 to index
      %get3A_789 = arith.constant 48 : index
      %get3A_790 = tpu.vector_load %arg9[%get3A_788, %get3A_789] {strides = array<i32>} : memref<128x128xf32, #tpu.memory_space<vmem>>, vector<1x16xf32>,
      %get3A_791 = vector.shape_cast %get3A_790 : vector<1x16xf32> to vector<16xf32>
      %add3A_792 = arith.addf %get3A_787, %get3A_791 : vector<16xf32>
      %get3A_793 = arith.index_cast %add3A_711 : i32 to index
      %get3A_794 = arith.constant 48 : index
      %get3A_795 = tpu.vector_load %arg10[%get3A_793, %get3A_794] {strides = array<i32>} : memref<128x128xf32, #tpu.memory_space<vmem>>, vector<1x16xf32>,
      %get3A_796 = vector.shape_cast %get3A_795 : vector<1x16xf32> to vector<16xf32>
      %add3A_797 = arith.addf %add3A_792, %get3A_796 : vector<16xf32>
      %get3A_798 = arith.index_cast %add3A_711 : i32 to index
      %get3A_799 = arith.constant 48 : index
      %get3A_800 = tpu.vector_load %arg11[%get3A_798, %get3A_799] {strides = array<i32>} : memref<128x128xf32, #tpu.memory_space<vmem>>, vector<1x16xf32>,
      %get3A_801 = vector.shape_cast %get3A_800 : vector<1x16xf32> to vector<16xf32>
      %add3A_802 = arith.addf %add3A_797, %get3A_801 : vector<16xf32>
      %swap3A_803 = arith.index_cast %add3A_711 : i32 to index
      %swap3A_804 = arith.constant 48 : index
      %swap3A_805 = tpu.vector_load %arg6[%swap3A_803, %swap3A_804] {strides = array<i32>} : memref<128x128xf32, #tpu.memory_space<vmem>>, vector<1x16xf32>,
      %swap3A_806 = vector.shape_cast %swap3A_805 : vector<1x16xf32> to vector<16xf32>
      %swap3A_807 = vector.shape_cast %add3A_802 : vector<16xf32> to vector<1x16xf32>
      tpu.vector_store %arg6[%swap3A_803, %swap3A_804], %swap3A_807 {strides = array<i32>} : memref<128x128xf32, #tpu.memory_space<vmem>>, vector<1x16xf32>,
      %get3A_808 = arith.index_cast %add3A_711 : i32 to index
      %get3A_809 = arith.constant 64 : index
      %get3A_810 = tpu.vector_load %arg6[%get3A_808, %get3A_809] {strides = array<i32>} : memref<128x128xf32, #tpu.memory_space<vmem>>, vector<1x16xf32>,
      %get3A_811 = vector.shape_cast %get3A_810 : vector<1x16xf32> to vector<16xf32>
      %get3A_812 = arith.index_cast %add3A_711 : i32 to index
      %get3A_813 = arith.constant 64 : index
      %get3A_814 = tpu.vector_load %arg9[%get3A_812, %get3A_813] {strides = array<i32>} : memref<128x128xf32, #tpu.memory_space<vmem>>, vector<1x16xf32>,
      %get3A_815 = vector.shape_cast %get3A_814 : vector<1x16xf32> to vector<16xf32>
      %add3A_816 = arith.addf %get3A_811, %get3A_815 : vector<16xf32>
      %get3A_817 = arith.index_cast %add3A_711 : i32 to index
      %get3A_818 = arith.constant 64 : index
      %get3A_819 = tpu.vector_load %arg10[%get3A_817, %get3A_818] {strides = array<i32>} : memref<128x128xf32, #tpu.memory_space<vmem>>, vector<1x16xf32>,
      %get3A_820 = vector.shape_cast %get3A_819 : vector<1x16xf32> to vector<16xf32>
      %add3A_821 = arith.addf %add3A_816, %get3A_820 : vector<16xf32>
      %get3A_822 = arith.index_cast %add3A_711 : i32 to index
      %get3A_823 = arith.constant 64 : index
      %get3A_824 = tpu.vector_load %arg11[%get3A_822, %get3A_823] {strides = array<i32>} : memref<128x128xf32, #tpu.memory_space<vmem>>, vector<1x16xf32>,
      %get3A_825 = vector.shape_cast %get3A_824 : vector<1x16xf32> to vector<16xf32>
      %add3A_826 = arith.addf %add3A_821, %get3A_825 : vector<16xf32>
      %swap3A_827 = arith.index_cast %add3A_711 : i32 to index
      %swap3A_828 = arith.constant 64 : index
      %swap3A_829 = tpu.vector_load %arg6[%swap3A_827, %swap3A_828] {strides = array<i32>} : memref<128x128xf32, #tpu.memory_space<vmem>>, vector<1x16xf32>,
      %swap3A_830 = vector.shape_cast %swap3A_829 : vector<1x16xf32> to vector<16xf32>
      %swap3A_831 = vector.shape_cast %add3A_826 : vector<16xf32> to vector<1x16xf32>
      tpu.vector_store %arg6[%swap3A_827, %swap3A_828], %swap3A_831 {strides = array<i32>} : memref<128x128xf32, #tpu.memory_space<vmem>>, vector<1x16xf32>,
      %get3A_832 = arith.index_cast %add3A_711 : i32 to index
      %get3A_833 = arith.constant 80 : index
      %get3A_834 = tpu.vector_load %arg6[%get3A_832, %get3A_833] {strides = array<i32>} : memref<128x128xf32, #tpu.memory_space<vmem>>, vector<1x16xf32>,
      %get3A_835 = vector.shape_cast %get3A_834 : vector<1x16xf32> to vector<16xf32>
      %get3A_836 = arith.index_cast %add3A_711 : i32 to index
      %get3A_837 = arith.constant 80 : index
      %get3A_838 = tpu.vector_load %arg9[%get3A_836, %get3A_837] {strides = array<i32>} : memref<128x128xf32, #tpu.memory_space<vmem>>, vector<1x16xf32>,
      %get3A_839 = vector.shape_cast %get3A_838 : vector<1x16xf32> to vector<16xf32>
      %add3A_840 = arith.addf %get3A_835, %get3A_839 : vector<16xf32>
      %get3A_841 = arith.index_cast %add3A_711 : i32 to index
      %get3A_842 = arith.constant 80 : index
      %get3A_843 = tpu.vector_load %arg10[%get3A_841, %get3A_842] {strides = array<i32>} : memref<128x128xf32, #tpu.memory_space<vmem>>, vector<1x16xf32>,
      %get3A_844 = vector.shape_cast %get3A_843 : vector<1x16xf32> to vector<16xf32>
      %add3A_845 = arith.addf %add3A_840, %get3A_844 : vector<16xf32>
      %get3A_846 = arith.index_cast %add3A_711 : i32 to index
      %get3A_847 = arith.constant 80 : index
      %get3A_848 = tpu.vector_load %arg11[%get3A_846, %get3A_847] {strides = array<i32>} : memref<128x128xf32, #tpu.memory_space<vmem>>, vector<1x16xf32>,
      %get3A_849 = vector.shape_cast %get3A_848 : vector<1x16xf32> to vector<16xf32>
      %add3A_850 = arith.addf %add3A_845, %get3A_849 : vector<16xf32>
      %swap3A_851 = arith.index_cast %add3A_711 : i32 to index
      %swap3A_852 = arith.constant 80 : index
      %swap3A_853 = tpu.vector_load %arg6[%swap3A_851, %swap3A_852] {strides = array<i32>} : memref<128x128xf32, #tpu.memory_space<vmem>>, vector<1x16xf32>,
      %swap3A_854 = vector.shape_cast %swap3A_853 : vector<1x16xf32> to vector<16xf32>
      %swap3A_855 = vector.shape_cast %add3A_850 : vector<16xf32> to vector<1x16xf32>
      tpu.vector_store %arg6[%swap3A_851, %swap3A_852], %swap3A_855 {strides = array<i32>} : memref<128x128xf32, #tpu.memory_space<vmem>>, vector<1x16xf32>,
      %get3A_856 = arith.index_cast %add3A_711 : i32 to index
      %get3A_857 = arith.constant 96 : index
      %get3A_858 = tpu.vector_load %arg6[%get3A_856, %get3A_857] {strides = array<i32>} : memref<128x128xf32, #tpu.memory_space<vmem>>, vector<1x16xf32>,
      %get3A_859 = vector.shape_cast %get3A_858 : vector<1x16xf32> to vector<16xf32>
      %get3A_860 = arith.index_cast %add3A_711 : i32 to index
      %get3A_861 = arith.constant 96 : index
      %get3A_862 = tpu.vector_load %arg9[%get3A_860, %get3A_861] {strides = array<i32>} : memref<128x128xf32, #tpu.memory_space<vmem>>, vector<1x16xf32>,
      %get3A_863 = vector.shape_cast %get3A_862 : vector<1x16xf32> to vector<16xf32>
      %add3A_864 = arith.addf %get3A_859, %get3A_863 : vector<16xf32>
      %get3A_865 = arith.index_cast %add3A_711 : i32 to index
      %get3A_866 = arith.constant 96 : index
      %get3A_867 = tpu.vector_load %arg10[%get3A_865, %get3A_866] {strides = array<i32>} : memref<128x128xf32, #tpu.memory_space<vmem>>, vector<1x16xf32>,
      %get3A_868 = vector.shape_cast %get3A_867 : vector<1x16xf32> to vector<16xf32>
      %add3A_869 = arith.addf %add3A_864, %get3A_868 : vector<16xf32>
      %get3A_870 = arith.index_cast %add3A_711 : i32 to index
      %get3A_871 = arith.constant 96 : index
      %get3A_872 = tpu.vector_load %arg11[%get3A_870, %get3A_871] {strides = array<i32>} : memref<128x128xf32, #tpu.memory_space<vmem>>, vector<1x16xf32>,
      %get3A_873 = vector.shape_cast %get3A_872 : vector<1x16xf32> to vector<16xf32>
      %add3A_874 = arith.addf %add3A_869, %get3A_873 : vector<16xf32>
      %swap3A_875 = arith.index_cast %add3A_711 : i32 to index
      %swap3A_876 = arith.constant 96 : index
      %swap3A_877 = tpu.vector_load %arg6[%swap3A_875, %swap3A_876] {strides = array<i32>} : memref<128x128xf32, #tpu.memory_space<vmem>>, vector<1x16xf32>,
      %swap3A_878 = vector.shape_cast %swap3A_877 : vector<1x16xf32> to vector<16xf32>
      %swap3A_879 = vector.shape_cast %add3A_874 : vector<16xf32> to vector<1x16xf32>
      tpu.vector_store %arg6[%swap3A_875, %swap3A_876], %swap3A_879 {strides = array<i32>} : memref<128x128xf32, #tpu.memory_space<vmem>>, vector<1x16xf32>,
      %get3A_880 = arith.index_cast %add3A_711 : i32 to index
      %get3A_881 = arith.constant 112 : index
      %get3A_882 = tpu.vector_load %arg6[%get3A_880, %get3A_881] {strides = array<i32>} : memref<128x128xf32, #tpu.memory_space<vmem>>, vector<1x16xf32>,
      %get3A_883 = vector.shape_cast %get3A_882 : vector<1x16xf32> to vector<16xf32>
      %get3A_884 = arith.index_cast %add3A_711 : i32 to index
      %get3A_885 = arith.constant 112 : index
      %get3A_886 = tpu.vector_load %arg9[%get3A_884, %get3A_885] {strides = array<i32>} : memref<128x128xf32, #tpu.memory_space<vmem>>, vector<1x16xf32>,
      %get3A_887 = vector.shape_cast %get3A_886 : vector<1x16xf32> to vector<16xf32>
      %add3A_888 = arith.addf %get3A_883, %get3A_887 : vector<16xf32>
      %get3A_889 = arith.index_cast %add3A_711 : i32 to index
      %get3A_890 = arith.constant 112 : index
      %get3A_891 = tpu.vector_load %arg10[%get3A_889, %get3A_890] {strides = array<i32>} : memref<128x128xf32, #tpu.memory_space<vmem>>, vector<1x16xf32>,
      %get3A_892 = vector.shape_cast %get3A_891 : vector<1x16xf32> to vector<16xf32>
      %add3A_893 = arith.addf %add3A_888, %get3A_892 : vector<16xf32>
      %get3A_894 = arith.index_cast %add3A_711 : i32 to index
      %get3A_895 = arith.constant 112 : index
      %get3A_896 = tpu.vector_load %arg11[%get3A_894, %get3A_895] {strides = array<i32>} : memref<128x128xf32, #tpu.memory_space<vmem>>, vector<1x16xf32>,
      %get3A_897 = vector.shape_cast %get3A_896 : vector<1x16xf32> to vector<16xf32>
      %add3A_898 = arith.addf %add3A_893, %get3A_897 : vector<16xf32>
      %swap3A_899 = arith.index_cast %add3A_711 : i32 to index
      %swap3A_900 = arith.constant 112 : index
      %swap3A_901 = tpu.vector_load %arg6[%swap3A_899, %swap3A_900] {strides = array<i32>} : memref<128x128xf32, #tpu.memory_space<vmem>>, vector<1x16xf32>,
      %swap3A_902 = vector.shape_cast %swap3A_901 : vector<1x16xf32> to vector<16xf32>
      %swap3A_903 = vector.shape_cast %add3A_898 : vector<16xf32> to vector<1x16xf32>
      tpu.vector_store %arg6[%swap3A_899, %swap3A_900], %swap3A_903 {strides = array<i32>} : memref<128x128xf32, #tpu.memory_space<vmem>>, vector<1x16xf32>,
      %mul3A_904 = arith.constant 4 : i32
      %mul3A_905 = arith.muli %mul3A_904, %scan3A_316 : i32
      %add3A_906 = arith.constant 3 : i32
      %add3A_907 = arith.addi %mul3A_905, %add3A_906 : i32
      %get3A_908 = arith.index_cast %add3A_907 : i32 to index
      %get3A_909 = arith.constant 0 : index
      %get3A_910 = tpu.vector_load %arg6[%get3A_908, %get3A_909] {strides = array<i32>} : memref<128x128xf32, #tpu.memory_space<vmem>>, vector<1x16xf32>,
      %get3A_911 = vector.shape_cast %get3A_910 : vector<1x16xf32> to vector<16xf32>
      %get3A_912 = arith.index_cast %add3A_907 : i32 to index
      %get3A_913 = arith.constant 0 : index
      %get3A_914 = tpu.vector_load %arg9[%get3A_912, %get3A_913] {strides = array<i32>} : memref<128x128xf32, #tpu.memory_space<vmem>>, vector<1x16xf32>,
      %get3A_915 = vector.shape_cast %get3A_914 : vector<1x16xf32> to vector<16xf32>
      %add3A_916 = arith.addf %get3A_911, %get3A_915 : vector<16xf32>
      %get3A_917 = arith.index_cast %add3A_907 : i32 to index
      %get3A_918 = arith.constant 0 : index
      %get3A_919 = tpu.vector_load %arg10[%get3A_917, %get3A_918] {strides = array<i32>} : memref<128x128xf32, #tpu.memory_space<vmem>>, vector<1x16xf32>,
      %get3A_920 = vector.shape_cast %get3A_919 : vector<1x16xf32> to vector<16xf32>
      %add3A_921 = arith.addf %add3A_916, %get3A_920 : vector<16xf32>
      %get3A_922 = arith.index_cast %add3A_907 : i32 to index
      %get3A_923 = arith.constant 0 : index
      %get3A_924 = tpu.vector_load %arg11[%get3A_922, %get3A_923] {strides = array<i32>} : memref<128x128xf32, #tpu.memory_space<vmem>>, vector<1x16xf32>,
      %get3A_925 = vector.shape_cast %get3A_924 : vector<1x16xf32> to vector<16xf32>
      %add3A_926 = arith.addf %add3A_921, %get3A_925 : vector<16xf32>
      %swap3A_927 = arith.index_cast %add3A_907 : i32 to index
      %swap3A_928 = arith.constant 0 : index
      %swap3A_929 = tpu.vector_load %arg6[%swap3A_927, %swap3A_928] {strides = array<i32>} : memref<128x128xf32, #tpu.memory_space<vmem>>, vector<1x16xf32>,
      %swap3A_930 = vector.shape_cast %swap3A_929 : vector<1x16xf32> to vector<16xf32>
      %swap3A_931 = vector.shape_cast %add3A_926 : vector<16xf32> to vector<1x16xf32>
      tpu.vector_store %arg6[%swap3A_927, %swap3A_928], %swap3A_931 {strides = array<i32>} : memref<128x128xf32, #tpu.memory_space<vmem>>, vector<1x16xf32>,
      %get3A_932 = arith.index_cast %add3A_907 : i32 to index
      %get3A_933 = arith.constant 16 : index
      %get3A_934 = tpu.vector_load %arg6[%get3A_932, %get3A_933] {strides = array<i32>} : memref<128x128xf32, #tpu.memory_space<vmem>>, vector<1x16xf32>,
      %get3A_935 = vector.shape_cast %get3A_934 : vector<1x16xf32> to vector<16xf32>
      %get3A_936 = arith.index_cast %add3A_907 : i32 to index
      %get3A_937 = arith.constant 16 : index
      %get3A_938 = tpu.vector_load %arg9[%get3A_936, %get3A_937] {strides = array<i32>} : memref<128x128xf32, #tpu.memory_space<vmem>>, vector<1x16xf32>,
      %get3A_939 = vector.shape_cast %get3A_938 : vector<1x16xf32> to vector<16xf32>
      %add3A_940 = arith.addf %get3A_935, %get3A_939 : vector<16xf32>
      %get3A_941 = arith.index_cast %add3A_907 : i32 to index
      %get3A_942 = arith.constant 16 : index
      %get3A_943 = tpu.vector_load %arg10[%get3A_941, %get3A_942] {strides = array<i32>} : memref<128x128xf32, #tpu.memory_space<vmem>>, vector<1x16xf32>,
      %get3A_944 = vector.shape_cast %get3A_943 : vector<1x16xf32> to vector<16xf32>
      %add3A_945 = arith.addf %add3A_940, %get3A_944 : vector<16xf32>
      %get3A_946 = arith.index_cast %add3A_907 : i32 to index
      %get3A_947 = arith.constant 16 : index
      %get3A_948 = tpu.vector_load %arg11[%get3A_946, %get3A_947] {strides = array<i32>} : memref<128x128xf32, #tpu.memory_space<vmem>>, vector<1x16xf32>,
      %get3A_949 = vector.shape_cast %get3A_948 : vector<1x16xf32> to vector<16xf32>
      %add3A_950 = arith.addf %add3A_945, %get3A_949 : vector<16xf32>
      %swap3A_951 = arith.index_cast %add3A_907 : i32 to index
      %swap3A_952 = arith.constant 16 : index
      %swap3A_953 = tpu.vector_load %arg6[%swap3A_951, %swap3A_952] {strides = array<i32>} : memref<128x128xf32, #tpu.memory_space<vmem>>, vector<1x16xf32>,
      %swap3A_954 = vector.shape_cast %swap3A_953 : vector<1x16xf32> to vector<16xf32>
      %swap3A_955 = vector.shape_cast %add3A_950 : vector<16xf32> to vector<1x16xf32>
      tpu.vector_store %arg6[%swap3A_951, %swap3A_952], %swap3A_955 {strides = array<i32>} : memref<128x128xf32, #tpu.memory_space<vmem>>, vector<1x16xf32>,
      %get3A_956 = arith.index_cast %add3A_907 : i32 to index
      %get3A_957 = arith.constant 32 : index
      %get3A_958 = tpu.vector_load %arg6[%get3A_956, %get3A_957] {strides = array<i32>} : memref<128x128xf32, #tpu.memory_space<vmem>>, vector<1x16xf32>,
      %get3A_959 = vector.shape_cast %get3A_958 : vector<1x16xf32> to vector<16xf32>
      %get3A_960 = arith.index_cast %add3A_907 : i32 to index
      %get3A_961 = arith.constant 32 : index
      %get3A_962 = tpu.vector_load %arg9[%get3A_960, %get3A_961] {strides = array<i32>} : memref<128x128xf32, #tpu.memory_space<vmem>>, vector<1x16xf32>,
      %get3A_963 = vector.shape_cast %get3A_962 : vector<1x16xf32> to vector<16xf32>
      %add3A_964 = arith.addf %get3A_959, %get3A_963 : vector<16xf32>
      %get3A_965 = arith.index_cast %add3A_907 : i32 to index
      %get3A_966 = arith.constant 32 : index
      %get3A_967 = tpu.vector_load %arg10[%get3A_965, %get3A_966] {strides = array<i32>} : memref<128x128xf32, #tpu.memory_space<vmem>>, vector<1x16xf32>,
      %get3A_968 = vector.shape_cast %get3A_967 : vector<1x16xf32> to vector<16xf32>
      %add3A_969 = arith.addf %add3A_964, %get3A_968 : vector<16xf32>
      %get3A_970 = arith.index_cast %add3A_907 : i32 to index
      %get3A_971 = arith.constant 32 : index
      %get3A_972 = tpu.vector_load %arg11[%get3A_970, %get3A_971] {strides = array<i32>} : memref<128x128xf32, #tpu.memory_space<vmem>>, vector<1x16xf32>,
      %get3A_973 = vector.shape_cast %get3A_972 : vector<1x16xf32> to vector<16xf32>
      %add3A_974 = arith.addf %add3A_969, %get3A_973 : vector<16xf32>
      %swap3A_975 = arith.index_cast %add3A_907 : i32 to index
      %swap3A_976 = arith.constant 32 : index
      %swap3A_977 = tpu.vector_load %arg6[%swap3A_975, %swap3A_976] {strides = array<i32>} : memref<128x128xf32, #tpu.memory_space<vmem>>, vector<1x16xf32>,
      %swap3A_978 = vector.shape_cast %swap3A_977 : vector<1x16xf32> to vector<16xf32>
      %swap3A_979 = vector.shape_cast %add3A_974 : vector<16xf32> to vector<1x16xf32>
      tpu.vector_store %arg6[%swap3A_975, %swap3A_976], %swap3A_979 {strides = array<i32>} : memref<128x128xf32, #tpu.memory_space<vmem>>, vector<1x16xf32>,
      %get3A_980 = arith.index_cast %add3A_907 : i32 to index
      %get3A_981 = arith.constant 48 : index
      %get3A_982 = tpu.vector_load %arg6[%get3A_980, %get3A_981] {strides = array<i32>} : memref<128x128xf32, #tpu.memory_space<vmem>>, vector<1x16xf32>,
      %get3A_983 = vector.shape_cast %get3A_982 : vector<1x16xf32> to vector<16xf32>
      %get3A_984 = arith.index_cast %add3A_907 : i32 to index
      %get3A_985 = arith.constant 48 : index
      %get3A_986 = tpu.vector_load %arg9[%get3A_984, %get3A_985] {strides = array<i32>} : memref<128x128xf32, #tpu.memory_space<vmem>>, vector<1x16xf32>,
      %get3A_987 = vector.shape_cast %get3A_986 : vector<1x16xf32> to vector<16xf32>
      %add3A_988 = arith.addf %get3A_983, %get3A_987 : vector<16xf32>
      %get3A_989 = arith.index_cast %add3A_907 : i32 to index
      %get3A_990 = arith.constant 48 : index
      %get3A_991 = tpu.vector_load %arg10[%get3A_989, %get3A_990] {strides = array<i32>} : memref<128x128xf32, #tpu.memory_space<vmem>>, vector<1x16xf32>,
      %get3A_992 = vector.shape_cast %get3A_991 : vector<1x16xf32> to vector<16xf32>
      %add3A_993 = arith.addf %add3A_988, %get3A_992 : vector<16xf32>
      %get3A_994 = arith.index_cast %add3A_907 : i32 to index
      %get3A_995 = arith.constant 48 : index
      %get3A_996 = tpu.vector_load %arg11[%get3A_994, %get3A_995] {strides = array<i32>} : memref<128x128xf32, #tpu.memory_space<vmem>>, vector<1x16xf32>,
      %get3A_997 = vector.shape_cast %get3A_996 : vector<1x16xf32> to vector<16xf32>
      %add3A_998 = arith.addf %add3A_993, %get3A_997 : vector<16xf32>
      %swap3A_999 = arith.index_cast %add3A_907 : i32 to index
      %swap3A_1000 = arith.constant 48 : index
      %swap3A_1001 = tpu.vector_load %arg6[%swap3A_999, %swap3A_1000] {strides = array<i32>} : memref<128x128xf32, #tpu.memory_space<vmem>>, vector<1x16xf32>,
      %swap3A_1002 = vector.shape_cast %swap3A_1001 : vector<1x16xf32> to vector<16xf32>
      %swap3A_1003 = vector.shape_cast %add3A_998 : vector<16xf32> to vector<1x16xf32>
      tpu.vector_store %arg6[%swap3A_999, %swap3A_1000], %swap3A_1003 {strides = array<i32>} : memref<128x128xf32, #tpu.memory_space<vmem>>, vector<1x16xf32>,
      %get3A_1004 = arith.index_cast %add3A_907 : i32 to index
      %get3A_1005 = arith.constant 64 : index
      %get3A_1006 = tpu.vector_load %arg6[%get3A_1004, %get3A_1005] {strides = array<i32>} : memref<128x128xf32, #tpu.memory_space<vmem>>, vector<1x16xf32>,
      %get3A_1007 = vector.shape_cast %get3A_1006 : vector<1x16xf32> to vector<16xf32>
      %get3A_1008 = arith.index_cast %add3A_907 : i32 to index
      %get3A_1009 = arith.constant 64 : index
      %get3A_1010 = tpu.vector_load %arg9[%get3A_1008, %get3A_1009] {strides = array<i32>} : memref<128x128xf32, #tpu.memory_space<vmem>>, vector<1x16xf32>,
      %get3A_1011 = vector.shape_cast %get3A_1010 : vector<1x16xf32> to vector<16xf32>
      %add3A_1012 = arith.addf %get3A_1007, %get3A_1011 : vector<16xf32>
      %get3A_1013 = arith.index_cast %add3A_907 : i32 to index
      %get3A_1014 = arith.constant 64 : index
      %get3A_1015 = tpu.vector_load %arg10[%get3A_1013, %get3A_1014] {strides = array<i32>} : memref<128x128xf32, #tpu.memory_space<vmem>>, vector<1x16xf32>,
      %get3A_1016 = vector.shape_cast %get3A_1015 : vector<1x16xf32> to vector<16xf32>
      %add3A_1017 = arith.addf %add3A_1012, %get3A_1016 : vector<16xf32>
      %get3A_1018 = arith.index_cast %add3A_907 : i32 to index
      %get3A_1019 = arith.constant 64 : index
      %get3A_1020 = tpu.vector_load %arg11[%get3A_1018, %get3A_1019] {strides = array<i32>} : memref<128x128xf32, #tpu.memory_space<vmem>>, vector<1x16xf32>,
      %get3A_1021 = vector.shape_cast %get3A_1020 : vector<1x16xf32> to vector<16xf32>
      %add3A_1022 = arith.addf %add3A_1017, %get3A_1021 : vector<16xf32>
      %swap3A_1023 = arith.index_cast %add3A_907 : i32 to index
      %swap3A_1024 = arith.constant 64 : index
      %swap3A_1025 = tpu.vector_load %arg6[%swap3A_1023, %swap3A_1024] {strides = array<i32>} : memref<128x128xf32, #tpu.memory_space<vmem>>, vector<1x16xf32>,
      %swap3A_1026 = vector.shape_cast %swap3A_1025 : vector<1x16xf32> to vector<16xf32>
      %swap3A_1027 = vector.shape_cast %add3A_1022 : vector<16xf32> to vector<1x16xf32>
      tpu.vector_store %arg6[%swap3A_1023, %swap3A_1024], %swap3A_1027 {strides = array<i32>} : memref<128x128xf32, #tpu.memory_space<vmem>>, vector<1x16xf32>,
      %get3A_1028 = arith.index_cast %add3A_907 : i32 to index
      %get3A_1029 = arith.constant 80 : index
      %get3A_1030 = tpu.vector_load %arg6[%get3A_1028, %get3A_1029] {strides = array<i32>} : memref<128x128xf32, #tpu.memory_space<vmem>>, vector<1x16xf32>,
      %get3A_1031 = vector.shape_cast %get3A_1030 : vector<1x16xf32> to vector<16xf32>
      %get3A_1032 = arith.index_cast %add3A_907 : i32 to index
      %get3A_1033 = arith.constant 80 : index
      %get3A_1034 = tpu.vector_load %arg9[%get3A_1032, %get3A_1033] {strides = array<i32>} : memref<128x128xf32, #tpu.memory_space<vmem>>, vector<1x16xf32>,
      %get3A_1035 = vector.shape_cast %get3A_1034 : vector<1x16xf32> to vector<16xf32>
      %add3A_1036 = arith.addf %get3A_1031, %get3A_1035 : vector<16xf32>
      %get3A_1037 = arith.index_cast %add3A_907 : i32 to index
      %get3A_1038 = arith.constant 80 : index
      %get3A_1039 = tpu.vector_load %arg10[%get3A_1037, %get3A_1038] {strides = array<i32>} : memref<128x128xf32, #tpu.memory_space<vmem>>, vector<1x16xf32>,
      %get3A_1040 = vector.shape_cast %get3A_1039 : vector<1x16xf32> to vector<16xf32>
      %add3A_1041 = arith.addf %add3A_1036, %get3A_1040 : vector<16xf32>
      %get3A_1042 = arith.index_cast %add3A_907 : i32 to index
      %get3A_1043 = arith.constant 80 : index
      %get3A_1044 = tpu.vector_load %arg11[%get3A_1042, %get3A_1043] {strides = array<i32>} : memref<128x128xf32, #tpu.memory_space<vmem>>, vector<1x16xf32>,
      %get3A_1045 = vector.shape_cast %get3A_1044 : vector<1x16xf32> to vector<16xf32>
      %add3A_1046 = arith.addf %add3A_1041, %get3A_1045 : vector<16xf32>
      %swap3A_1047 = arith.index_cast %add3A_907 : i32 to index
      %swap3A_1048 = arith.constant 80 : index
      %swap3A_1049 = tpu.vector_load %arg6[%swap3A_1047, %swap3A_1048] {strides = array<i32>} : memref<128x128xf32, #tpu.memory_space<vmem>>, vector<1x16xf32>,
      %swap3A_1050 = vector.shape_cast %swap3A_1049 : vector<1x16xf32> to vector<16xf32>
      %swap3A_1051 = vector.shape_cast %add3A_1046 : vector<16xf32> to vector<1x16xf32>
      tpu.vector_store %arg6[%swap3A_1047, %swap3A_1048], %swap3A_1051 {strides = array<i32>} : memref<128x128xf32, #tpu.memory_space<vmem>>, vector<1x16xf32>,
      %get3A_1052 = arith.index_cast %add3A_907 : i32 to index
      %get3A_1053 = arith.constant 96 : index
      %get3A_1054 = tpu.vector_load %arg6[%get3A_1052, %get3A_1053] {strides = array<i32>} : memref<128x128xf32, #tpu.memory_space<vmem>>, vector<1x16xf32>,
      %get3A_1055 = vector.shape_cast %get3A_1054 : vector<1x16xf32> to vector<16xf32>
      %get3A_1056 = arith.index_cast %add3A_907 : i32 to index
      %get3A_1057 = arith.constant 96 : index
      %get3A_1058 = tpu.vector_load %arg9[%get3A_1056, %get3A_1057] {strides = array<i32>} : memref<128x128xf32, #tpu.memory_space<vmem>>, vector<1x16xf32>,
      %get3A_1059 = vector.shape_cast %get3A_1058 : vector<1x16xf32> to vector<16xf32>
      %add3A_1060 = arith.addf %get3A_1055, %get3A_1059 : vector<16xf32>
      %get3A_1061 = arith.index_cast %add3A_907 : i32 to index
      %get3A_1062 = arith.constant 96 : index
      %get3A_1063 = tpu.vector_load %arg10[%get3A_1061, %get3A_1062] {strides = array<i32>} : memref<128x128xf32, #tpu.memory_space<vmem>>, vector<1x16xf32>,
      %get3A_1064 = vector.shape_cast %get3A_1063 : vector<1x16xf32> to vector<16xf32>
      %add3A_1065 = arith.addf %add3A_1060, %get3A_1064 : vector<16xf32>
      %get3A_1066 = arith.index_cast %add3A_907 : i32 to index
      %get3A_1067 = arith.constant 96 : index
      %get3A_1068 = tpu.vector_load %arg11[%get3A_1066, %get3A_1067] {strides = array<i32>} : memref<128x128xf32, #tpu.memory_space<vmem>>, vector<1x16xf32>,
      %get3A_1069 = vector.shape_cast %get3A_1068 : vector<1x16xf32> to vector<16xf32>
      %add3A_1070 = arith.addf %add3A_1065, %get3A_1069 : vector<16xf32>
      %swap3A_1071 = arith.index_cast %add3A_907 : i32 to index
      %swap3A_1072 = arith.constant 96 : index
      %swap3A_1073 = tpu.vector_load %arg6[%swap3A_1071, %swap3A_1072] {strides = array<i32>} : memref<128x128xf32, #tpu.memory_space<vmem>>, vector<1x16xf32>,
      %swap3A_1074 = vector.shape_cast %swap3A_1073 : vector<1x16xf32> to vector<16xf32>
      %swap3A_1075 = vector.shape_cast %add3A_1070 : vector<16xf32> to vector<1x16xf32>
      tpu.vector_store %arg6[%swap3A_1071, %swap3A_1072], %swap3A_1075 {strides = array<i32>} : memref<128x128xf32, #tpu.memory_space<vmem>>, vector<1x16xf32>,
      %get3A_1076 = arith.index_cast %add3A_907 : i32 to index
      %get3A_1077 = arith.constant 112 : index
      %get3A_1078 = tpu.vector_load %arg6[%get3A_1076, %get3A_1077] {strides = array<i32>} : memref<128x128xf32, #tpu.memory_space<vmem>>, vector<1x16xf32>,
      %get3A_1079 = vector.shape_cast %get3A_1078 : vector<1x16xf32> to vector<16xf32>
      %get3A_1080 = arith.index_cast %add3A_907 : i32 to index
      %get3A_1081 = arith.constant 112 : index
      %get3A_1082 = tpu.vector_load %arg9[%get3A_1080, %get3A_1081] {strides = array<i32>} : memref<128x128xf32, #tpu.memory_space<vmem>>, vector<1x16xf32>,
      %get3A_1083 = vector.shape_cast %get3A_1082 : vector<1x16xf32> to vector<16xf32>
      %add3A_1084 = arith.addf %get3A_1079, %get3A_1083 : vector<16xf32>
      %get3A_1085 = arith.index_cast %add3A_907 : i32 to index
      %get3A_1086 = arith.constant 112 : index
      %get3A_1087 = tpu.vector_load %arg10[%get3A_1085, %get3A_1086] {strides = array<i32>} : memref<128x128xf32, #tpu.memory_space<vmem>>, vector<1x16xf32>,
      %get3A_1088 = vector.shape_cast %get3A_1087 : vector<1x16xf32> to vector<16xf32>
      %add3A_1089 = arith.addf %add3A_1084, %get3A_1088 : vector<16xf32>
      %get3A_1090 = arith.index_cast %add3A_907 : i32 to index
      %get3A_1091 = arith.constant 112 : index
      %get3A_1092 = tpu.vector_load %arg11[%get3A_1090, %get3A_1091] {strides = array<i32>} : memref<128x128xf32, #tpu.memory_space<vmem>>, vector<1x16xf32>,
      %get3A_1093 = vector.shape_cast %get3A_1092 : vector<1x16xf32> to vector<16xf32>
      %add3A_1094 = arith.addf %add3A_1089, %get3A_1093 : vector<16xf32>
      %swap3A_1095 = arith.index_cast %add3A_907 : i32 to index
      %swap3A_1096 = arith.constant 112 : index
      %swap3A_1097 = tpu.vector_load %arg6[%swap3A_1095, %swap3A_1096] {strides = array<i32>} : memref<128x128xf32, #tpu.memory_space<vmem>>, vector<1x16xf32>,
      %swap3A_1098 = vector.shape_cast %swap3A_1097 : vector<1x16xf32> to vector<16xf32>
      %swap3A_1099 = vector.shape_cast %add3A_1094 : vector<16xf32> to vector<1x16xf32>
      tpu.vector_store %arg6[%swap3A_1095, %swap3A_1096], %swap3A_1099 {strides = array<i32>} : memref<128x128xf32, #tpu.memory_space<vmem>>, vector<1x16xf32>,
      %scan3A_1100 = arith.constant 0 : i32
      scf.yield %scan3A_1100 : i32
    }
    %scan3A_219 = arith.constant 32 : i32
    %mul3A_220 = arith.constant 512 : i32
    %mul3A_221 = arith.muli %add3A, %mul3A_220 : i32
    %add3A_222 = arith.constant 256 : i32
    %add3A_223 = arith.addi %mul3A_221, %add3A_222 : i32
    %dma_start3A_224 = arith.constant 0 : i32
    %dma_start3A_225 = tpu.memref_slice %arg4[%add3A_223, %dma_start3A_224] : memref<16384x128xf32, #tpu.memory_space<hbm>> -> memref<128x128xf32, #tpu.memory_space<hbm>>
    %dma_start3A_226 = arith.constant 0 : i32
    %dma_start3A_227 = tpu.memref_slice %arg4[%add3A_223, %dma_start3A_226] : memref<16384x128xf32, #tpu.memory_space<hbm>> -> memref<128x128xf32, #tpu.memory_space<hbm>>
    tpu.enqueue_dma source(%arg6 : memref<128x128xf32, #tpu.memory_space<vmem>>) target(%dma_start3A_227 : memref<128x128xf32, #tpu.memory_space<hbm>>) target_semaphore(%arg20 : memref<!tpu.dma_semaphore, #tpu.memory_space<semaphore_mem>>)
    %dma_start3A_228 = arith.constant 14 : i32
    %dma_start3A_229 = arith.constant 0 : i32
    %dma_start3A_230 = tpu.memref_slice %arg5[%dma_start3A_228, %dma_start3A_229] : memref<16x128xi32, #tpu.memory_space<vmem>> -> memref<1x128xi32, #tpu.memory_space<vmem>>
    %dma_start3A_231 = tpu.memref_squeeze %dma_start3A_230 : memref<1x128xi32, #tpu.memory_space<vmem>> -> memref<128xi32, #tpu.memory_space<vmem>>
    %dma_start3A_232 = arith.constant 0 : i32
    %dma_start3A_233 = arith.constant 0 : i32
    %dma_start3A_234 = tpu.memref_slice %arg3[%dma_start3A_232, %dma_start3A_233] : memref<100001x128xf32, #tpu.memory_space<hbm>> -> memref<100001x128xf32, #tpu.memory_space<hbm>>
    tpu.enqueue_indirect_dma source(%dma_start3A_234 : memref<100001x128xf32, #tpu.memory_space<hbm>>) target(%arg8 : memref<128x128xf32, #tpu.memory_space<vmem>>) offsets(%dma_start3A_231 : memref<128xi32, #tpu.memory_space<vmem>>) semaphore(%arg15 : memref<!tpu.dma_semaphore, #tpu.memory_space<semaphore_mem>>)
    %dma_start3A_235 = arith.constant 15 : i32
    %dma_start3A_236 = arith.constant 0 : i32
    %dma_start3A_237 = tpu.memref_slice %arg5[%dma_start3A_235, %dma_start3A_236] : memref<16x128xi32, #tpu.memory_space<vmem>> -> memref<1x128xi32, #tpu.memory_space<vmem>>
    %dma_start3A_238 = tpu.memref_squeeze %dma_start3A_237 : memref<1x128xi32, #tpu.memory_space<vmem>> -> memref<128xi32, #tpu.memory_space<vmem>>
    %dma_start3A_239 = arith.constant 0 : i32
    %dma_start3A_240 = arith.constant 0 : i32
    %dma_start3A_241 = tpu.memref_slice %arg3[%dma_start3A_239, %dma_start3A_240] : memref<100001x128xf32, #tpu.memory_space<hbm>> -> memref<100001x128xf32, #tpu.memory_space<hbm>>
    tpu.enqueue_indirect_dma source(%dma_start3A_241 : memref<100001x128xf32, #tpu.memory_space<hbm>>) target(%arg9 : memref<128x128xf32, #tpu.memory_space<vmem>>) offsets(%dma_start3A_238 : memref<128xi32, #tpu.memory_space<vmem>>) semaphore(%arg16 : memref<!tpu.dma_semaphore, #tpu.memory_space<semaphore_mem>>)
    %mul3A_242 = arith.constant 512 : i32
    %mul3A_243 = arith.muli %add3A, %mul3A_242 : i32
    %add3A_244 = arith.constant 128 : i32
    %add3A_245 = arith.addi %mul3A_243, %add3A_244 : i32
    %dma_wait3A_246 = arith.constant 0 : i32
    %dma_wait3A_247 = tpu.memref_slice %arg4[%add3A_245, %dma_wait3A_246] : memref<16384x128xf32, #tpu.memory_space<hbm>> -> memref<128x128xf32, #tpu.memory_space<hbm>>
    %dma_wait3A_248 = arith.constant 0 : i32
    %dma_wait3A_249 = tpu.memref_slice %arg4[%add3A_245, %dma_wait3A_248] : memref<16384x128xf32, #tpu.memory_space<hbm>> -> memref<128x128xf32, #tpu.memory_space<hbm>>
    tpu.wait_dma2 semaphore(%arg21 : memref<!tpu.dma_semaphore, #tpu.memory_space<semaphore_mem>>) src(%arg7 : memref<128x128xf32, #tpu.memory_space<vmem>>) dst(%dma_wait3A_249 : memref<128x128xf32, #tpu.memory_space<hbm>>)
    %dma_start3A_250 = arith.constant 12 : i32
    %dma_start3A_251 = arith.constant 0 : i32
    %dma_start3A_252 = tpu.memref_slice %arg5[%dma_start3A_250, %dma_start3A_251] : memref<16x128xi32, #tpu.memory_space<vmem>> -> memref<1x128xi32, #tpu.memory_space<vmem>>
    %dma_start3A_253 = tpu.memref_squeeze %dma_start3A_252 : memref<1x128xi32, #tpu.memory_space<vmem>> -> memref<128xi32, #tpu.memory_space<vmem>>
    %dma_start3A_254 = arith.constant 0 : i32
    %dma_start3A_255 = arith.constant 0 : i32
    %dma_start3A_256 = tpu.memref_slice %arg3[%dma_start3A_254, %dma_start3A_255] : memref<100001x128xf32, #tpu.memory_space<hbm>> -> memref<100001x128xf32, #tpu.memory_space<hbm>>
    tpu.enqueue_indirect_dma source(%dma_start3A_256 : memref<100001x128xf32, #tpu.memory_space<hbm>>) target(%arg7 : memref<128x128xf32, #tpu.memory_space<vmem>>) offsets(%dma_start3A_253 : memref<128xi32, #tpu.memory_space<vmem>>) semaphore(%arg14 : memref<!tpu.dma_semaphore, #tpu.memory_space<semaphore_mem>>)
    %dma_wait3A_257 = arith.constant 0 : i32
    %dma_wait3A_258 = arith.constant 0 : i32
    %dma_wait3A_259 = tpu.memref_slice %arg5[%dma_wait3A_257, %dma_wait3A_258] : memref<16x128xi32, #tpu.memory_space<vmem>> -> memref<1x128xi32, #tpu.memory_space<vmem>>
    %dma_wait3A_260 = tpu.memref_squeeze %dma_wait3A_259 : memref<1x128xi32, #tpu.memory_space<vmem>> -> memref<128xi32, #tpu.memory_space<vmem>>
    %dma_wait3A_261 = arith.constant 0 : i32
    %dma_wait3A_262 = arith.constant 0 : i32
    %dma_wait3A_263 = tpu.memref_slice %arg3[%dma_wait3A_261, %dma_wait3A_262] : memref<100001x128xf32, #tpu.memory_space<hbm>> -> memref<100001x128xf32, #tpu.memory_space<hbm>>
    tpu.wait_indirect_dma semaphore(%arg14 : memref<!tpu.dma_semaphore, #tpu.memory_space<semaphore_mem>>) src(%dma_wait3A_263 : memref<100001x128xf32, #tpu.memory_space<hbm>>) dst(%arg7 : memref<128x128xf32, #tpu.memory_space<vmem>>)
    %dma_wait3A_264 = arith.constant 0 : i32
    %dma_wait3A_265 = arith.constant 0 : i32
    %dma_wait3A_266 = tpu.memref_slice %arg5[%dma_wait3A_264, %dma_wait3A_265] : memref<16x128xi32, #tpu.memory_space<vmem>> -> memref<1x128xi32, #tpu.memory_space<vmem>>
    %dma_wait3A_267 = tpu.memref_squeeze %dma_wait3A_266 : memref<1x128xi32, #tpu.memory_space<vmem>> -> memref<128xi32, #tpu.memory_space<vmem>>
    %dma_wait3A_268 = arith.constant 0 : i32
    %dma_wait3A_269 = arith.constant 0 : i32
    %dma_wait3A_270 = tpu.memref_slice %arg3[%dma_wait3A_268, %dma_wait3A_269] : memref<100001x128xf32, #tpu.memory_space<hbm>> -> memref<100001x128xf32, #tpu.memory_space<hbm>>
    tpu.wait_indirect_dma semaphore(%arg19 : memref<!tpu.dma_semaphore, #tpu.memory_space<semaphore_mem>>) src(%dma_wait3A_270 : memref<100001x128xf32, #tpu.memory_space<hbm>>) dst(%arg12 : memref<128x128xf32, #tpu.memory_space<vmem>>)
    %dma_wait3A_271 = arith.constant 0 : i32
    %dma_wait3A_272 = arith.constant 0 : i32
    %dma_wait3A_273 = tpu.memref_slice %arg5[%dma_wait3A_271, %dma_wait3A_272] : memref<16x128xi32, #tpu.memory_space<vmem>> -> memref<1x128xi32, #tpu.memory_space<vmem>>
    %dma_wait3A_274 = tpu.memref_squeeze %dma_wait3A_273 : memref<1x128xi32, #tpu.memory_space<vmem>> -> memref<128xi32, #tpu.memory_space<vmem>>
    %dma_wait3A_275 = arith.constant 0 : i32
    %dma_wait3A_276 = arith.constant 0 : i32
    %dma_wait3A_277 = tpu.memref_slice %arg3[%dma_wait3A_275, %dma_wait3A_276] : memref<100001x128xf32, #tpu.memory_space<hbm>> -> memref<100001x128xf32, #tpu.memory_space<hbm>>
    tpu.wait_indirect_dma semaphore(%arg15 : memref<!tpu.dma_semaphore, #tpu.memory_space<semaphore_mem>>) src(%dma_wait3A_277 : memref<100001x128xf32, #tpu.memory_space<hbm>>) dst(%arg8 : memref<128x128xf32, #tpu.memory_space<vmem>>)
    %dma_wait3A_278 = arith.constant 0 : i32
    %dma_wait3A_279 = arith.constant 0 : i32
    %dma_wait3A_280 = tpu.memref_slice %arg5[%dma_wait3A_278, %dma_wait3A_279] : memref<16x128xi32, #tpu.memory_space<vmem>> -> memref<1x128xi32, #tpu.memory_space<vmem>>
    %dma_wait3A_281 = tpu.memref_squeeze %dma_wait3A_280 : memref<1x128xi32, #tpu.memory_space<vmem>> -> memref<128xi32, #tpu.memory_space<vmem>>
    %dma_wait3A_282 = arith.constant 0 : i32
    %dma_wait3A_283 = arith.constant 0 : i32
    %dma_wait3A_284 = tpu.memref_slice %arg3[%dma_wait3A_282, %dma_wait3A_283] : memref<100001x128xf32, #tpu.memory_space<hbm>> -> memref<100001x128xf32, #tpu.memory_space<hbm>>
    tpu.wait_indirect_dma semaphore(%arg16 : memref<!tpu.dma_semaphore, #tpu.memory_space<semaphore_mem>>) src(%dma_wait3A_284 : memref<100001x128xf32, #tpu.memory_space<hbm>>) dst(%arg9 : memref<128x128xf32, #tpu.memory_space<vmem>>)
    %scan3A_285 = arith.constant 0 : i32
    %scan3A_286 = arith.constant 0 : i32
    %scan3A_287 = arith.constant 32 : i32
    %scan3A_288 = arith.addi %scan3A_286, %scan3A_287 : i32
    %scan3A_289 = arith.constant 1 : i32
    %scan3A_290 = scf.for %scan3A_316 = %scan3A_286 to %scan3A_288 step %scan3A_289 iter_args(%scan3A_317 = %scan3A_285) -> (i32)  : i32 {
      %mul3A_318 = arith.constant 4 : i32
      %mul3A_319 = arith.muli %mul3A_318, %scan3A_316 : i32
      %add3A_320 = arith.constant 0 : i32
      %add3A_321 = arith.addi %mul3A_319, %add3A_320 : i32
      %get3A = arith.index_cast %add3A_321 : i32 to index
      %get3A_322 = arith.constant 0 : index
      %get3A_323 = tpu.vector_load %arg7[%get3A, %get3A_322] {strides = array<i32>} : memref<128x128xf32, #tpu.memory_space<vmem>>, vector<1x16xf32>,
      %get3A_324 = vector.shape_cast %get3A_323 : vector<1x16xf32> to vector<16xf32>
      %get3A_325 = arith.index_cast %add3A_321 : i32 to index
      %get3A_326 = arith.constant 0 : index
      %get3A_327 = tpu.vector_load %arg12[%get3A_325, %get3A_326] {strides = array<i32>} : memref<128x128xf32, #tpu.memory_space<vmem>>, vector<1x16xf32>,
      %get3A_328 = vector.shape_cast %get3A_327 : vector<1x16xf32> to vector<16xf32>
      %add3A_329 = arith.addf %get3A_324, %get3A_328 : vector<16xf32>
      %get3A_330 = arith.index_cast %add3A_321 : i32 to index
      %get3A_331 = arith.constant 0 : index
      %get3A_332 = tpu.vector_load %arg8[%get3A_330, %get3A_331] {strides = array<i32>} : memref<128x128xf32, #tpu.memory_space<vmem>>, vector<1x16xf32>,
      %get3A_333 = vector.shape_cast %get3A_332 : vector<1x16xf32> to vector<16xf32>
      %add3A_334 = arith.addf %add3A_329, %get3A_333 : vector<16xf32>
      %get3A_335 = arith.index_cast %add3A_321 : i32 to index
      %get3A_336 = arith.constant 0 : index
      %get3A_337 = tpu.vector_load %arg9[%get3A_335, %get3A_336] {strides = array<i32>} : memref<128x128xf32, #tpu.memory_space<vmem>>, vector<1x16xf32>,
      %get3A_338 = vector.shape_cast %get3A_337 : vector<1x16xf32> to vector<16xf32>
      %add3A_339 = arith.addf %add3A_334, %get3A_338 : vector<16xf32>
      %swap3A = arith.index_cast %add3A_321 : i32 to index
      %swap3A_340 = arith.constant 0 : index
      %swap3A_341 = tpu.vector_load %arg7[%swap3A, %swap3A_340] {strides = array<i32>} : memref<128x128xf32, #tpu.memory_space<vmem>>, vector<1x16xf32>,
      %swap3A_342 = vector.shape_cast %swap3A_341 : vector<1x16xf32> to vector<16xf32>
      %swap3A_343 = vector.shape_cast %add3A_339 : vector<16xf32> to vector<1x16xf32>
      tpu.vector_store %arg7[%swap3A, %swap3A_340], %swap3A_343 {strides = array<i32>} : memref<128x128xf32, #tpu.memory_space<vmem>>, vector<1x16xf32>,
      %get3A_344 = arith.index_cast %add3A_321 : i32 to index
      %get3A_345 = arith.constant 16 : index
      %get3A_346 = tpu.vector_load %arg7[%get3A_344, %get3A_345] {strides = array<i32>} : memref<128x128xf32, #tpu.memory_space<vmem>>, vector<1x16xf32>,
      %get3A_347 = vector.shape_cast %get3A_346 : vector<1x16xf32> to vector<16xf32>
      %get3A_348 = arith.index_cast %add3A_321 : i32 to index
      %get3A_349 = arith.constant 16 : index
      %get3A_350 = tpu.vector_load %arg12[%get3A_348, %get3A_349] {strides = array<i32>} : memref<128x128xf32, #tpu.memory_space<vmem>>, vector<1x16xf32>,
      %get3A_351 = vector.shape_cast %get3A_350 : vector<1x16xf32> to vector<16xf32>
      %add3A_352 = arith.addf %get3A_347, %get3A_351 : vector<16xf32>
      %get3A_353 = arith.index_cast %add3A_321 : i32 to index
      %get3A_354 = arith.constant 16 : index
      %get3A_355 = tpu.vector_load %arg8[%get3A_353, %get3A_354] {strides = array<i32>} : memref<128x128xf32, #tpu.memory_space<vmem>>, vector<1x16xf32>,
      %get3A_356 = vector.shape_cast %get3A_355 : vector<1x16xf32> to vector<16xf32>
      %add3A_357 = arith.addf %add3A_352, %get3A_356 : vector<16xf32>
      %get3A_358 = arith.index_cast %add3A_321 : i32 to index
      %get3A_359 = arith.constant 16 : index
      %get3A_360 = tpu.vector_load %arg9[%get3A_358, %get3A_359] {strides = array<i32>} : memref<128x128xf32, #tpu.memory_space<vmem>>, vector<1x16xf32>,
      %get3A_361 = vector.shape_cast %get3A_360 : vector<1x16xf32> to vector<16xf32>
      %add3A_362 = arith.addf %add3A_357, %get3A_361 : vector<16xf32>
      %swap3A_363 = arith.index_cast %add3A_321 : i32 to index
      %swap3A_364 = arith.constant 16 : index
      %swap3A_365 = tpu.vector_load %arg7[%swap3A_363, %swap3A_364] {strides = array<i32>} : memref<128x128xf32, #tpu.memory_space<vmem>>, vector<1x16xf32>,
      %swap3A_366 = vector.shape_cast %swap3A_365 : vector<1x16xf32> to vector<16xf32>
      %swap3A_367 = vector.shape_cast %add3A_362 : vector<16xf32> to vector<1x16xf32>
      tpu.vector_store %arg7[%swap3A_363, %swap3A_364], %swap3A_367 {strides = array<i32>} : memref<128x128xf32, #tpu.memory_space<vmem>>, vector<1x16xf32>,
      %get3A_368 = arith.index_cast %add3A_321 : i32 to index
      %get3A_369 = arith.constant 32 : index
      %get3A_370 = tpu.vector_load %arg7[%get3A_368, %get3A_369] {strides = array<i32>} : memref<128x128xf32, #tpu.memory_space<vmem>>, vector<1x16xf32>,
      %get3A_371 = vector.shape_cast %get3A_370 : vector<1x16xf32> to vector<16xf32>
      %get3A_372 = arith.index_cast %add3A_321 : i32 to index
      %get3A_373 = arith.constant 32 : index
      %get3A_374 = tpu.vector_load %arg12[%get3A_372, %get3A_373] {strides = array<i32>} : memref<128x128xf32, #tpu.memory_space<vmem>>, vector<1x16xf32>,
      %get3A_375 = vector.shape_cast %get3A_374 : vector<1x16xf32> to vector<16xf32>
      %add3A_376 = arith.addf %get3A_371, %get3A_375 : vector<16xf32>
      %get3A_377 = arith.index_cast %add3A_321 : i32 to index
      %get3A_378 = arith.constant 32 : index
      %get3A_379 = tpu.vector_load %arg8[%get3A_377, %get3A_378] {strides = array<i32>} : memref<128x128xf32, #tpu.memory_space<vmem>>, vector<1x16xf32>,
      %get3A_380 = vector.shape_cast %get3A_379 : vector<1x16xf32> to vector<16xf32>
      %add3A_381 = arith.addf %add3A_376, %get3A_380 : vector<16xf32>
      %get3A_382 = arith.index_cast %add3A_321 : i32 to index
      %get3A_383 = arith.constant 32 : index
      %get3A_384 = tpu.vector_load %arg9[%get3A_382, %get3A_383] {strides = array<i32>} : memref<128x128xf32, #tpu.memory_space<vmem>>, vector<1x16xf32>,
      %get3A_385 = vector.shape_cast %get3A_384 : vector<1x16xf32> to vector<16xf32>
      %add3A_386 = arith.addf %add3A_381, %get3A_385 : vector<16xf32>
      %swap3A_387 = arith.index_cast %add3A_321 : i32 to index
      %swap3A_388 = arith.constant 32 : index
      %swap3A_389 = tpu.vector_load %arg7[%swap3A_387, %swap3A_388] {strides = array<i32>} : memref<128x128xf32, #tpu.memory_space<vmem>>, vector<1x16xf32>,
      %swap3A_390 = vector.shape_cast %swap3A_389 : vector<1x16xf32> to vector<16xf32>
      %swap3A_391 = vector.shape_cast %add3A_386 : vector<16xf32> to vector<1x16xf32>
      tpu.vector_store %arg7[%swap3A_387, %swap3A_388], %swap3A_391 {strides = array<i32>} : memref<128x128xf32, #tpu.memory_space<vmem>>, vector<1x16xf32>,
      %get3A_392 = arith.index_cast %add3A_321 : i32 to index
      %get3A_393 = arith.constant 48 : index
      %get3A_394 = tpu.vector_load %arg7[%get3A_392, %get3A_393] {strides = array<i32>} : memref<128x128xf32, #tpu.memory_space<vmem>>, vector<1x16xf32>,
      %get3A_395 = vector.shape_cast %get3A_394 : vector<1x16xf32> to vector<16xf32>
      %get3A_396 = arith.index_cast %add3A_321 : i32 to index
      %get3A_397 = arith.constant 48 : index
      %get3A_398 = tpu.vector_load %arg12[%get3A_396, %get3A_397] {strides = array<i32>} : memref<128x128xf32, #tpu.memory_space<vmem>>, vector<1x16xf32>,
      %get3A_399 = vector.shape_cast %get3A_398 : vector<1x16xf32> to vector<16xf32>
      %add3A_400 = arith.addf %get3A_395, %get3A_399 : vector<16xf32>
      %get3A_401 = arith.index_cast %add3A_321 : i32 to index
      %get3A_402 = arith.constant 48 : index
      %get3A_403 = tpu.vector_load %arg8[%get3A_401, %get3A_402] {strides = array<i32>} : memref<128x128xf32, #tpu.memory_space<vmem>>, vector<1x16xf32>,
      %get3A_404 = vector.shape_cast %get3A_403 : vector<1x16xf32> to vector<16xf32>
      %add3A_405 = arith.addf %add3A_400, %get3A_404 : vector<16xf32>
      %get3A_406 = arith.index_cast %add3A_321 : i32 to index
      %get3A_407 = arith.constant 48 : index
      %get3A_408 = tpu.vector_load %arg9[%get3A_406, %get3A_407] {strides = array<i32>} : memref<128x128xf32, #tpu.memory_space<vmem>>, vector<1x16xf32>,
      %get3A_409 = vector.shape_cast %get3A_408 : vector<1x16xf32> to vector<16xf32>
      %add3A_410 = arith.addf %add3A_405, %get3A_409 : vector<16xf32>
      %swap3A_411 = arith.index_cast %add3A_321 : i32 to index
      %swap3A_412 = arith.constant 48 : index
      %swap3A_413 = tpu.vector_load %arg7[%swap3A_411, %swap3A_412] {strides = array<i32>} : memref<128x128xf32, #tpu.memory_space<vmem>>, vector<1x16xf32>,
      %swap3A_414 = vector.shape_cast %swap3A_413 : vector<1x16xf32> to vector<16xf32>
      %swap3A_415 = vector.shape_cast %add3A_410 : vector<16xf32> to vector<1x16xf32>
      tpu.vector_store %arg7[%swap3A_411, %swap3A_412], %swap3A_415 {strides = array<i32>} : memref<128x128xf32, #tpu.memory_space<vmem>>, vector<1x16xf32>,
      %get3A_416 = arith.index_cast %add3A_321 : i32 to index
      %get3A_417 = arith.constant 64 : index
      %get3A_418 = tpu.vector_load %arg7[%get3A_416, %get3A_417] {strides = array<i32>} : memref<128x128xf32, #tpu.memory_space<vmem>>, vector<1x16xf32>,
      %get3A_419 = vector.shape_cast %get3A_418 : vector<1x16xf32> to vector<16xf32>
      %get3A_420 = arith.index_cast %add3A_321 : i32 to index
      %get3A_421 = arith.constant 64 : index
      %get3A_422 = tpu.vector_load %arg12[%get3A_420, %get3A_421] {strides = array<i32>} : memref<128x128xf32, #tpu.memory_space<vmem>>, vector<1x16xf32>,
      %get3A_423 = vector.shape_cast %get3A_422 : vector<1x16xf32> to vector<16xf32>
      %add3A_424 = arith.addf %get3A_419, %get3A_423 : vector<16xf32>
      %get3A_425 = arith.index_cast %add3A_321 : i32 to index
      %get3A_426 = arith.constant 64 : index
      %get3A_427 = tpu.vector_load %arg8[%get3A_425, %get3A_426] {strides = array<i32>} : memref<128x128xf32, #tpu.memory_space<vmem>>, vector<1x16xf32>,
      %get3A_428 = vector.shape_cast %get3A_427 : vector<1x16xf32> to vector<16xf32>
      %add3A_429 = arith.addf %add3A_424, %get3A_428 : vector<16xf32>
      %get3A_430 = arith.index_cast %add3A_321 : i32 to index
      %get3A_431 = arith.constant 64 : index
      %get3A_432 = tpu.vector_load %arg9[%get3A_430, %get3A_431] {strides = array<i32>} : memref<128x128xf32, #tpu.memory_space<vmem>>, vector<1x16xf32>,
      %get3A_433 = vector.shape_cast %get3A_432 : vector<1x16xf32> to vector<16xf32>
      %add3A_434 = arith.addf %add3A_429, %get3A_433 : vector<16xf32>
      %swap3A_435 = arith.index_cast %add3A_321 : i32 to index
      %swap3A_436 = arith.constant 64 : index
      %swap3A_437 = tpu.vector_load %arg7[%swap3A_435, %swap3A_436] {strides = array<i32>} : memref<128x128xf32, #tpu.memory_space<vmem>>, vector<1x16xf32>,
      %swap3A_438 = vector.shape_cast %swap3A_437 : vector<1x16xf32> to vector<16xf32>
      %swap3A_439 = vector.shape_cast %add3A_434 : vector<16xf32> to vector<1x16xf32>
      tpu.vector_store %arg7[%swap3A_435, %swap3A_436], %swap3A_439 {strides = array<i32>} : memref<128x128xf32, #tpu.memory_space<vmem>>, vector<1x16xf32>,
      %get3A_440 = arith.index_cast %add3A_321 : i32 to index
      %get3A_441 = arith.constant 80 : index
      %get3A_442 = tpu.vector_load %arg7[%get3A_440, %get3A_441] {strides = array<i32>} : memref<128x128xf32, #tpu.memory_space<vmem>>, vector<1x16xf32>,
      %get3A_443 = vector.shape_cast %get3A_442 : vector<1x16xf32> to vector<16xf32>
      %get3A_444 = arith.index_cast %add3A_321 : i32 to index
      %get3A_445 = arith.constant 80 : index
      %get3A_446 = tpu.vector_load %arg12[%get3A_444, %get3A_445] {strides = array<i32>} : memref<128x128xf32, #tpu.memory_space<vmem>>, vector<1x16xf32>,
      %get3A_447 = vector.shape_cast %get3A_446 : vector<1x16xf32> to vector<16xf32>
      %add3A_448 = arith.addf %get3A_443, %get3A_447 : vector<16xf32>
      %get3A_449 = arith.index_cast %add3A_321 : i32 to index
      %get3A_450 = arith.constant 80 : index
      %get3A_451 = tpu.vector_load %arg8[%get3A_449, %get3A_450] {strides = array<i32>} : memref<128x128xf32, #tpu.memory_space<vmem>>, vector<1x16xf32>,
      %get3A_452 = vector.shape_cast %get3A_451 : vector<1x16xf32> to vector<16xf32>
      %add3A_453 = arith.addf %add3A_448, %get3A_452 : vector<16xf32>
      %get3A_454 = arith.index_cast %add3A_321 : i32 to index
      %get3A_455 = arith.constant 80 : index
      %get3A_456 = tpu.vector_load %arg9[%get3A_454, %get3A_455] {strides = array<i32>} : memref<128x128xf32, #tpu.memory_space<vmem>>, vector<1x16xf32>,
      %get3A_457 = vector.shape_cast %get3A_456 : vector<1x16xf32> to vector<16xf32>
      %add3A_458 = arith.addf %add3A_453, %get3A_457 : vector<16xf32>
      %swap3A_459 = arith.index_cast %add3A_321 : i32 to index
      %swap3A_460 = arith.constant 80 : index
      %swap3A_461 = tpu.vector_load %arg7[%swap3A_459, %swap3A_460] {strides = array<i32>} : memref<128x128xf32, #tpu.memory_space<vmem>>, vector<1x16xf32>,
      %swap3A_462 = vector.shape_cast %swap3A_461 : vector<1x16xf32> to vector<16xf32>
      %swap3A_463 = vector.shape_cast %add3A_458 : vector<16xf32> to vector<1x16xf32>
      tpu.vector_store %arg7[%swap3A_459, %swap3A_460], %swap3A_463 {strides = array<i32>} : memref<128x128xf32, #tpu.memory_space<vmem>>, vector<1x16xf32>,
      %get3A_464 = arith.index_cast %add3A_321 : i32 to index
      %get3A_465 = arith.constant 96 : index
      %get3A_466 = tpu.vector_load %arg7[%get3A_464, %get3A_465] {strides = array<i32>} : memref<128x128xf32, #tpu.memory_space<vmem>>, vector<1x16xf32>,
      %get3A_467 = vector.shape_cast %get3A_466 : vector<1x16xf32> to vector<16xf32>
      %get3A_468 = arith.index_cast %add3A_321 : i32 to index
      %get3A_469 = arith.constant 96 : index
      %get3A_470 = tpu.vector_load %arg12[%get3A_468, %get3A_469] {strides = array<i32>} : memref<128x128xf32, #tpu.memory_space<vmem>>, vector<1x16xf32>,
      %get3A_471 = vector.shape_cast %get3A_470 : vector<1x16xf32> to vector<16xf32>
      %add3A_472 = arith.addf %get3A_467, %get3A_471 : vector<16xf32>
      %get3A_473 = arith.index_cast %add3A_321 : i32 to index
      %get3A_474 = arith.constant 96 : index
      %get3A_475 = tpu.vector_load %arg8[%get3A_473, %get3A_474] {strides = array<i32>} : memref<128x128xf32, #tpu.memory_space<vmem>>, vector<1x16xf32>,
      %get3A_476 = vector.shape_cast %get3A_475 : vector<1x16xf32> to vector<16xf32>
      %add3A_477 = arith.addf %add3A_472, %get3A_476 : vector<16xf32>
      %get3A_478 = arith.index_cast %add3A_321 : i32 to index
      %get3A_479 = arith.constant 96 : index
      %get3A_480 = tpu.vector_load %arg9[%get3A_478, %get3A_479] {strides = array<i32>} : memref<128x128xf32, #tpu.memory_space<vmem>>, vector<1x16xf32>,
      %get3A_481 = vector.shape_cast %get3A_480 : vector<1x16xf32> to vector<16xf32>
      %add3A_482 = arith.addf %add3A_477, %get3A_481 : vector<16xf32>
      %swap3A_483 = arith.index_cast %add3A_321 : i32 to index
      %swap3A_484 = arith.constant 96 : index
      %swap3A_485 = tpu.vector_load %arg7[%swap3A_483, %swap3A_484] {strides = array<i32>} : memref<128x128xf32, #tpu.memory_space<vmem>>, vector<1x16xf32>,
      %swap3A_486 = vector.shape_cast %swap3A_485 : vector<1x16xf32> to vector<16xf32>
      %swap3A_487 = vector.shape_cast %add3A_482 : vector<16xf32> to vector<1x16xf32>
      tpu.vector_store %arg7[%swap3A_483, %swap3A_484], %swap3A_487 {strides = array<i32>} : memref<128x128xf32, #tpu.memory_space<vmem>>, vector<1x16xf32>,
      %get3A_488 = arith.index_cast %add3A_321 : i32 to index
      %get3A_489 = arith.constant 112 : index
      %get3A_490 = tpu.vector_load %arg7[%get3A_488, %get3A_489] {strides = array<i32>} : memref<128x128xf32, #tpu.memory_space<vmem>>, vector<1x16xf32>,
      %get3A_491 = vector.shape_cast %get3A_490 : vector<1x16xf32> to vector<16xf32>
      %get3A_492 = arith.index_cast %add3A_321 : i32 to index
      %get3A_493 = arith.constant 112 : index
      %get3A_494 = tpu.vector_load %arg12[%get3A_492, %get3A_493] {strides = array<i32>} : memref<128x128xf32, #tpu.memory_space<vmem>>, vector<1x16xf32>,
      %get3A_495 = vector.shape_cast %get3A_494 : vector<1x16xf32> to vector<16xf32>
      %add3A_496 = arith.addf %get3A_491, %get3A_495 : vector<16xf32>
      %get3A_497 = arith.index_cast %add3A_321 : i32 to index
      %get3A_498 = arith.constant 112 : index
      %get3A_499 = tpu.vector_load %arg8[%get3A_497, %get3A_498] {strides = array<i32>} : memref<128x128xf32, #tpu.memory_space<vmem>>, vector<1x16xf32>,
      %get3A_500 = vector.shape_cast %get3A_499 : vector<1x16xf32> to vector<16xf32>
      %add3A_501 = arith.addf %add3A_496, %get3A_500 : vector<16xf32>
      %get3A_502 = arith.index_cast %add3A_321 : i32 to index
      %get3A_503 = arith.constant 112 : index
      %get3A_504 = tpu.vector_load %arg9[%get3A_502, %get3A_503] {strides = array<i32>} : memref<128x128xf32, #tpu.memory_space<vmem>>, vector<1x16xf32>,
      %get3A_505 = vector.shape_cast %get3A_504 : vector<1x16xf32> to vector<16xf32>
      %add3A_506 = arith.addf %add3A_501, %get3A_505 : vector<16xf32>
      %swap3A_507 = arith.index_cast %add3A_321 : i32 to index
      %swap3A_508 = arith.constant 112 : index
      %swap3A_509 = tpu.vector_load %arg7[%swap3A_507, %swap3A_508] {strides = array<i32>} : memref<128x128xf32, #tpu.memory_space<vmem>>, vector<1x16xf32>,
      %swap3A_510 = vector.shape_cast %swap3A_509 : vector<1x16xf32> to vector<16xf32>
      %swap3A_511 = vector.shape_cast %add3A_506 : vector<16xf32> to vector<1x16xf32>
      tpu.vector_store %arg7[%swap3A_507, %swap3A_508], %swap3A_511 {strides = array<i32>} : memref<128x128xf32, #tpu.memory_space<vmem>>, vector<1x16xf32>,
      %mul3A_512 = arith.constant 4 : i32
      %mul3A_513 = arith.muli %mul3A_512, %scan3A_316 : i32
      %add3A_514 = arith.constant 1 : i32
      %add3A_515 = arith.addi %mul3A_513, %add3A_514 : i32
      %get3A_516 = arith.index_cast %add3A_515 : i32 to index
      %get3A_517 = arith.constant 0 : index
      %get3A_518 = tpu.vector_load %arg7[%get3A_516, %get3A_517] {strides = array<i32>} : memref<128x128xf32, #tpu.memory_space<vmem>>, vector<1x16xf32>,
      %get3A_519 = vector.shape_cast %get3A_518 : vector<1x16xf32> to vector<16xf32>
      %get3A_520 = arith.index_cast %add3A_515 : i32 to index
      %get3A_521 = arith.constant 0 : index
      %get3A_522 = tpu.vector_load %arg12[%get3A_520, %get3A_521] {strides = array<i32>} : memref<128x128xf32, #tpu.memory_space<vmem>>, vector<1x16xf32>,
      %get3A_523 = vector.shape_cast %get3A_522 : vector<1x16xf32> to vector<16xf32>
      %add3A_524 = arith.addf %get3A_519, %get3A_523 : vector<16xf32>
      %get3A_525 = arith.index_cast %add3A_515 : i32 to index
      %get3A_526 = arith.constant 0 : index
      %get3A_527 = tpu.vector_load %arg8[%get3A_525, %get3A_526] {strides = array<i32>} : memref<128x128xf32, #tpu.memory_space<vmem>>, vector<1x16xf32>,
      %get3A_528 = vector.shape_cast %get3A_527 : vector<1x16xf32> to vector<16xf32>
      %add3A_529 = arith.addf %add3A_524, %get3A_528 : vector<16xf32>
      %get3A_530 = arith.index_cast %add3A_515 : i32 to index
      %get3A_531 = arith.constant 0 : index
      %get3A_532 = tpu.vector_load %arg9[%get3A_530, %get3A_531] {strides = array<i32>} : memref<128x128xf32, #tpu.memory_space<vmem>>, vector<1x16xf32>,
      %get3A_533 = vector.shape_cast %get3A_532 : vector<1x16xf32> to vector<16xf32>
      %add3A_534 = arith.addf %add3A_529, %get3A_533 : vector<16xf32>
      %swap3A_535 = arith.index_cast %add3A_515 : i32 to index
      %swap3A_536 = arith.constant 0 : index
      %swap3A_537 = tpu.vector_load %arg7[%swap3A_535, %swap3A_536] {strides = array<i32>} : memref<128x128xf32, #tpu.memory_space<vmem>>, vector<1x16xf32>,
      %swap3A_538 = vector.shape_cast %swap3A_537 : vector<1x16xf32> to vector<16xf32>
      %swap3A_539 = vector.shape_cast %add3A_534 : vector<16xf32> to vector<1x16xf32>
      tpu.vector_store %arg7[%swap3A_535, %swap3A_536], %swap3A_539 {strides = array<i32>} : memref<128x128xf32, #tpu.memory_space<vmem>>, vector<1x16xf32>,
      %get3A_540 = arith.index_cast %add3A_515 : i32 to index
      %get3A_541 = arith.constant 16 : index
      %get3A_542 = tpu.vector_load %arg7[%get3A_540, %get3A_541] {strides = array<i32>} : memref<128x128xf32, #tpu.memory_space<vmem>>, vector<1x16xf32>,
      %get3A_543 = vector.shape_cast %get3A_542 : vector<1x16xf32> to vector<16xf32>
      %get3A_544 = arith.index_cast %add3A_515 : i32 to index
      %get3A_545 = arith.constant 16 : index
      %get3A_546 = tpu.vector_load %arg12[%get3A_544, %get3A_545] {strides = array<i32>} : memref<128x128xf32, #tpu.memory_space<vmem>>, vector<1x16xf32>,
      %get3A_547 = vector.shape_cast %get3A_546 : vector<1x16xf32> to vector<16xf32>
      %add3A_548 = arith.addf %get3A_543, %get3A_547 : vector<16xf32>
      %get3A_549 = arith.index_cast %add3A_515 : i32 to index
      %get3A_550 = arith.constant 16 : index
      %get3A_551 = tpu.vector_load %arg8[%get3A_549, %get3A_550] {strides = array<i32>} : memref<128x128xf32, #tpu.memory_space<vmem>>, vector<1x16xf32>,
      %get3A_552 = vector.shape_cast %get3A_551 : vector<1x16xf32> to vector<16xf32>
      %add3A_553 = arith.addf %add3A_548, %get3A_552 : vector<16xf32>
      %get3A_554 = arith.index_cast %add3A_515 : i32 to index
      %get3A_555 = arith.constant 16 : index
      %get3A_556 = tpu.vector_load %arg9[%get3A_554, %get3A_555] {strides = array<i32>} : memref<128x128xf32, #tpu.memory_space<vmem>>, vector<1x16xf32>,
      %get3A_557 = vector.shape_cast %get3A_556 : vector<1x16xf32> to vector<16xf32>
      %add3A_558 = arith.addf %add3A_553, %get3A_557 : vector<16xf32>
      %swap3A_559 = arith.index_cast %add3A_515 : i32 to index
      %swap3A_560 = arith.constant 16 : index
      %swap3A_561 = tpu.vector_load %arg7[%swap3A_559, %swap3A_560] {strides = array<i32>} : memref<128x128xf32, #tpu.memory_space<vmem>>, vector<1x16xf32>,
      %swap3A_562 = vector.shape_cast %swap3A_561 : vector<1x16xf32> to vector<16xf32>
      %swap3A_563 = vector.shape_cast %add3A_558 : vector<16xf32> to vector<1x16xf32>
      tpu.vector_store %arg7[%swap3A_559, %swap3A_560], %swap3A_563 {strides = array<i32>} : memref<128x128xf32, #tpu.memory_space<vmem>>, vector<1x16xf32>,
      %get3A_564 = arith.index_cast %add3A_515 : i32 to index
      %get3A_565 = arith.constant 32 : index
      %get3A_566 = tpu.vector_load %arg7[%get3A_564, %get3A_565] {strides = array<i32>} : memref<128x128xf32, #tpu.memory_space<vmem>>, vector<1x16xf32>,
      %get3A_567 = vector.shape_cast %get3A_566 : vector<1x16xf32> to vector<16xf32>
      %get3A_568 = arith.index_cast %add3A_515 : i32 to index
      %get3A_569 = arith.constant 32 : index
      %get3A_570 = tpu.vector_load %arg12[%get3A_568, %get3A_569] {strides = array<i32>} : memref<128x128xf32, #tpu.memory_space<vmem>>, vector<1x16xf32>,
      %get3A_571 = vector.shape_cast %get3A_570 : vector<1x16xf32> to vector<16xf32>
      %add3A_572 = arith.addf %get3A_567, %get3A_571 : vector<16xf32>
      %get3A_573 = arith.index_cast %add3A_515 : i32 to index
      %get3A_574 = arith.constant 32 : index
      %get3A_575 = tpu.vector_load %arg8[%get3A_573, %get3A_574] {strides = array<i32>} : memref<128x128xf32, #tpu.memory_space<vmem>>, vector<1x16xf32>,
      %get3A_576 = vector.shape_cast %get3A_575 : vector<1x16xf32> to vector<16xf32>
      %add3A_577 = arith.addf %add3A_572, %get3A_576 : vector<16xf32>
      %get3A_578 = arith.index_cast %add3A_515 : i32 to index
      %get3A_579 = arith.constant 32 : index
      %get3A_580 = tpu.vector_load %arg9[%get3A_578, %get3A_579] {strides = array<i32>} : memref<128x128xf32, #tpu.memory_space<vmem>>, vector<1x16xf32>,
      %get3A_581 = vector.shape_cast %get3A_580 : vector<1x16xf32> to vector<16xf32>
      %add3A_582 = arith.addf %add3A_577, %get3A_581 : vector<16xf32>
      %swap3A_583 = arith.index_cast %add3A_515 : i32 to index
      %swap3A_584 = arith.constant 32 : index
      %swap3A_585 = tpu.vector_load %arg7[%swap3A_583, %swap3A_584] {strides = array<i32>} : memref<128x128xf32, #tpu.memory_space<vmem>>, vector<1x16xf32>,
      %swap3A_586 = vector.shape_cast %swap3A_585 : vector<1x16xf32> to vector<16xf32>
      %swap3A_587 = vector.shape_cast %add3A_582 : vector<16xf32> to vector<1x16xf32>
      tpu.vector_store %arg7[%swap3A_583, %swap3A_584], %swap3A_587 {strides = array<i32>} : memref<128x128xf32, #tpu.memory_space<vmem>>, vector<1x16xf32>,
      %get3A_588 = arith.index_cast %add3A_515 : i32 to index
      %get3A_589 = arith.constant 48 : index
      %get3A_590 = tpu.vector_load %arg7[%get3A_588, %get3A_589] {strides = array<i32>} : memref<128x128xf32, #tpu.memory_space<vmem>>, vector<1x16xf32>,
      %get3A_591 = vector.shape_cast %get3A_590 : vector<1x16xf32> to vector<16xf32>
      %get3A_592 = arith.index_cast %add3A_515 : i32 to index
      %get3A_593 = arith.constant 48 : index
      %get3A_594 = tpu.vector_load %arg12[%get3A_592, %get3A_593] {strides = array<i32>} : memref<128x128xf32, #tpu.memory_space<vmem>>, vector<1x16xf32>,
      %get3A_595 = vector.shape_cast %get3A_594 : vector<1x16xf32> to vector<16xf32>
      %add3A_596 = arith.addf %get3A_591, %get3A_595 : vector<16xf32>
      %get3A_597 = arith.index_cast %add3A_515 : i32 to index
      %get3A_598 = arith.constant 48 : index
      %get3A_599 = tpu.vector_load %arg8[%get3A_597, %get3A_598] {strides = array<i32>} : memref<128x128xf32, #tpu.memory_space<vmem>>, vector<1x16xf32>,
      %get3A_600 = vector.shape_cast %get3A_599 : vector<1x16xf32> to vector<16xf32>
      %add3A_601 = arith.addf %add3A_596, %get3A_600 : vector<16xf32>
      %get3A_602 = arith.index_cast %add3A_515 : i32 to index
      %get3A_603 = arith.constant 48 : index
      %get3A_604 = tpu.vector_load %arg9[%get3A_602, %get3A_603] {strides = array<i32>} : memref<128x128xf32, #tpu.memory_space<vmem>>, vector<1x16xf32>,
      %get3A_605 = vector.shape_cast %get3A_604 : vector<1x16xf32> to vector<16xf32>
      %add3A_606 = arith.addf %add3A_601, %get3A_605 : vector<16xf32>
      %swap3A_607 = arith.index_cast %add3A_515 : i32 to index
      %swap3A_608 = arith.constant 48 : index
      %swap3A_609 = tpu.vector_load %arg7[%swap3A_607, %swap3A_608] {strides = array<i32>} : memref<128x128xf32, #tpu.memory_space<vmem>>, vector<1x16xf32>,
      %swap3A_610 = vector.shape_cast %swap3A_609 : vector<1x16xf32> to vector<16xf32>
      %swap3A_611 = vector.shape_cast %add3A_606 : vector<16xf32> to vector<1x16xf32>
      tpu.vector_store %arg7[%swap3A_607, %swap3A_608], %swap3A_611 {strides = array<i32>} : memref<128x128xf32, #tpu.memory_space<vmem>>, vector<1x16xf32>,
      %get3A_612 = arith.index_cast %add3A_515 : i32 to index
      %get3A_613 = arith.constant 64 : index
      %get3A_614 = tpu.vector_load %arg7[%get3A_612, %get3A_613] {strides = array<i32>} : memref<128x128xf32, #tpu.memory_space<vmem>>, vector<1x16xf32>,
      %get3A_615 = vector.shape_cast %get3A_614 : vector<1x16xf32> to vector<16xf32>
      %get3A_616 = arith.index_cast %add3A_515 : i32 to index
      %get3A_617 = arith.constant 64 : index
      %get3A_618 = tpu.vector_load %arg12[%get3A_616, %get3A_617] {strides = array<i32>} : memref<128x128xf32, #tpu.memory_space<vmem>>, vector<1x16xf32>,
      %get3A_619 = vector.shape_cast %get3A_618 : vector<1x16xf32> to vector<16xf32>
      %add3A_620 = arith.addf %get3A_615, %get3A_619 : vector<16xf32>
      %get3A_621 = arith.index_cast %add3A_515 : i32 to index
      %get3A_622 = arith.constant 64 : index
      %get3A_623 = tpu.vector_load %arg8[%get3A_621, %get3A_622] {strides = array<i32>} : memref<128x128xf32, #tpu.memory_space<vmem>>, vector<1x16xf32>,
      %get3A_624 = vector.shape_cast %get3A_623 : vector<1x16xf32> to vector<16xf32>
      %add3A_625 = arith.addf %add3A_620, %get3A_624 : vector<16xf32>
      %get3A_626 = arith.index_cast %add3A_515 : i32 to index
      %get3A_627 = arith.constant 64 : index
      %get3A_628 = tpu.vector_load %arg9[%get3A_626, %get3A_627] {strides = array<i32>} : memref<128x128xf32, #tpu.memory_space<vmem>>, vector<1x16xf32>,
      %get3A_629 = vector.shape_cast %get3A_628 : vector<1x16xf32> to vector<16xf32>
      %add3A_630 = arith.addf %add3A_625, %get3A_629 : vector<16xf32>
      %swap3A_631 = arith.index_cast %add3A_515 : i32 to index
      %swap3A_632 = arith.constant 64 : index
      %swap3A_633 = tpu.vector_load %arg7[%swap3A_631, %swap3A_632] {strides = array<i32>} : memref<128x128xf32, #tpu.memory_space<vmem>>, vector<1x16xf32>,
      %swap3A_634 = vector.shape_cast %swap3A_633 : vector<1x16xf32> to vector<16xf32>
      %swap3A_635 = vector.shape_cast %add3A_630 : vector<16xf32> to vector<1x16xf32>
      tpu.vector_store %arg7[%swap3A_631, %swap3A_632], %swap3A_635 {strides = array<i32>} : memref<128x128xf32, #tpu.memory_space<vmem>>, vector<1x16xf32>,
      %get3A_636 = arith.index_cast %add3A_515 : i32 to index
      %get3A_637 = arith.constant 80 : index
      %get3A_638 = tpu.vector_load %arg7[%get3A_636, %get3A_637] {strides = array<i32>} : memref<128x128xf32, #tpu.memory_space<vmem>>, vector<1x16xf32>,
      %get3A_639 = vector.shape_cast %get3A_638 : vector<1x16xf32> to vector<16xf32>
      %get3A_640 = arith.index_cast %add3A_515 : i32 to index
      %get3A_641 = arith.constant 80 : index
      %get3A_642 = tpu.vector_load %arg12[%get3A_640, %get3A_641] {strides = array<i32>} : memref<128x128xf32, #tpu.memory_space<vmem>>, vector<1x16xf32>,
      %get3A_643 = vector.shape_cast %get3A_642 : vector<1x16xf32> to vector<16xf32>
      %add3A_644 = arith.addf %get3A_639, %get3A_643 : vector<16xf32>
      %get3A_645 = arith.index_cast %add3A_515 : i32 to index
      %get3A_646 = arith.constant 80 : index
      %get3A_647 = tpu.vector_load %arg8[%get3A_645, %get3A_646] {strides = array<i32>} : memref<128x128xf32, #tpu.memory_space<vmem>>, vector<1x16xf32>,
      %get3A_648 = vector.shape_cast %get3A_647 : vector<1x16xf32> to vector<16xf32>
      %add3A_649 = arith.addf %add3A_644, %get3A_648 : vector<16xf32>
      %get3A_650 = arith.index_cast %add3A_515 : i32 to index
      %get3A_651 = arith.constant 80 : index
      %get3A_652 = tpu.vector_load %arg9[%get3A_650, %get3A_651] {strides = array<i32>} : memref<128x128xf32, #tpu.memory_space<vmem>>, vector<1x16xf32>,
      %get3A_653 = vector.shape_cast %get3A_652 : vector<1x16xf32> to vector<16xf32>
      %add3A_654 = arith.addf %add3A_649, %get3A_653 : vector<16xf32>
      %swap3A_655 = arith.index_cast %add3A_515 : i32 to index
      %swap3A_656 = arith.constant 80 : index
      %swap3A_657 = tpu.vector_load %arg7[%swap3A_655, %swap3A_656] {strides = array<i32>} : memref<128x128xf32, #tpu.memory_space<vmem>>, vector<1x16xf32>,
      %swap3A_658 = vector.shape_cast %swap3A_657 : vector<1x16xf32> to vector<16xf32>
      %swap3A_659 = vector.shape_cast %add3A_654 : vector<16xf32> to vector<1x16xf32>
      tpu.vector_store %arg7[%swap3A_655, %swap3A_656], %swap3A_659 {strides = array<i32>} : memref<128x128xf32, #tpu.memory_space<vmem>>, vector<1x16xf32>,
      %get3A_660 = arith.index_cast %add3A_515 : i32 to index
      %get3A_661 = arith.constant 96 : index
      %get3A_662 = tpu.vector_load %arg7[%get3A_660, %get3A_661] {strides = array<i32>} : memref<128x128xf32, #tpu.memory_space<vmem>>, vector<1x16xf32>,
      %get3A_663 = vector.shape_cast %get3A_662 : vector<1x16xf32> to vector<16xf32>
      %get3A_664 = arith.index_cast %add3A_515 : i32 to index
      %get3A_665 = arith.constant 96 : index
      %get3A_666 = tpu.vector_load %arg12[%get3A_664, %get3A_665] {strides = array<i32>} : memref<128x128xf32, #tpu.memory_space<vmem>>, vector<1x16xf32>,
      %get3A_667 = vector.shape_cast %get3A_666 : vector<1x16xf32> to vector<16xf32>
      %add3A_668 = arith.addf %get3A_663, %get3A_667 : vector<16xf32>
      %get3A_669 = arith.index_cast %add3A_515 : i32 to index
      %get3A_670 = arith.constant 96 : index
      %get3A_671 = tpu.vector_load %arg8[%get3A_669, %get3A_670] {strides = array<i32>} : memref<128x128xf32, #tpu.memory_space<vmem>>, vector<1x16xf32>,
      %get3A_672 = vector.shape_cast %get3A_671 : vector<1x16xf32> to vector<16xf32>
      %add3A_673 = arith.addf %add3A_668, %get3A_672 : vector<16xf32>
      %get3A_674 = arith.index_cast %add3A_515 : i32 to index
      %get3A_675 = arith.constant 96 : index
      %get3A_676 = tpu.vector_load %arg9[%get3A_674, %get3A_675] {strides = array<i32>} : memref<128x128xf32, #tpu.memory_space<vmem>>, vector<1x16xf32>,
      %get3A_677 = vector.shape_cast %get3A_676 : vector<1x16xf32> to vector<16xf32>
      %add3A_678 = arith.addf %add3A_673, %get3A_677 : vector<16xf32>
      %swap3A_679 = arith.index_cast %add3A_515 : i32 to index
      %swap3A_680 = arith.constant 96 : index
      %swap3A_681 = tpu.vector_load %arg7[%swap3A_679, %swap3A_680] {strides = array<i32>} : memref<128x128xf32, #tpu.memory_space<vmem>>, vector<1x16xf32>,
      %swap3A_682 = vector.shape_cast %swap3A_681 : vector<1x16xf32> to vector<16xf32>
      %swap3A_683 = vector.shape_cast %add3A_678 : vector<16xf32> to vector<1x16xf32>
      tpu.vector_store %arg7[%swap3A_679, %swap3A_680], %swap3A_683 {strides = array<i32>} : memref<128x128xf32, #tpu.memory_space<vmem>>, vector<1x16xf32>,
      %get3A_684 = arith.index_cast %add3A_515 : i32 to index
      %get3A_685 = arith.constant 112 : index
      %get3A_686 = tpu.vector_load %arg7[%get3A_684, %get3A_685] {strides = array<i32>} : memref<128x128xf32, #tpu.memory_space<vmem>>, vector<1x16xf32>,
      %get3A_687 = vector.shape_cast %get3A_686 : vector<1x16xf32> to vector<16xf32>
      %get3A_688 = arith.index_cast %add3A_515 : i32 to index
      %get3A_689 = arith.constant 112 : index
      %get3A_690 = tpu.vector_load %arg12[%get3A_688, %get3A_689] {strides = array<i32>} : memref<128x128xf32, #tpu.memory_space<vmem>>, vector<1x16xf32>,
      %get3A_691 = vector.shape_cast %get3A_690 : vector<1x16xf32> to vector<16xf32>
      %add3A_692 = arith.addf %get3A_687, %get3A_691 : vector<16xf32>
      %get3A_693 = arith.index_cast %add3A_515 : i32 to index
      %get3A_694 = arith.constant 112 : index
      %get3A_695 = tpu.vector_load %arg8[%get3A_693, %get3A_694] {strides = array<i32>} : memref<128x128xf32, #tpu.memory_space<vmem>>, vector<1x16xf32>,
      %get3A_696 = vector.shape_cast %get3A_695 : vector<1x16xf32> to vector<16xf32>
      %add3A_697 = arith.addf %add3A_692, %get3A_696 : vector<16xf32>
      %get3A_698 = arith.index_cast %add3A_515 : i32 to index
      %get3A_699 = arith.constant 112 : index
      %get3A_700 = tpu.vector_load %arg9[%get3A_698, %get3A_699] {strides = array<i32>} : memref<128x128xf32, #tpu.memory_space<vmem>>, vector<1x16xf32>,
      %get3A_701 = vector.shape_cast %get3A_700 : vector<1x16xf32> to vector<16xf32>
      %add3A_702 = arith.addf %add3A_697, %get3A_701 : vector<16xf32>
      %swap3A_703 = arith.index_cast %add3A_515 : i32 to index
      %swap3A_704 = arith.constant 112 : index
      %swap3A_705 = tpu.vector_load %arg7[%swap3A_703, %swap3A_704] {strides = array<i32>} : memref<128x128xf32, #tpu.memory_space<vmem>>, vector<1x16xf32>,
      %swap3A_706 = vector.shape_cast %swap3A_705 : vector<1x16xf32> to vector<16xf32>
      %swap3A_707 = vector.shape_cast %add3A_702 : vector<16xf32> to vector<1x16xf32>
      tpu.vector_store %arg7[%swap3A_703, %swap3A_704], %swap3A_707 {strides = array<i32>} : memref<128x128xf32, #tpu.memory_space<vmem>>, vector<1x16xf32>,
      %mul3A_708 = arith.constant 4 : i32
      %mul3A_709 = arith.muli %mul3A_708, %scan3A_316 : i32
      %add3A_710 = arith.constant 2 : i32
      %add3A_711 = arith.addi %mul3A_709, %add3A_710 : i32
      %get3A_712 = arith.index_cast %add3A_711 : i32 to index
      %get3A_713 = arith.constant 0 : index
      %get3A_714 = tpu.vector_load %arg7[%get3A_712, %get3A_713] {strides = array<i32>} : memref<128x128xf32, #tpu.memory_space<vmem>>, vector<1x16xf32>,
      %get3A_715 = vector.shape_cast %get3A_714 : vector<1x16xf32> to vector<16xf32>
      %get3A_716 = arith.index_cast %add3A_711 : i32 to index
      %get3A_717 = arith.constant 0 : index
      %get3A_718 = tpu.vector_load %arg12[%get3A_716, %get3A_717] {strides = array<i32>} : memref<128x128xf32, #tpu.memory_space<vmem>>, vector<1x16xf32>,
      %get3A_719 = vector.shape_cast %get3A_718 : vector<1x16xf32> to vector<16xf32>
      %add3A_720 = arith.addf %get3A_715, %get3A_719 : vector<16xf32>
      %get3A_721 = arith.index_cast %add3A_711 : i32 to index
      %get3A_722 = arith.constant 0 : index
      %get3A_723 = tpu.vector_load %arg8[%get3A_721, %get3A_722] {strides = array<i32>} : memref<128x128xf32, #tpu.memory_space<vmem>>, vector<1x16xf32>,
      %get3A_724 = vector.shape_cast %get3A_723 : vector<1x16xf32> to vector<16xf32>
      %add3A_725 = arith.addf %add3A_720, %get3A_724 : vector<16xf32>
      %get3A_726 = arith.index_cast %add3A_711 : i32 to index
      %get3A_727 = arith.constant 0 : index
      %get3A_728 = tpu.vector_load %arg9[%get3A_726, %get3A_727] {strides = array<i32>} : memref<128x128xf32, #tpu.memory_space<vmem>>, vector<1x16xf32>,
      %get3A_729 = vector.shape_cast %get3A_728 : vector<1x16xf32> to vector<16xf32>
      %add3A_730 = arith.addf %add3A_725, %get3A_729 : vector<16xf32>
      %swap3A_731 = arith.index_cast %add3A_711 : i32 to index
      %swap3A_732 = arith.constant 0 : index
      %swap3A_733 = tpu.vector_load %arg7[%swap3A_731, %swap3A_732] {strides = array<i32>} : memref<128x128xf32, #tpu.memory_space<vmem>>, vector<1x16xf32>,
      %swap3A_734 = vector.shape_cast %swap3A_733 : vector<1x16xf32> to vector<16xf32>
      %swap3A_735 = vector.shape_cast %add3A_730 : vector<16xf32> to vector<1x16xf32>
      tpu.vector_store %arg7[%swap3A_731, %swap3A_732], %swap3A_735 {strides = array<i32>} : memref<128x128xf32, #tpu.memory_space<vmem>>, vector<1x16xf32>,
      %get3A_736 = arith.index_cast %add3A_711 : i32 to index
      %get3A_737 = arith.constant 16 : index
      %get3A_738 = tpu.vector_load %arg7[%get3A_736, %get3A_737] {strides = array<i32>} : memref<128x128xf32, #tpu.memory_space<vmem>>, vector<1x16xf32>,
      %get3A_739 = vector.shape_cast %get3A_738 : vector<1x16xf32> to vector<16xf32>
      %get3A_740 = arith.index_cast %add3A_711 : i32 to index
      %get3A_741 = arith.constant 16 : index
      %get3A_742 = tpu.vector_load %arg12[%get3A_740, %get3A_741] {strides = array<i32>} : memref<128x128xf32, #tpu.memory_space<vmem>>, vector<1x16xf32>,
      %get3A_743 = vector.shape_cast %get3A_742 : vector<1x16xf32> to vector<16xf32>
      %add3A_744 = arith.addf %get3A_739, %get3A_743 : vector<16xf32>
      %get3A_745 = arith.index_cast %add3A_711 : i32 to index
      %get3A_746 = arith.constant 16 : index
      %get3A_747 = tpu.vector_load %arg8[%get3A_745, %get3A_746] {strides = array<i32>} : memref<128x128xf32, #tpu.memory_space<vmem>>, vector<1x16xf32>,
      %get3A_748 = vector.shape_cast %get3A_747 : vector<1x16xf32> to vector<16xf32>
      %add3A_749 = arith.addf %add3A_744, %get3A_748 : vector<16xf32>
      %get3A_750 = arith.index_cast %add3A_711 : i32 to index
      %get3A_751 = arith.constant 16 : index
      %get3A_752 = tpu.vector_load %arg9[%get3A_750, %get3A_751] {strides = array<i32>} : memref<128x128xf32, #tpu.memory_space<vmem>>, vector<1x16xf32>,
      %get3A_753 = vector.shape_cast %get3A_752 : vector<1x16xf32> to vector<16xf32>
      %add3A_754 = arith.addf %add3A_749, %get3A_753 : vector<16xf32>
      %swap3A_755 = arith.index_cast %add3A_711 : i32 to index
      %swap3A_756 = arith.constant 16 : index
      %swap3A_757 = tpu.vector_load %arg7[%swap3A_755, %swap3A_756] {strides = array<i32>} : memref<128x128xf32, #tpu.memory_space<vmem>>, vector<1x16xf32>,
      %swap3A_758 = vector.shape_cast %swap3A_757 : vector<1x16xf32> to vector<16xf32>
      %swap3A_759 = vector.shape_cast %add3A_754 : vector<16xf32> to vector<1x16xf32>
      tpu.vector_store %arg7[%swap3A_755, %swap3A_756], %swap3A_759 {strides = array<i32>} : memref<128x128xf32, #tpu.memory_space<vmem>>, vector<1x16xf32>,
      %get3A_760 = arith.index_cast %add3A_711 : i32 to index
      %get3A_761 = arith.constant 32 : index
      %get3A_762 = tpu.vector_load %arg7[%get3A_760, %get3A_761] {strides = array<i32>} : memref<128x128xf32, #tpu.memory_space<vmem>>, vector<1x16xf32>,
      %get3A_763 = vector.shape_cast %get3A_762 : vector<1x16xf32> to vector<16xf32>
      %get3A_764 = arith.index_cast %add3A_711 : i32 to index
      %get3A_765 = arith.constant 32 : index
      %get3A_766 = tpu.vector_load %arg12[%get3A_764, %get3A_765] {strides = array<i32>} : memref<128x128xf32, #tpu.memory_space<vmem>>, vector<1x16xf32>,
      %get3A_767 = vector.shape_cast %get3A_766 : vector<1x16xf32> to vector<16xf32>
      %add3A_768 = arith.addf %get3A_763, %get3A_767 : vector<16xf32>
      %get3A_769 = arith.index_cast %add3A_711 : i32 to index
      %get3A_770 = arith.constant 32 : index
      %get3A_771 = tpu.vector_load %arg8[%get3A_769, %get3A_770] {strides = array<i32>} : memref<128x128xf32, #tpu.memory_space<vmem>>, vector<1x16xf32>,
      %get3A_772 = vector.shape_cast %get3A_771 : vector<1x16xf32> to vector<16xf32>
      %add3A_773 = arith.addf %add3A_768, %get3A_772 : vector<16xf32>
      %get3A_774 = arith.index_cast %add3A_711 : i32 to index
      %get3A_775 = arith.constant 32 : index
      %get3A_776 = tpu.vector_load %arg9[%get3A_774, %get3A_775] {strides = array<i32>} : memref<128x128xf32, #tpu.memory_space<vmem>>, vector<1x16xf32>,
      %get3A_777 = vector.shape_cast %get3A_776 : vector<1x16xf32> to vector<16xf32>
      %add3A_778 = arith.addf %add3A_773, %get3A_777 : vector<16xf32>
      %swap3A_779 = arith.index_cast %add3A_711 : i32 to index
      %swap3A_780 = arith.constant 32 : index
      %swap3A_781 = tpu.vector_load %arg7[%swap3A_779, %swap3A_780] {strides = array<i32>} : memref<128x128xf32, #tpu.memory_space<vmem>>, vector<1x16xf32>,
      %swap3A_782 = vector.shape_cast %swap3A_781 : vector<1x16xf32> to vector<16xf32>
      %swap3A_783 = vector.shape_cast %add3A_778 : vector<16xf32> to vector<1x16xf32>
      tpu.vector_store %arg7[%swap3A_779, %swap3A_780], %swap3A_783 {strides = array<i32>} : memref<128x128xf32, #tpu.memory_space<vmem>>, vector<1x16xf32>,
      %get3A_784 = arith.index_cast %add3A_711 : i32 to index
      %get3A_785 = arith.constant 48 : index
      %get3A_786 = tpu.vector_load %arg7[%get3A_784, %get3A_785] {strides = array<i32>} : memref<128x128xf32, #tpu.memory_space<vmem>>, vector<1x16xf32>,
      %get3A_787 = vector.shape_cast %get3A_786 : vector<1x16xf32> to vector<16xf32>
      %get3A_788 = arith.index_cast %add3A_711 : i32 to index
      %get3A_789 = arith.constant 48 : index
      %get3A_790 = tpu.vector_load %arg12[%get3A_788, %get3A_789] {strides = array<i32>} : memref<128x128xf32, #tpu.memory_space<vmem>>, vector<1x16xf32>,
      %get3A_791 = vector.shape_cast %get3A_790 : vector<1x16xf32> to vector<16xf32>
      %add3A_792 = arith.addf %get3A_787, %get3A_791 : vector<16xf32>
      %get3A_793 = arith.index_cast %add3A_711 : i32 to index
      %get3A_794 = arith.constant 48 : index
      %get3A_795 = tpu.vector_load %arg8[%get3A_793, %get3A_794] {strides = array<i32>} : memref<128x128xf32, #tpu.memory_space<vmem>>, vector<1x16xf32>,
      %get3A_796 = vector.shape_cast %get3A_795 : vector<1x16xf32> to vector<16xf32>
      %add3A_797 = arith.addf %add3A_792, %get3A_796 : vector<16xf32>
      %get3A_798 = arith.index_cast %add3A_711 : i32 to index
      %get3A_799 = arith.constant 48 : index
      %get3A_800 = tpu.vector_load %arg9[%get3A_798, %get3A_799] {strides = array<i32>} : memref<128x128xf32, #tpu.memory_space<vmem>>, vector<1x16xf32>,
      %get3A_801 = vector.shape_cast %get3A_800 : vector<1x16xf32> to vector<16xf32>
      %add3A_802 = arith.addf %add3A_797, %get3A_801 : vector<16xf32>
      %swap3A_803 = arith.index_cast %add3A_711 : i32 to index
      %swap3A_804 = arith.constant 48 : index
      %swap3A_805 = tpu.vector_load %arg7[%swap3A_803, %swap3A_804] {strides = array<i32>} : memref<128x128xf32, #tpu.memory_space<vmem>>, vector<1x16xf32>,
      %swap3A_806 = vector.shape_cast %swap3A_805 : vector<1x16xf32> to vector<16xf32>
      %swap3A_807 = vector.shape_cast %add3A_802 : vector<16xf32> to vector<1x16xf32>
      tpu.vector_store %arg7[%swap3A_803, %swap3A_804], %swap3A_807 {strides = array<i32>} : memref<128x128xf32, #tpu.memory_space<vmem>>, vector<1x16xf32>,
      %get3A_808 = arith.index_cast %add3A_711 : i32 to index
      %get3A_809 = arith.constant 64 : index
      %get3A_810 = tpu.vector_load %arg7[%get3A_808, %get3A_809] {strides = array<i32>} : memref<128x128xf32, #tpu.memory_space<vmem>>, vector<1x16xf32>,
      %get3A_811 = vector.shape_cast %get3A_810 : vector<1x16xf32> to vector<16xf32>
      %get3A_812 = arith.index_cast %add3A_711 : i32 to index
      %get3A_813 = arith.constant 64 : index
      %get3A_814 = tpu.vector_load %arg12[%get3A_812, %get3A_813] {strides = array<i32>} : memref<128x128xf32, #tpu.memory_space<vmem>>, vector<1x16xf32>,
      %get3A_815 = vector.shape_cast %get3A_814 : vector<1x16xf32> to vector<16xf32>
      %add3A_816 = arith.addf %get3A_811, %get3A_815 : vector<16xf32>
      %get3A_817 = arith.index_cast %add3A_711 : i32 to index
      %get3A_818 = arith.constant 64 : index
      %get3A_819 = tpu.vector_load %arg8[%get3A_817, %get3A_818] {strides = array<i32>} : memref<128x128xf32, #tpu.memory_space<vmem>>, vector<1x16xf32>,
      %get3A_820 = vector.shape_cast %get3A_819 : vector<1x16xf32> to vector<16xf32>
      %add3A_821 = arith.addf %add3A_816, %get3A_820 : vector<16xf32>
      %get3A_822 = arith.index_cast %add3A_711 : i32 to index
      %get3A_823 = arith.constant 64 : index
      %get3A_824 = tpu.vector_load %arg9[%get3A_822, %get3A_823] {strides = array<i32>} : memref<128x128xf32, #tpu.memory_space<vmem>>, vector<1x16xf32>,
      %get3A_825 = vector.shape_cast %get3A_824 : vector<1x16xf32> to vector<16xf32>
      %add3A_826 = arith.addf %add3A_821, %get3A_825 : vector<16xf32>
      %swap3A_827 = arith.index_cast %add3A_711 : i32 to index
      %swap3A_828 = arith.constant 64 : index
      %swap3A_829 = tpu.vector_load %arg7[%swap3A_827, %swap3A_828] {strides = array<i32>} : memref<128x128xf32, #tpu.memory_space<vmem>>, vector<1x16xf32>,
      %swap3A_830 = vector.shape_cast %swap3A_829 : vector<1x16xf32> to vector<16xf32>
      %swap3A_831 = vector.shape_cast %add3A_826 : vector<16xf32> to vector<1x16xf32>
      tpu.vector_store %arg7[%swap3A_827, %swap3A_828], %swap3A_831 {strides = array<i32>} : memref<128x128xf32, #tpu.memory_space<vmem>>, vector<1x16xf32>,
      %get3A_832 = arith.index_cast %add3A_711 : i32 to index
      %get3A_833 = arith.constant 80 : index
      %get3A_834 = tpu.vector_load %arg7[%get3A_832, %get3A_833] {strides = array<i32>} : memref<128x128xf32, #tpu.memory_space<vmem>>, vector<1x16xf32>,
      %get3A_835 = vector.shape_cast %get3A_834 : vector<1x16xf32> to vector<16xf32>
      %get3A_836 = arith.index_cast %add3A_711 : i32 to index
      %get3A_837 = arith.constant 80 : index
      %get3A_838 = tpu.vector_load %arg12[%get3A_836, %get3A_837] {strides = array<i32>} : memref<128x128xf32, #tpu.memory_space<vmem>>, vector<1x16xf32>,
      %get3A_839 = vector.shape_cast %get3A_838 : vector<1x16xf32> to vector<16xf32>
      %add3A_840 = arith.addf %get3A_835, %get3A_839 : vector<16xf32>
      %get3A_841 = arith.index_cast %add3A_711 : i32 to index
      %get3A_842 = arith.constant 80 : index
      %get3A_843 = tpu.vector_load %arg8[%get3A_841, %get3A_842] {strides = array<i32>} : memref<128x128xf32, #tpu.memory_space<vmem>>, vector<1x16xf32>,
      %get3A_844 = vector.shape_cast %get3A_843 : vector<1x16xf32> to vector<16xf32>
      %add3A_845 = arith.addf %add3A_840, %get3A_844 : vector<16xf32>
      %get3A_846 = arith.index_cast %add3A_711 : i32 to index
      %get3A_847 = arith.constant 80 : index
      %get3A_848 = tpu.vector_load %arg9[%get3A_846, %get3A_847] {strides = array<i32>} : memref<128x128xf32, #tpu.memory_space<vmem>>, vector<1x16xf32>,
      %get3A_849 = vector.shape_cast %get3A_848 : vector<1x16xf32> to vector<16xf32>
      %add3A_850 = arith.addf %add3A_845, %get3A_849 : vector<16xf32>
      %swap3A_851 = arith.index_cast %add3A_711 : i32 to index
      %swap3A_852 = arith.constant 80 : index
      %swap3A_853 = tpu.vector_load %arg7[%swap3A_851, %swap3A_852] {strides = array<i32>} : memref<128x128xf32, #tpu.memory_space<vmem>>, vector<1x16xf32>,
      %swap3A_854 = vector.shape_cast %swap3A_853 : vector<1x16xf32> to vector<16xf32>
      %swap3A_855 = vector.shape_cast %add3A_850 : vector<16xf32> to vector<1x16xf32>
      tpu.vector_store %arg7[%swap3A_851, %swap3A_852], %swap3A_855 {strides = array<i32>} : memref<128x128xf32, #tpu.memory_space<vmem>>, vector<1x16xf32>,
      %get3A_856 = arith.index_cast %add3A_711 : i32 to index
      %get3A_857 = arith.constant 96 : index
      %get3A_858 = tpu.vector_load %arg7[%get3A_856, %get3A_857] {strides = array<i32>} : memref<128x128xf32, #tpu.memory_space<vmem>>, vector<1x16xf32>,
      %get3A_859 = vector.shape_cast %get3A_858 : vector<1x16xf32> to vector<16xf32>
      %get3A_860 = arith.index_cast %add3A_711 : i32 to index
      %get3A_861 = arith.constant 96 : index
      %get3A_862 = tpu.vector_load %arg12[%get3A_860, %get3A_861] {strides = array<i32>} : memref<128x128xf32, #tpu.memory_space<vmem>>, vector<1x16xf32>,
      %get3A_863 = vector.shape_cast %get3A_862 : vector<1x16xf32> to vector<16xf32>
      %add3A_864 = arith.addf %get3A_859, %get3A_863 : vector<16xf32>
      %get3A_865 = arith.index_cast %add3A_711 : i32 to index
      %get3A_866 = arith.constant 96 : index
      %get3A_867 = tpu.vector_load %arg8[%get3A_865, %get3A_866] {strides = array<i32>} : memref<128x128xf32, #tpu.memory_space<vmem>>, vector<1x16xf32>,
      %get3A_868 = vector.shape_cast %get3A_867 : vector<1x16xf32> to vector<16xf32>
      %add3A_869 = arith.addf %add3A_864, %get3A_868 : vector<16xf32>
      %get3A_870 = arith.index_cast %add3A_711 : i32 to index
      %get3A_871 = arith.constant 96 : index
      %get3A_872 = tpu.vector_load %arg9[%get3A_870, %get3A_871] {strides = array<i32>} : memref<128x128xf32, #tpu.memory_space<vmem>>, vector<1x16xf32>,
      %get3A_873 = vector.shape_cast %get3A_872 : vector<1x16xf32> to vector<16xf32>
      %add3A_874 = arith.addf %add3A_869, %get3A_873 : vector<16xf32>
      %swap3A_875 = arith.index_cast %add3A_711 : i32 to index
      %swap3A_876 = arith.constant 96 : index
      %swap3A_877 = tpu.vector_load %arg7[%swap3A_875, %swap3A_876] {strides = array<i32>} : memref<128x128xf32, #tpu.memory_space<vmem>>, vector<1x16xf32>,
      %swap3A_878 = vector.shape_cast %swap3A_877 : vector<1x16xf32> to vector<16xf32>
      %swap3A_879 = vector.shape_cast %add3A_874 : vector<16xf32> to vector<1x16xf32>
      tpu.vector_store %arg7[%swap3A_875, %swap3A_876], %swap3A_879 {strides = array<i32>} : memref<128x128xf32, #tpu.memory_space<vmem>>, vector<1x16xf32>,
      %get3A_880 = arith.index_cast %add3A_711 : i32 to index
      %get3A_881 = arith.constant 112 : index
      %get3A_882 = tpu.vector_load %arg7[%get3A_880, %get3A_881] {strides = array<i32>} : memref<128x128xf32, #tpu.memory_space<vmem>>, vector<1x16xf32>,
      %get3A_883 = vector.shape_cast %get3A_882 : vector<1x16xf32> to vector<16xf32>
      %get3A_884 = arith.index_cast %add3A_711 : i32 to index
      %get3A_885 = arith.constant 112 : index
      %get3A_886 = tpu.vector_load %arg12[%get3A_884, %get3A_885] {strides = array<i32>} : memref<128x128xf32, #tpu.memory_space<vmem>>, vector<1x16xf32>,
      %get3A_887 = vector.shape_cast %get3A_886 : vector<1x16xf32> to vector<16xf32>
      %add3A_888 = arith.addf %get3A_883, %get3A_887 : vector<16xf32>
      %get3A_889 = arith.index_cast %add3A_711 : i32 to index
      %get3A_890 = arith.constant 112 : index
      %get3A_891 = tpu.vector_load %arg8[%get3A_889, %get3A_890] {strides = array<i32>} : memref<128x128xf32, #tpu.memory_space<vmem>>, vector<1x16xf32>,
      %get3A_892 = vector.shape_cast %get3A_891 : vector<1x16xf32> to vector<16xf32>
      %add3A_893 = arith.addf %add3A_888, %get3A_892 : vector<16xf32>
      %get3A_894 = arith.index_cast %add3A_711 : i32 to index
      %get3A_895 = arith.constant 112 : index
      %get3A_896 = tpu.vector_load %arg9[%get3A_894, %get3A_895] {strides = array<i32>} : memref<128x128xf32, #tpu.memory_space<vmem>>, vector<1x16xf32>,
      %get3A_897 = vector.shape_cast %get3A_896 : vector<1x16xf32> to vector<16xf32>
      %add3A_898 = arith.addf %add3A_893, %get3A_897 : vector<16xf32>
      %swap3A_899 = arith.index_cast %add3A_711 : i32 to index
      %swap3A_900 = arith.constant 112 : index
      %swap3A_901 = tpu.vector_load %arg7[%swap3A_899, %swap3A_900] {strides = array<i32>} : memref<128x128xf32, #tpu.memory_space<vmem>>, vector<1x16xf32>,
      %swap3A_902 = vector.shape_cast %swap3A_901 : vector<1x16xf32> to vector<16xf32>
      %swap3A_903 = vector.shape_cast %add3A_898 : vector<16xf32> to vector<1x16xf32>
      tpu.vector_store %arg7[%swap3A_899, %swap3A_900], %swap3A_903 {strides = array<i32>} : memref<128x128xf32, #tpu.memory_space<vmem>>, vector<1x16xf32>,
      %mul3A_904 = arith.constant 4 : i32
      %mul3A_905 = arith.muli %mul3A_904, %scan3A_316 : i32
      %add3A_906 = arith.constant 3 : i32
      %add3A_907 = arith.addi %mul3A_905, %add3A_906 : i32
      %get3A_908 = arith.index_cast %add3A_907 : i32 to index
      %get3A_909 = arith.constant 0 : index
      %get3A_910 = tpu.vector_load %arg7[%get3A_908, %get3A_909] {strides = array<i32>} : memref<128x128xf32, #tpu.memory_space<vmem>>, vector<1x16xf32>,
      %get3A_911 = vector.shape_cast %get3A_910 : vector<1x16xf32> to vector<16xf32>
      %get3A_912 = arith.index_cast %add3A_907 : i32 to index
      %get3A_913 = arith.constant 0 : index
      %get3A_914 = tpu.vector_load %arg12[%get3A_912, %get3A_913] {strides = array<i32>} : memref<128x128xf32, #tpu.memory_space<vmem>>, vector<1x16xf32>,
      %get3A_915 = vector.shape_cast %get3A_914 : vector<1x16xf32> to vector<16xf32>
      %add3A_916 = arith.addf %get3A_911, %get3A_915 : vector<16xf32>
      %get3A_917 = arith.index_cast %add3A_907 : i32 to index
      %get3A_918 = arith.constant 0 : index
      %get3A_919 = tpu.vector_load %arg8[%get3A_917, %get3A_918] {strides = array<i32>} : memref<128x128xf32, #tpu.memory_space<vmem>>, vector<1x16xf32>,
      %get3A_920 = vector.shape_cast %get3A_919 : vector<1x16xf32> to vector<16xf32>
      %add3A_921 = arith.addf %add3A_916, %get3A_920 : vector<16xf32>
      %get3A_922 = arith.index_cast %add3A_907 : i32 to index
      %get3A_923 = arith.constant 0 : index
      %get3A_924 = tpu.vector_load %arg9[%get3A_922, %get3A_923] {strides = array<i32>} : memref<128x128xf32, #tpu.memory_space<vmem>>, vector<1x16xf32>,
      %get3A_925 = vector.shape_cast %get3A_924 : vector<1x16xf32> to vector<16xf32>
      %add3A_926 = arith.addf %add3A_921, %get3A_925 : vector<16xf32>
      %swap3A_927 = arith.index_cast %add3A_907 : i32 to index
      %swap3A_928 = arith.constant 0 : index
      %swap3A_929 = tpu.vector_load %arg7[%swap3A_927, %swap3A_928] {strides = array<i32>} : memref<128x128xf32, #tpu.memory_space<vmem>>, vector<1x16xf32>,
      %swap3A_930 = vector.shape_cast %swap3A_929 : vector<1x16xf32> to vector<16xf32>
      %swap3A_931 = vector.shape_cast %add3A_926 : vector<16xf32> to vector<1x16xf32>
      tpu.vector_store %arg7[%swap3A_927, %swap3A_928], %swap3A_931 {strides = array<i32>} : memref<128x128xf32, #tpu.memory_space<vmem>>, vector<1x16xf32>,
      %get3A_932 = arith.index_cast %add3A_907 : i32 to index
      %get3A_933 = arith.constant 16 : index
      %get3A_934 = tpu.vector_load %arg7[%get3A_932, %get3A_933] {strides = array<i32>} : memref<128x128xf32, #tpu.memory_space<vmem>>, vector<1x16xf32>,
      %get3A_935 = vector.shape_cast %get3A_934 : vector<1x16xf32> to vector<16xf32>
      %get3A_936 = arith.index_cast %add3A_907 : i32 to index
      %get3A_937 = arith.constant 16 : index
      %get3A_938 = tpu.vector_load %arg12[%get3A_936, %get3A_937] {strides = array<i32>} : memref<128x128xf32, #tpu.memory_space<vmem>>, vector<1x16xf32>,
      %get3A_939 = vector.shape_cast %get3A_938 : vector<1x16xf32> to vector<16xf32>
      %add3A_940 = arith.addf %get3A_935, %get3A_939 : vector<16xf32>
      %get3A_941 = arith.index_cast %add3A_907 : i32 to index
      %get3A_942 = arith.constant 16 : index
      %get3A_943 = tpu.vector_load %arg8[%get3A_941, %get3A_942] {strides = array<i32>} : memref<128x128xf32, #tpu.memory_space<vmem>>, vector<1x16xf32>,
      %get3A_944 = vector.shape_cast %get3A_943 : vector<1x16xf32> to vector<16xf32>
      %add3A_945 = arith.addf %add3A_940, %get3A_944 : vector<16xf32>
      %get3A_946 = arith.index_cast %add3A_907 : i32 to index
      %get3A_947 = arith.constant 16 : index
      %get3A_948 = tpu.vector_load %arg9[%get3A_946, %get3A_947] {strides = array<i32>} : memref<128x128xf32, #tpu.memory_space<vmem>>, vector<1x16xf32>,
      %get3A_949 = vector.shape_cast %get3A_948 : vector<1x16xf32> to vector<16xf32>
      %add3A_950 = arith.addf %add3A_945, %get3A_949 : vector<16xf32>
      %swap3A_951 = arith.index_cast %add3A_907 : i32 to index
      %swap3A_952 = arith.constant 16 : index
      %swap3A_953 = tpu.vector_load %arg7[%swap3A_951, %swap3A_952] {strides = array<i32>} : memref<128x128xf32, #tpu.memory_space<vmem>>, vector<1x16xf32>,
      %swap3A_954 = vector.shape_cast %swap3A_953 : vector<1x16xf32> to vector<16xf32>
      %swap3A_955 = vector.shape_cast %add3A_950 : vector<16xf32> to vector<1x16xf32>
      tpu.vector_store %arg7[%swap3A_951, %swap3A_952], %swap3A_955 {strides = array<i32>} : memref<128x128xf32, #tpu.memory_space<vmem>>, vector<1x16xf32>,
      %get3A_956 = arith.index_cast %add3A_907 : i32 to index
      %get3A_957 = arith.constant 32 : index
      %get3A_958 = tpu.vector_load %arg7[%get3A_956, %get3A_957] {strides = array<i32>} : memref<128x128xf32, #tpu.memory_space<vmem>>, vector<1x16xf32>,
      %get3A_959 = vector.shape_cast %get3A_958 : vector<1x16xf32> to vector<16xf32>
      %get3A_960 = arith.index_cast %add3A_907 : i32 to index
      %get3A_961 = arith.constant 32 : index
      %get3A_962 = tpu.vector_load %arg12[%get3A_960, %get3A_961] {strides = array<i32>} : memref<128x128xf32, #tpu.memory_space<vmem>>, vector<1x16xf32>,
      %get3A_963 = vector.shape_cast %get3A_962 : vector<1x16xf32> to vector<16xf32>
      %add3A_964 = arith.addf %get3A_959, %get3A_963 : vector<16xf32>
      %get3A_965 = arith.index_cast %add3A_907 : i32 to index
      %get3A_966 = arith.constant 32 : index
      %get3A_967 = tpu.vector_load %arg8[%get3A_965, %get3A_966] {strides = array<i32>} : memref<128x128xf32, #tpu.memory_space<vmem>>, vector<1x16xf32>,
      %get3A_968 = vector.shape_cast %get3A_967 : vector<1x16xf32> to vector<16xf32>
      %add3A_969 = arith.addf %add3A_964, %get3A_968 : vector<16xf32>
      %get3A_970 = arith.index_cast %add3A_907 : i32 to index
      %get3A_971 = arith.constant 32 : index
      %get3A_972 = tpu.vector_load %arg9[%get3A_970, %get3A_971] {strides = array<i32>} : memref<128x128xf32, #tpu.memory_space<vmem>>, vector<1x16xf32>,
      %get3A_973 = vector.shape_cast %get3A_972 : vector<1x16xf32> to vector<16xf32>
      %add3A_974 = arith.addf %add3A_969, %get3A_973 : vector<16xf32>
      %swap3A_975 = arith.index_cast %add3A_907 : i32 to index
      %swap3A_976 = arith.constant 32 : index
      %swap3A_977 = tpu.vector_load %arg7[%swap3A_975, %swap3A_976] {strides = array<i32>} : memref<128x128xf32, #tpu.memory_space<vmem>>, vector<1x16xf32>,
      %swap3A_978 = vector.shape_cast %swap3A_977 : vector<1x16xf32> to vector<16xf32>
      %swap3A_979 = vector.shape_cast %add3A_974 : vector<16xf32> to vector<1x16xf32>
      tpu.vector_store %arg7[%swap3A_975, %swap3A_976], %swap3A_979 {strides = array<i32>} : memref<128x128xf32, #tpu.memory_space<vmem>>, vector<1x16xf32>,
      %get3A_980 = arith.index_cast %add3A_907 : i32 to index
      %get3A_981 = arith.constant 48 : index
      %get3A_982 = tpu.vector_load %arg7[%get3A_980, %get3A_981] {strides = array<i32>} : memref<128x128xf32, #tpu.memory_space<vmem>>, vector<1x16xf32>,
      %get3A_983 = vector.shape_cast %get3A_982 : vector<1x16xf32> to vector<16xf32>
      %get3A_984 = arith.index_cast %add3A_907 : i32 to index
      %get3A_985 = arith.constant 48 : index
      %get3A_986 = tpu.vector_load %arg12[%get3A_984, %get3A_985] {strides = array<i32>} : memref<128x128xf32, #tpu.memory_space<vmem>>, vector<1x16xf32>,
      %get3A_987 = vector.shape_cast %get3A_986 : vector<1x16xf32> to vector<16xf32>
      %add3A_988 = arith.addf %get3A_983, %get3A_987 : vector<16xf32>
      %get3A_989 = arith.index_cast %add3A_907 : i32 to index
      %get3A_990 = arith.constant 48 : index
      %get3A_991 = tpu.vector_load %arg8[%get3A_989, %get3A_990] {strides = array<i32>} : memref<128x128xf32, #tpu.memory_space<vmem>>, vector<1x16xf32>,
      %get3A_992 = vector.shape_cast %get3A_991 : vector<1x16xf32> to vector<16xf32>
      %add3A_993 = arith.addf %add3A_988, %get3A_992 : vector<16xf32>
      %get3A_994 = arith.index_cast %add3A_907 : i32 to index
      %get3A_995 = arith.constant 48 : index
      %get3A_996 = tpu.vector_load %arg9[%get3A_994, %get3A_995] {strides = array<i32>} : memref<128x128xf32, #tpu.memory_space<vmem>>, vector<1x16xf32>,
      %get3A_997 = vector.shape_cast %get3A_996 : vector<1x16xf32> to vector<16xf32>
      %add3A_998 = arith.addf %add3A_993, %get3A_997 : vector<16xf32>
      %swap3A_999 = arith.index_cast %add3A_907 : i32 to index
      %swap3A_1000 = arith.constant 48 : index
      %swap3A_1001 = tpu.vector_load %arg7[%swap3A_999, %swap3A_1000] {strides = array<i32>} : memref<128x128xf32, #tpu.memory_space<vmem>>, vector<1x16xf32>,
      %swap3A_1002 = vector.shape_cast %swap3A_1001 : vector<1x16xf32> to vector<16xf32>
      %swap3A_1003 = vector.shape_cast %add3A_998 : vector<16xf32> to vector<1x16xf32>
      tpu.vector_store %arg7[%swap3A_999, %swap3A_1000], %swap3A_1003 {strides = array<i32>} : memref<128x128xf32, #tpu.memory_space<vmem>>, vector<1x16xf32>,
      %get3A_1004 = arith.index_cast %add3A_907 : i32 to index
      %get3A_1005 = arith.constant 64 : index
      %get3A_1006 = tpu.vector_load %arg7[%get3A_1004, %get3A_1005] {strides = array<i32>} : memref<128x128xf32, #tpu.memory_space<vmem>>, vector<1x16xf32>,
      %get3A_1007 = vector.shape_cast %get3A_1006 : vector<1x16xf32> to vector<16xf32>
      %get3A_1008 = arith.index_cast %add3A_907 : i32 to index
      %get3A_1009 = arith.constant 64 : index
      %get3A_1010 = tpu.vector_load %arg12[%get3A_1008, %get3A_1009] {strides = array<i32>} : memref<128x128xf32, #tpu.memory_space<vmem>>, vector<1x16xf32>,
      %get3A_1011 = vector.shape_cast %get3A_1010 : vector<1x16xf32> to vector<16xf32>
      %add3A_1012 = arith.addf %get3A_1007, %get3A_1011 : vector<16xf32>
      %get3A_1013 = arith.index_cast %add3A_907 : i32 to index
      %get3A_1014 = arith.constant 64 : index
      %get3A_1015 = tpu.vector_load %arg8[%get3A_1013, %get3A_1014] {strides = array<i32>} : memref<128x128xf32, #tpu.memory_space<vmem>>, vector<1x16xf32>,
      %get3A_1016 = vector.shape_cast %get3A_1015 : vector<1x16xf32> to vector<16xf32>
      %add3A_1017 = arith.addf %add3A_1012, %get3A_1016 : vector<16xf32>
      %get3A_1018 = arith.index_cast %add3A_907 : i32 to index
      %get3A_1019 = arith.constant 64 : index
      %get3A_1020 = tpu.vector_load %arg9[%get3A_1018, %get3A_1019] {strides = array<i32>} : memref<128x128xf32, #tpu.memory_space<vmem>>, vector<1x16xf32>,
      %get3A_1021 = vector.shape_cast %get3A_1020 : vector<1x16xf32> to vector<16xf32>
      %add3A_1022 = arith.addf %add3A_1017, %get3A_1021 : vector<16xf32>
      %swap3A_1023 = arith.index_cast %add3A_907 : i32 to index
      %swap3A_1024 = arith.constant 64 : index
      %swap3A_1025 = tpu.vector_load %arg7[%swap3A_1023, %swap3A_1024] {strides = array<i32>} : memref<128x128xf32, #tpu.memory_space<vmem>>, vector<1x16xf32>,
      %swap3A_1026 = vector.shape_cast %swap3A_1025 : vector<1x16xf32> to vector<16xf32>
      %swap3A_1027 = vector.shape_cast %add3A_1022 : vector<16xf32> to vector<1x16xf32>
      tpu.vector_store %arg7[%swap3A_1023, %swap3A_1024], %swap3A_1027 {strides = array<i32>} : memref<128x128xf32, #tpu.memory_space<vmem>>, vector<1x16xf32>,
      %get3A_1028 = arith.index_cast %add3A_907 : i32 to index
      %get3A_1029 = arith.constant 80 : index
      %get3A_1030 = tpu.vector_load %arg7[%get3A_1028, %get3A_1029] {strides = array<i32>} : memref<128x128xf32, #tpu.memory_space<vmem>>, vector<1x16xf32>,
      %get3A_1031 = vector.shape_cast %get3A_1030 : vector<1x16xf32> to vector<16xf32>
      %get3A_1032 = arith.index_cast %add3A_907 : i32 to index
      %get3A_1033 = arith.constant 80 : index
      %get3A_1034 = tpu.vector_load %arg12[%get3A_1032, %get3A_1033] {strides = array<i32>} : memref<128x128xf32, #tpu.memory_space<vmem>>, vector<1x16xf32>,
      %get3A_1035 = vector.shape_cast %get3A_1034 : vector<1x16xf32> to vector<16xf32>
      %add3A_1036 = arith.addf %get3A_1031, %get3A_1035 : vector<16xf32>
      %get3A_1037 = arith.index_cast %add3A_907 : i32 to index
      %get3A_1038 = arith.constant 80 : index
      %get3A_1039 = tpu.vector_load %arg8[%get3A_1037, %get3A_1038] {strides = array<i32>} : memref<128x128xf32, #tpu.memory_space<vmem>>, vector<1x16xf32>,
      %get3A_1040 = vector.shape_cast %get3A_1039 : vector<1x16xf32> to vector<16xf32>
      %add3A_1041 = arith.addf %add3A_1036, %get3A_1040 : vector<16xf32>
      %get3A_1042 = arith.index_cast %add3A_907 : i32 to index
      %get3A_1043 = arith.constant 80 : index
      %get3A_1044 = tpu.vector_load %arg9[%get3A_1042, %get3A_1043] {strides = array<i32>} : memref<128x128xf32, #tpu.memory_space<vmem>>, vector<1x16xf32>,
      %get3A_1045 = vector.shape_cast %get3A_1044 : vector<1x16xf32> to vector<16xf32>
      %add3A_1046 = arith.addf %add3A_1041, %get3A_1045 : vector<16xf32>
      %swap3A_1047 = arith.index_cast %add3A_907 : i32 to index
      %swap3A_1048 = arith.constant 80 : index
      %swap3A_1049 = tpu.vector_load %arg7[%swap3A_1047, %swap3A_1048] {strides = array<i32>} : memref<128x128xf32, #tpu.memory_space<vmem>>, vector<1x16xf32>,
      %swap3A_1050 = vector.shape_cast %swap3A_1049 : vector<1x16xf32> to vector<16xf32>
      %swap3A_1051 = vector.shape_cast %add3A_1046 : vector<16xf32> to vector<1x16xf32>
      tpu.vector_store %arg7[%swap3A_1047, %swap3A_1048], %swap3A_1051 {strides = array<i32>} : memref<128x128xf32, #tpu.memory_space<vmem>>, vector<1x16xf32>,
      %get3A_1052 = arith.index_cast %add3A_907 : i32 to index
      %get3A_1053 = arith.constant 96 : index
      %get3A_1054 = tpu.vector_load %arg7[%get3A_1052, %get3A_1053] {strides = array<i32>} : memref<128x128xf32, #tpu.memory_space<vmem>>, vector<1x16xf32>,
      %get3A_1055 = vector.shape_cast %get3A_1054 : vector<1x16xf32> to vector<16xf32>
      %get3A_1056 = arith.index_cast %add3A_907 : i32 to index
      %get3A_1057 = arith.constant 96 : index
      %get3A_1058 = tpu.vector_load %arg12[%get3A_1056, %get3A_1057] {strides = array<i32>} : memref<128x128xf32, #tpu.memory_space<vmem>>, vector<1x16xf32>,
      %get3A_1059 = vector.shape_cast %get3A_1058 : vector<1x16xf32> to vector<16xf32>
      %add3A_1060 = arith.addf %get3A_1055, %get3A_1059 : vector<16xf32>
      %get3A_1061 = arith.index_cast %add3A_907 : i32 to index
      %get3A_1062 = arith.constant 96 : index
      %get3A_1063 = tpu.vector_load %arg8[%get3A_1061, %get3A_1062] {strides = array<i32>} : memref<128x128xf32, #tpu.memory_space<vmem>>, vector<1x16xf32>,
      %get3A_1064 = vector.shape_cast %get3A_1063 : vector<1x16xf32> to vector<16xf32>
      %add3A_1065 = arith.addf %add3A_1060, %get3A_1064 : vector<16xf32>
      %get3A_1066 = arith.index_cast %add3A_907 : i32 to index
      %get3A_1067 = arith.constant 96 : index
      %get3A_1068 = tpu.vector_load %arg9[%get3A_1066, %get3A_1067] {strides = array<i32>} : memref<128x128xf32, #tpu.memory_space<vmem>>, vector<1x16xf32>,
      %get3A_1069 = vector.shape_cast %get3A_1068 : vector<1x16xf32> to vector<16xf32>
      %add3A_1070 = arith.addf %add3A_1065, %get3A_1069 : vector<16xf32>
      %swap3A_1071 = arith.index_cast %add3A_907 : i32 to index
      %swap3A_1072 = arith.constant 96 : index
      %swap3A_1073 = tpu.vector_load %arg7[%swap3A_1071, %swap3A_1072] {strides = array<i32>} : memref<128x128xf32, #tpu.memory_space<vmem>>, vector<1x16xf32>,
      %swap3A_1074 = vector.shape_cast %swap3A_1073 : vector<1x16xf32> to vector<16xf32>
      %swap3A_1075 = vector.shape_cast %add3A_1070 : vector<16xf32> to vector<1x16xf32>
      tpu.vector_store %arg7[%swap3A_1071, %swap3A_1072], %swap3A_1075 {strides = array<i32>} : memref<128x128xf32, #tpu.memory_space<vmem>>, vector<1x16xf32>,
      %get3A_1076 = arith.index_cast %add3A_907 : i32 to index
      %get3A_1077 = arith.constant 112 : index
      %get3A_1078 = tpu.vector_load %arg7[%get3A_1076, %get3A_1077] {strides = array<i32>} : memref<128x128xf32, #tpu.memory_space<vmem>>, vector<1x16xf32>,
      %get3A_1079 = vector.shape_cast %get3A_1078 : vector<1x16xf32> to vector<16xf32>
      %get3A_1080 = arith.index_cast %add3A_907 : i32 to index
      %get3A_1081 = arith.constant 112 : index
      %get3A_1082 = tpu.vector_load %arg12[%get3A_1080, %get3A_1081] {strides = array<i32>} : memref<128x128xf32, #tpu.memory_space<vmem>>, vector<1x16xf32>,
      %get3A_1083 = vector.shape_cast %get3A_1082 : vector<1x16xf32> to vector<16xf32>
      %add3A_1084 = arith.addf %get3A_1079, %get3A_1083 : vector<16xf32>
      %get3A_1085 = arith.index_cast %add3A_907 : i32 to index
      %get3A_1086 = arith.constant 112 : index
      %get3A_1087 = tpu.vector_load %arg8[%get3A_1085, %get3A_1086] {strides = array<i32>} : memref<128x128xf32, #tpu.memory_space<vmem>>, vector<1x16xf32>,
      %get3A_1088 = vector.shape_cast %get3A_1087 : vector<1x16xf32> to vector<16xf32>
      %add3A_1089 = arith.addf %add3A_1084, %get3A_1088 : vector<16xf32>
      %get3A_1090 = arith.index_cast %add3A_907 : i32 to index
      %get3A_1091 = arith.constant 112 : index
      %get3A_1092 = tpu.vector_load %arg9[%get3A_1090, %get3A_1091] {strides = array<i32>} : memref<128x128xf32, #tpu.memory_space<vmem>>, vector<1x16xf32>,
      %get3A_1093 = vector.shape_cast %get3A_1092 : vector<1x16xf32> to vector<16xf32>
      %add3A_1094 = arith.addf %add3A_1089, %get3A_1093 : vector<16xf32>
      %swap3A_1095 = arith.index_cast %add3A_907 : i32 to index
      %swap3A_1096 = arith.constant 112 : index
      %swap3A_1097 = tpu.vector_load %arg7[%swap3A_1095, %swap3A_1096] {strides = array<i32>} : memref<128x128xf32, #tpu.memory_space<vmem>>, vector<1x16xf32>,
      %swap3A_1098 = vector.shape_cast %swap3A_1097 : vector<1x16xf32> to vector<16xf32>
      %swap3A_1099 = vector.shape_cast %add3A_1094 : vector<16xf32> to vector<1x16xf32>
      tpu.vector_store %arg7[%swap3A_1095, %swap3A_1096], %swap3A_1099 {strides = array<i32>} : memref<128x128xf32, #tpu.memory_space<vmem>>, vector<1x16xf32>,
      %scan3A_1100 = arith.constant 0 : i32
      scf.yield %scan3A_1100 : i32
    }
    %scan3A_291 = arith.constant 32 : i32
    %mul3A_292 = arith.constant 512 : i32
    %mul3A_293 = arith.muli %add3A, %mul3A_292 : i32
    %add3A_294 = arith.constant 384 : i32
    %add3A_295 = arith.addi %mul3A_293, %add3A_294 : i32
    %dma_start3A_296 = arith.constant 0 : i32
    %dma_start3A_297 = tpu.memref_slice %arg4[%add3A_295, %dma_start3A_296] : memref<16384x128xf32, #tpu.memory_space<hbm>> -> memref<128x128xf32, #tpu.memory_space<hbm>>
    %dma_start3A_298 = arith.constant 0 : i32
    %dma_start3A_299 = tpu.memref_slice %arg4[%add3A_295, %dma_start3A_298] : memref<16384x128xf32, #tpu.memory_space<hbm>> -> memref<128x128xf32, #tpu.memory_space<hbm>>
    tpu.enqueue_dma source(%arg7 : memref<128x128xf32, #tpu.memory_space<vmem>>) target(%dma_start3A_299 : memref<128x128xf32, #tpu.memory_space<hbm>>) target_semaphore(%arg21 : memref<!tpu.dma_semaphore, #tpu.memory_space<semaphore_mem>>)
    %mul3A_300 = arith.constant 512 : i32
    %mul3A_301 = arith.muli %add3A, %mul3A_300 : i32
    %add3A_302 = arith.constant 256 : i32
    %add3A_303 = arith.addi %mul3A_301, %add3A_302 : i32
    %dma_wait3A_304 = arith.constant 0 : i32
    %dma_wait3A_305 = tpu.memref_slice %arg4[%add3A_303, %dma_wait3A_304] : memref<16384x128xf32, #tpu.memory_space<hbm>> -> memref<128x128xf32, #tpu.memory_space<hbm>>
    %dma_wait3A_306 = arith.constant 0 : i32
    %dma_wait3A_307 = tpu.memref_slice %arg4[%add3A_303, %dma_wait3A_306] : memref<16384x128xf32, #tpu.memory_space<hbm>> -> memref<128x128xf32, #tpu.memory_space<hbm>>
    tpu.wait_dma2 semaphore(%arg20 : memref<!tpu.dma_semaphore, #tpu.memory_space<semaphore_mem>>) src(%arg6 : memref<128x128xf32, #tpu.memory_space<vmem>>) dst(%dma_wait3A_307 : memref<128x128xf32, #tpu.memory_space<hbm>>)
    %mul3A_308 = arith.constant 512 : i32
    %mul3A_309 = arith.muli %add3A, %mul3A_308 : i32
    %add3A_310 = arith.constant 384 : i32
    %add3A_311 = arith.addi %mul3A_309, %add3A_310 : i32
    %dma_wait3A_312 = arith.constant 0 : i32
    %dma_wait3A_313 = tpu.memref_slice %arg4[%add3A_311, %dma_wait3A_312] : memref<16384x128xf32, #tpu.memory_space<hbm>> -> memref<128x128xf32, #tpu.memory_space<hbm>>
    %dma_wait3A_314 = arith.constant 0 : i32
    %dma_wait3A_315 = tpu.memref_slice %arg4[%add3A_311, %dma_wait3A_314] : memref<16384x128xf32, #tpu.memory_space<hbm>> -> memref<128x128xf32, #tpu.memory_space<hbm>>
    tpu.wait_dma2 semaphore(%arg21 : memref<!tpu.dma_semaphore, #tpu.memory_space<semaphore_mem>>) src(%arg7 : memref<128x128xf32, #tpu.memory_space<vmem>>) dst(%dma_wait3A_315 : memref<128x128xf32, #tpu.memory_space<hbm>>)
    return
  }
}

module attributes {stable_mosaic.version = 14 : i64} {
  func.func @_fin_body(%arg0: i32, %arg1: memref<8x1024x128xbf16, #tpu.memory_space<vmem>>, %arg2: memref<8x1024x128xf32, #tpu.memory_space<vmem>>, %arg3: memref<1x128xf32, #tpu.memory_space<vmem>>, %arg4: memref<1x128xf32, #tpu.memory_space<vmem>>, %arg5: memref<1x128xf32, #tpu.memory_space<vmem>>, %arg6: memref<1025x8x128xf32, #tpu.memory_space<vmem>>) attributes {dimension_semantics = [#tpu.dimension_semantics<arbitrary>], iteration_bounds = array<i64: 2>, scalar_prefetch = 0 : i64, scratch_operands = 0 : i64, tpu.core_type = #tpu.core_type<tc>, window_params = [{transform_indices = @transform_0, window_bounds = array<i64: 8, 1024, 128>}, {transform_indices = @transform_1, window_bounds = array<i64: 8, 1024, 128>}, {pipeline_mode = #tpu.pipeline_mode<synchronous>, transform_indices = @transform_2, window_bounds = array<i64: 1, 128>}, {pipeline_mode = #tpu.pipeline_mode<synchronous>, transform_indices = @transform_3, window_bounds = array<i64: 1, 128>}, {pipeline_mode = #tpu.pipeline_mode<synchronous>, transform_indices = @transform_4, window_bounds = array<i64: 1, 128>}, {transform_indices = @transform_5, window_bounds = array<i64: 1025, 8, 128>}]} {
    %get3A = arith.constant 0 : index
    %get3A_0 = arith.constant 0 : index
    %get3A_1 = arith.constant 0 : index
    %get3A_2 = vector.load %arg1[%get3A, %get3A_0, %get3A_1] : memref<8x1024x128xbf16, #tpu.memory_space<vmem>>, vector<8x1024x128xbf16>
    %convert_element_type3A = arith.extf %get3A_2 : vector<8x1024x128xbf16> to vector<8x1024x128xf32>
    %get3A_3 = arith.constant 0 : index
    %get3A_4 = arith.constant 0 : index
    %get3A_5 = arith.constant 0 : index
    %get3A_6 = vector.load %arg2[%get3A_3, %get3A_4, %get3A_5] : memref<8x1024x128xf32, #tpu.memory_space<vmem>>, vector<8x1024x128xf32>
    %add3A = arith.addf %convert_element_type3A, %get3A_6 : vector<8x1024x128xf32>
    %reduce_sum3A = arith.constant dense<0.000000e+00> : vector<8x1024xf32>
    %reduce_sum3A_7 = vector.multi_reduction <add>, %add3A, %reduce_sum3A [2] : vector<8x1024x128xf32> to vector<8x1024xf32>
    %broadcast_in_dim3A = vector.shape_cast %reduce_sum3A_7 : vector<8x1024xf32> to vector<8x1024x1xf32>
    %div3A = arith.constant 1.280000e+02 : f32
    %div3A_8 = vector.broadcast %div3A : f32 to vector<8x1024x1xf32>
    %div3A_9 = arith.divf %broadcast_in_dim3A, %div3A_8 : vector<8x1024x1xf32>
    %sub3A = vector.broadcast %div3A_9 : vector<8x1024x1xf32> to vector<8x1024x128xf32>
    %sub3A_10 = arith.subf %add3A, %sub3A : vector<8x1024x128xf32>
    %mul3A = arith.mulf %sub3A_10, %sub3A_10 : vector<8x1024x128xf32>
    %reduce_sum3A_11 = arith.constant dense<0.000000e+00> : vector<8x1024xf32>
    %reduce_sum3A_12 = vector.multi_reduction <add>, %mul3A, %reduce_sum3A_11 [2] : vector<8x1024x128xf32> to vector<8x1024xf32>
    %broadcast_in_dim3A_13 = vector.shape_cast %reduce_sum3A_12 : vector<8x1024xf32> to vector<8x1024x1xf32>
    %div3A_14 = arith.constant 1.280000e+02 : f32
    %div3A_15 = vector.broadcast %div3A_14 : f32 to vector<8x1024x1xf32>
    %div3A_16 = arith.divf %broadcast_in_dim3A_13, %div3A_15 : vector<8x1024x1xf32>
    %add3A_17 = arith.constant 9.99999997E-7 : f32
    %add3A_18 = vector.broadcast %add3A_17 : f32 to vector<8x1024x1xf32>
    %add3A_19 = arith.addf %div3A_16, %add3A_18 : vector<8x1024x1xf32>
    %rsqrt3A = math.rsqrt %add3A_19 : vector<8x1024x1xf32>
    %mul3A_20 = vector.broadcast %rsqrt3A : vector<8x1024x1xf32> to vector<8x1024x128xf32>
    %mul3A_21 = arith.mulf %sub3A_10, %mul3A_20 : vector<8x1024x128xf32>
    %get3A_22 = arith.constant 0 : index
    %get3A_23 = arith.constant 0 : index
    %get3A_24 = vector.load %arg4[%get3A_22, %get3A_23] : memref<1x128xf32, #tpu.memory_space<vmem>>, vector<1x128xf32>
    %broadcast_in_dim3A_25 = vector.shape_cast %get3A_24 : vector<1x128xf32> to vector<1x1x128xf32>
    %mul3A_26 = vector.broadcast %broadcast_in_dim3A_25 : vector<1x1x128xf32> to vector<8x1024x128xf32>
    %mul3A_27 = arith.mulf %mul3A_21, %mul3A_26 : vector<8x1024x128xf32>
    %get3A_28 = arith.constant 0 : index
    %get3A_29 = arith.constant 0 : index
    %get3A_30 = vector.load %arg5[%get3A_28, %get3A_29] : memref<1x128xf32, #tpu.memory_space<vmem>>, vector<1x128xf32>
    %broadcast_in_dim3A_31 = vector.shape_cast %get3A_30 : vector<1x128xf32> to vector<1x1x128xf32>
    %add3A_32 = vector.broadcast %broadcast_in_dim3A_31 : vector<1x1x128xf32> to vector<8x1024x128xf32>
    %add3A_33 = arith.addf %mul3A_27, %add3A_32 : vector<8x1024x128xf32>
    %transpose3A = tpu.transpose %add3A_33, [1, 0, 2] : vector<8x1024x128xf32> -> vector<1024x8x128xf32>
    %swap3A = arith.constant 1 : index
    %swap3A_34 = arith.constant 0 : index
    %swap3A_35 = arith.constant 0 : index
    %swap3A_36 = vector.load %arg6[%swap3A, %swap3A_34, %swap3A_35] : memref<1025x8x128xf32, #tpu.memory_space<vmem>>, vector<1024x8x128xf32>
    tpu.vector_store %arg6[%swap3A, %swap3A_34, %swap3A_35], %transpose3A {strides = array<i32>} : memref<1025x8x128xf32, #tpu.memory_space<vmem>>, vector<1024x8x128xf32>,
    %get3A_37 = arith.constant 0 : index
    %get3A_38 = arith.constant 0 : index
    %get3A_39 = vector.load %arg3[%get3A_37, %get3A_38] : memref<1x128xf32, #tpu.memory_space<vmem>>, vector<1x128xf32>
    %reshape3A = vector.shape_cast %get3A_39 : vector<1x128xf32> to vector<1x1x128xf32>
    %broadcast_in_dim3A_40 = vector.shape_cast %reshape3A : vector<1x1x128xf32> to vector<1x1x128xf32>
    %broadcast_in_dim3A_41 = vector.broadcast %broadcast_in_dim3A_40 : vector<1x1x128xf32> to vector<1x8x128xf32>
    %swap3A_42 = arith.constant 0 : index
    %swap3A_43 = arith.constant 0 : index
    %swap3A_44 = arith.constant 0 : index
    %swap3A_45 = vector.load %arg6[%swap3A_42, %swap3A_43, %swap3A_44] : memref<1025x8x128xf32, #tpu.memory_space<vmem>>, vector<1x8x128xf32>
    tpu.vector_store %arg6[%swap3A_42, %swap3A_43, %swap3A_44], %broadcast_in_dim3A_41 {strides = array<i32>} : memref<1025x8x128xf32, #tpu.memory_space<vmem>>, vector<1x8x128xf32>,
    return
  }
  func.func @transform_0(%arg0: i32) -> (i32, i32, i32) {
    %c0_i32 = arith.constant 0 : i32
    %c0_i32_0 = arith.constant 0 : i32
    %c0_i32_1 = arith.constant 0 : i32
    return %arg0, %c0_i32, %c0_i32_0 : i32, i32, i32
  }
  func.func @transform_1(%arg0: i32) -> (i32, i32, i32) {
    %c0_i32 = arith.constant 0 : i32
    %c0_i32_0 = arith.constant 0 : i32
    %c0_i32_1 = arith.constant 0 : i32
    return %arg0, %c0_i32, %c0_i32_0 : i32, i32, i32
  }
  func.func @transform_2(%arg0: i32) -> (i32, i32) {
    %c0_i32 = arith.constant 0 : i32
    %c0_i32_0 = arith.constant 0 : i32
    %c0_i32_1 = arith.constant 0 : i32
    return %c0_i32, %c0_i32_0 : i32, i32
  }
  func.func @transform_3(%arg0: i32) -> (i32, i32) {
    %c0_i32 = arith.constant 0 : i32
    %c0_i32_0 = arith.constant 0 : i32
    %c0_i32_1 = arith.constant 0 : i32
    return %c0_i32, %c0_i32_0 : i32, i32
  }
  func.func @transform_4(%arg0: i32) -> (i32, i32) {
    %c0_i32 = arith.constant 0 : i32
    %c0_i32_0 = arith.constant 0 : i32
    %c0_i32_1 = arith.constant 0 : i32
    return %c0_i32, %c0_i32_0 : i32, i32
  }
  func.func @transform_5(%arg0: i32) -> (i32, i32, i32) {
    %c0_i32 = arith.constant 0 : i32
    %c0_i32_0 = arith.constant 0 : i32
    %c0_i32_1 = arith.constant 0 : i32
    return %c0_i32, %arg0, %c0_i32_0 : i32, i32, i32
  }
}

module attributes {stable_mosaic.version = 14 : i64} {
  func.func @_rel_body(%arg0: i32, %arg1: memref<512x128xf32, #tpu.memory_space<vmem>>, %arg2: memref<128x128xf32, #tpu.memory_space<vmem>>, %arg3: memref<1024x4x512xf32, #tpu.memory_space<vmem>>, %arg4: memref<1024x128xbf16, #tpu.memory_space<vmem>>, %arg5: memref<512x128xf32, #tpu.memory_space<vmem>>) attributes {dimension_semantics = [#tpu.dimension_semantics<arbitrary>], iteration_bounds = array<i64: 16>, scalar_prefetch = 0 : i64, scratch_operands = 1 : i64, tpu.core_type = #tpu.core_type<tc>, window_params = [{pipeline_mode = #tpu.pipeline_mode<synchronous>, transform_indices = @transform_0, window_bounds = array<i64: 512, 128>}, {pipeline_mode = #tpu.pipeline_mode<synchronous>, transform_indices = @transform_1, window_bounds = array<i64: 128, 128>}, {transform_indices = @transform_2, window_bounds = array<i64: 1024, 4, 512>}, {transform_indices = @transform_3, window_bounds = array<i64: 1024, 128>}]} {
    %eq3A = arith.constant 0 : i32
    %eq3A_0 = arith.cmpi eq, %arg0, %eq3A : i32
    %convert_element_type3A = arith.extui %eq3A_0 : i1 to i32
    %cond3A = arith.constant 0 : i32
    %cond3A_1 = arith.cmpi ne, %convert_element_type3A, %cond3A : i32
    scf.if %cond3A_1 {
      %get3A_30 = arith.constant 0 : index
      %get3A_31 = arith.constant 0 : index
      %get3A_32 = vector.load %arg1[%get3A_30, %get3A_31] : memref<512x128xf32, #tpu.memory_space<vmem>>, vector<512x128xf32>
      %get3A_33 = arith.constant 0 : index
      %get3A_34 = arith.constant 0 : index
      %get3A_35 = vector.load %arg2[%get3A_33, %get3A_34] : memref<128x128xf32, #tpu.memory_space<vmem>>, vector<128x128xf32>
      %dot_general3A_36 = arith.constant dense<0.000000e+00> : vector<512x128xf32>
      %dot_general3A_37 = tpu.matmul %get3A_32, %get3A_35, %dot_general3A_36 {dimension_numbers = #tpu.dot_dimension_numbers<[1], [0], [0], [1], [0, 0, 1, 1], [], []>, transpose_lhs_hint = false} : vector<512x128xf32>, vector<128x128xf32>, vector<512x128xf32> -> vector<512x128xf32>
      %swap3A_38 = arith.constant 0 : index
      %swap3A_39 = arith.constant 0 : index
      %swap3A_40 = vector.load %arg5[%swap3A_38, %swap3A_39] : memref<512x128xf32, #tpu.memory_space<vmem>>, vector<512x128xf32>
      tpu.vector_store %arg5[%swap3A_38, %swap3A_39], %dot_general3A_37 {strides = array<i32>} : memref<512x128xf32, #tpu.memory_space<vmem>>, vector<512x128xf32>,
    } else {
    }
    %get3A = arith.constant 0 : index
    %get3A_2 = arith.constant 0 : index
    %get3A_3 = arith.constant 0 : index
    %get3A_4 = vector.load %arg3[%get3A, %get3A_2, %get3A_3] : memref<1024x4x512xf32, #tpu.memory_space<vmem>>, vector<1024x1x512xf32>
    %get3A_5 = vector.shape_cast %get3A_4 : vector<1024x1x512xf32> to vector<1024x512xf32>
    %get3A_6 = arith.constant 0 : index
    %get3A_7 = arith.constant 1 : index
    %get3A_8 = arith.constant 0 : index
    %get3A_9 = vector.load %arg3[%get3A_6, %get3A_7, %get3A_8] : memref<1024x4x512xf32, #tpu.memory_space<vmem>>, vector<1024x1x512xf32>
    %get3A_10 = vector.shape_cast %get3A_9 : vector<1024x1x512xf32> to vector<1024x512xf32>
    %add3A = arith.addf %get3A_5, %get3A_10 : vector<1024x512xf32>
    %get3A_11 = arith.constant 0 : index
    %get3A_12 = arith.constant 2 : index
    %get3A_13 = arith.constant 0 : index
    %get3A_14 = vector.load %arg3[%get3A_11, %get3A_12, %get3A_13] : memref<1024x4x512xf32, #tpu.memory_space<vmem>>, vector<1024x1x512xf32>
    %get3A_15 = vector.shape_cast %get3A_14 : vector<1024x1x512xf32> to vector<1024x512xf32>
    %add3A_16 = arith.addf %add3A, %get3A_15 : vector<1024x512xf32>
    %get3A_17 = arith.constant 0 : index
    %get3A_18 = arith.constant 3 : index
    %get3A_19 = arith.constant 0 : index
    %get3A_20 = vector.load %arg3[%get3A_17, %get3A_18, %get3A_19] : memref<1024x4x512xf32, #tpu.memory_space<vmem>>, vector<1024x1x512xf32>
    %get3A_21 = vector.shape_cast %get3A_20 : vector<1024x1x512xf32> to vector<1024x512xf32>
    %add3A_22 = arith.addf %add3A_16, %get3A_21 : vector<1024x512xf32>
    %get3A_23 = arith.constant 0 : index
    %get3A_24 = arith.constant 0 : index
    %get3A_25 = vector.load %arg5[%get3A_23, %get3A_24] : memref<512x128xf32, #tpu.memory_space<vmem>>, vector<512x128xf32>
    %dot_general3A = arith.constant dense<0.000000e+00> : vector<1024x128xf32>
    %dot_general3A_26 = tpu.matmul %add3A_22, %get3A_25, %dot_general3A {dimension_numbers = #tpu.dot_dimension_numbers<[1], [0], [0], [1], [0, 0, 1, 1], [], []>, transpose_lhs_hint = false} : vector<1024x512xf32>, vector<512x128xf32>, vector<1024x128xf32> -> vector<1024x128xf32>
    %convert_element_type3A_27 = arith.truncf %dot_general3A_26 : vector<1024x128xf32> to vector<1024x128xbf16>
    %swap3A = arith.constant 0 : index
    %swap3A_28 = arith.constant 0 : index
    %swap3A_29 = vector.load %arg4[%swap3A, %swap3A_28] : memref<1024x128xbf16, #tpu.memory_space<vmem>>, vector<1024x128xbf16>
    tpu.vector_store %arg4[%swap3A, %swap3A_28], %convert_element_type3A_27 {strides = array<i32>} : memref<1024x128xbf16, #tpu.memory_space<vmem>>, vector<1024x128xbf16>,
    return
  }
  func.func @transform_0(%arg0: i32) -> (i32, i32) {
    %c0_i32 = arith.constant 0 : i32
    %c0_i32_0 = arith.constant 0 : i32
    %c0_i32_1 = arith.constant 0 : i32
    return %c0_i32, %c0_i32_0 : i32, i32
  }
  func.func @transform_1(%arg0: i32) -> (i32, i32) {
    %c0_i32 = arith.constant 0 : i32
    %c0_i32_0 = arith.constant 0 : i32
    %c0_i32_1 = arith.constant 0 : i32
    return %c0_i32, %c0_i32_0 : i32, i32
  }
  func.func @transform_2(%arg0: i32) -> (i32, i32, i32) {
    %c0_i32 = arith.constant 0 : i32
    %c0_i32_0 = arith.constant 0 : i32
    %c0_i32_1 = arith.constant 0 : i32
    return %arg0, %c0_i32, %c0_i32_0 : i32, i32, i32
  }
  func.func @transform_3(%arg0: i32) -> (i32, i32) {
    %c0_i32 = arith.constant 0 : i32
    %c0_i32_0 = arith.constant 0 : i32
    return %arg0, %c0_i32 : i32, i32
  }
}

</mosaic_0001>

<sc_bundles>
// kernel: kernel.5.cloned.1.call-start
scs
__scs_entry_jumppad:
0x0: {  	(pc) =	sbr.rel $0x88, $3  }
0x1: {  	(tag) =	ssettag $0x0;
	lr =	simm.s32 $0x1  }
0x2: {  	[smem:$0x3F99] =	sst lr;
	_ =	strace $0xD0000000  }
0x3: {  	_ = 	snop  }
0x4: {  	_ = 	snop  }
0x5: {  	_ = 	snop  }
0x6: {  	_ = 	snop  }
0x7: {  	_ = 	snop  }
__scs_overlays_trampoline_lowered:
0x8: {  	[smem:$0x3FA8] =	sst s0  }
0x9: {  	[smem:$0x3FA9] =	sst s1  }
0xa: {  	[smem:$0x3FAA] =	sst s2  }
0xb: {  	[smem:$0x3FAB] =	sst s3  }
0xc: {  	[smem:$0x3FAC] =	sst s4  }
0xd: {  	[smem:$0x3FAD] =	sst s5  }
0xe: {  	[smem:$0x3FAE] =	sst s6  }
0xf: {  	[smem:$0x3FAF] =	sst s7  }
0x10: {  	[smem:$0x3FB0] =	sst s8  }
0x11: {  	[smem:$0x3FB1] =	sst s9;
	s0 =	simm.s32 @!p0 $0x0  }
0x12: {  	s1 =	sld [smem:$0x3F97];
	s0 =	simm.s32 @p0 $0x1  }
0x13: {  	[smem:$0x3FB2] =	sst s0;
	s0 =	simm.s32 @!p1 $0x0  }
0x14: {  	s2 =	sld [smem:$0x3F96];
	s0 =	simm.s32 @p1 $0x1  }
0x15: {  	[smem:$0x3FB3] =	sst s0;
	s0 =	simm.s32 @!p2 $0x0  }
0x16: {  	s3 =	sld [smem:$0x3FDB];
	s0 =	simm.s32 @p2 $0x1  }
0x17: {  	s4 =	simm.s32 $0x1BF5;
	[smem:$0x3FB5] =	sst s0  }
0x18: {  	s0 =	sld [smem:$0x3F98];
	_ =	swait.ge [sflag:s4], $0x0  }
0x19: {  	s7 =	sld [smem:$0x3F99]  }
0x1a: {  	s8 =	sadd.s32 $0xFFFFE003, lr  }
0x1b: {  	s9 =	sadd.s32 $0xFFFFFEF7, lr;
	s5 =	simm.s32 $0xFFFFFFFF;
	p2 =	slt.u32 s8, $0xFFFFF086  }
0x1c: {  	p1 =	slt.u32 s9, $0xF7A;
	s5 =	simm.s32 @!p2 $0x0  }
0x1d: {  	s5 =	simm.s32 @p1 $0x1;
	p0 =	seq.s32 s7, s2  }
0x1e: {  	s7 =	smul.u32 @!p0 $0xF7A, s2;
	p2 =	seq.s32 @!p0 s5, $0x0  }
0x1f: {  	s9 =	smul.u32 $0xF7A, s1;
	s8 =	simm.s32 @!p0 $0x1BF5;
	p2 =	por !p2, p0  }
0x20: {  	[sflag:s8] =	ssyncset.s32 @!p0 $0xFFFFF086;
	s6 =	sadd.s32 @!p0 s3, s7;
	s7 =	simm.s32 @!p0 $0x108  }
0x21: {  	s3 =	sadd.s32 s3, s9;
	s6 =	sadd.s32 @!p0 $0x88, s6;
	s7 =	simm.s32 @p2 $0x1082  }
0x22: {  	[simem:s7], [sflag:s8] =	dma.local @!p0 [hbm:s6], $0xF7A  }
0x23: {  	s9 =	sor.u32 $0xD0000000, s2;
	s6 =	simm.s32 $0x108;
	_ =	swait.ge @!p0 [sflag:s8], $0x0  }
0x24: {  	s3 =	sadd.s32 $0x88, s3;
	s6 =	simm.s32 @!p1 $0x1082;
	[sflag:s4] =	ssyncset.s32 $0xFFFFF086  }
0x25: {  	[simem:s6], [sflag:s4] =	dma.local [hbm:s3], $0xF7A  }
0x26: {  	[smem:$0x3F99] =	sst s1;
	(tag) =	ssettag s2;
	_ =	strace s9  }
0x27: {  	s1 =	sld [smem:$0x3FA9]  }
0x28: {  	s2 =	sld [smem:$0x3FAA]  }
0x29: {  	s4 =	sld [smem:$0x3FAC]  }
0x2a: {  	p0 =	seq.s32 s5, $0x0;
	s5 =	sld [smem:$0x3FAD]  }
0x2b: {  	s6 =	sld [smem:$0x3FAE]  }
0x2c: {  	s7 =	sld [smem:$0x3FAF]  }
0x2d: {  	s3 =	simm.s32 $0x108;
	s8 =	sld [smem:$0x3FB0]  }
0x2e: {  	s3 =	simm.s32 @!p0 $0x1082;
	s9 =	sld [smem:$0x3FB1]  }
0x2f: {  	lr =	sadd.s32 s0, s3;
	s0 =	sld [smem:$0x3FA8]  }
0x30: {  	s3 =	sld [smem:$0x3FAB]  }
0x31: {  	[smem:$0x3FB4] =	sst s10  }
0x32: {  	s10 =	sld [smem:$0x3FB2];
	_ =	sdelay $0x3  }
0x33: {  	p0 =	seq.s32 s10, $0x1;
	s10 =	sld [smem:$0x3FB4];
	_ =	sdelay $0x3  }
0x34: {  	[smem:$0x3FB4] =	sst s10  }
0x35: {  	s10 =	sld [smem:$0x3FB3];
	_ =	sdelay $0x3  }
0x36: {  	p1 =	seq.s32 s10, $0x1;
	s10 =	sld [smem:$0x3FB4];
	_ =	sdelay $0x3  }
0x37: {  	[smem:$0x3FB4] =	sst s10  }
0x38: {  	s10 =	sld [smem:$0x3FB5]  }
0x39: {  	_ = 	snop;
	(pc) =	sbr.ind lr, $3  }
0x3a: {  	_ = 	snop  }
0x3b: {  	_ = 	snop  }
0x3c: {  	p2 =	seq.s32 s10, $0x1;
	s10 =	sld [smem:$0x3FB4]  }
0x3d: {  	_ =	shalt  }
0x3e: {  	_ =	shalt  }
0x3f: {  	_ =	shalt  }
0x40: {  	_ =	shalt  }
0x41: {  	_ =	shalt  }
0x42: {  	_ =	shalt  }
0x43: {  	_ =	shalt  }
0x44: {  	_ =	shalt  }
0x45: {  	_ =	shalt  }
0x46: {  	_ =	shalt  }
0x47: {  	_ =	shalt  }
0x48: {  	_ =	shalt  }
0x49: {  	_ =	shalt  }
0x4a: {  	_ =	shalt  }
0x4b: {  	_ =	shalt  }
0x4c: {  	_ =	shalt  }
0x4d: {  	_ =	shalt  }
0x4e: {  	_ =	shalt  }
0x4f: {  	_ =	shalt  }
0x50: {  	_ =	shalt  }
0x51: {  	_ =	shalt  }
0x52: {  	_ =	shalt  }
0x53: {  	_ =	shalt  }
0x54: {  	_ =	shalt  }
0x55: {  	_ =	shalt  }
0x56: {  	_ =	shalt  }
0x57: {  	_ =	shalt  }
0x58: {  	_ =	shalt  }
0x59: {  	_ =	shalt  }
0x5a: {  	_ =	shalt  }
0x5b: {  	_ =	shalt  }
0x5c: {  	_ =	shalt  }
0x5d: {  	_ =	shalt  }
0x5e: {  	_ =	shalt  }
0x5f: {  	_ =	shalt  }
0x60: {  	_ =	shalt  }
0x61: {  	_ =	shalt  }
0x62: {  	_ =	shalt  }
0x63: {  	_ =	shalt  }
0x64: {  	_ =	shalt  }
0x65: {  	_ =	shalt  }
0x66: {  	_ =	shalt  }
0x67: {  	_ =	shalt  }
0x68: {  	_ =	shalt  }
0x69: {  	_ =	shalt  }
0x6a: {  	_ =	shalt  }
0x6b: {  	_ =	shalt  }
0x6c: {  	_ =	shalt  }
0x6d: {  	_ =	shalt  }
0x6e: {  	_ =	shalt  }
0x6f: {  	_ =	shalt  }
0x70: {  	_ =	shalt  }
0x71: {  	_ =	shalt  }
0x72: {  	_ =	shalt  }
0x73: {  	_ =	shalt  }
0x74: {  	_ =	shalt  }
0x75: {  	_ =	shalt  }
0x76: {  	_ =	shalt  }
0x77: {  	_ =	shalt  }
0x78: {  	_ =	shalt  }
0x79: {  	_ =	shalt  }
0x7a: {  	_ =	shalt  }
0x7b: {  	_ =	shalt  }
0x7c: {  	_ =	shalt  }
0x7d: {  	_ =	shalt  }
0x7e: {  	_ =	shalt  }
0x7f: {  	_ =	shalt  }
0x80: {  	_ =	shalt  }
0x81: {  	_ =	shalt  }
0x82: {  	_ =	shalt  }
0x83: {  	_ =	shalt  }
0x84: {  	_ =	shalt  }
0x85: {  	_ =	shalt  }
0x86: {  	_ =	shalt  }
0x87: {  	_ =	shalt  }
.Lfunc_end0:
.L_simem_size_0:
called_computation_lowered:
.L_overlay_start_0:
0x88: {  	s2 =	sld [smem:$0x3FD9]  }
0x89: {  	s3 =	sld [smem:$0x3FFE];
	_ =	sdelay $0x1  }
0x8a: {  	s1 =	srdreg.scid  }
0x8b: {  	s0 =	sand.u32 $0x1, s1  }
0x8c: {  	s18 =	sshll.u32 s0, $0xA;
	s2 =	sadd.s32 s3, s2  }
0x8d: {  	s2 =	sadd.s32 s2, s18  }
0x8e: {  	[smem:$0x3FC0] =	sst s2  }
0x8f: {  	_ = 	snop  }
0x90: {  	s2 =	sld [smem:$0x3FC9]  }
0x91: {  	s19 =	sld [smem:$0x3FC7]  }
0x92: {  	s4 =	sld [smem:$0x3FD0];
	(tm) =	ssettm $0x1  }
0x93: {  	s5 =	sld [smem:$0x3FFB];
	_ =	sdelay $0x3  }
0x94: {  	_ =	strace s5  }
0x95: {  	s5 =	sld [smem:$0x3FFC];
	_ =	sdelay $0x3  }
0x96: {  	_ =	strace s5  }
0x97: {  	s5 =	sld [smem:$0x3FFD];
	_ =	sdelay $0x3  }
0x98: {  	_ =	strace s5  }
0x99: {  	_ =	strace $0x8FFFFFFF  }
0x9a: {  	s20 =	sld [smem:$0x3FDB];
	_ =	sdelay $0x1  }
0x9b: {  	s6 =	simm.s32 $_scs_section_size  }
0x9c: {  	s7 =	simm.s32 $_size__tile_overlayer_lowered;
	s8 =	simm.s32 $_tile_overlayer_lowered  }
0x9d: {  	s23 =	simm.s32 $0x1BFF;
	s22 =	sshll.u32 s8, $0x1;
	s5 =	sadd.s32 s6, s20  }
0x9e: {  	s9 =	simm.s32 $0x0;
	s21 =	sshll.u32 s7, $0x1;
	s7 =	sadd.s32 s22, s5  }
0x9f: {  	[timem:s9], [sflag:s23] =	dma.local [hbm:s7], s21  }
0xa0: {  	_ =	swait.ge [sflag:s23], s21  }
0xa1: {  	s6 =	ssub.s32 $0x0, s21;
	[sflag:s23] =	ssyncset.done $0x0  }
0xa2: {  	[sflag:s23] =	ssyncadd.s32 s6;
	_ =	sdelay $0x1  }
0xa3: {  	s24 =	simm.s32 $0x1B8B  }
0xa4: {  	_ =	swait.ge [sflag:s24], $0x1  }
0xa5: {  	[sflag:s24] =	ssyncset.done $0x0  }
0xa6: {  	s25 =	simm.s32 $0x1B8E;
	[sflag:s24] =	ssyncadd.s32 $0xFFFFFFFF  }
0xa7: {  	s26 =	simm.s32 $execute0_lowered;
	[smem:$0x3FD2] =	sst s25  }
0xa8: {  	s6 =	sshll.u32 s26, $0x1;
	_ =	strace $0x80000046;
	[dreg:$0x1] =	wrdreg $0xFFFFFFFF  }
0xa9: {  	s28 =	simm.s32 $_size_execute0_lowered;
	s5 =	sadd.s32 s5, s6;
	[dreg:$0x0] =	wrdreg $0x0  }
0xaa: {  	s6 =	sshll.u32 s28, $0x1;
	[dreg:$0x2] =	wrdreg s5  }
0xab: {  	[dreg:$0x3] =	wrdreg s6  }
0xac: {  	[dreg:$0x4] =	wrdreg $0xC0  }
0xad: {  	_ =	task [dreg:s9], $0x5FFFF  }
0xae: {  	[dreg:$0x1] =	wrdreg $0xFFFFFFFF  }
0xaf: {  	[dreg:$0x0] =	wrdreg $0x60  }
0xb0: {  	[dreg:$0x2] =	wrdreg s2  }
0xb1: {  	[dreg:$0x3] =	wrdreg s19  }
0xb2: {  	[dreg:$0x4] =	wrdreg s4  }
0xb3: {  	[dreg:$0x5] =	wrdreg $0x9  }
0xb4: {  	_ =	task.clear_ibuf [dreg:s9], $0x6FFFF;
	_ =	strace $0x90000046  }
0xb5: {  	s29 =	simm.s32 $0x9;
	_ =	strace $0x80000048  }
0xb6: {  	_ =	swait.ge [sflag:s29], $0x1  }
0xb7: {  	[sflag:s29] =	ssyncadd.s32 $0xFFFFFFFF  }
0xb8: {  	_ =	strace $0x90000048  }
0xb9: {  	_ =	sfence  }
0xba: {  	s30 =	sld [smem:$0x0];
	_ =	sdelay $0x2  }
0xbb: {  	s31 =	sshll.u32 s1, $0xD;
	s1 =	sshrl.u32 s1, $0x2  }
0xbc: {  	s3 =	sand.u32 $0x4000, s31;
	s1 =	sadd.s32 s1, s30  }
0xbd: {  	s0 =	sor.u32 s3, s0;
	s1 =	sshll.u32 s1, $0x11  }
0xbe: {  	s0 =	sor.u32 s1, s0  }
0xbf: {  	s0 =	sadd.s32 $0x8F2B, s0  }
0xc0: {  	[sflag:s0] =	ssyncadd.remote.s32 $0x1  }
0xc1: {  	_ =	sfence.sel $0xFFFF  }
0xc2: {  	[dreg:$0x0] =	wrdreg $0xFFFFFFFF;
	(pc) =	sbr.abs _section_cstart, $3  }
0xc3: {  	[dreg:$0x1] =	wrdreg $0xFFFFFFFF  }
0xc4: {  	_ =	task.clear_ibuf [dreg:s9], $0x2FFFF;
	_ =	strace $0x9FFFFFFF  }
0xc5: {  	(tm) =	ssettm $0x7FFFFFFF  }
tec
execute0_lowered:
.L_overlay_start_1:
0x0: {  	(tag) =	ssettag $0x1  }
0x1: {  	s0 =	rddreg [dreg:$0x0]  }
0x2: {  	s2 =	rddreg [dreg:$0x1]  }
0x3: {  	s1 =	rddreg [dreg:$0x2]  }
0x4: {  	s4 =	srdreg.scid;
	s5 =	stileid.u32;
	s3 =	simm.s32 $0x0  }
0x5: {  	s10 =	simm.s32 $0xA;
	s11 =	simm.s32 $0x80;
	s12 =	simm.s32 $0x800  }
0x6: {  	s13 =	simm.s32 $0x8800;
	s15 =	simm.s32 $0xC800;
	s17 =	simm.s32 $0x10800  }
0x7: {  	s18 =	simm.s32 $0x1;
	s19 =	simm.s32 $0x3;
	s20 =	simm.s32 $0x4  }
0x8: {  	s21 =	simm.s32 $0x5;
	s23 =	simm.s32 $0x4800;
	s25 =	simm.s32 $0x14800  }
0x9: {  	s28 =	simm.s32 $0x18800;
	s14 =	simm.s32 $0x7;
	s16 =	simm.s32 $0x8  }
0xa: {  	s31 =	simm.s32 $0x9;
	s22 =	simm.s32 $0x600;
	s24 =	simm.s32 $0x0  }
0xb: {  	s4 =	sand.u32 $0x1, s4;
	s5 =	sshll.u32 s5, $0x1;
	[smem:$0x7FF] =	sst s3  }
0xc: {  	s5 =	sor.u32 s4, s5;
	_ =	strace $0x80000047;
	s6 =	ssub.s32 $0x2, s4  }
0xd: {  	s29 =	sshll.u32 s5, $0xD;
	s7 =	sshrl.u32 s6, $0x1;
	s5 =	sshll.u32 s5, $0x8  }
0xe: {  	s4 =	sadd.s32 s1, s29;
	s30 =	ssub.s32 s6, s7;
	s5 =	sadd.s32 s0, s5  }
0xf: {  	s0 =	simm.s32 $0x2;
	s1 =	simm.s32 $0x6;
	s6 =	sadd.s32 $0x800, s4  }
0x10: {  	s7 =	sadd.s32 $0x1000, s4;
	s8 =	sadd.s32 $0x1800, s4;
	s9 =	smax.u32 s30, $0x1  }
.LBB2_1:
0x11: {  	[tilespmem:s3], [sflag:$0xA] =	stream.linear.gather [hbm4b:s5+s3], $0x800, $0x38;
	[tilespmem:$0x1C800] =	vst v63  }
0x12: {  	_ =	swait.ge [sflag:s10], $0x800  }
0x13: {  	[sflag:s10] =	ssyncset.done $0x0  }
0x14: {  	[sflag:s10] =	ssyncadd.s32 $0xFFFFF800  }
0x15: {  	[tilespmem:s12], [sflag:$0x1] =	stream.indirect.gather [hbm4b:s2+s11], $0x80, s3, s11, $0xb8;
	[tilespmem:$0x1C800] =	vst v63  }
0x16: {  	_ = 	snop  }
0x17: {  	[tilespmem:s13], [sflag:$0x3] =	stream.indirect.gather [hbm4b:s2+s11], $0x80, s11, s11, $0xb8;
	[tilespmem:$0x1C800] =	vst v63  }
0x18: {  	s26 =	simm.s32 $0x100  }
0x19: {  	[tilespmem:s15], [sflag:$0x4] =	stream.indirect.gather [hbm4b:s2+s11], $0x80, s26, s11, $0xb8;
	[tilespmem:$0x1C800] =	vst v63  }
0x1a: {  	s30 =	simm.s32 $0x180  }
0x1b: {  	[tilespmem:s17], [sflag:$0x5] =	stream.indirect.gather [hbm4b:s2+s11], $0x80, s30, s11, $0xb8;
	[tilespmem:$0x1C800] =	vst v63  }
0x1c: {  	_ =	swait.ge [sflag:s18], $0x4000  }
0x1d: {  	[sflag:s18] =	ssyncset.done $0x0  }
0x1e: {  	[sflag:s18] =	ssyncadd.s32 $0xFFFFC000  }
0x1f: {  	_ =	swait.ge [sflag:s19], $0x4000  }
0x20: {  	[sflag:s19] =	ssyncset.done $0x0  }
0x21: {  	[sflag:s19] =	ssyncadd.s32 $0xFFFFC000  }
0x22: {  	_ =	swait.ge [sflag:s20], $0x4000  }
0x23: {  	[sflag:s20] =	ssyncset.done $0x0  }
0x24: {  	[sflag:s20] =	ssyncadd.s32 $0xFFFFC000  }
0x25: {  	_ =	swait.ge [sflag:s21], $0x4000  }
0x26: {  	[sflag:s21] =	ssyncset.done $0x0  }
0x27: {  	s30 =	simm.s32 $0x200;
	[sflag:s21] =	ssyncadd.s32 $0xFFFFC000  }
0x28: {  	[tilespmem:s23], [sflag:$0x2] =	stream.indirect.gather [hbm4b:s2+s11], $0x80, s30, s11, $0xb8;
	[tilespmem:$0x1C800] =	vst v63  }
0x29: {  	s30 =	simm.s32 $0x280  }
0x2a: {  	[tilespmem:s25], [sflag:$0x6] =	stream.indirect.gather [hbm4b:s2+s11], $0x80, s30, s11, $0xb8;
	[tilespmem:$0x1C800] =	vst v63  }
0x2b: {  	s26 =	simm.s32 $0x0;
	s30 =	simm.s32 $0x300  }
0x2c: {  	[tilespmem:s28], [sflag:$0x7] =	stream.indirect.gather [hbm4b:s2+s11], $0x80, s30, s11, $0xb8;
	[tilespmem:$0x1C800] =	vst v63  }
0x2d: {  	v43 =	vld [tilespmem:s26+$0x10800]  }
0x2e: {  	v55 =	vld [tilespmem:s26+$0x10810]  }
0x2f: {  	v58 =	vld [tilespmem:s26+$0x10820]  }
0x30: {  	v59 =	vld [tilespmem:s26+$0x10830]  }
0x31: {  	v0 =	vld [tilespmem:s26+$0x10840]  }
0x32: {  	v42 =	vld [tilespmem:s26+$0x10850]  }
0x33: {  	v44 =	vld [tilespmem:s26+$0x10860]  }
0x34: {  	v45 =	vld [tilespmem:s26+$0x10870]  }
0x35: {  	v46 =	vld [tilespmem:s26+$0x10880]  }
0x36: {  	v47 =	vld [tilespmem:s26+$0x10890]  }
0x37: {  	v48 =	vld [tilespmem:s26+$0x108A0]  }
0x38: {  	v49 =	vld [tilespmem:s26+$0x108B0]  }
0x39: {  	v50 =	vld [tilespmem:s26+$0x108C0]  }
0x3a: {  	v51 =	vld [tilespmem:s26+$0x108D0]  }
0x3b: {  	v52 =	vld [tilespmem:s26+$0x108E0]  }
0x3c: {  	v53 =	vld [tilespmem:s26+$0x108F0]  }
0x3d: {  	v54 =	vld [tilespmem:s26+$0x10900]  }
0x3e: {  	v56 =	vld [tilespmem:s26+$0x10910]  }
0x3f: {  	v57 =	vld [tilespmem:s26+$0x10920]  }
0x40: {  	v60 =	vld [tilespmem:s26+$0x10930]  }
0x41: {  	v61 =	vld [tilespmem:s26+$0x10940]  }
0x42: {  	v62 =	vld [tilespmem:s26+$0x10950]  }
0x43: {  	v63 =	vld [tilespmem:s26+$0x10960]  }
0x44: {  	v4 =	vld [tilespmem:s26+$0x10970]  }
0x45: {  	v31 =	vld [tilespmem:s26+$0x10980]  }
0x46: {  	v30 =	vld [tilespmem:s26+$0x10990]  }
0x47: {  	v29 =	vld [tilespmem:s26+$0x109A0]  }
0x48: {  	v28 =	vld [tilespmem:s26+$0x109B0]  }
0x49: {  	v26 =	vld [tilespmem:s26+$0x109C0]  }
0x4a: {  	v25 =	vld [tilespmem:s26+$0x109D0]  }
0x4b: {  	v5 =	vld [tilespmem:s26+$0xC8C0]  }
0x4c: {  	v6 =	vld [tilespmem:s26+$0xC8D0]  }
0x4d: {  	v7 =	vld [tilespmem:s26+$0xC8E0]  }
0x4e: {  	v32 =	vld [tilespmem:s26+$0xC8F0]  }
0x4f: {  	v33 =	vld [tilespmem:s26+$0xC900]  }
0x50: {  	v34 =	vld [tilespmem:s26+$0xC910]  }
0x51: {  	v35 =	vld [tilespmem:s26+$0xC920]  }
0x52: {  	v36 =	vld [tilespmem:s26+$0xC930]  }
0x53: {  	v37 =	vld [tilespmem:s26+$0xC940]  }
0x54: {  	v38 =	vld [tilespmem:s26+$0xC950]  }
0x55: {  	v39 =	vld [tilespmem:s26+$0xC960]  }
0x56: {  	v40 =	vld [tilespmem:s26+$0xC970]  }
0x57: {  	v41 =	vld [tilespmem:s26+$0xC980]  }
0x58: {  	v9 =	vld [tilespmem:s26+$0xC9A0]  }
0x59: {  	v21 =	vld [tilespmem:s26+$0x8840]  }
0x5a: {  	v22 =	vld [tilespmem:s26+$0x8850]  }
0x5b: {  	v1 =	vld [tilespmem:s26+$0x8860]  }
0x5c: {  	v3 =	vld [tilespmem:s26+$0x8870]  }
0x5d: {  	v27 =	vld [tilespmem:s26+$0x8880]  }
0x5e: {  	v8 =	vld [tilespmem:s26+$0x88D0]  }
0x5f: {  	v23 =	vld [tilespmem:s26+$0x88E0]  }
0x60: {  	v24 =	vld [tilespmem:s26+$0x88F0]  }
0x61: {  	v10 =	vld [tilespmem:s26+$0x800]  }
0x62: {  	v11 =	vld [tilespmem:s26+$0x810]  }
0x63: {  	v12 =	vld [tilespmem:s26+$0x820]  }
0x64: {  	v13 =	vld [tilespmem:s26+$0x830]  }
0x65: {  	v14 =	vld [tilespmem:s26+$0x840]  }
0x66: {  	v15 =	vld [tilespmem:s26+$0x850]  }
0x67: {  	v16 =	vld [tilespmem:s26+$0x860]  }
0x68: {  	v17 =	vld [tilespmem:s26+$0x870]  }
0x69: {  	v18 =	vld [tilespmem:s26+$0x880]  }
0x6a: {  	v19 =	vld [tilespmem:s26+$0x890]  }
0x6b: {  	v20 =	vld [tilespmem:s26+$0x8A0]  }
0x6c: {  	v2 =	vld [tilespmem:s26+$0x8C0]  }
0x6d: {  	[tilespmem:$0x1FE00] =	vst v44;
	v44 =	vld [tilespmem:s26+$0xC800]  }
0x6e: {  	[tilespmem:$0x1FE10] =	vst v45;
	v45 =	vld [tilespmem:s26+$0xC810]  }
0x6f: {  	[tilespmem:$0x1FE20] =	vst v46;
	v46 =	vld [tilespmem:s26+$0xC820]  }
0x70: {  	[tilespmem:$0x1FE30] =	vst v47;
	v47 =	vld [tilespmem:s26+$0xC830]  }
0x71: {  	[tilespmem:$0x1FE40] =	vst v48;
	v48 =	vld [tilespmem:s26+$0xC840]  }
0x72: {  	[tilespmem:$0x1FE50] =	vst v49;
	v49 =	vld [tilespmem:s26+$0xC850]  }
0x73: {  	[tilespmem:$0x1FE80] =	vst v50;
	v50 =	vld [tilespmem:s26+$0xC860]  }
0x74: {  	[tilespmem:$0x1FEA0] =	vst v51;
	v51 =	vld [tilespmem:s26+$0xC870]  }
0x75: {  	[tilespmem:$0x1FEC0] =	vst v52;
	v52 =	vld [tilespmem:s26+$0xC880]  }
0x76: {  	[tilespmem:$0x1FED0] =	vst v53;
	v53 =	vld [tilespmem:s26+$0xC890]  }
0x77: {  	[tilespmem:$0x1FF20] =	vst v56;
	v56 =	vld [tilespmem:s26+$0xC8A0]  }
0x78: {  	[tilespmem:$0x1FF40] =	vst v57;
	v57 =	vld [tilespmem:s26+$0xC8B0]  }
0x79: {  	[tilespmem:$0x1FDF0] =	vst v42;
	v42 =	vld [tilespmem:s26+$0xC990]  }
0x7a: {  	[tilespmem:$0x1FF10] =	vst v35;
	v35 =	vld [tilespmem:s26+$0xC9B0]  }
0x7b: {  	[tilespmem:$0x1FEF0] =	vst v34;
	v34 =	vld [tilespmem:s26+$0xC9C0]  }
0x7c: {  	[tilespmem:$0x1FEE0] =	vst v33;
	v33 =	vld [tilespmem:s26+$0xC9D0]  }
0x7d: {  	[tilespmem:$0x1FF50] =	vst v60;
	v60 =	vld [tilespmem:s26+$0x8800]  }
0x7e: {  	[tilespmem:$0x1FF80] =	vst v61;
	v61 =	vld [tilespmem:s26+$0x8810]  }
0x7f: {  	[tilespmem:$0x1FFA0] =	vst v62;
	v62 =	vld [tilespmem:s26+$0x8820]  }
0x80: {  	[tilespmem:$0x1FFC0] =	vst v63;
	v63 =	vld [tilespmem:s26+$0x8830]  }
0x81: {  	[tilespmem:$0x1FE60] =	vst v5;
	v5 =	vld [tilespmem:s26+$0x8890]  }
0x82: {  	[tilespmem:$0x1FE70] =	vst v6;
	v6 =	vld [tilespmem:s26+$0x88A0]  }
0x83: {  	[tilespmem:$0x1FE90] =	vst v7;
	v7 =	vld [tilespmem:s26+$0x88B0]  }
0x84: {  	[tilespmem:$0x1FEB0] =	vst v32;
	v32 =	vld [tilespmem:s26+$0x88C0]  }
0x85: {  	[tilespmem:$0x1FF30] =	vst v36;
	v36 =	vld [tilespmem:s26+$0x8900]  }
0x86: {  	[tilespmem:$0x1FF70] =	vst v38;
	v38 =	vld [tilespmem:s26+$0x8910]  }
0x87: {  	[tilespmem:$0x1FF60] =	vst v37;
	v37 =	vld [tilespmem:s26+$0x8920]  }
0x88: {  	[tilespmem:$0x1FF90] =	vst v39;
	v39 =	vld [tilespmem:s26+$0x8930]  }
0x89: {  	[tilespmem:$0x1FFB0] =	vst v40;
	v40 =	vld [tilespmem:s26+$0x8940]  }
0x8a: {  	[tilespmem:$0x1FF00] =	vst v54;
	v54 =	vld [tilespmem:s26+$0x8950]  }
0x8b: {  	[tilespmem:$0x1FDE0] =	vst v0;
	v0 =	vld [tilespmem:s26+$0x8B0]  }
0x8c: {  	[tilespmem:$0x1FFE0] =	vst v41;
	v41 =	vld [tilespmem:s26+$0x8960]  }
0x8d: {  	[tilespmem:$0x1FFD0] =	vst v4;
	v4 =	vld [tilespmem:s26+$0x8E0]  }
0x8e: {  	v14 =	vadd.f32 v21, v14;
	v21 =	vld [tilespmem:s26+$0x89A0]  }
0x8f: {  	v15 =	vadd.f32 v22, v15;
	v22 =	vld [tilespmem:s26+$0x89B0]  }
0x90: {  	[tilespmem:$0x1FFF0] =	vst v42;
	v42 =	vld [tilespmem:s26+$0x8970]  }
0x91: {  	v10 =	vadd.f32 v60, v10;
	v60 =	vld [tilespmem:s26+$0x8D0]  }
0x92: {  	v11 =	vadd.f32 v61, v11;
	v61 =	vld [tilespmem:s26+$0x8980]  }
0x93: {  	v14 =	vadd.f32 v48, v14;
	v48 =	vld [tilespmem:$0x1FE00]  }
0x94: {  	v15 =	vadd.f32 v49, v15;
	v49 =	vld [tilespmem:$0x1FE10]  }
0x95: {  	v12 =	vadd.f32 v62, v12;
	v62 =	vld [tilespmem:$0x1FEB0]  }
0x96: {  	v13 =	vadd.f32 v63, v13;
	v63 =	vld [tilespmem:s26+$0x980]  }
0x97: {  	v10 =	vadd.f32 v44, v10;
	v44 =	vld [tilespmem:s26+$0x8F0]  }
0x98: {  	v11 =	vadd.f32 v45, v11;
	v45 =	vld [tilespmem:s26+$0x900]  }
0x99: {  	v12 =	vadd.f32 v46, v12;
	v46 =	vld [tilespmem:$0x1FDE0]  }
0x9a: {  	v10 =	vadd.f32 v43, v10;
	v43 =	vld [tilespmem:s26+$0x8990]  }
0x9b: {  	v11 =	vadd.f32 v55, v11;
	v55 =	vld [tilespmem:$0x1FE60]  }
0x9c: {  	v12 =	vadd.f32 v58, v12;
	v58 =	vld [tilespmem:$0x1FE80]  }
0x9d: {  	[tilespmem:s26+$0x800] =	vst v10;
	v10 =	vadd.f32 v47, v13;
	v13 =	vld [tilespmem:s26+$0x910]  }
0x9e: {  	[tilespmem:s26+$0x810] =	vst v11;
	v11 =	vld [tilespmem:s26+$0x920]  }
0x9f: {  	[tilespmem:s26+$0x820] =	vst v12;
	v12 =	vadd.f32 v1, v16;
	v16 =	vld [tilespmem:s26+$0x930]  }
0xa0: {  	v47 =	vld [tilespmem:$0x1FDF0]  }
0xa1: {  	v14 =	vadd.f32 v46, v14;
	v46 =	vld [tilespmem:$0x1FF00]  }
0xa2: {  	v12 =	vadd.f32 v50, v12;
	v50 =	vld [tilespmem:$0x1FE20]  }
0xa3: {  	v10 =	vadd.f32 v59, v10;
	v59 =	vld [tilespmem:$0x1FE90]  }
0xa4: {  	[tilespmem:s26+$0x840] =	vst v14;
	v14 =	vadd.f32 v27, v18;
	v18 =	vld [tilespmem:s26+$0x950]  }
0xa5: {  	v27 =	vld [tilespmem:s26+$0x89C0]  }
0xa6: {  	[tilespmem:s26+$0x830] =	vst v10;
	v10 =	vadd.f32 v3, v17;
	v17 =	vadd.f32 v5, v19;
	v19 =	vld [tilespmem:s26+$0x960]  }
0xa7: {  	v5 =	vld [tilespmem:$0x1FEC0]  }
0xa8: {  	v12 =	vadd.f32 v48, v12;
	v48 =	vld [tilespmem:$0x1FF20]  }
0xa9: {  	v14 =	vadd.f32 v52, v14;
	v52 =	vld [tilespmem:$0x1FE40]  }
0xaa: {  	v13 =	vadd.f32 v38, v13;
	v38 =	vld [tilespmem:$0x1FEE0]  }
0xab: {  	v15 =	vadd.f32 v47, v15;
	v47 =	vld [tilespmem:$0x1FF10]  }
0xac: {  	v10 =	vadd.f32 v51, v10;
	v51 =	vld [tilespmem:$0x1FE30]  }
0xad: {  	[tilespmem:s26+$0x860] =	vst v12;
	v12 =	vadd.f32 v6, v20;
	v20 =	vld [tilespmem:s26+$0x970]  }
0xae: {  	v17 =	vadd.f32 v53, v17;
	v53 =	vld [tilespmem:$0x1FE50]  }
0xaf: {  	v6 =	vadd.f32 v36, v45;
	v36 =	vld [tilespmem:s26+$0x990]  }
0xb0: {  	v45 =	vld [tilespmem:s26+$0x9A0]  }
0xb1: {  	[tilespmem:s26+$0x850] =	vst v15;
	v15 =	vld [tilespmem:s26+$0x940];
	v10 =	vadd.f32 v49, v10  }
0xb2: {  	v14 =	vadd.f32 v50, v14;
	v50 =	vld [tilespmem:s26+$0x9B0]  }
0xb3: {  	v12 =	vadd.f32 v56, v12;
	v49 =	vld [tilespmem:$0x1FF30];
	[tilespmem:s26+$0x870] =	vst v10;
	v10 =	vadd.f32 v7, v0  }
0xb4: {  	v56 =	vadd.f32 v23, v4;
	[tilespmem:s26+$0x880] =	vst v14;
	v14 =	vadd.f32 v32, v2;
	v32 =	vld [tilespmem:s26+$0x89D0]  }
0xb5: {  	v17 =	vadd.f32 v51, v17;
	v10 =	vadd.f32 v57, v10;
	v57 =	vld [tilespmem:$0x1FE70]  }
0xb6: {  	v11 =	vadd.f32 v37, v11;
	v12 =	vadd.f32 v52, v12;
	v7 =	vld [tilespmem:$0x1FED0]  }
0xb7: {  	v0 =	vadd.f32 v59, v56;
	[tilespmem:s26+$0x890] =	vst v17;
	v17 =	vadd.f32 v8, v60;
	v60 =	vld [tilespmem:$0x1FEA0]  }
0xb8: {  	v11 =	vadd.f32 v47, v11;
	v52 =	vld [tilespmem:$0x1FF50];
	v14 =	vadd.f32 v55, v14  }
0xb9: {  	v51 =	vld [tilespmem:$0x1FF40];
	v15 =	vadd.f32 v40, v15;
	v10 =	vadd.f32 v53, v10  }
0xba: {  	[tilespmem:s26+$0x8A0] =	vst v12;
	v12 =	vadd.f32 v57, v17;
	v17 =	vadd.f32 v24, v44;
	v44 =	vld [tilespmem:$0x1FEF0]  }
0xbb: {  	v56 =	vld [tilespmem:$0x1FF90];
	v22 =	vadd.f32 v22, v50;
	v14 =	vadd.f32 v58, v14  }
0xbc: {  	v59 =	vld [tilespmem:$0x1FFC0];
	[tilespmem:s26+$0x8B0] =	vst v10;
	v10 =	vadd.f32 v60, v12;
	v12 =	vadd.f32 v62, v17  }
0xbd: {  	v55 =	vld [tilespmem:$0x1FF80];
	[tilespmem:s26+$0x8C0] =	vst v14;
	v14 =	vadd.f32 v38, v6;
	v17 =	vadd.f32 v5, v0  }
0xbe: {  	v58 =	vld [tilespmem:$0x1FFB0];
	v11 =	vadd.f32 v51, v11;
	v12 =	vadd.f32 v7, v12;
	[tilespmem:s26+$0x8D0] =	vst v10  }
0xbf: {  	v53 =	vld [tilespmem:$0x1FF60];
	[tilespmem:s26+$0x8E0] =	vst v17;
	v17 =	vadd.f32 v41, v19;
	v10 =	vadd.f32 v44, v13  }
0xc0: {  	v13 =	vadd.f32 v39, v16;
	[tilespmem:s26+$0x8F0] =	vst v12;
	v12 =	vadd.f32 v54, v18;
	v54 =	vld [tilespmem:$0x1FF70]  }
0xc1: {  	v57 =	vld [tilespmem:$0x1FFA0];
	v16 =	vadd.f32 v46, v14;
	v18 =	vadd.f32 v42, v20  }
0xc2: {  	v60 =	vld [tilespmem:$0x1FFD0];
	v17 =	vadd.f32 v56, v17;
	v10 =	vadd.f32 v48, v10  }
0xc3: {  	v62 =	vld [tilespmem:$0x1FFE0];
	v20 =	vadd.f32 v21, v45;
	v13 =	vadd.f32 v49, v13  }
0xc4: {  	[tilespmem:s26+$0x910] =	vst v10;
	v10 =	vadd.f32 v58, v18;
	v18 =	vadd.f32 v61, v63;
	v63 =	vld [tilespmem:$0x1FFF0]  }
0xc5: {  	[tilespmem:s26+$0x920] =	vst v11;
	v11 =	vld [tilespmem:s26+$0x9D0];
	v17 =	vadd.f32 v59, v17;
	v12 =	vadd.f32 v54, v12  }
0xc6: {  	v14 =	vld [tilespmem:s26+$0x89E0];
	v4 =	vadd.f32 v52, v13;
	v13 =	vadd.f32 v53, v15  }
0xc7: {  	[tilespmem:s26+$0x900] =	vst v16;
	v61 =	vadd.f32 v43, v36;
	v16 =	vadd.f32 v57, v12;
	v12 =	vld [tilespmem:s26+$0x9C0]  }
0xc8: {  	v15 =	vld [tilespmem:s26+$0x89F0];
	v13 =	vadd.f32 v55, v13;
	v19 =	vadd.f32 v62, v18  }
0xc9: {  	s29 =	simm.s32 $0x800;
	v10 =	vadd.f32 v60, v10;
	[tilespmem:s26+$0x930] =	vst v4;
	v18 =	vld [tilespmem:s26+$0x9E0];
	v21 =	vadd.f32 v63, v61  }
.LBB2_2:
0xca: {  	[tilespmem:s26+$0x940] =	vst v13;
	v5 =	vadd.f32 v31, v19;
	v9 =	vadd.f32 v9, v20;
	v13 =	vld [tilespmem:s26+$0x9F0]  }
0xcb: {  	[tilespmem:s26+$0x950] =	vst v16;
	v4 =	vadd.f32 v30, v21;
	v16 =	vld [tilespmem:s26+$0xC9E0];
	v8 =	vadd.f32 v35, v22  }
0xcc: {  	[tilespmem:s26+$0x960] =	vst v17;
	v3 =	vadd.f32 v29, v9;
	v9 =	vadd.f32 v27, v12;
	v12 =	vld [tilespmem:s26+$0xC9F0]  }
0xcd: {  	[tilespmem:s26+$0x970] =	vst v10;
	v10 =	vld [tilespmem:s26+$0x109E0];
	v2 =	vadd.f32 v28, v8;
	v8 =	vadd.f32 v32, v11  }
0xce: {  	s30 =	sshra.s32 s29, $0x2;
	[tilespmem:s26+$0x980] =	vst v5;
	v7 =	vadd.f32 v14, v18;
	v49 =	vadd.f32 v34, v9;
	v9 =	vld [tilespmem:s26+$0x109F0]  }
0xcf: {  	v36 =	vld [tilespmem:s30+$0x10800];
	[tilespmem:s26+$0x990] =	vst v4;
	v6 =	vadd.f32 v15, v13;
	v50 =	vadd.f32 v33, v8  }
0xd0: {  	v37 =	vld [tilespmem:s30+$0x10810];
	[tilespmem:s26+$0x9A0] =	vst v3;
	v51 =	vadd.f32 v16, v7;
	v1 =	vadd.f32 v26, v49  }
0xd1: {  	v38 =	vld [tilespmem:s30+$0x10820];
	[tilespmem:s26+$0x9B0] =	vst v2;
	v52 =	vadd.f32 v12, v6;
	v0 =	vadd.f32 v25, v50  }
0xd2: {  	v53 =	vadd.f32 v10, v51;
	v39 =	vld [tilespmem:s30+$0x10830];
	[tilespmem:s26+$0x9C0] =	vst v1  }
0xd3: {  	v10 =	vld [tilespmem:s30+$0x10840];
	v54 =	vadd.f32 v9, v52;
	[tilespmem:s26+$0x9D0] =	vst v0  }
0xd4: {  	v11 =	vld [tilespmem:s30+$0x10850];
	[tilespmem:s26+$0x9E0] =	vst v53  }
0xd5: {  	v32 =	vld [tilespmem:s30+$0x10860];
	[tilespmem:s26+$0x9F0] =	vst v54;
	s26 =	smov.u32 s30  }
0xd6: {  	v12 =	vld [tilespmem:s26+$0x10870]  }
0xd7: {  	v15 =	vld [tilespmem:s26+$0x10880]  }
0xd8: {  	v18 =	vld [tilespmem:s26+$0x10890]  }
0xd9: {  	v19 =	vld [tilespmem:s26+$0x108A0]  }
0xda: {  	v21 =	vld [tilespmem:s26+$0x108B0]  }
0xdb: {  	v0 =	vld [tilespmem:s26+$0x108C0]  }
0xdc: {  	v55 =	vld [tilespmem:s26+$0x108D0]  }
0xdd: {  	v56 =	vld [tilespmem:s26+$0x108E0]  }
0xde: {  	v57 =	vld [tilespmem:s26+$0x108F0]  }
0xdf: {  	v58 =	vld [tilespmem:s26+$0x10900]  }
0xe0: {  	v59 =	vld [tilespmem:s26+$0x10910]  }
0xe1: {  	v60 =	vld [tilespmem:s26+$0x10920]  }
0xe2: {  	v61 =	vld [tilespmem:s26+$0x10930]  }
0xe3: {  	v62 =	vld [tilespmem:s26+$0x10940]  }
0xe4: {  	v63 =	vld [tilespmem:s26+$0x10950]  }
0xe5: {  	v4 =	vld [tilespmem:s26+$0x10960]  }
0xe6: {  	v5 =	vld [tilespmem:s26+$0x10970]  }
0xe7: {  	v20 =	vld [tilespmem:s26+$0x10980]  }
0xe8: {  	v16 =	vld [tilespmem:s26+$0x10990]  }
0xe9: {  	v6 =	vld [tilespmem:s26+$0x109A0]  }
0xea: {  	v17 =	vld [tilespmem:s26+$0x109B0]  }
0xeb: {  	v7 =	vld [tilespmem:s26+$0x109C0]  }
0xec: {  	v27 =	vld [tilespmem:s26+$0x109D0]  }
0xed: {  	v54 =	vld [tilespmem:s26+$0xC850]  }
0xee: {  	v53 =	vld [tilespmem:s26+$0xC860]  }
0xef: {  	v52 =	vld [tilespmem:s26+$0xC870]  }
0xf0: {  	v51 =	vld [tilespmem:s26+$0xC880]  }
0xf1: {  	v50 =	vld [tilespmem:s26+$0xC890]  }
0xf2: {  	v49 =	vld [tilespmem:s26+$0xC8A0]  }
0xf3: {  	v48 =	vld [tilespmem:s26+$0xC8B0]  }
0xf4: {  	v47 =	vld [tilespmem:s26+$0xC8C0]  }
0xf5: {  	v46 =	vld [tilespmem:s26+$0xC8D0]  }
0xf6: {  	v45 =	vld [tilespmem:s26+$0xC8E0]  }
0xf7: {  	v44 =	vld [tilespmem:s26+$0xC8F0]  }
0xf8: {  	v43 =	vld [tilespmem:s26+$0xC900]  }
0xf9: {  	v42 =	vld [tilespmem:s26+$0xC910]  }
0xfa: {  	v41 =	vld [tilespmem:s26+$0xC920]  }
0xfb: {  	v40 =	vld [tilespmem:s26+$0xC930]  }
0xfc: {  	v22 =	vld [tilespmem:s26+$0xC940]  }
0xfd: {  	v33 =	vld [tilespmem:s26+$0xC950]  }
0xfe: {  	v34 =	vld [tilespmem:s26+$0xC960]  }
0xff: {  	v35 =	vld [tilespmem:s26+$0xC970]  }
0x100: {  	v13 =	vld [tilespmem:s26+$0xC9A0]  }
0x101: {  	v14 =	vld [tilespmem:s26+$0xC9C0]  }
0x102: {  	v9 =	vld [tilespmem:s26+$0xC9D0]  }
0x103: {  	v1 =	vld [tilespmem:s26+$0x8850]  }
0x104: {  	v2 =	vld [tilespmem:s26+$0x8860]  }
0x105: {  	v3 =	vld [tilespmem:s26+$0x8870]  }
0x106: {  	v23 =	vld [tilespmem:s26+$0x88B0]  }
0x107: {  	v24 =	vld [tilespmem:s26+$0x88C0]  }
0x108: {  	v25 =	vld [tilespmem:s26+$0x88D0]  }
0x109: {  	v26 =	vld [tilespmem:s26+$0x88E0]  }
0x10a: {  	v28 =	vld [tilespmem:s26+$0x88F0]  }
0x10b: {  	v29 =	vld [tilespmem:s26+$0x8900]  }
0x10c: {  	v30 =	vld [tilespmem:s26+$0x800]  }
0x10d: {  	v8 =	vld [tilespmem:s26+$0x810]  }
0x10e: {  	v31 =	vld [tilespmem:s26+$0x820]  }
0x10f: {  	[tilespmem:$0x1FCC0] =	vst v55;
	v55 =	vld [tilespmem:s26+$0xC800]  }
0x110: {  	[tilespmem:$0x1FCD0] =	vst v56;
	v56 =	vld [tilespmem:s26+$0xC810]  }
0x111: {  	[tilespmem:$0x1FCF0] =	vst v57;
	v57 =	vld [tilespmem:s26+$0xC820]  }
0x112: {  	[tilespmem:$0x1FD00] =	vst v58;
	v58 =	vld [tilespmem:s26+$0xC830]  }
0x113: {  	[tilespmem:$0x1FD10] =	vst v59;
	v59 =	vld [tilespmem:s26+$0xC840]  }
0x114: {  	[tilespmem:$0x1FD20] =	vst v60;
	v60 =	vld [tilespmem:s26+$0xC980]  }
0x115: {  	[tilespmem:$0x1FD30] =	vst v61;
	v61 =	vld [tilespmem:s26+$0xC990]  }
0x116: {  	[tilespmem:$0x1FD80] =	vst v35;
	v35 =	vld [tilespmem:s26+$0xC9B0]  }
0x117: {  	[tilespmem:$0x1FD50] =	vst v62;
	v62 =	vld [tilespmem:s26+$0x8820]  }
0x118: {  	[tilespmem:$0x1FD70] =	vst v63;
	v63 =	vld [tilespmem:s26+$0x8830]  }
0x119: {  	[tilespmem:$0x1FCB0] =	vst v0;
	v0 =	vld [tilespmem:s26+$0x8840]  }
0x11a: {  	[tilespmem:$0x1FD90] =	vst v4;
	v4 =	vld [tilespmem:s26+$0x8880]  }
0x11b: {  	[tilespmem:$0x1FDA0] =	vst v5;
	v5 =	vld [tilespmem:s26+$0x8890]  }
0x11c: {  	[tilespmem:$0x1FCE0] =	vst v6;
	v6 =	vld [tilespmem:s26+$0x88A0]  }
0x11d: {  	[tilespmem:$0x1FDC0] =	vst v7;
	v7 =	vld [tilespmem:s26+$0x8910]  }
0x11e: {  	[tilespmem:$0x1FD40] =	vst v33;
	v33 =	vld [tilespmem:s26+$0x830]  }
0x11f: {  	[tilespmem:$0x1FD60] =	vst v34;
	v34 =	vld [tilespmem:s26+$0x8920]  }
0x120: {  	[tilespmem:$0x1FDB0] =	vst v60;
	v60 =	vld [tilespmem:s26+$0x8800]  }
0x121: {  	[tilespmem:$0x1FDD0] =	vst v61;
	v61 =	vld [tilespmem:s26+$0x8810]  }
0x122: {  	v31 =	vadd.f32 v62, v31;
	v62 =	vld [tilespmem:s26+$0x850]  }
0x123: {  	v33 =	vadd.f32 v63, v33;
	v63 =	vld [tilespmem:s26+$0x860]  }
0x124: {  	v31 =	vadd.f32 v57, v31;
	v57 =	vld [tilespmem:s26+$0x870]  }
0x125: {  	v33 =	vadd.f32 v58, v33;
	v58 =	vld [tilespmem:s26+$0x8D0]  }
0x126: {  	v31 =	vadd.f32 v38, v31;
	v38 =	vld [tilespmem:s26+$0x8950]  }
0x127: {  	v30 =	vadd.f32 v60, v30;
	v60 =	vld [tilespmem:s26+$0x8930]  }
0x128: {  	v8 =	vadd.f32 v61, v8;
	v61 =	vld [tilespmem:s26+$0x840]  }
0x129: {  	v1 =	vadd.f32 v1, v62;
	v62 =	vld [tilespmem:s26+$0x880]  }
0x12a: {  	v2 =	vadd.f32 v2, v63;
	v63 =	vld [tilespmem:s26+$0x890]  }
0x12b: {  	v8 =	vadd.f32 v56, v8;
	v56 =	vld [tilespmem:s26+$0x8A0]  }
0x12c: {  	v33 =	vadd.f32 v39, v33;
	v3 =	vadd.f32 v3, v57;
	v57 =	vld [tilespmem:s26+$0x8970]  }
0x12d: {  	v2 =	vadd.f32 v53, v2;
	v53 =	vld [tilespmem:$0x1FD50]  }
0x12e: {  	v1 =	vadd.f32 v54, v1;
	v54 =	vld [tilespmem:$0x1FD60]  }
0x12f: {  	v30 =	vadd.f32 v55, v30;
	v55 =	vld [tilespmem:s26+$0x9B0]  }
0x130: {  	[tilespmem:s26+$0x830] =	vst v33;
	v33 =	vmov v9;
	v9 =	vmov v13;
	v13 =	vld [tilespmem:$0x1FCC0]  }
0x131: {  	v8 =	vadd.f32 v37, v8;
	v37 =	vld [tilespmem:s26+$0x8940]  }
0x132: {  	v1 =	vadd.f32 v11, v1;
	v11 =	vld [tilespmem:s26+$0x8960]  }
0x133: {  	v2 =	vadd.f32 v32, v2;
	v32 =	vld [tilespmem:s26+$0x89D0]  }
0x134: {  	v3 =	vadd.f32 v52, v3;
	v0 =	vadd.f32 v0, v61;
	v61 =	vld [tilespmem:$0x1FCD0]  }
0x135: {  	v4 =	vadd.f32 v4, v62;
	v62 =	vld [tilespmem:$0x1FCF0]  }
0x136: {  	v30 =	vadd.f32 v36, v30;
	v3 =	vadd.f32 v12, v3;
	v12 =	vld [tilespmem:s26+$0x8C0]  }
0x137: {  	v0 =	vadd.f32 v59, v0;
	v59 =	vld [tilespmem:s26+$0x8980]  }
0x138: {  	v4 =	vadd.f32 v51, v4;
	v51 =	vld [tilespmem:$0x1FD30]  }
0x139: {  	v5 =	vadd.f32 v5, v63;
	v6 =	vadd.f32 v6, v56;
	v56 =	vld [tilespmem:$0x1FD70]  }
0x13a: {  	[tilespmem:s26+$0x800] =	vst v30;
	v30 =	vmov v16;
	v16 =	vld [tilespmem:$0x1FCB0]  }
0x13b: {  	v5 =	vadd.f32 v50, v5;
	v0 =	vadd.f32 v10, v0;
	v10 =	vld [tilespmem:s26+$0x8B0]  }
0x13c: {  	v4 =	vadd.f32 v15, v4;
	v15 =	vld [tilespmem:s26+$0x8F0]  }
0x13d: {  	v5 =	vadd.f32 v18, v5;
	v18 =	vld [tilespmem:s26+$0x8990]  }
0x13e: {  	v6 =	vadd.f32 v49, v6;
	v49 =	vld [tilespmem:$0x1FD20]  }
0x13f: {  	v12 =	vadd.f32 v24, v12;
	v24 =	vld [tilespmem:s26+$0x900]  }
0x140: {  	v6 =	vadd.f32 v19, v6;
	v19 =	vadd.f32 v25, v58;
	v25 =	vld [tilespmem:s26+$0x910]  }
0x141: {  	v58 =	vld [tilespmem:$0x1FD90]  }
0x142: {  	[tilespmem:s26+$0x810] =	vst v8;
	v12 =	vadd.f32 v47, v12;
	v8 =	vadd.f32 v46, v19;
	v19 =	vld [tilespmem:s26+$0x920]  }
0x143: {  	v10 =	vadd.f32 v23, v10;
	v23 =	vld [tilespmem:s26+$0x8E0]  }
0x144: {  	v47 =	vld [tilespmem:$0x1FD10];
	v15 =	vadd.f32 v28, v15;
	v12 =	vadd.f32 v16, v12  }
0x145: {  	v8 =	vadd.f32 v13, v8;
	v7 =	vadd.f32 v7, v25;
	v25 =	vmov v27;
	v27 =	vld [tilespmem:s26+$0x89C0]  }
0x146: {  	v15 =	vadd.f32 v44, v15;
	[tilespmem:s26+$0x8C0] =	vst v12;
	v12 =	vld [tilespmem:s26+$0x990]  }
0x147: {  	v10 =	vadd.f32 v48, v10;
	[tilespmem:s26+$0x8D0] =	vst v8;
	v8 =	vld [tilespmem:$0x1FD40]  }
0x148: {  	[tilespmem:s26+$0x850] =	vst v1;
	v1 =	vadd.f32 v62, v15;
	v15 =	vld [tilespmem:s26+$0x940];
	v23 =	vadd.f32 v26, v23  }
0x149: {  	v19 =	vadd.f32 v34, v19;
	v34 =	vmov v14;
	v14 =	vld [tilespmem:s26+$0x89E0]  }
0x14a: {  	v10 =	vadd.f32 v21, v10;
	v62 =	vld [tilespmem:$0x1FDB0];
	v21 =	vadd.f32 v45, v23  }
0x14b: {  	[tilespmem:s26+$0x840] =	vst v0;
	v26 =	vld [tilespmem:s26+$0x89A0]  }
0x14c: {  	[tilespmem:s26+$0x8B0] =	vst v10;
	v10 =	vld [tilespmem:s26+$0x980];
	v0 =	vadd.f32 v61, v21;
	v21 =	vadd.f32 v29, v24  }
0x14d: {  	v23 =	vld [tilespmem:s26+$0x930]  }
0x14e: {  	v46 =	vadd.f32 v41, v19;
	v63 =	vadd.f32 v43, v21;
	v21 =	vld [tilespmem:s26+$0x950]  }
0x14f: {  	v45 =	vld [tilespmem:$0x1FD00]  }
0x150: {  	[tilespmem:s26+$0x880] =	vst v4;
	v19 =	vld [tilespmem:s26+$0x970];
	v4 =	vadd.f32 v49, v46  }
0x151: {  	v29 =	vld [tilespmem:$0x1FCE0];
	v50 =	vadd.f32 v37, v15;
	v61 =	vadd.f32 v18, v12  }
0x152: {  	[tilespmem:s26+$0x820] =	vst v31;
	v43 =	vadd.f32 v42, v7;
	v44 =	vadd.f32 v60, v23;
	v23 =	vld [tilespmem:s26+$0x960]  }
0x153: {  	[tilespmem:s26+$0x8A0] =	vst v6;
	v24 =	vld [tilespmem:s26+$0x89B0];
	v6 =	vadd.f32 v22, v50;
	v52 =	vadd.f32 v38, v21  }
0x154: {  	[tilespmem:s26+$0x860] =	vst v2;
	v59 =	vadd.f32 v59, v10;
	v60 =	vld [tilespmem:$0x1FDA0];
	v2 =	vadd.f32 v45, v63  }
0x155: {  	[tilespmem:s26+$0x870] =	vst v3;
	v7 =	vadd.f32 v8, v52;
	v8 =	vadd.f32 v57, v19;
	v57 =	vld [tilespmem:$0x1FD80]  }
0x156: {  	[tilespmem:s26+$0x890] =	vst v5;
	v3 =	vadd.f32 v47, v43;
	v48 =	vadd.f32 v40, v44;
	v21 =	vld [tilespmem:s26+$0x9A0]  }
0x157: {  	p0 =	sne.s32 s29, $0xF800;
	[tilespmem:s26+$0x8F0] =	vst v1;
	v13 =	vadd.f32 v53, v6;
	v63 =	vld [tilespmem:$0x1FDD0];
	v11 =	vadd.f32 v11, v23  }
.Ltmp0:
0x158: {  	v15 =	vld [tilespmem:s26+$0x89F0];
	[tilespmem:s26+$0x920] =	vst v4;
	v22 =	vadd.f32 v24, v55;
	v5 =	vadd.f32 v51, v48;
	(pc) =	sbr.rel @p0 .LBB2_2-.Ltmp0, $4  }
0x159: {  	v12 =	vld [tilespmem:s26+$0x9C0];
	[tilespmem:s26+$0x8E0] =	vst v0;
	v19 =	vadd.f32 v62, v59;
	v0 =	vadd.f32 v54, v11  }
0x15a: {  	v18 =	vld [tilespmem:s26+$0x9E0];
	[tilespmem:s26+$0x900] =	vst v2;
	v16 =	vadd.f32 v56, v7;
	v1 =	vadd.f32 v57, v8  }
0x15b: {  	v31 =	vmovc v20;
	v28 =	vmov v17;
	[tilespmem:s26+$0x910] =	vst v3;
	v11 =	vld [tilespmem:s26+$0x9D0];
	v17 =	vadd.f32 v58, v0;
	v20 =	vadd.f32 v26, v21  }
0x15c: {  	s29 =	sadd.s32 $0x800, s29;
	[tilespmem:s26+$0x930] =	vst v5;
	v26 =	vld [tilespmem:$0x1FDC0];
	v21 =	vadd.f32 v63, v61;
	v10 =	vadd.f32 v60, v1  }
0x15d: {  	[tilespmem:s26+$0x940] =	vst v13;
	v0 =	vld [tilespmem:s26+$0x9F0];
	v2 =	vadd.f32 v31, v19;
	v3 =	vadd.f32 v9, v20  }
0x15e: {  	[tilespmem:s26+$0x950] =	vst v16;
	v1 =	vld [tilespmem:s26+$0xC9E0];
	v6 =	vadd.f32 v35, v22;
	v5 =	vadd.f32 v30, v21  }
0x15f: {  	[tilespmem:s26+$0x960] =	vst v17;
	v4 =	vld [tilespmem:s26+$0xC9F0];
	v7 =	vadd.f32 v27, v12;
	v3 =	vadd.f32 v29, v3  }
0x160: {  	v8 =	vld [tilespmem:s26+$0x109E0];
	[tilespmem:s26+$0x970] =	vst v10;
	v6 =	vadd.f32 v28, v6;
	v9 =	vadd.f32 v32, v11  }
0x161: {  	v10 =	vld [tilespmem:s26+$0x109F0];
	[tilespmem:s26+$0x980] =	vst v2;
	v38 =	vadd.f32 v14, v18;
	v37 =	vadd.f32 v34, v7  }
0x162: {  	[tilespmem:s26+$0x990] =	vst v5;
	v39 =	vadd.f32 v33, v9;
	v0 =	vadd.f32 v15, v0  }
0x163: {  	[tilespmem:s26+$0x9A0] =	vst v3;
	v2 =	vadd.f32 v26, v37;
	v1 =	vadd.f32 v1, v38  }
0x164: {  	[tilespmem:s26+$0x9B0] =	vst v6;
	v40 =	vadd.f32 v25, v39;
	v0 =	vadd.f32 v4, v0  }
0x165: {  	[tilespmem:s26+$0x9C0] =	vst v2;
	v1 =	vadd.f32 v8, v1  }
0x166: {  	[tilespmem:s26+$0x9D0] =	vst v40;
	v0 =	vadd.f32 v10, v0  }
0x167: {  	[tilespmem:s26+$0x9E0] =	vst v1  }
0x168: {  	s30 =	simm.s32 $0x0;
	[tilespmem:s26+$0x9F0] =	vst v0  }
0x169: {  	[hbm4b:s4+s30] =	stream.linear.scatter [tilespmem:s12], [sflag:$0x8], $0x4000, $0x38;
	[tilespmem:$0x1C800] =	vst v63  }
0x16a: {  	s30 =	simm.s32 $0x380  }
0x16b: {  	[tilespmem:s13], [sflag:$0x3] =	stream.indirect.gather [hbm4b:s2+s11], $0x80, s30, s11, $0xb8;
	[tilespmem:$0x1C800] =	vst v63  }
0x16c: {  	s30 =	simm.s32 $0x480  }
0x16d: {  	[tilespmem:s15], [sflag:$0x4] =	stream.indirect.gather [hbm4b:s2+s11], $0x80, s30, s11, $0xb8;
	[tilespmem:$0x1C800] =	vst v63  }
0x16e: {  	s30 =	simm.s32 $0x500  }
0x16f: {  	[tilespmem:s17], [sflag:$0x5] =	stream.indirect.gather [hbm4b:s2+s11], $0x80, s30, s11, $0xb8;
	[tilespmem:$0x1C800] =	vst v63  }
0x170: {  	_ =	swait.ge [sflag:s0], $0x4000  }
0x171: {  	[sflag:s0] =	ssyncset.done $0x0  }
0x172: {  	[sflag:s0] =	ssyncadd.s32 $0xFFFFC000  }
0x173: {  	_ =	swait.ge [sflag:s1], $0x4000  }
0x174: {  	[sflag:s1] =	ssyncset.done $0x0  }
0x175: {  	[sflag:s1] =	ssyncadd.s32 $0xFFFFC000  }
0x176: {  	_ =	swait.ge [sflag:s14], $0x4000  }
0x177: {  	[sflag:s14] =	ssyncset.done $0x0  }
0x178: {  	[sflag:s14] =	ssyncadd.s32 $0xFFFFC000  }
0x179: {  	_ =	swait.ge [sflag:s19], $0x4000  }
0x17a: {  	[sflag:s19] =	ssyncset.done $0x0  }
0x17b: {  	s26 =	simm.s32 $0x0;
	[sflag:s19] =	ssyncadd.s32 $0xFFFFC000  }
0x17c: {  	v43 =	vld [tilespmem:s26+$0x8800]  }
0x17d: {  	v55 =	vld [tilespmem:s26+$0x8810]  }
0x17e: {  	v58 =	vld [tilespmem:s26+$0x8820]  }
0x17f: {  	v59 =	vld [tilespmem:s26+$0x8830]  }
0x180: {  	v41 =	vld [tilespmem:s26+$0x8840]  }
0x181: {  	v42 =	vld [tilespmem:s26+$0x8850]  }
0x182: {  	v44 =	vld [tilespmem:s26+$0x8860]  }
0x183: {  	v45 =	vld [tilespmem:s26+$0x8870]  }
0x184: {  	v46 =	vld [tilespmem:s26+$0x8880]  }
0x185: {  	v47 =	vld [tilespmem:s26+$0x8890]  }
0x186: {  	v48 =	vld [tilespmem:s26+$0x88A0]  }
0x187: {  	v49 =	vld [tilespmem:s26+$0x88B0]  }
0x188: {  	v50 =	vld [tilespmem:s26+$0x88C0]  }
0x189: {  	v51 =	vld [tilespmem:s26+$0x88D0]  }
0x18a: {  	v52 =	vld [tilespmem:s26+$0x88E0]  }
0x18b: {  	v53 =	vld [tilespmem:s26+$0x88F0]  }
0x18c: {  	v54 =	vld [tilespmem:s26+$0x8900]  }
0x18d: {  	v56 =	vld [tilespmem:s26+$0x8910]  }
0x18e: {  	v57 =	vld [tilespmem:s26+$0x8920]  }
0x18f: {  	v60 =	vld [tilespmem:s26+$0x8930]  }
0x190: {  	v61 =	vld [tilespmem:s26+$0x8940]  }
0x191: {  	v62 =	vld [tilespmem:s26+$0x8950]  }
0x192: {  	v63 =	vld [tilespmem:s26+$0x8960]  }
0x193: {  	v4 =	vld [tilespmem:s26+$0x8970]  }
0x194: {  	v31 =	vld [tilespmem:s26+$0x8980]  }
0x195: {  	v30 =	vld [tilespmem:s26+$0x8990]  }
0x196: {  	v29 =	vld [tilespmem:s26+$0x89A0]  }
0x197: {  	v28 =	vld [tilespmem:s26+$0x89B0]  }
0x198: {  	v26 =	vld [tilespmem:s26+$0x89C0]  }
0x199: {  	v25 =	vld [tilespmem:s26+$0x89D0]  }
0x19a: {  	v5 =	vld [tilespmem:s26+$0x188C0]  }
0x19b: {  	v6 =	vld [tilespmem:s26+$0x188D0]  }
0x19c: {  	v7 =	vld [tilespmem:s26+$0x188E0]  }
0x19d: {  	v32 =	vld [tilespmem:s26+$0x188F0]  }
0x19e: {  	v33 =	vld [tilespmem:s26+$0x18900]  }
0x19f: {  	v34 =	vld [tilespmem:s26+$0x18910]  }
0x1a0: {  	v35 =	vld [tilespmem:s26+$0x18920]  }
0x1a1: {  	v36 =	vld [tilespmem:s26+$0x18930]  }
0x1a2: {  	v37 =	vld [tilespmem:s26+$0x18940]  }
0x1a3: {  	v38 =	vld [tilespmem:s26+$0x18950]  }
0x1a4: {  	v39 =	vld [tilespmem:s26+$0x18960]  }
0x1a5: {  	v40 =	vld [tilespmem:s26+$0x18970]  }
0x1a6: {  	v9 =	vld [tilespmem:s26+$0x189A0]  }
0x1a7: {  	v21 =	vld [tilespmem:s26+$0x14840]  }
0x1a8: {  	v22 =	vld [tilespmem:s26+$0x14850]  }
0x1a9: {  	v1 =	vld [tilespmem:s26+$0x14860]  }
0x1aa: {  	v3 =	vld [tilespmem:s26+$0x14870]  }
0x1ab: {  	v27 =	vld [tilespmem:s26+$0x14880]  }
0x1ac: {  	v8 =	vld [tilespmem:s26+$0x148D0]  }
0x1ad: {  	v23 =	vld [tilespmem:s26+$0x148E0]  }
0x1ae: {  	v24 =	vld [tilespmem:s26+$0x148F0]  }
0x1af: {  	v10 =	vld [tilespmem:s26+$0x4800]  }
0x1b0: {  	v11 =	vld [tilespmem:s26+$0x4810]  }
0x1b1: {  	v12 =	vld [tilespmem:s26+$0x4820]  }
0x1b2: {  	v13 =	vld [tilespmem:s26+$0x4830]  }
0x1b3: {  	v14 =	vld [tilespmem:s26+$0x4840]  }
0x1b4: {  	v15 =	vld [tilespmem:s26+$0x4850]  }
0x1b5: {  	v16 =	vld [tilespmem:s26+$0x4860]  }
0x1b6: {  	v17 =	vld [tilespmem:s26+$0x4870]  }
0x1b7: {  	v18 =	vld [tilespmem:s26+$0x4880]  }
0x1b8: {  	v19 =	vld [tilespmem:s26+$0x4890]  }
0x1b9: {  	v20 =	vld [tilespmem:s26+$0x48A0]  }
0x1ba: {  	v0 =	vld [tilespmem:s26+$0x48B0]  }
0x1bb: {  	v2 =	vld [tilespmem:s26+$0x48C0]  }
0x1bc: {  	[tilespmem:$0x1FAB0] =	vst v44;
	v44 =	vld [tilespmem:s26+$0x18800]  }
0x1bd: {  	[tilespmem:$0x1FAC0] =	vst v45;
	v45 =	vld [tilespmem:s26+$0x18810]  }
0x1be: {  	[tilespmem:$0x1FAD0] =	vst v46;
	v46 =	vld [tilespmem:s26+$0x18820]  }
0x1bf: {  	[tilespmem:$0x1FAE0] =	vst v47;
	v47 =	vld [tilespmem:s26+$0x18830]  }
0x1c0: {  	[tilespmem:$0x1FAF0] =	vst v48;
	v48 =	vld [tilespmem:s26+$0x18840]  }
0x1c1: {  	[tilespmem:$0x1FB00] =	vst v49;
	v49 =	vld [tilespmem:s26+$0x18850]  }
0x1c2: {  	[tilespmem:$0x1FB30] =	vst v50;
	v50 =	vld [tilespmem:s26+$0x18860]  }
0x1c3: {  	[tilespmem:$0x1FB50] =	vst v51;
	v51 =	vld [tilespmem:s26+$0x18870]  }
0x1c4: {  	[tilespmem:$0x1FB70] =	vst v52;
	v52 =	vld [tilespmem:s26+$0x18880]  }
0x1c5: {  	[tilespmem:$0x1FB80] =	vst v53;
	v53 =	vld [tilespmem:s26+$0x18890]  }
0x1c6: {  	[tilespmem:$0x1FBD0] =	vst v56;
	v56 =	vld [tilespmem:s26+$0x188A0]  }
0x1c7: {  	[tilespmem:$0x1FBF0] =	vst v57;
	v57 =	vld [tilespmem:s26+$0x188B0]  }
0x1c8: {  	[tilespmem:$0x1FA90] =	vst v41;
	v41 =	vld [tilespmem:s26+$0x18980]  }
0x1c9: {  	[tilespmem:$0x1FAA0] =	vst v42;
	v42 =	vld [tilespmem:s26+$0x18990]  }
0x1ca: {  	[tilespmem:$0x1FBC0] =	vst v35;
	v35 =	vld [tilespmem:s26+$0x189B0]  }
0x1cb: {  	[tilespmem:$0x1FBA0] =	vst v34;
	v34 =	vld [tilespmem:s26+$0x189C0]  }
0x1cc: {  	[tilespmem:$0x1FB90] =	vst v33;
	v33 =	vld [tilespmem:s26+$0x189D0]  }
0x1cd: {  	[tilespmem:$0x1FC00] =	vst v60;
	v60 =	vld [tilespmem:s26+$0x14800]  }
0x1ce: {  	[tilespmem:$0x1FC30] =	vst v61;
	v61 =	vld [tilespmem:s26+$0x14810]  }
0x1cf: {  	[tilespmem:$0x1FC50] =	vst v62;
	v62 =	vld [tilespmem:s26+$0x14820]  }
0x1d0: {  	[tilespmem:$0x1FC70] =	vst v63;
	v63 =	vld [tilespmem:s26+$0x14830]  }
0x1d1: {  	[tilespmem:$0x1FB10] =	vst v5;
	v5 =	vld [tilespmem:s26+$0x14890]  }
0x1d2: {  	[tilespmem:$0x1FB20] =	vst v6;
	v6 =	vld [tilespmem:s26+$0x148A0]  }
0x1d3: {  	[tilespmem:$0x1FB40] =	vst v7;
	v7 =	vld [tilespmem:s26+$0x148B0]  }
0x1d4: {  	[tilespmem:$0x1FB60] =	vst v32;
	v32 =	vld [tilespmem:s26+$0x148C0]  }
0x1d5: {  	[tilespmem:$0x1FBE0] =	vst v36;
	v36 =	vld [tilespmem:s26+$0x14900]  }
0x1d6: {  	[tilespmem:$0x1FC20] =	vst v38;
	v38 =	vld [tilespmem:s26+$0x14910]  }
0x1d7: {  	[tilespmem:$0x1FC10] =	vst v37;
	v37 =	vld [tilespmem:s26+$0x14920]  }
0x1d8: {  	[tilespmem:$0x1FC40] =	vst v39;
	v39 =	vld [tilespmem:s26+$0x14930]  }
0x1d9: {  	[tilespmem:$0x1FC60] =	vst v40;
	v40 =	vld [tilespmem:s26+$0x14940]  }
0x1da: {  	[tilespmem:$0x1FBB0] =	vst v54;
	v54 =	vld [tilespmem:s26+$0x14950]  }
0x1db: {  	[tilespmem:$0x1FC80] =	vst v4;
	v4 =	vld [tilespmem:s26+$0x48E0]  }
0x1dc: {  	v14 =	vadd.f32 v21, v14;
	v21 =	vld [tilespmem:s26+$0x149A0]  }
0x1dd: {  	v15 =	vadd.f32 v22, v15;
	v22 =	vld [tilespmem:s26+$0x149B0]  }
0x1de: {  	[tilespmem:$0x1FC90] =	vst v41;
	v41 =	vld [tilespmem:s26+$0x14960]  }
0x1df: {  	[tilespmem:$0x1FCA0] =	vst v42;
	v42 =	vld [tilespmem:s26+$0x14970]  }
0x1e0: {  	v10 =	vadd.f32 v60, v10;
	v60 =	vld [tilespmem:s26+$0x48D0]  }
0x1e1: {  	v11 =	vadd.f32 v61, v11;
	v61 =	vld [tilespmem:s26+$0x14980]  }
0x1e2: {  	v14 =	vadd.f32 v48, v14;
	v48 =	vld [tilespmem:$0x1FAB0]  }
0x1e3: {  	v15 =	vadd.f32 v49, v15;
	v49 =	vld [tilespmem:$0x1FAC0]  }
0x1e4: {  	v12 =	vadd.f32 v62, v12;
	v62 =	vld [tilespmem:$0x1FB60]  }
0x1e5: {  	v13 =	vadd.f32 v63, v13;
	v63 =	vld [tilespmem:s26+$0x4980]  }
0x1e6: {  	v10 =	vadd.f32 v44, v10;
	v44 =	vld [tilespmem:s26+$0x48F0]  }
0x1e7: {  	v11 =	vadd.f32 v45, v11;
	v45 =	vld [tilespmem:s26+$0x4900]  }
0x1e8: {  	v12 =	vadd.f32 v46, v12;
	v46 =	vld [tilespmem:$0x1FA90]  }
0x1e9: {  	v10 =	vadd.f32 v43, v10;
	v43 =	vld [tilespmem:s26+$0x14990]  }
0x1ea: {  	v11 =	vadd.f32 v55, v11;
	v55 =	vld [tilespmem:$0x1FB10]  }
0x1eb: {  	v12 =	vadd.f32 v58, v12;
	v58 =	vld [tilespmem:$0x1FB30]  }
0x1ec: {  	[tilespmem:s26+$0x4800] =	vst v10;
	v10 =	vadd.f32 v47, v13;
	v13 =	vld [tilespmem:s26+$0x4910]  }
0x1ed: {  	[tilespmem:s26+$0x4810] =	vst v11;
	v11 =	vld [tilespmem:s26+$0x4920]  }
0x1ee: {  	[tilespmem:s26+$0x4820] =	vst v12;
	v12 =	vadd.f32 v1, v16;
	v16 =	vld [tilespmem:s26+$0x4930]  }
0x1ef: {  	v47 =	vld [tilespmem:$0x1FAA0]  }
0x1f0: {  	v14 =	vadd.f32 v46, v14;
	v46 =	vld [tilespmem:$0x1FBB0]  }
0x1f1: {  	v12 =	vadd.f32 v50, v12;
	v50 =	vld [tilespmem:$0x1FAD0]  }
0x1f2: {  	v10 =	vadd.f32 v59, v10;
	v59 =	vld [tilespmem:$0x1FB40]  }
0x1f3: {  	[tilespmem:s26+$0x4840] =	vst v14;
	v14 =	vadd.f32 v27, v18;
	v18 =	vld [tilespmem:s26+$0x4950]  }
0x1f4: {  	v27 =	vld [tilespmem:s26+$0x149C0]  }
0x1f5: {  	[tilespmem:s26+$0x4830] =	vst v10;
	v10 =	vadd.f32 v3, v17;
	v17 =	vadd.f32 v5, v19;
	v19 =	vld [tilespmem:s26+$0x4960]  }
0x1f6: {  	v5 =	vld [tilespmem:$0x1FB70]  }
0x1f7: {  	v12 =	vadd.f32 v48, v12;
	v48 =	vld [tilespmem:$0x1FBD0]  }
0x1f8: {  	v14 =	vadd.f32 v52, v14;
	v52 =	vld [tilespmem:$0x1FAF0]  }
0x1f9: {  	v13 =	vadd.f32 v38, v13;
	v38 =	vld [tilespmem:$0x1FB90]  }
0x1fa: {  	v15 =	vadd.f32 v47, v15;
	v47 =	vld [tilespmem:$0x1FBC0]  }
0x1fb: {  	v10 =	vadd.f32 v51, v10;
	v51 =	vld [tilespmem:$0x1FAE0]  }
0x1fc: {  	[tilespmem:s26+$0x4860] =	vst v12;
	v12 =	vadd.f32 v6, v20;
	v20 =	vld [tilespmem:s26+$0x4970]  }
0x1fd: {  	v17 =	vadd.f32 v53, v17;
	v53 =	vld [tilespmem:$0x1FB00]  }
0x1fe: {  	v6 =	vadd.f32 v36, v45;
	v36 =	vld [tilespmem:s26+$0x4990]  }
0x1ff: {  	v45 =	vld [tilespmem:s26+$0x49A0]  }
0x200: {  	[tilespmem:s26+$0x4850] =	vst v15;
	v15 =	vld [tilespmem:s26+$0x4940];
	v10 =	vadd.f32 v49, v10  }
0x201: {  	v14 =	vadd.f32 v50, v14;
	v50 =	vld [tilespmem:s26+$0x49B0]  }
0x202: {  	v12 =	vadd.f32 v56, v12;
	v49 =	vld [tilespmem:$0x1FBE0];
	[tilespmem:s26+$0x4870] =	vst v10;
	v10 =	vadd.f32 v7, v0  }
0x203: {  	v56 =	vadd.f32 v23, v4;
	[tilespmem:s26+$0x4880] =	vst v14;
	v14 =	vadd.f32 v32, v2;
	v32 =	vld [tilespmem:s26+$0x149D0]  }
0x204: {  	v17 =	vadd.f32 v51, v17;
	v10 =	vadd.f32 v57, v10;
	v57 =	vld [tilespmem:$0x1FB20]  }
0x205: {  	v11 =	vadd.f32 v37, v11;
	v12 =	vadd.f32 v52, v12;
	v7 =	vld [tilespmem:$0x1FB80]  }
0x206: {  	v0 =	vadd.f32 v59, v56;
	[tilespmem:s26+$0x4890] =	vst v17;
	v17 =	vadd.f32 v8, v60;
	v60 =	vld [tilespmem:$0x1FB50]  }
0x207: {  	v11 =	vadd.f32 v47, v11;
	v52 =	vld [tilespmem:$0x1FC00];
	v14 =	vadd.f32 v55, v14  }
0x208: {  	v51 =	vld [tilespmem:$0x1FBF0];
	v15 =	vadd.f32 v40, v15;
	v10 =	vadd.f32 v53, v10  }
0x209: {  	[tilespmem:s26+$0x48A0] =	vst v12;
	v12 =	vadd.f32 v57, v17;
	v17 =	vadd.f32 v24, v44;
	v44 =	vld [tilespmem:$0x1FBA0]  }
0x20a: {  	v56 =	vld [tilespmem:$0x1FC40];
	v22 =	vadd.f32 v22, v50;
	v14 =	vadd.f32 v58, v14  }
0x20b: {  	v59 =	vld [tilespmem:$0x1FC70];
	[tilespmem:s26+$0x48B0] =	vst v10;
	v10 =	vadd.f32 v60, v12;
	v12 =	vadd.f32 v62, v17  }
0x20c: {  	v55 =	vld [tilespmem:$0x1FC30];
	[tilespmem:s26+$0x48C0] =	vst v14;
	v14 =	vadd.f32 v38, v6;
	v17 =	vadd.f32 v5, v0  }
0x20d: {  	v58 =	vld [tilespmem:$0x1FC60];
	v11 =	vadd.f32 v51, v11;
	v12 =	vadd.f32 v7, v12;
	[tilespmem:s26+$0x48D0] =	vst v10  }
0x20e: {  	v53 =	vld [tilespmem:$0x1FC10];
	[tilespmem:s26+$0x48E0] =	vst v17;
	v17 =	vadd.f32 v41, v19;
	v10 =	vadd.f32 v44, v13  }
0x20f: {  	v13 =	vadd.f32 v39, v16;
	[tilespmem:s26+$0x48F0] =	vst v12;
	v12 =	vadd.f32 v54, v18;
	v54 =	vld [tilespmem:$0x1FC20]  }
0x210: {  	v57 =	vld [tilespmem:$0x1FC50];
	v16 =	vadd.f32 v46, v14;
	v18 =	vadd.f32 v42, v20  }
0x211: {  	v60 =	vld [tilespmem:$0x1FC80];
	v17 =	vadd.f32 v56, v17;
	v10 =	vadd.f32 v48, v10  }
0x212: {  	v62 =	vld [tilespmem:$0x1FC90];
	v20 =	vadd.f32 v21, v45;
	v13 =	vadd.f32 v49, v13  }
0x213: {  	[tilespmem:s26+$0x4910] =	vst v10;
	v10 =	vadd.f32 v58, v18;
	v18 =	vadd.f32 v61, v63;
	v63 =	vld [tilespmem:$0x1FCA0]  }
0x214: {  	[tilespmem:s26+$0x4920] =	vst v11;
	v11 =	vld [tilespmem:s26+$0x49D0];
	v17 =	vadd.f32 v59, v17;
	v12 =	vadd.f32 v54, v12  }
0x215: {  	v14 =	vld [tilespmem:s26+$0x149E0];
	v4 =	vadd.f32 v52, v13;
	v13 =	vadd.f32 v53, v15  }
0x216: {  	[tilespmem:s26+$0x4900] =	vst v16;
	v61 =	vadd.f32 v43, v36;
	v16 =	vadd.f32 v57, v12;
	v12 =	vld [tilespmem:s26+$0x49C0]  }
0x217: {  	v15 =	vld [tilespmem:s26+$0x149F0];
	v13 =	vadd.f32 v55, v13;
	v19 =	vadd.f32 v62, v18  }
0x218: {  	s29 =	simm.s32 $0x800;
	v10 =	vadd.f32 v60, v10;
	[tilespmem:s26+$0x4930] =	vst v4;
	v18 =	vld [tilespmem:s26+$0x49E0];
	v21 =	vadd.f32 v63, v61  }
.LBB2_4:
0x219: {  	[tilespmem:s26+$0x4940] =	vst v13;
	v5 =	vadd.f32 v31, v19;
	v9 =	vadd.f32 v9, v20;
	v13 =	vld [tilespmem:s26+$0x49F0]  }
0x21a: {  	[tilespmem:s26+$0x4950] =	vst v16;
	v4 =	vadd.f32 v30, v21;
	v16 =	vld [tilespmem:s26+$0x189E0];
	v8 =	vadd.f32 v35, v22  }
0x21b: {  	[tilespmem:s26+$0x4960] =	vst v17;
	v3 =	vadd.f32 v29, v9;
	v9 =	vadd.f32 v27, v12;
	v12 =	vld [tilespmem:s26+$0x189F0]  }
0x21c: {  	[tilespmem:s26+$0x4970] =	vst v10;
	v10 =	vld [tilespmem:s26+$0x89E0];
	v2 =	vadd.f32 v28, v8;
	v8 =	vadd.f32 v32, v11  }
0x21d: {  	s30 =	sshra.s32 s29, $0x2;
	[tilespmem:s26+$0x4980] =	vst v5;
	v7 =	vadd.f32 v14, v18;
	v49 =	vadd.f32 v34, v9;
	v9 =	vld [tilespmem:s26+$0x89F0]  }
0x21e: {  	v36 =	vld [tilespmem:s30+$0x8800];
	[tilespmem:s26+$0x4990] =	vst v4;
	v6 =	vadd.f32 v15, v13;
	v50 =	vadd.f32 v33, v8  }
0x21f: {  	v37 =	vld [tilespmem:s30+$0x8810];
	[tilespmem:s26+$0x49A0] =	vst v3;
	v51 =	vadd.f32 v16, v7;
	v1 =	vadd.f32 v26, v49  }
0x220: {  	v38 =	vld [tilespmem:s30+$0x8820];
	[tilespmem:s26+$0x49B0] =	vst v2;
	v52 =	vadd.f32 v12, v6;
	v0 =	vadd.f32 v25, v50  }
0x221: {  	v53 =	vadd.f32 v10, v51;
	v39 =	vld [tilespmem:s30+$0x8830];
	[tilespmem:s26+$0x49C0] =	vst v1  }
0x222: {  	v10 =	vld [tilespmem:s30+$0x8840];
	v54 =	vadd.f32 v9, v52;
	[tilespmem:s26+$0x49D0] =	vst v0  }
0x223: {  	v11 =	vld [tilespmem:s30+$0x8850];
	[tilespmem:s26+$0x49E0] =	vst v53  }
0x224: {  	v32 =	vld [tilespmem:s30+$0x8860];
	[tilespmem:s26+$0x49F0] =	vst v54;
	s26 =	smov.u32 s30  }
0x225: {  	v12 =	vld [tilespmem:s26+$0x8870]  }
0x226: {  	v15 =	vld [tilespmem:s26+$0x8880]  }
0x227: {  	v18 =	vld [tilespmem:s26+$0x8890]  }
0x228: {  	v19 =	vld [tilespmem:s26+$0x88A0]  }
0x229: {  	v21 =	vld [tilespmem:s26+$0x88B0]  }
0x22a: {  	v0 =	vld [tilespmem:s26+$0x88C0]  }
0x22b: {  	v55 =	vld [tilespmem:s26+$0x88D0]  }
0x22c: {  	v56 =	vld [tilespmem:s26+$0x88E0]  }
0x22d: {  	v57 =	vld [tilespmem:s26+$0x88F0]  }
0x22e: {  	v58 =	vld [tilespmem:s26+$0x8900]  }
0x22f: {  	v59 =	vld [tilespmem:s26+$0x8910]  }
0x230: {  	v60 =	vld [tilespmem:s26+$0x8920]  }
0x231: {  	v61 =	vld [tilespmem:s26+$0x8930]  }
0x232: {  	v62 =	vld [tilespmem:s26+$0x8940]  }
0x233: {  	v63 =	vld [tilespmem:s26+$0x8950]  }
0x234: {  	v4 =	vld [tilespmem:s26+$0x8960]  }
0x235: {  	v5 =	vld [tilespmem:s26+$0x8970]  }
0x236: {  	v20 =	vld [tilespmem:s26+$0x8980]  }
0x237: {  	v16 =	vld [tilespmem:s26+$0x8990]  }
0x238: {  	v6 =	vld [tilespmem:s26+$0x89A0]  }
0x239: {  	v17 =	vld [tilespmem:s26+$0x89B0]  }
0x23a: {  	v7 =	vld [tilespmem:s26+$0x89C0]  }
0x23b: {  	v27 =	vld [tilespmem:s26+$0x89D0]  }
0x23c: {  	v54 =	vld [tilespmem:s26+$0x18850]  }
0x23d: {  	v53 =	vld [tilespmem:s26+$0x18860]  }
0x23e: {  	v52 =	vld [tilespmem:s26+$0x18870]  }
0x23f: {  	v51 =	vld [tilespmem:s26+$0x18880]  }
0x240: {  	v50 =	vld [tilespmem:s26+$0x18890]  }
0x241: {  	v49 =	vld [tilespmem:s26+$0x188A0]  }
0x242: {  	v48 =	vld [tilespmem:s26+$0x188B0]  }
0x243: {  	v47 =	vld [tilespmem:s26+$0x188C0]  }
0x244: {  	v46 =	vld [tilespmem:s26+$0x188D0]  }
0x245: {  	v45 =	vld [tilespmem:s26+$0x188E0]  }
0x246: {  	v44 =	vld [tilespmem:s26+$0x188F0]  }
0x247: {  	v43 =	vld [tilespmem:s26+$0x18900]  }
0x248: {  	v42 =	vld [tilespmem:s26+$0x18910]  }
0x249: {  	v41 =	vld [tilespmem:s26+$0x18920]  }
0x24a: {  	v40 =	vld [tilespmem:s26+$0x18930]  }
0x24b: {  	v22 =	vld [tilespmem:s26+$0x18940]  }
0x24c: {  	v33 =	vld [tilespmem:s26+$0x18950]  }
0x24d: {  	v34 =	vld [tilespmem:s26+$0x18960]  }
0x24e: {  	v35 =	vld [tilespmem:s26+$0x18970]  }
0x24f: {  	v13 =	vld [tilespmem:s26+$0x189A0]  }
0x250: {  	v14 =	vld [tilespmem:s26+$0x189C0]  }
0x251: {  	v9 =	vld [tilespmem:s26+$0x189D0]  }
0x252: {  	v1 =	vld [tilespmem:s26+$0x14850]  }
0x253: {  	v2 =	vld [tilespmem:s26+$0x14860]  }
0x254: {  	v3 =	vld [tilespmem:s26+$0x14870]  }
0x255: {  	v23 =	vld [tilespmem:s26+$0x148B0]  }
0x256: {  	v24 =	vld [tilespmem:s26+$0x148C0]  }
0x257: {  	v25 =	vld [tilespmem:s26+$0x148D0]  }
0x258: {  	v26 =	vld [tilespmem:s26+$0x148E0]  }
0x259: {  	v28 =	vld [tilespmem:s26+$0x148F0]  }
0x25a: {  	v29 =	vld [tilespmem:s26+$0x14900]  }
0x25b: {  	v30 =	vld [tilespmem:s26+$0x4800]  }
0x25c: {  	v8 =	vld [tilespmem:s26+$0x4810]  }
0x25d: {  	v31 =	vld [tilespmem:s26+$0x4820]  }
0x25e: {  	[tilespmem:$0x1F970] =	vst v55;
	v55 =	vld [tilespmem:s26+$0x18800]  }
0x25f: {  	[tilespmem:$0x1F980] =	vst v56;
	v56 =	vld [tilespmem:s26+$0x18810]  }
0x260: {  	[tilespmem:$0x1F9A0] =	vst v57;
	v57 =	vld [tilespmem:s26+$0x18820]  }
0x261: {  	[tilespmem:$0x1F9B0] =	vst v58;
	v58 =	vld [tilespmem:s26+$0x18830]  }
0x262: {  	[tilespmem:$0x1F9C0] =	vst v59;
	v59 =	vld [tilespmem:s26+$0x18840]  }
0x263: {  	[tilespmem:$0x1F9D0] =	vst v60;
	v60 =	vld [tilespmem:s26+$0x18980]  }
0x264: {  	[tilespmem:$0x1F9E0] =	vst v61;
	v61 =	vld [tilespmem:s26+$0x18990]  }
0x265: {  	[tilespmem:$0x1FA30] =	vst v35;
	v35 =	vld [tilespmem:s26+$0x189B0]  }
0x266: {  	[tilespmem:$0x1FA00] =	vst v62;
	v62 =	vld [tilespmem:s26+$0x14820]  }
0x267: {  	[tilespmem:$0x1FA20] =	vst v63;
	v63 =	vld [tilespmem:s26+$0x14830]  }
0x268: {  	[tilespmem:$0x1F960] =	vst v0;
	v0 =	vld [tilespmem:s26+$0x14840]  }
0x269: {  	[tilespmem:$0x1FA40] =	vst v4;
	v4 =	vld [tilespmem:s26+$0x14880]  }
0x26a: {  	[tilespmem:$0x1FA50] =	vst v5;
	v5 =	vld [tilespmem:s26+$0x14890]  }
0x26b: {  	[tilespmem:$0x1F990] =	vst v6;
	v6 =	vld [tilespmem:s26+$0x148A0]  }
0x26c: {  	[tilespmem:$0x1FA70] =	vst v7;
	v7 =	vld [tilespmem:s26+$0x14910]  }
0x26d: {  	[tilespmem:$0x1F9F0] =	vst v33;
	v33 =	vld [tilespmem:s26+$0x4830]  }
0x26e: {  	[tilespmem:$0x1FA10] =	vst v34;
	v34 =	vld [tilespmem:s26+$0x14920]  }
0x26f: {  	[tilespmem:$0x1FA60] =	vst v60;
	v60 =	vld [tilespmem:s26+$0x14800]  }
0x270: {  	[tilespmem:$0x1FA80] =	vst v61;
	v61 =	vld [tilespmem:s26+$0x14810]  }
0x271: {  	v31 =	vadd.f32 v62, v31;
	v62 =	vld [tilespmem:s26+$0x4850]  }
0x272: {  	v33 =	vadd.f32 v63, v33;
	v63 =	vld [tilespmem:s26+$0x4860]  }
0x273: {  	v31 =	vadd.f32 v57, v31;
	v57 =	vld [tilespmem:s26+$0x4870]  }
0x274: {  	v33 =	vadd.f32 v58, v33;
	v58 =	vld [tilespmem:s26+$0x48D0]  }
0x275: {  	v31 =	vadd.f32 v38, v31;
	v38 =	vld [tilespmem:s26+$0x14950]  }
0x276: {  	v30 =	vadd.f32 v60, v30;
	v60 =	vld [tilespmem:s26+$0x14930]  }
0x277: {  	v8 =	vadd.f32 v61, v8;
	v61 =	vld [tilespmem:s26+$0x4840]  }
0x278: {  	v1 =	vadd.f32 v1, v62;
	v62 =	vld [tilespmem:s26+$0x4880]  }
0x279: {  	v2 =	vadd.f32 v2, v63;
	v63 =	vld [tilespmem:s26+$0x4890]  }
0x27a: {  	v8 =	vadd.f32 v56, v8;
	v56 =	vld [tilespmem:s26+$0x48A0]  }
0x27b: {  	v33 =	vadd.f32 v39, v33;
	v3 =	vadd.f32 v3, v57;
	v57 =	vld [tilespmem:s26+$0x14970]  }
0x27c: {  	v2 =	vadd.f32 v53, v2;
	v53 =	vld [tilespmem:$0x1FA00]  }
0x27d: {  	v1 =	vadd.f32 v54, v1;
	v54 =	vld [tilespmem:$0x1FA10]  }
0x27e: {  	v30 =	vadd.f32 v55, v30;
	v55 =	vld [tilespmem:s26+$0x49B0]  }
0x27f: {  	[tilespmem:s26+$0x4830] =	vst v33;
	v33 =	vmov v9;
	v9 =	vmov v13;
	v13 =	vld [tilespmem:$0x1F970]  }
0x280: {  	v8 =	vadd.f32 v37, v8;
	v37 =	vld [tilespmem:s26+$0x14940]  }
0x281: {  	v1 =	vadd.f32 v11, v1;
	v11 =	vld [tilespmem:s26+$0x14960]  }
0x282: {  	v2 =	vadd.f32 v32, v2;
	v32 =	vld [tilespmem:s26+$0x149D0]  }
0x283: {  	v3 =	vadd.f32 v52, v3;
	v0 =	vadd.f32 v0, v61;
	v61 =	vld [tilespmem:$0x1F980]  }
0x284: {  	v4 =	vadd.f32 v4, v62;
	v62 =	vld [tilespmem:$0x1F9A0]  }
0x285: {  	v30 =	vadd.f32 v36, v30;
	v3 =	vadd.f32 v12, v3;
	v12 =	vld [tilespmem:s26+$0x48C0]  }
0x286: {  	v0 =	vadd.f32 v59, v0;
	v59 =	vld [tilespmem:s26+$0x14980]  }
0x287: {  	v4 =	vadd.f32 v51, v4;
	v51 =	vld [tilespmem:$0x1F9E0]  }
0x288: {  	v5 =	vadd.f32 v5, v63;
	v6 =	vadd.f32 v6, v56;
	v56 =	vld [tilespmem:$0x1FA20]  }
0x289: {  	[tilespmem:s26+$0x4800] =	vst v30;
	v30 =	vmov v16;
	v16 =	vld [tilespmem:$0x1F960]  }
0x28a: {  	v5 =	vadd.f32 v50, v5;
	v0 =	vadd.f32 v10, v0;
	v10 =	vld [tilespmem:s26+$0x48B0]  }
0x28b: {  	v4 =	vadd.f32 v15, v4;
	v15 =	vld [tilespmem:s26+$0x48F0]  }
0x28c: {  	v5 =	vadd.f32 v18, v5;
	v18 =	vld [tilespmem:s26+$0x14990]  }
0x28d: {  	v6 =	vadd.f32 v49, v6;
	v49 =	vld [tilespmem:$0x1F9D0]  }
0x28e: {  	v12 =	vadd.f32 v24, v12;
	v24 =	vld [tilespmem:s26+$0x4900]  }
0x28f: {  	v6 =	vadd.f32 v19, v6;
	v19 =	vadd.f32 v25, v58;
	v25 =	vld [tilespmem:s26+$0x4910]  }
0x290: {  	v58 =	vld [tilespmem:$0x1FA40]  }
0x291: {  	[tilespmem:s26+$0x4810] =	vst v8;
	v12 =	vadd.f32 v47, v12;
	v8 =	vadd.f32 v46, v19;
	v19 =	vld [tilespmem:s26+$0x4920]  }
0x292: {  	v10 =	vadd.f32 v23, v10;
	v23 =	vld [tilespmem:s26+$0x48E0]  }
0x293: {  	v47 =	vld [tilespmem:$0x1F9C0];
	v15 =	vadd.f32 v28, v15;
	v12 =	vadd.f32 v16, v12  }
0x294: {  	v8 =	vadd.f32 v13, v8;
	v7 =	vadd.f32 v7, v25;
	v25 =	vmov v27;
	v27 =	vld [tilespmem:s26+$0x149C0]  }
0x295: {  	v15 =	vadd.f32 v44, v15;
	[tilespmem:s26+$0x48C0] =	vst v12;
	v12 =	vld [tilespmem:s26+$0x4990]  }
0x296: {  	v10 =	vadd.f32 v48, v10;
	[tilespmem:s26+$0x48D0] =	vst v8;
	v8 =	vld [tilespmem:$0x1F9F0]  }
0x297: {  	[tilespmem:s26+$0x4850] =	vst v1;
	v1 =	vadd.f32 v62, v15;
	v15 =	vld [tilespmem:s26+$0x4940];
	v23 =	vadd.f32 v26, v23  }
0x298: {  	v19 =	vadd.f32 v34, v19;
	v34 =	vmov v14;
	v14 =	vld [tilespmem:s26+$0x149E0]  }
0x299: {  	v10 =	vadd.f32 v21, v10;
	v62 =	vld [tilespmem:$0x1FA60];
	v21 =	vadd.f32 v45, v23  }
0x29a: {  	[tilespmem:s26+$0x4840] =	vst v0;
	v26 =	vld [tilespmem:s26+$0x149A0]  }
0x29b: {  	[tilespmem:s26+$0x48B0] =	vst v10;
	v10 =	vld [tilespmem:s26+$0x4980];
	v0 =	vadd.f32 v61, v21;
	v21 =	vadd.f32 v29, v24  }
0x29c: {  	v23 =	vld [tilespmem:s26+$0x4930]  }
0x29d: {  	v46 =	vadd.f32 v41, v19;
	v63 =	vadd.f32 v43, v21;
	v21 =	vld [tilespmem:s26+$0x4950]  }
0x29e: {  	v45 =	vld [tilespmem:$0x1F9B0]  }
0x29f: {  	[tilespmem:s26+$0x4880] =	vst v4;
	v19 =	vld [tilespmem:s26+$0x4970];
	v4 =	vadd.f32 v49, v46  }
0x2a0: {  	v29 =	vld [tilespmem:$0x1F990];
	v50 =	vadd.f32 v37, v15;
	v61 =	vadd.f32 v18, v12  }
0x2a1: {  	[tilespmem:s26+$0x4820] =	vst v31;
	v43 =	vadd.f32 v42, v7;
	v44 =	vadd.f32 v60, v23;
	v23 =	vld [tilespmem:s26+$0x4960]  }
0x2a2: {  	[tilespmem:s26+$0x48A0] =	vst v6;
	v24 =	vld [tilespmem:s26+$0x149B0];
	v6 =	vadd.f32 v22, v50;
	v52 =	vadd.f32 v38, v21  }
0x2a3: {  	[tilespmem:s26+$0x4860] =	vst v2;
	v59 =	vadd.f32 v59, v10;
	v60 =	vld [tilespmem:$0x1FA50];
	v2 =	vadd.f32 v45, v63  }
0x2a4: {  	[tilespmem:s26+$0x4870] =	vst v3;
	v7 =	vadd.f32 v8, v52;
	v8 =	vadd.f32 v57, v19;
	v57 =	vld [tilespmem:$0x1FA30]  }
0x2a5: {  	[tilespmem:s26+$0x4890] =	vst v5;
	v3 =	vadd.f32 v47, v43;
	v48 =	vadd.f32 v40, v44;
	v21 =	vld [tilespmem:s26+$0x49A0]  }
0x2a6: {  	p0 =	sne.s32 s29, $0xF800;
	[tilespmem:s26+$0x48F0] =	vst v1;
	v13 =	vadd.f32 v53, v6;
	v63 =	vld [tilespmem:$0x1FA80];
	v11 =	vadd.f32 v11, v23  }
.Ltmp1:
0x2a7: {  	v15 =	vld [tilespmem:s26+$0x149F0];
	[tilespmem:s26+$0x4920] =	vst v4;
	v22 =	vadd.f32 v24, v55;
	v5 =	vadd.f32 v51, v48;
	(pc) =	sbr.rel @p0 .LBB2_4-.Ltmp1, $4  }
0x2a8: {  	v12 =	vld [tilespmem:s26+$0x49C0];
	[tilespmem:s26+$0x48E0] =	vst v0;
	v19 =	vadd.f32 v62, v59;
	v0 =	vadd.f32 v54, v11  }
0x2a9: {  	v18 =	vld [tilespmem:s26+$0x49E0];
	[tilespmem:s26+$0x4900] =	vst v2;
	v16 =	vadd.f32 v56, v7;
	v1 =	vadd.f32 v57, v8  }
0x2aa: {  	v31 =	vmovc v20;
	v28 =	vmov v17;
	[tilespmem:s26+$0x4910] =	vst v3;
	v11 =	vld [tilespmem:s26+$0x49D0];
	v17 =	vadd.f32 v58, v0;
	v20 =	vadd.f32 v26, v21  }
0x2ab: {  	s29 =	sadd.s32 $0x800, s29;
	[tilespmem:s26+$0x4930] =	vst v5;
	v26 =	vld [tilespmem:$0x1FA70];
	v21 =	vadd.f32 v63, v61;
	v10 =	vadd.f32 v60, v1  }
0x2ac: {  	[tilespmem:s26+$0x4940] =	vst v13;
	v0 =	vld [tilespmem:s26+$0x49F0];
	v2 =	vadd.f32 v31, v19;
	v3 =	vadd.f32 v9, v20  }
0x2ad: {  	[tilespmem:s26+$0x4950] =	vst v16;
	v1 =	vld [tilespmem:s26+$0x189E0];
	v6 =	vadd.f32 v35, v22;
	v5 =	vadd.f32 v30, v21  }
0x2ae: {  	[tilespmem:s26+$0x4960] =	vst v17;
	v4 =	vld [tilespmem:s26+$0x189F0];
	v7 =	vadd.f32 v27, v12;
	v3 =	vadd.f32 v29, v3  }
0x2af: {  	v8 =	vld [tilespmem:s26+$0x89E0];
	[tilespmem:s26+$0x4970] =	vst v10;
	v6 =	vadd.f32 v28, v6;
	v9 =	vadd.f32 v32, v11  }
0x2b0: {  	v10 =	vld [tilespmem:s26+$0x89F0];
	[tilespmem:s26+$0x4980] =	vst v2;
	v38 =	vadd.f32 v14, v18;
	v37 =	vadd.f32 v34, v7  }
0x2b1: {  	[tilespmem:s26+$0x4990] =	vst v5;
	v39 =	vadd.f32 v33, v9;
	v0 =	vadd.f32 v15, v0  }
0x2b2: {  	[tilespmem:s26+$0x49A0] =	vst v3;
	v2 =	vadd.f32 v26, v37;
	v1 =	vadd.f32 v1, v38  }
0x2b3: {  	[tilespmem:s26+$0x49B0] =	vst v6;
	v40 =	vadd.f32 v25, v39;
	v0 =	vadd.f32 v4, v0  }
0x2b4: {  	[tilespmem:s26+$0x49C0] =	vst v2;
	v1 =	vadd.f32 v8, v1  }
0x2b5: {  	[tilespmem:s26+$0x49D0] =	vst v40;
	v0 =	vadd.f32 v10, v0  }
0x2b6: {  	[tilespmem:s26+$0x49E0] =	vst v1  }
0x2b7: {  	s30 =	simm.s32 $0x0;
	[tilespmem:s26+$0x49F0] =	vst v0  }
0x2b8: {  	[hbm4b:s6+s30] =	stream.linear.scatter [tilespmem:s23], [sflag:$0x9], $0x4000, $0x38;
	[tilespmem:$0x1C800] =	vst v63  }
0x2b9: {  	_ =	swait.ge [sflag:s16], $0x4000  }
0x2ba: {  	[sflag:s16] =	ssyncset.done $0x0  }
0x2bb: {  	s30 =	simm.s32 $0x400;
	[sflag:s16] =	ssyncadd.s32 $0xFFFFC000  }
0x2bc: {  	[tilespmem:s12], [sflag:$0x1] =	stream.indirect.gather [hbm4b:s2+s11], $0x80, s30, s11, $0xb8;
	[tilespmem:$0x1C800] =	vst v63  }
0x2bd: {  	s30 =	simm.s32 $0x580  }
0x2be: {  	[tilespmem:s25], [sflag:$0x6] =	stream.indirect.gather [hbm4b:s2+s11], $0x80, s30, s11, $0xb8;
	[tilespmem:$0x1C800] =	vst v63  }
0x2bf: {  	s30 =	simm.s32 $0x680  }
0x2c0: {  	[tilespmem:s28], [sflag:$0x7] =	stream.indirect.gather [hbm4b:s2+s11], $0x80, s30, s11, $0xb8;
	[tilespmem:$0x1C800] =	vst v63  }
0x2c1: {  	_ =	swait.ge [sflag:s18], $0x4000  }
0x2c2: {  	[sflag:s18] =	ssyncset.done $0x0  }
0x2c3: {  	[sflag:s18] =	ssyncadd.s32 $0xFFFFC000  }
0x2c4: {  	_ =	swait.ge [sflag:s20], $0x4000  }
0x2c5: {  	[sflag:s20] =	ssyncset.done $0x0  }
0x2c6: {  	[sflag:s20] =	ssyncadd.s32 $0xFFFFC000  }
0x2c7: {  	_ =	swait.ge [sflag:s21], $0x4000  }
0x2c8: {  	[sflag:s21] =	ssyncset.done $0x0  }
0x2c9: {  	[sflag:s21] =	ssyncadd.s32 $0xFFFFC000  }
0x2ca: {  	_ =	swait.ge [sflag:s1], $0x4000  }
0x2cb: {  	[sflag:s1] =	ssyncset.done $0x0  }
0x2cc: {  	s26 =	simm.s32 $0x0;
	[sflag:s1] =	ssyncadd.s32 $0xFFFFC000  }
0x2cd: {  	v43 =	vld [tilespmem:s26+$0x14800]  }
0x2ce: {  	v55 =	vld [tilespmem:s26+$0x14810]  }
0x2cf: {  	v58 =	vld [tilespmem:s26+$0x14820]  }
0x2d0: {  	v59 =	vld [tilespmem:s26+$0x14830]  }
0x2d1: {  	v41 =	vld [tilespmem:s26+$0x14840]  }
0x2d2: {  	v42 =	vld [tilespmem:s26+$0x14850]  }
0x2d3: {  	v44 =	vld [tilespmem:s26+$0x14860]  }
0x2d4: {  	v45 =	vld [tilespmem:s26+$0x14870]  }
0x2d5: {  	v46 =	vld [tilespmem:s26+$0x14880]  }
0x2d6: {  	v47 =	vld [tilespmem:s26+$0x14890]  }
0x2d7: {  	v48 =	vld [tilespmem:s26+$0x148A0]  }
0x2d8: {  	v49 =	vld [tilespmem:s26+$0x148B0]  }
0x2d9: {  	v50 =	vld [tilespmem:s26+$0x148C0]  }
0x2da: {  	v51 =	vld [tilespmem:s26+$0x148D0]  }
0x2db: {  	v52 =	vld [tilespmem:s26+$0x148E0]  }
0x2dc: {  	v53 =	vld [tilespmem:s26+$0x148F0]  }
0x2dd: {  	v54 =	vld [tilespmem:s26+$0x14900]  }
0x2de: {  	v56 =	vld [tilespmem:s26+$0x14910]  }
0x2df: {  	v57 =	vld [tilespmem:s26+$0x14920]  }
0x2e0: {  	v60 =	vld [tilespmem:s26+$0x14930]  }
0x2e1: {  	v61 =	vld [tilespmem:s26+$0x14940]  }
0x2e2: {  	v62 =	vld [tilespmem:s26+$0x14950]  }
0x2e3: {  	v63 =	vld [tilespmem:s26+$0x14960]  }
0x2e4: {  	v4 =	vld [tilespmem:s26+$0x14970]  }
0x2e5: {  	v31 =	vld [tilespmem:s26+$0x14980]  }
0x2e6: {  	v30 =	vld [tilespmem:s26+$0x14990]  }
0x2e7: {  	v29 =	vld [tilespmem:s26+$0x149A0]  }
0x2e8: {  	v28 =	vld [tilespmem:s26+$0x149B0]  }
0x2e9: {  	v26 =	vld [tilespmem:s26+$0x149C0]  }
0x2ea: {  	v25 =	vld [tilespmem:s26+$0x149D0]  }
0x2eb: {  	v5 =	vld [tilespmem:s26+$0x108C0]  }
0x2ec: {  	v6 =	vld [tilespmem:s26+$0x108D0]  }
0x2ed: {  	v7 =	vld [tilespmem:s26+$0x108E0]  }
0x2ee: {  	v32 =	vld [tilespmem:s26+$0x108F0]  }
0x2ef: {  	v33 =	vld [tilespmem:s26+$0x10900]  }
0x2f0: {  	v34 =	vld [tilespmem:s26+$0x10910]  }
0x2f1: {  	v35 =	vld [tilespmem:s26+$0x10920]  }
0x2f2: {  	v36 =	vld [tilespmem:s26+$0x10930]  }
0x2f3: {  	v37 =	vld [tilespmem:s26+$0x10940]  }
0x2f4: {  	v38 =	vld [tilespmem:s26+$0x10950]  }
0x2f5: {  	v39 =	vld [tilespmem:s26+$0x10960]  }
0x2f6: {  	v40 =	vld [tilespmem:s26+$0x10970]  }
0x2f7: {  	v9 =	vld [tilespmem:s26+$0x109A0]  }
0x2f8: {  	v21 =	vld [tilespmem:s26+$0xC840]  }
0x2f9: {  	v22 =	vld [tilespmem:s26+$0xC850]  }
0x2fa: {  	v1 =	vld [tilespmem:s26+$0xC860]  }
0x2fb: {  	v3 =	vld [tilespmem:s26+$0xC870]  }
0x2fc: {  	v27 =	vld [tilespmem:s26+$0xC880]  }
0x2fd: {  	v8 =	vld [tilespmem:s26+$0xC8D0]  }
0x2fe: {  	v23 =	vld [tilespmem:s26+$0xC8E0]  }
0x2ff: {  	v24 =	vld [tilespmem:s26+$0xC8F0]  }
0x300: {  	v10 =	vld [tilespmem:s26+$0x800]  }
0x301: {  	v11 =	vld [tilespmem:s26+$0x810]  }
0x302: {  	v12 =	vld [tilespmem:s26+$0x820]  }
0x303: {  	v13 =	vld [tilespmem:s26+$0x830]  }
0x304: {  	v14 =	vld [tilespmem:s26+$0x840]  }
0x305: {  	v15 =	vld [tilespmem:s26+$0x850]  }
0x306: {  	v16 =	vld [tilespmem:s26+$0x860]  }
0x307: {  	v17 =	vld [tilespmem:s26+$0x870]  }
0x308: {  	v18 =	vld [tilespmem:s26+$0x880]  }
0x309: {  	v19 =	vld [tilespmem:s26+$0x890]  }
0x30a: {  	v20 =	vld [tilespmem:s26+$0x8A0]  }
0x30b: {  	v0 =	vld [tilespmem:s26+$0x8B0]  }
0x30c: {  	v2 =	vld [tilespmem:s26+$0x8C0]  }
0x30d: {  	[tilespmem:$0x1F760] =	vst v44;
	v44 =	vld [tilespmem:s26+$0x10800]  }
0x30e: {  	[tilespmem:$0x1F770] =	vst v45;
	v45 =	vld [tilespmem:s26+$0x10810]  }
0x30f: {  	[tilespmem:$0x1F780] =	vst v46;
	v46 =	vld [tilespmem:s26+$0x10820]  }
0x310: {  	[tilespmem:$0x1F790] =	vst v47;
	v47 =	vld [tilespmem:s26+$0x10830]  }
0x311: {  	[tilespmem:$0x1F7A0] =	vst v48;
	v48 =	vld [tilespmem:s26+$0x10840]  }
0x312: {  	[tilespmem:$0x1F7B0] =	vst v49;
	v49 =	vld [tilespmem:s26+$0x10850]  }
0x313: {  	[tilespmem:$0x1F7E0] =	vst v50;
	v50 =	vld [tilespmem:s26+$0x10860]  }
0x314: {  	[tilespmem:$0x1F800] =	vst v51;
	v51 =	vld [tilespmem:s26+$0x10870]  }
0x315: {  	[tilespmem:$0x1F820] =	vst v52;
	v52 =	vld [tilespmem:s26+$0x10880]  }
0x316: {  	[tilespmem:$0x1F830] =	vst v53;
	v53 =	vld [tilespmem:s26+$0x10890]  }
0x317: {  	[tilespmem:$0x1F880] =	vst v56;
	v56 =	vld [tilespmem:s26+$0x108A0]  }
0x318: {  	[tilespmem:$0x1F8A0] =	vst v57;
	v57 =	vld [tilespmem:s26+$0x108B0]  }
0x319: {  	[tilespmem:$0x1F740] =	vst v41;
	v41 =	vld [tilespmem:s26+$0x10980]  }
0x31a: {  	[tilespmem:$0x1F750] =	vst v42;
	v42 =	vld [tilespmem:s26+$0x10990]  }
0x31b: {  	[tilespmem:$0x1F870] =	vst v35;
	v35 =	vld [tilespmem:s26+$0x109B0]  }
0x31c: {  	[tilespmem:$0x1F850] =	vst v34;
	v34 =	vld [tilespmem:s26+$0x109C0]  }
0x31d: {  	[tilespmem:$0x1F840] =	vst v33;
	v33 =	vld [tilespmem:s26+$0x109D0]  }
0x31e: {  	[tilespmem:$0x1F8B0] =	vst v60;
	v60 =	vld [tilespmem:s26+$0xC800]  }
0x31f: {  	[tilespmem:$0x1F8E0] =	vst v61;
	v61 =	vld [tilespmem:s26+$0xC810]  }
0x320: {  	[tilespmem:$0x1F900] =	vst v62;
	v62 =	vld [tilespmem:s26+$0xC820]  }
0x321: {  	[tilespmem:$0x1F920] =	vst v63;
	v63 =	vld [tilespmem:s26+$0xC830]  }
0x322: {  	[tilespmem:$0x1F7C0] =	vst v5;
	v5 =	vld [tilespmem:s26+$0xC890]  }
0x323: {  	[tilespmem:$0x1F7D0] =	vst v6;
	v6 =	vld [tilespmem:s26+$0xC8A0]  }
0x324: {  	[tilespmem:$0x1F7F0] =	vst v7;
	v7 =	vld [tilespmem:s26+$0xC8B0]  }
0x325: {  	[tilespmem:$0x1F810] =	vst v32;
	v32 =	vld [tilespmem:s26+$0xC8C0]  }
0x326: {  	[tilespmem:$0x1F890] =	vst v36;
	v36 =	vld [tilespmem:s26+$0xC900]  }
0x327: {  	[tilespmem:$0x1F8D0] =	vst v38;
	v38 =	vld [tilespmem:s26+$0xC910]  }
0x328: {  	[tilespmem:$0x1F8C0] =	vst v37;
	v37 =	vld [tilespmem:s26+$0xC920]  }
0x329: {  	[tilespmem:$0x1F8F0] =	vst v39;
	v39 =	vld [tilespmem:s26+$0xC930]  }
0x32a: {  	[tilespmem:$0x1F910] =	vst v40;
	v40 =	vld [tilespmem:s26+$0xC940]  }
0x32b: {  	[tilespmem:$0x1F860] =	vst v54;
	v54 =	vld [tilespmem:s26+$0xC950]  }
0x32c: {  	[tilespmem:$0x1F930] =	vst v4;
	v4 =	vld [tilespmem:s26+$0x8E0]  }
0x32d: {  	v14 =	vadd.f32 v21, v14;
	v21 =	vld [tilespmem:s26+$0xC9A0]  }
0x32e: {  	v15 =	vadd.f32 v22, v15;
	v22 =	vld [tilespmem:s26+$0xC9B0]  }
0x32f: {  	[tilespmem:$0x1F940] =	vst v41;
	v41 =	vld [tilespmem:s26+$0xC960]  }
0x330: {  	[tilespmem:$0x1F950] =	vst v42;
	v42 =	vld [tilespmem:s26+$0xC970]  }
0x331: {  	v10 =	vadd.f32 v60, v10;
	v60 =	vld [tilespmem:s26+$0x8D0]  }
0x332: {  	v11 =	vadd.f32 v61, v11;
	v61 =	vld [tilespmem:s26+$0xC980]  }
0x333: {  	v14 =	vadd.f32 v48, v14;
	v48 =	vld [tilespmem:$0x1F760]  }
0x334: {  	v15 =	vadd.f32 v49, v15;
	v49 =	vld [tilespmem:$0x1F770]  }
0x335: {  	v12 =	vadd.f32 v62, v12;
	v62 =	vld [tilespmem:$0x1F810]  }
0x336: {  	v13 =	vadd.f32 v63, v13;
	v63 =	vld [tilespmem:s26+$0x980]  }
0x337: {  	v10 =	vadd.f32 v44, v10;
	v44 =	vld [tilespmem:s26+$0x8F0]  }
0x338: {  	v11 =	vadd.f32 v45, v11;
	v45 =	vld [tilespmem:s26+$0x900]  }
0x339: {  	v12 =	vadd.f32 v46, v12;
	v46 =	vld [tilespmem:$0x1F740]  }
0x33a: {  	v10 =	vadd.f32 v43, v10;
	v43 =	vld [tilespmem:s26+$0xC990]  }
0x33b: {  	v11 =	vadd.f32 v55, v11;
	v55 =	vld [tilespmem:$0x1F7C0]  }
0x33c: {  	v12 =	vadd.f32 v58, v12;
	v58 =	vld [tilespmem:$0x1F7E0]  }
0x33d: {  	[tilespmem:s26+$0x800] =	vst v10;
	v10 =	vadd.f32 v47, v13;
	v13 =	vld [tilespmem:s26+$0x910]  }
0x33e: {  	[tilespmem:s26+$0x810] =	vst v11;
	v11 =	vld [tilespmem:s26+$0x920]  }
0x33f: {  	[tilespmem:s26+$0x820] =	vst v12;
	v12 =	vadd.f32 v1, v16;
	v16 =	vld [tilespmem:s26+$0x930]  }
0x340: {  	v47 =	vld [tilespmem:$0x1F750]  }
0x341: {  	v14 =	vadd.f32 v46, v14;
	v46 =	vld [tilespmem:$0x1F860]  }
0x342: {  	v12 =	vadd.f32 v50, v12;
	v50 =	vld [tilespmem:$0x1F780]  }
0x343: {  	v10 =	vadd.f32 v59, v10;
	v59 =	vld [tilespmem:$0x1F7F0]  }
0x344: {  	[tilespmem:s26+$0x840] =	vst v14;
	v14 =	vadd.f32 v27, v18;
	v18 =	vld [tilespmem:s26+$0x950]  }
0x345: {  	v27 =	vld [tilespmem:s26+$0xC9C0]  }
0x346: {  	[tilespmem:s26+$0x830] =	vst v10;
	v10 =	vadd.f32 v3, v17;
	v17 =	vadd.f32 v5, v19;
	v19 =	vld [tilespmem:s26+$0x960]  }
0x347: {  	v5 =	vld [tilespmem:$0x1F820]  }
0x348: {  	v12 =	vadd.f32 v48, v12;
	v48 =	vld [tilespmem:$0x1F880]  }
0x349: {  	v14 =	vadd.f32 v52, v14;
	v52 =	vld [tilespmem:$0x1F7A0]  }
0x34a: {  	v13 =	vadd.f32 v38, v13;
	v38 =	vld [tilespmem:$0x1F840]  }
0x34b: {  	v15 =	vadd.f32 v47, v15;
	v47 =	vld [tilespmem:$0x1F870]  }
0x34c: {  	v10 =	vadd.f32 v51, v10;
	v51 =	vld [tilespmem:$0x1F790]  }
0x34d: {  	[tilespmem:s26+$0x860] =	vst v12;
	v12 =	vadd.f32 v6, v20;
	v20 =	vld [tilespmem:s26+$0x970]  }
0x34e: {  	v17 =	vadd.f32 v53, v17;
	v53 =	vld [tilespmem:$0x1F7B0]  }
0x34f: {  	v6 =	vadd.f32 v36, v45;
	v36 =	vld [tilespmem:s26+$0x990]  }
0x350: {  	v45 =	vld [tilespmem:s26+$0x9A0]  }
0x351: {  	[tilespmem:s26+$0x850] =	vst v15;
	v15 =	vld [tilespmem:s26+$0x940];
	v10 =	vadd.f32 v49, v10  }
0x352: {  	v14 =	vadd.f32 v50, v14;
	v50 =	vld [tilespmem:s26+$0x9B0]  }
0x353: {  	v12 =	vadd.f32 v56, v12;
	v49 =	vld [tilespmem:$0x1F890];
	[tilespmem:s26+$0x870] =	vst v10;
	v10 =	vadd.f32 v7, v0  }
0x354: {  	v56 =	vadd.f32 v23, v4;
	[tilespmem:s26+$0x880] =	vst v14;
	v14 =	vadd.f32 v32, v2;
	v32 =	vld [tilespmem:s26+$0xC9D0]  }
0x355: {  	v17 =	vadd.f32 v51, v17;
	v10 =	vadd.f32 v57, v10;
	v57 =	vld [tilespmem:$0x1F7D0]  }
0x356: {  	v11 =	vadd.f32 v37, v11;
	v12 =	vadd.f32 v52, v12;
	v7 =	vld [tilespmem:$0x1F830]  }
0x357: {  	v0 =	vadd.f32 v59, v56;
	[tilespmem:s26+$0x890] =	vst v17;
	v17 =	vadd.f32 v8, v60;
	v60 =	vld [tilespmem:$0x1F800]  }
0x358: {  	v11 =	vadd.f32 v47, v11;
	v52 =	vld [tilespmem:$0x1F8B0];
	v14 =	vadd.f32 v55, v14  }
0x359: {  	v51 =	vld [tilespmem:$0x1F8A0];
	v15 =	vadd.f32 v40, v15;
	v10 =	vadd.f32 v53, v10  }
0x35a: {  	[tilespmem:s26+$0x8A0] =	vst v12;
	v12 =	vadd.f32 v57, v17;
	v17 =	vadd.f32 v24, v44;
	v44 =	vld [tilespmem:$0x1F850]  }
0x35b: {  	v56 =	vld [tilespmem:$0x1F8F0];
	v22 =	vadd.f32 v22, v50;
	v14 =	vadd.f32 v58, v14  }
0x35c: {  	v59 =	vld [tilespmem:$0x1F920];
	[tilespmem:s26+$0x8B0] =	vst v10;
	v10 =	vadd.f32 v60, v12;
	v12 =	vadd.f32 v62, v17  }
0x35d: {  	v55 =	vld [tilespmem:$0x1F8E0];
	[tilespmem:s26+$0x8C0] =	vst v14;
	v14 =	vadd.f32 v38, v6;
	v17 =	vadd.f32 v5, v0  }
0x35e: {  	v58 =	vld [tilespmem:$0x1F910];
	v11 =	vadd.f32 v51, v11;
	v12 =	vadd.f32 v7, v12;
	[tilespmem:s26+$0x8D0] =	vst v10  }
0x35f: {  	v53 =	vld [tilespmem:$0x1F8C0];
	[tilespmem:s26+$0x8E0] =	vst v17;
	v17 =	vadd.f32 v41, v19;
	v10 =	vadd.f32 v44, v13  }
0x360: {  	v13 =	vadd.f32 v39, v16;
	[tilespmem:s26+$0x8F0] =	vst v12;
	v12 =	vadd.f32 v54, v18;
	v54 =	vld [tilespmem:$0x1F8D0]  }
0x361: {  	v57 =	vld [tilespmem:$0x1F900];
	v16 =	vadd.f32 v46, v14;
	v18 =	vadd.f32 v42, v20  }
0x362: {  	v60 =	vld [tilespmem:$0x1F930];
	v17 =	vadd.f32 v56, v17;
	v10 =	vadd.f32 v48, v10  }
0x363: {  	v62 =	vld [tilespmem:$0x1F940];
	v20 =	vadd.f32 v21, v45;
	v13 =	vadd.f32 v49, v13  }
0x364: {  	[tilespmem:s26+$0x910] =	vst v10;
	v10 =	vadd.f32 v58, v18;
	v18 =	vadd.f32 v61, v63;
	v63 =	vld [tilespmem:$0x1F950]  }
0x365: {  	[tilespmem:s26+$0x920] =	vst v11;
	v11 =	vld [tilespmem:s26+$0x9D0];
	v17 =	vadd.f32 v59, v17;
	v12 =	vadd.f32 v54, v12  }
0x366: {  	v14 =	vld [tilespmem:s26+$0xC9E0];
	v4 =	vadd.f32 v52, v13;
	v13 =	vadd.f32 v53, v15  }
0x367: {  	[tilespmem:s26+$0x900] =	vst v16;
	v61 =	vadd.f32 v43, v36;
	v16 =	vadd.f32 v57, v12;
	v12 =	vld [tilespmem:s26+$0x9C0]  }
0x368: {  	v15 =	vld [tilespmem:s26+$0xC9F0];
	v13 =	vadd.f32 v55, v13;
	v19 =	vadd.f32 v62, v18  }
0x369: {  	s29 =	simm.s32 $0x800;
	v10 =	vadd.f32 v60, v10;
	[tilespmem:s26+$0x930] =	vst v4;
	v18 =	vld [tilespmem:s26+$0x9E0];
	v21 =	vadd.f32 v63, v61  }
.LBB2_6:
0x36a: {  	[tilespmem:s26+$0x940] =	vst v13;
	v5 =	vadd.f32 v31, v19;
	v9 =	vadd.f32 v9, v20;
	v13 =	vld [tilespmem:s26+$0x9F0]  }
0x36b: {  	[tilespmem:s26+$0x950] =	vst v16;
	v4 =	vadd.f32 v30, v21;
	v16 =	vld [tilespmem:s26+$0x109E0];
	v8 =	vadd.f32 v35, v22  }
0x36c: {  	[tilespmem:s26+$0x960] =	vst v17;
	v3 =	vadd.f32 v29, v9;
	v9 =	vadd.f32 v27, v12;
	v12 =	vld [tilespmem:s26+$0x109F0]  }
0x36d: {  	[tilespmem:s26+$0x970] =	vst v10;
	v10 =	vld [tilespmem:s26+$0x149E0];
	v2 =	vadd.f32 v28, v8;
	v8 =	vadd.f32 v32, v11  }
0x36e: {  	s30 =	sshra.s32 s29, $0x2;
	[tilespmem:s26+$0x980] =	vst v5;
	v7 =	vadd.f32 v14, v18;
	v49 =	vadd.f32 v34, v9;
	v9 =	vld [tilespmem:s26+$0x149F0]  }
0x36f: {  	v36 =	vld [tilespmem:s30+$0x14800];
	[tilespmem:s26+$0x990] =	vst v4;
	v6 =	vadd.f32 v15, v13;
	v50 =	vadd.f32 v33, v8  }
0x370: {  	v37 =	vld [tilespmem:s30+$0x14810];
	[tilespmem:s26+$0x9A0] =	vst v3;
	v51 =	vadd.f32 v16, v7;
	v1 =	vadd.f32 v26, v49  }
0x371: {  	v38 =	vld [tilespmem:s30+$0x14820];
	[tilespmem:s26+$0x9B0] =	vst v2;
	v52 =	vadd.f32 v12, v6;
	v0 =	vadd.f32 v25, v50  }
0x372: {  	v53 =	vadd.f32 v10, v51;
	v39 =	vld [tilespmem:s30+$0x14830];
	[tilespmem:s26+$0x9C0] =	vst v1  }
0x373: {  	v10 =	vld [tilespmem:s30+$0x14840];
	v54 =	vadd.f32 v9, v52;
	[tilespmem:s26+$0x9D0] =	vst v0  }
0x374: {  	v11 =	vld [tilespmem:s30+$0x14850];
	[tilespmem:s26+$0x9E0] =	vst v53  }
0x375: {  	v32 =	vld [tilespmem:s30+$0x14860];
	[tilespmem:s26+$0x9F0] =	vst v54;
	s26 =	smov.u32 s30  }
0x376: {  	v12 =	vld [tilespmem:s26+$0x14870]  }
0x377: {  	v15 =	vld [tilespmem:s26+$0x14880]  }
0x378: {  	v18 =	vld [tilespmem:s26+$0x14890]  }
0x379: {  	v19 =	vld [tilespmem:s26+$0x148A0]  }
0x37a: {  	v21 =	vld [tilespmem:s26+$0x148B0]  }
0x37b: {  	v0 =	vld [tilespmem:s26+$0x148C0]  }
0x37c: {  	v55 =	vld [tilespmem:s26+$0x148D0]  }
0x37d: {  	v56 =	vld [tilespmem:s26+$0x148E0]  }
0x37e: {  	v57 =	vld [tilespmem:s26+$0x148F0]  }
0x37f: {  	v58 =	vld [tilespmem:s26+$0x14900]  }
0x380: {  	v59 =	vld [tilespmem:s26+$0x14910]  }
0x381: {  	v60 =	vld [tilespmem:s26+$0x14920]  }
0x382: {  	v61 =	vld [tilespmem:s26+$0x14930]  }
0x383: {  	v62 =	vld [tilespmem:s26+$0x14940]  }
0x384: {  	v63 =	vld [tilespmem:s26+$0x14950]  }
0x385: {  	v4 =	vld [tilespmem:s26+$0x14960]  }
0x386: {  	v5 =	vld [tilespmem:s26+$0x14970]  }
0x387: {  	v20 =	vld [tilespmem:s26+$0x14980]  }
0x388: {  	v16 =	vld [tilespmem:s26+$0x14990]  }
0x389: {  	v6 =	vld [tilespmem:s26+$0x149A0]  }
0x38a: {  	v17 =	vld [tilespmem:s26+$0x149B0]  }
0x38b: {  	v7 =	vld [tilespmem:s26+$0x149C0]  }
0x38c: {  	v27 =	vld [tilespmem:s26+$0x149D0]  }
0x38d: {  	v54 =	vld [tilespmem:s26+$0x10850]  }
0x38e: {  	v53 =	vld [tilespmem:s26+$0x10860]  }
0x38f: {  	v52 =	vld [tilespmem:s26+$0x10870]  }
0x390: {  	v51 =	vld [tilespmem:s26+$0x10880]  }
0x391: {  	v50 =	vld [tilespmem:s26+$0x10890]  }
0x392: {  	v49 =	vld [tilespmem:s26+$0x108A0]  }
0x393: {  	v48 =	vld [tilespmem:s26+$0x108B0]  }
0x394: {  	v47 =	vld [tilespmem:s26+$0x108C0]  }
0x395: {  	v46 =	vld [tilespmem:s26+$0x108D0]  }
0x396: {  	v45 =	vld [tilespmem:s26+$0x108E0]  }
0x397: {  	v44 =	vld [tilespmem:s26+$0x108F0]  }
0x398: {  	v43 =	vld [tilespmem:s26+$0x10900]  }
0x399: {  	v42 =	vld [tilespmem:s26+$0x10910]  }
0x39a: {  	v41 =	vld [tilespmem:s26+$0x10920]  }
0x39b: {  	v40 =	vld [tilespmem:s26+$0x10930]  }
0x39c: {  	v22 =	vld [tilespmem:s26+$0x10940]  }
0x39d: {  	v33 =	vld [tilespmem:s26+$0x10950]  }
0x39e: {  	v34 =	vld [tilespmem:s26+$0x10960]  }
0x39f: {  	v35 =	vld [tilespmem:s26+$0x10970]  }
0x3a0: {  	v13 =	vld [tilespmem:s26+$0x109A0]  }
0x3a1: {  	v14 =	vld [tilespmem:s26+$0x109C0]  }
0x3a2: {  	v9 =	vld [tilespmem:s26+$0x109D0]  }
0x3a3: {  	v1 =	vld [tilespmem:s26+$0xC850]  }
0x3a4: {  	v2 =	vld [tilespmem:s26+$0xC860]  }
0x3a5: {  	v3 =	vld [tilespmem:s26+$0xC870]  }
0x3a6: {  	v23 =	vld [tilespmem:s26+$0xC8B0]  }
0x3a7: {  	v24 =	vld [tilespmem:s26+$0xC8C0]  }
0x3a8: {  	v25 =	vld [tilespmem:s26+$0xC8D0]  }
0x3a9: {  	v26 =	vld [tilespmem:s26+$0xC8E0]  }
0x3aa: {  	v28 =	vld [tilespmem:s26+$0xC8F0]  }
0x3ab: {  	v29 =	vld [tilespmem:s26+$0xC900]  }
0x3ac: {  	v30 =	vld [tilespmem:s26+$0x800]  }
0x3ad: {  	v8 =	vld [tilespmem:s26+$0x810]  }
0x3ae: {  	v31 =	vld [tilespmem:s26+$0x820]  }
0x3af: {  	[tilespmem:$0x1F620] =	vst v55;
	v55 =	vld [tilespmem:s26+$0x10800]  }
0x3b0: {  	[tilespmem:$0x1F630] =	vst v56;
	v56 =	vld [tilespmem:s26+$0x10810]  }
0x3b1: {  	[tilespmem:$0x1F650] =	vst v57;
	v57 =	vld [tilespmem:s26+$0x10820]  }
0x3b2: {  	[tilespmem:$0x1F660] =	vst v58;
	v58 =	vld [tilespmem:s26+$0x10830]  }
0x3b3: {  	[tilespmem:$0x1F670] =	vst v59;
	v59 =	vld [tilespmem:s26+$0x10840]  }
0x3b4: {  	[tilespmem:$0x1F680] =	vst v60;
	v60 =	vld [tilespmem:s26+$0x10980]  }
0x3b5: {  	[tilespmem:$0x1F690] =	vst v61;
	v61 =	vld [tilespmem:s26+$0x10990]  }
0x3b6: {  	[tilespmem:$0x1F6E0] =	vst v35;
	v35 =	vld [tilespmem:s26+$0x109B0]  }
0x3b7: {  	[tilespmem:$0x1F6B0] =	vst v62;
	v62 =	vld [tilespmem:s26+$0xC820]  }
0x3b8: {  	[tilespmem:$0x1F6D0] =	vst v63;
	v63 =	vld [tilespmem:s26+$0xC830]  }
0x3b9: {  	[tilespmem:$0x1F610] =	vst v0;
	v0 =	vld [tilespmem:s26+$0xC840]  }
0x3ba: {  	[tilespmem:$0x1F6F0] =	vst v4;
	v4 =	vld [tilespmem:s26+$0xC880]  }
0x3bb: {  	[tilespmem:$0x1F700] =	vst v5;
	v5 =	vld [tilespmem:s26+$0xC890]  }
0x3bc: {  	[tilespmem:$0x1F640] =	vst v6;
	v6 =	vld [tilespmem:s26+$0xC8A0]  }
0x3bd: {  	[tilespmem:$0x1F720] =	vst v7;
	v7 =	vld [tilespmem:s26+$0xC910]  }
0x3be: {  	[tilespmem:$0x1F6A0] =	vst v33;
	v33 =	vld [tilespmem:s26+$0x830]  }
0x3bf: {  	[tilespmem:$0x1F6C0] =	vst v34;
	v34 =	vld [tilespmem:s26+$0xC920]  }
0x3c0: {  	[tilespmem:$0x1F710] =	vst v60;
	v60 =	vld [tilespmem:s26+$0xC800]  }
0x3c1: {  	[tilespmem:$0x1F730] =	vst v61;
	v61 =	vld [tilespmem:s26+$0xC810]  }
0x3c2: {  	v31 =	vadd.f32 v62, v31;
	v62 =	vld [tilespmem:s26+$0x850]  }
0x3c3: {  	v33 =	vadd.f32 v63, v33;
	v63 =	vld [tilespmem:s26+$0x860]  }
0x3c4: {  	v31 =	vadd.f32 v57, v31;
	v57 =	vld [tilespmem:s26+$0x870]  }
0x3c5: {  	v33 =	vadd.f32 v58, v33;
	v58 =	vld [tilespmem:s26+$0x8D0]  }
0x3c6: {  	v31 =	vadd.f32 v38, v31;
	v38 =	vld [tilespmem:s26+$0xC950]  }
0x3c7: {  	v30 =	vadd.f32 v60, v30;
	v60 =	vld [tilespmem:s26+$0xC930]  }
0x3c8: {  	v8 =	vadd.f32 v61, v8;
	v61 =	vld [tilespmem:s26+$0x840]  }
0x3c9: {  	v1 =	vadd.f32 v1, v62;
	v62 =	vld [tilespmem:s26+$0x880]  }
0x3ca: {  	v2 =	vadd.f32 v2, v63;
	v63 =	vld [tilespmem:s26+$0x890]  }
0x3cb: {  	v8 =	vadd.f32 v56, v8;
	v56 =	vld [tilespmem:s26+$0x8A0]  }
0x3cc: {  	v33 =	vadd.f32 v39, v33;
	v3 =	vadd.f32 v3, v57;
	v57 =	vld [tilespmem:s26+$0xC970]  }
0x3cd: {  	v2 =	vadd.f32 v53, v2;
	v53 =	vld [tilespmem:$0x1F6B0]  }
0x3ce: {  	v1 =	vadd.f32 v54, v1;
	v54 =	vld [tilespmem:$0x1F6C0]  }
0x3cf: {  	v30 =	vadd.f32 v55, v30;
	v55 =	vld [tilespmem:s26+$0x9B0]  }
0x3d0: {  	[tilespmem:s26+$0x830] =	vst v33;
	v33 =	vmov v9;
	v9 =	vmov v13;
	v13 =	vld [tilespmem:$0x1F620]  }
0x3d1: {  	v8 =	vadd.f32 v37, v8;
	v37 =	vld [tilespmem:s26+$0xC940]  }
0x3d2: {  	v1 =	vadd.f32 v11, v1;
	v11 =	vld [tilespmem:s26+$0xC960]  }
0x3d3: {  	v2 =	vadd.f32 v32, v2;
	v32 =	vld [tilespmem:s26+$0xC9D0]  }
0x3d4: {  	v3 =	vadd.f32 v52, v3;
	v0 =	vadd.f32 v0, v61;
	v61 =	vld [tilespmem:$0x1F630]  }
0x3d5: {  	v4 =	vadd.f32 v4, v62;
	v62 =	vld [tilespmem:$0x1F650]  }
0x3d6: {  	v30 =	vadd.f32 v36, v30;
	v3 =	vadd.f32 v12, v3;
	v12 =	vld [tilespmem:s26+$0x8C0]  }
0x3d7: {  	v0 =	vadd.f32 v59, v0;
	v59 =	vld [tilespmem:s26+$0xC980]  }
0x3d8: {  	v4 =	vadd.f32 v51, v4;
	v51 =	vld [tilespmem:$0x1F690]  }
0x3d9: {  	v5 =	vadd.f32 v5, v63;
	v6 =	vadd.f32 v6, v56;
	v56 =	vld [tilespmem:$0x1F6D0]  }
0x3da: {  	[tilespmem:s26+$0x800] =	vst v30;
	v30 =	vmov v16;
	v16 =	vld [tilespmem:$0x1F610]  }
0x3db: {  	v5 =	vadd.f32 v50, v5;
	v0 =	vadd.f32 v10, v0;
	v10 =	vld [tilespmem:s26+$0x8B0]  }
0x3dc: {  	v4 =	vadd.f32 v15, v4;
	v15 =	vld [tilespmem:s26+$0x8F0]  }
0x3dd: {  	v5 =	vadd.f32 v18, v5;
	v18 =	vld [tilespmem:s26+$0xC990]  }
0x3de: {  	v6 =	vadd.f32 v49, v6;
	v49 =	vld [tilespmem:$0x1F680]  }
0x3df: {  	v12 =	vadd.f32 v24, v12;
	v24 =	vld [tilespmem:s26+$0x900]  }
0x3e0: {  	v6 =	vadd.f32 v19, v6;
	v19 =	vadd.f32 v25, v58;
	v25 =	vld [tilespmem:s26+$0x910]  }
0x3e1: {  	v58 =	vld [tilespmem:$0x1F6F0]  }
0x3e2: {  	[tilespmem:s26+$0x810] =	vst v8;
	v12 =	vadd.f32 v47, v12;
	v8 =	vadd.f32 v46, v19;
	v19 =	vld [tilespmem:s26+$0x920]  }
0x3e3: {  	v10 =	vadd.f32 v23, v10;
	v23 =	vld [tilespmem:s26+$0x8E0]  }
0x3e4: {  	v47 =	vld [tilespmem:$0x1F670];
	v15 =	vadd.f32 v28, v15;
	v12 =	vadd.f32 v16, v12  }
0x3e5: {  	v8 =	vadd.f32 v13, v8;
	v7 =	vadd.f32 v7, v25;
	v25 =	vmov v27;
	v27 =	vld [tilespmem:s26+$0xC9C0]  }
0x3e6: {  	v15 =	vadd.f32 v44, v15;
	[tilespmem:s26+$0x8C0] =	vst v12;
	v12 =	vld [tilespmem:s26+$0x990]  }
0x3e7: {  	v10 =	vadd.f32 v48, v10;
	[tilespmem:s26+$0x8D0] =	vst v8;
	v8 =	vld [tilespmem:$0x1F6A0]  }
0x3e8: {  	[tilespmem:s26+$0x850] =	vst v1;
	v1 =	vadd.f32 v62, v15;
	v15 =	vld [tilespmem:s26+$0x940];
	v23 =	vadd.f32 v26, v23  }
0x3e9: {  	v19 =	vadd.f32 v34, v19;
	v34 =	vmov v14;
	v14 =	vld [tilespmem:s26+$0xC9E0]  }
0x3ea: {  	v10 =	vadd.f32 v21, v10;
	v62 =	vld [tilespmem:$0x1F710];
	v21 =	vadd.f32 v45, v23  }
0x3eb: {  	[tilespmem:s26+$0x840] =	vst v0;
	v26 =	vld [tilespmem:s26+$0xC9A0]  }
0x3ec: {  	[tilespmem:s26+$0x8B0] =	vst v10;
	v10 =	vld [tilespmem:s26+$0x980];
	v0 =	vadd.f32 v61, v21;
	v21 =	vadd.f32 v29, v24  }
0x3ed: {  	v23 =	vld [tilespmem:s26+$0x930]  }
0x3ee: {  	v46 =	vadd.f32 v41, v19;
	v63 =	vadd.f32 v43, v21;
	v21 =	vld [tilespmem:s26+$0x950]  }
0x3ef: {  	v45 =	vld [tilespmem:$0x1F660]  }
0x3f0: {  	[tilespmem:s26+$0x880] =	vst v4;
	v19 =	vld [tilespmem:s26+$0x970];
	v4 =	vadd.f32 v49, v46  }
0x3f1: {  	v29 =	vld [tilespmem:$0x1F640];
	v50 =	vadd.f32 v37, v15;
	v61 =	vadd.f32 v18, v12  }
0x3f2: {  	[tilespmem:s26+$0x820] =	vst v31;
	v43 =	vadd.f32 v42, v7;
	v44 =	vadd.f32 v60, v23;
	v23 =	vld [tilespmem:s26+$0x960]  }
0x3f3: {  	[tilespmem:s26+$0x8A0] =	vst v6;
	v24 =	vld [tilespmem:s26+$0xC9B0];
	v6 =	vadd.f32 v22, v50;
	v52 =	vadd.f32 v38, v21  }
0x3f4: {  	[tilespmem:s26+$0x860] =	vst v2;
	v59 =	vadd.f32 v59, v10;
	v60 =	vld [tilespmem:$0x1F700];
	v2 =	vadd.f32 v45, v63  }
0x3f5: {  	[tilespmem:s26+$0x870] =	vst v3;
	v7 =	vadd.f32 v8, v52;
	v8 =	vadd.f32 v57, v19;
	v57 =	vld [tilespmem:$0x1F6E0]  }
0x3f6: {  	[tilespmem:s26+$0x890] =	vst v5;
	v3 =	vadd.f32 v47, v43;
	v48 =	vadd.f32 v40, v44;
	v21 =	vld [tilespmem:s26+$0x9A0]  }
0x3f7: {  	p0 =	sne.s32 s29, $0xF800;
	[tilespmem:s26+$0x8F0] =	vst v1;
	v13 =	vadd.f32 v53, v6;
	v63 =	vld [tilespmem:$0x1F730];
	v11 =	vadd.f32 v11, v23  }
.Ltmp2:
0x3f8: {  	v15 =	vld [tilespmem:s26+$0xC9F0];
	[tilespmem:s26+$0x920] =	vst v4;
	v22 =	vadd.f32 v24, v55;
	v5 =	vadd.f32 v51, v48;
	(pc) =	sbr.rel @p0 .LBB2_6-.Ltmp2, $4  }
0x3f9: {  	v12 =	vld [tilespmem:s26+$0x9C0];
	[tilespmem:s26+$0x8E0] =	vst v0;
	v19 =	vadd.f32 v62, v59;
	v0 =	vadd.f32 v54, v11  }
0x3fa: {  	v18 =	vld [tilespmem:s26+$0x9E0];
	[tilespmem:s26+$0x900] =	vst v2;
	v16 =	vadd.f32 v56, v7;
	v1 =	vadd.f32 v57, v8  }
0x3fb: {  	v31 =	vmovc v20;
	v28 =	vmov v17;
	[tilespmem:s26+$0x910] =	vst v3;
	v11 =	vld [tilespmem:s26+$0x9D0];
	v17 =	vadd.f32 v58, v0;
	v20 =	vadd.f32 v26, v21  }
0x3fc: {  	s29 =	sadd.s32 $0x800, s29;
	[tilespmem:s26+$0x930] =	vst v5;
	v26 =	vld [tilespmem:$0x1F720];
	v21 =	vadd.f32 v63, v61;
	v10 =	vadd.f32 v60, v1  }
0x3fd: {  	[tilespmem:s26+$0x940] =	vst v13;
	v0 =	vld [tilespmem:s26+$0x9F0];
	v2 =	vadd.f32 v31, v19;
	v3 =	vadd.f32 v9, v20  }
0x3fe: {  	[tilespmem:s26+$0x950] =	vst v16;
	v1 =	vld [tilespmem:s26+$0x109E0];
	v6 =	vadd.f32 v35, v22;
	v5 =	vadd.f32 v30, v21  }
0x3ff: {  	[tilespmem:s26+$0x960] =	vst v17;
	v4 =	vld [tilespmem:s26+$0x109F0];
	v7 =	vadd.f32 v27, v12;
	v3 =	vadd.f32 v29, v3  }
0x400: {  	v8 =	vld [tilespmem:s26+$0x149E0];
	[tilespmem:s26+$0x970] =	vst v10;
	v6 =	vadd.f32 v28, v6;
	v9 =	vadd.f32 v32, v11  }
0x401: {  	v10 =	vld [tilespmem:s26+$0x149F0];
	[tilespmem:s26+$0x980] =	vst v2;
	v38 =	vadd.f32 v14, v18;
	v37 =	vadd.f32 v34, v7  }
0x402: {  	[tilespmem:s26+$0x990] =	vst v5;
	v39 =	vadd.f32 v33, v9;
	v0 =	vadd.f32 v15, v0  }
0x403: {  	[tilespmem:s26+$0x9A0] =	vst v3;
	v2 =	vadd.f32 v26, v37;
	v1 =	vadd.f32 v1, v38  }
0x404: {  	[tilespmem:s26+$0x9B0] =	vst v6;
	v40 =	vadd.f32 v25, v39;
	v0 =	vadd.f32 v4, v0  }
0x405: {  	[tilespmem:s26+$0x9C0] =	vst v2;
	v1 =	vadd.f32 v8, v1  }
0x406: {  	[tilespmem:s26+$0x9D0] =	vst v40;
	v0 =	vadd.f32 v10, v0  }
0x407: {  	[tilespmem:s26+$0x9E0] =	vst v1  }
0x408: {  	s30 =	simm.s32 $0x0;
	[tilespmem:s26+$0x9F0] =	vst v0  }
0x409: {  	[hbm4b:s7+s30] =	stream.linear.scatter [tilespmem:s12], [sflag:$0x8], $0x4000, $0x38;
	[tilespmem:$0x1C800] =	vst v63  }
0x40a: {  	s30 =	simm.s32 $0x700  }
0x40b: {  	[tilespmem:s13], [sflag:$0x3] =	stream.indirect.gather [hbm4b:s2+s11], $0x80, s30, s11, $0xb8;
	[tilespmem:$0x1C800] =	vst v63  }
0x40c: {  	s30 =	simm.s32 $0x780  }
0x40d: {  	[tilespmem:s15], [sflag:$0x4] =	stream.indirect.gather [hbm4b:s2+s11], $0x80, s30, s11, $0xb8;
	[tilespmem:$0x1C800] =	vst v63  }
0x40e: {  	_ =	swait.ge [sflag:s31], $0x4000  }
0x40f: {  	[sflag:s31] =	ssyncset.done $0x0  }
0x410: {  	[sflag:s31] =	ssyncadd.s32 $0xFFFFC000  }
0x411: {  	[tilespmem:s23], [sflag:$0x2] =	stream.indirect.gather [hbm4b:s2+s11], $0x80, s22, s11, $0xb8;
	[tilespmem:$0x1C800] =	vst v63  }
0x412: {  	_ =	swait.ge [sflag:s0], $0x4000  }
0x413: {  	[sflag:s0] =	ssyncset.done $0x0  }
0x414: {  	[sflag:s0] =	ssyncadd.s32 $0xFFFFC000  }
0x415: {  	_ =	swait.ge [sflag:s14], $0x4000  }
0x416: {  	[sflag:s14] =	ssyncset.done $0x0  }
0x417: {  	[sflag:s14] =	ssyncadd.s32 $0xFFFFC000  }
0x418: {  	_ =	swait.ge [sflag:s19], $0x4000  }
0x419: {  	[sflag:s19] =	ssyncset.done $0x0  }
0x41a: {  	[sflag:s19] =	ssyncadd.s32 $0xFFFFC000  }
0x41b: {  	_ =	swait.ge [sflag:s20], $0x4000  }
0x41c: {  	[sflag:s20] =	ssyncset.done $0x0  }
0x41d: {  	s26 =	simm.s32 $0x0;
	[sflag:s20] =	ssyncadd.s32 $0xFFFFC000  }
0x41e: {  	v43 =	vld [tilespmem:s26+$0xC800]  }
0x41f: {  	v55 =	vld [tilespmem:s26+$0xC810]  }
0x420: {  	v58 =	vld [tilespmem:s26+$0xC820]  }
0x421: {  	v59 =	vld [tilespmem:s26+$0xC830]  }
0x422: {  	v41 =	vld [tilespmem:s26+$0xC840]  }
0x423: {  	v42 =	vld [tilespmem:s26+$0xC850]  }
0x424: {  	v44 =	vld [tilespmem:s26+$0xC860]  }
0x425: {  	v45 =	vld [tilespmem:s26+$0xC870]  }
0x426: {  	v46 =	vld [tilespmem:s26+$0xC880]  }
0x427: {  	v47 =	vld [tilespmem:s26+$0xC890]  }
0x428: {  	v48 =	vld [tilespmem:s26+$0xC8A0]  }
0x429: {  	v49 =	vld [tilespmem:s26+$0xC8B0]  }
0x42a: {  	v50 =	vld [tilespmem:s26+$0xC8C0]  }
0x42b: {  	v51 =	vld [tilespmem:s26+$0xC8D0]  }
0x42c: {  	v52 =	vld [tilespmem:s26+$0xC8E0]  }
0x42d: {  	v53 =	vld [tilespmem:s26+$0xC8F0]  }
0x42e: {  	v54 =	vld [tilespmem:s26+$0xC900]  }
0x42f: {  	v56 =	vld [tilespmem:s26+$0xC910]  }
0x430: {  	v57 =	vld [tilespmem:s26+$0xC920]  }
0x431: {  	v60 =	vld [tilespmem:s26+$0xC930]  }
0x432: {  	v61 =	vld [tilespmem:s26+$0xC940]  }
0x433: {  	v62 =	vld [tilespmem:s26+$0xC950]  }
0x434: {  	v63 =	vld [tilespmem:s26+$0xC960]  }
0x435: {  	v4 =	vld [tilespmem:s26+$0xC970]  }
0x436: {  	v31 =	vld [tilespmem:s26+$0xC980]  }
0x437: {  	v30 =	vld [tilespmem:s26+$0xC990]  }
0x438: {  	v29 =	vld [tilespmem:s26+$0xC9A0]  }
0x439: {  	v28 =	vld [tilespmem:s26+$0xC9B0]  }
0x43a: {  	v26 =	vld [tilespmem:s26+$0xC9C0]  }
0x43b: {  	v25 =	vld [tilespmem:s26+$0xC9D0]  }
0x43c: {  	v5 =	vld [tilespmem:s26+$0x88C0]  }
0x43d: {  	v6 =	vld [tilespmem:s26+$0x88D0]  }
0x43e: {  	v7 =	vld [tilespmem:s26+$0x88E0]  }
0x43f: {  	v32 =	vld [tilespmem:s26+$0x88F0]  }
0x440: {  	v33 =	vld [tilespmem:s26+$0x8900]  }
0x441: {  	v34 =	vld [tilespmem:s26+$0x8910]  }
0x442: {  	v35 =	vld [tilespmem:s26+$0x8920]  }
0x443: {  	v36 =	vld [tilespmem:s26+$0x8930]  }
0x444: {  	v37 =	vld [tilespmem:s26+$0x8940]  }
0x445: {  	v38 =	vld [tilespmem:s26+$0x8950]  }
0x446: {  	v39 =	vld [tilespmem:s26+$0x8960]  }
0x447: {  	v40 =	vld [tilespmem:s26+$0x8970]  }
0x448: {  	v9 =	vld [tilespmem:s26+$0x89A0]  }
0x449: {  	v21 =	vld [tilespmem:s26+$0x18840]  }
0x44a: {  	v22 =	vld [tilespmem:s26+$0x18850]  }
0x44b: {  	v1 =	vld [tilespmem:s26+$0x18860]  }
0x44c: {  	v3 =	vld [tilespmem:s26+$0x18870]  }
0x44d: {  	v27 =	vld [tilespmem:s26+$0x18880]  }
0x44e: {  	v8 =	vld [tilespmem:s26+$0x188D0]  }
0x44f: {  	v23 =	vld [tilespmem:s26+$0x188E0]  }
0x450: {  	v24 =	vld [tilespmem:s26+$0x188F0]  }
0x451: {  	v10 =	vld [tilespmem:s26+$0x4800]  }
0x452: {  	v11 =	vld [tilespmem:s26+$0x4810]  }
0x453: {  	v12 =	vld [tilespmem:s26+$0x4820]  }
0x454: {  	v13 =	vld [tilespmem:s26+$0x4830]  }
0x455: {  	v14 =	vld [tilespmem:s26+$0x4840]  }
0x456: {  	v15 =	vld [tilespmem:s26+$0x4850]  }
0x457: {  	v16 =	vld [tilespmem:s26+$0x4860]  }
0x458: {  	v17 =	vld [tilespmem:s26+$0x4870]  }
0x459: {  	v18 =	vld [tilespmem:s26+$0x4880]  }
0x45a: {  	v19 =	vld [tilespmem:s26+$0x4890]  }
0x45b: {  	v20 =	vld [tilespmem:s26+$0x48A0]  }
0x45c: {  	v0 =	vld [tilespmem:s26+$0x48B0]  }
0x45d: {  	v2 =	vld [tilespmem:s26+$0x48C0]  }
0x45e: {  	[tilespmem:$0x1F410] =	vst v44;
	v44 =	vld [tilespmem:s26+$0x8800]  }
0x45f: {  	[tilespmem:$0x1F420] =	vst v45;
	v45 =	vld [tilespmem:s26+$0x8810]  }
0x460: {  	[tilespmem:$0x1F430] =	vst v46;
	v46 =	vld [tilespmem:s26+$0x8820]  }
0x461: {  	[tilespmem:$0x1F440] =	vst v47;
	v47 =	vld [tilespmem:s26+$0x8830]  }
0x462: {  	[tilespmem:$0x1F450] =	vst v48;
	v48 =	vld [tilespmem:s26+$0x8840]  }
0x463: {  	[tilespmem:$0x1F460] =	vst v49;
	v49 =	vld [tilespmem:s26+$0x8850]  }
0x464: {  	[tilespmem:$0x1F490] =	vst v50;
	v50 =	vld [tilespmem:s26+$0x8860]  }
0x465: {  	[tilespmem:$0x1F4B0] =	vst v51;
	v51 =	vld [tilespmem:s26+$0x8870]  }
0x466: {  	[tilespmem:$0x1F4D0] =	vst v52;
	v52 =	vld [tilespmem:s26+$0x8880]  }
0x467: {  	[tilespmem:$0x1F4E0] =	vst v53;
	v53 =	vld [tilespmem:s26+$0x8890]  }
0x468: {  	[tilespmem:$0x1F530] =	vst v56;
	v56 =	vld [tilespmem:s26+$0x88A0]  }
0x469: {  	[tilespmem:$0x1F550] =	vst v57;
	v57 =	vld [tilespmem:s26+$0x88B0]  }
0x46a: {  	[tilespmem:$0x1F3F0] =	vst v41;
	v41 =	vld [tilespmem:s26+$0x8980]  }
0x46b: {  	[tilespmem:$0x1F400] =	vst v42;
	v42 =	vld [tilespmem:s26+$0x8990]  }
0x46c: {  	[tilespmem:$0x1F520] =	vst v35;
	v35 =	vld [tilespmem:s26+$0x89B0]  }
0x46d: {  	[tilespmem:$0x1F500] =	vst v34;
	v34 =	vld [tilespmem:s26+$0x89C0]  }
0x46e: {  	[tilespmem:$0x1F4F0] =	vst v33;
	v33 =	vld [tilespmem:s26+$0x89D0]  }
0x46f: {  	[tilespmem:$0x1F560] =	vst v60;
	v60 =	vld [tilespmem:s26+$0x18800]  }
0x470: {  	[tilespmem:$0x1F590] =	vst v61;
	v61 =	vld [tilespmem:s26+$0x18810]  }
0x471: {  	[tilespmem:$0x1F5B0] =	vst v62;
	v62 =	vld [tilespmem:s26+$0x18820]  }
0x472: {  	[tilespmem:$0x1F5D0] =	vst v63;
	v63 =	vld [tilespmem:s26+$0x18830]  }
0x473: {  	[tilespmem:$0x1F470] =	vst v5;
	v5 =	vld [tilespmem:s26+$0x18890]  }
0x474: {  	[tilespmem:$0x1F480] =	vst v6;
	v6 =	vld [tilespmem:s26+$0x188A0]  }
0x475: {  	[tilespmem:$0x1F4A0] =	vst v7;
	v7 =	vld [tilespmem:s26+$0x188B0]  }
0x476: {  	[tilespmem:$0x1F4C0] =	vst v32;
	v32 =	vld [tilespmem:s26+$0x188C0]  }
0x477: {  	[tilespmem:$0x1F540] =	vst v36;
	v36 =	vld [tilespmem:s26+$0x18900]  }
0x478: {  	[tilespmem:$0x1F580] =	vst v38;
	v38 =	vld [tilespmem:s26+$0x18910]  }
0x479: {  	[tilespmem:$0x1F570] =	vst v37;
	v37 =	vld [tilespmem:s26+$0x18920]  }
0x47a: {  	[tilespmem:$0x1F5A0] =	vst v39;
	v39 =	vld [tilespmem:s26+$0x18930]  }
0x47b: {  	[tilespmem:$0x1F5C0] =	vst v40;
	v40 =	vld [tilespmem:s26+$0x18940]  }
0x47c: {  	[tilespmem:$0x1F510] =	vst v54;
	v54 =	vld [tilespmem:s26+$0x18950]  }
0x47d: {  	[tilespmem:$0x1F5E0] =	vst v4;
	v4 =	vld [tilespmem:s26+$0x48E0]  }
0x47e: {  	v14 =	vadd.f32 v21, v14;
	v21 =	vld [tilespmem:s26+$0x189A0]  }
0x47f: {  	v15 =	vadd.f32 v22, v15;
	v22 =	vld [tilespmem:s26+$0x189B0]  }
0x480: {  	[tilespmem:$0x1F5F0] =	vst v41;
	v41 =	vld [tilespmem:s26+$0x18960]  }
0x481: {  	[tilespmem:$0x1F600] =	vst v42;
	v42 =	vld [tilespmem:s26+$0x18970]  }
0x482: {  	v10 =	vadd.f32 v60, v10;
	v60 =	vld [tilespmem:s26+$0x48D0]  }
0x483: {  	v11 =	vadd.f32 v61, v11;
	v61 =	vld [tilespmem:s26+$0x18980]  }
0x484: {  	v14 =	vadd.f32 v48, v14;
	v48 =	vld [tilespmem:$0x1F410]  }
0x485: {  	v15 =	vadd.f32 v49, v15;
	v49 =	vld [tilespmem:$0x1F420]  }
0x486: {  	v12 =	vadd.f32 v62, v12;
	v62 =	vld [tilespmem:$0x1F4C0]  }
0x487: {  	v13 =	vadd.f32 v63, v13;
	v63 =	vld [tilespmem:s26+$0x4980]  }
0x488: {  	v10 =	vadd.f32 v44, v10;
	v44 =	vld [tilespmem:s26+$0x48F0]  }
0x489: {  	v11 =	vadd.f32 v45, v11;
	v45 =	vld [tilespmem:s26+$0x4900]  }
0x48a: {  	v12 =	vadd.f32 v46, v12;
	v46 =	vld [tilespmem:$0x1F3F0]  }
0x48b: {  	v10 =	vadd.f32 v43, v10;
	v43 =	vld [tilespmem:s26+$0x18990]  }
0x48c: {  	v11 =	vadd.f32 v55, v11;
	v55 =	vld [tilespmem:$0x1F470]  }
0x48d: {  	v12 =	vadd.f32 v58, v12;
	v58 =	vld [tilespmem:$0x1F490]  }
0x48e: {  	[tilespmem:s26+$0x4800] =	vst v10;
	v10 =	vadd.f32 v47, v13;
	v13 =	vld [tilespmem:s26+$0x4910]  }
0x48f: {  	[tilespmem:s26+$0x4810] =	vst v11;
	v11 =	vld [tilespmem:s26+$0x4920]  }
0x490: {  	[tilespmem:s26+$0x4820] =	vst v12;
	v12 =	vadd.f32 v1, v16;
	v16 =	vld [tilespmem:s26+$0x4930]  }
0x491: {  	v47 =	vld [tilespmem:$0x1F400]  }
0x492: {  	v14 =	vadd.f32 v46, v14;
	v46 =	vld [tilespmem:$0x1F510]  }
0x493: {  	v12 =	vadd.f32 v50, v12;
	v50 =	vld [tilespmem:$0x1F430]  }
0x494: {  	v10 =	vadd.f32 v59, v10;
	v59 =	vld [tilespmem:$0x1F4A0]  }
0x495: {  	[tilespmem:s26+$0x4840] =	vst v14;
	v14 =	vadd.f32 v27, v18;
	v18 =	vld [tilespmem:s26+$0x4950]  }
0x496: {  	v27 =	vld [tilespmem:s26+$0x189C0]  }
0x497: {  	[tilespmem:s26+$0x4830] =	vst v10;
	v10 =	vadd.f32 v3, v17;
	v17 =	vadd.f32 v5, v19;
	v19 =	vld [tilespmem:s26+$0x4960]  }
0x498: {  	v5 =	vld [tilespmem:$0x1F4D0]  }
0x499: {  	v12 =	vadd.f32 v48, v12;
	v48 =	vld [tilespmem:$0x1F530]  }
0x49a: {  	v14 =	vadd.f32 v52, v14;
	v52 =	vld [tilespmem:$0x1F450]  }
0x49b: {  	v13 =	vadd.f32 v38, v13;
	v38 =	vld [tilespmem:$0x1F4F0]  }
0x49c: {  	v15 =	vadd.f32 v47, v15;
	v47 =	vld [tilespmem:$0x1F520]  }
0x49d: {  	v10 =	vadd.f32 v51, v10;
	v51 =	vld [tilespmem:$0x1F440]  }
0x49e: {  	[tilespmem:s26+$0x4860] =	vst v12;
	v12 =	vadd.f32 v6, v20;
	v20 =	vld [tilespmem:s26+$0x4970]  }
0x49f: {  	v17 =	vadd.f32 v53, v17;
	v53 =	vld [tilespmem:$0x1F460]  }
0x4a0: {  	v6 =	vadd.f32 v36, v45;
	v36 =	vld [tilespmem:s26+$0x4990]  }
0x4a1: {  	v45 =	vld [tilespmem:s26+$0x49A0]  }
0x4a2: {  	[tilespmem:s26+$0x4850] =	vst v15;
	v15 =	vld [tilespmem:s26+$0x4940];
	v10 =	vadd.f32 v49, v10  }
0x4a3: {  	v14 =	vadd.f32 v50, v14;
	v50 =	vld [tilespmem:s26+$0x49B0]  }
0x4a4: {  	v12 =	vadd.f32 v56, v12;
	v49 =	vld [tilespmem:$0x1F540];
	[tilespmem:s26+$0x4870] =	vst v10;
	v10 =	vadd.f32 v7, v0  }
0x4a5: {  	v56 =	vadd.f32 v23, v4;
	[tilespmem:s26+$0x4880] =	vst v14;
	v14 =	vadd.f32 v32, v2;
	v32 =	vld [tilespmem:s26+$0x189D0]  }
0x4a6: {  	v17 =	vadd.f32 v51, v17;
	v10 =	vadd.f32 v57, v10;
	v57 =	vld [tilespmem:$0x1F480]  }
0x4a7: {  	v11 =	vadd.f32 v37, v11;
	v12 =	vadd.f32 v52, v12;
	v7 =	vld [tilespmem:$0x1F4E0]  }
0x4a8: {  	v0 =	vadd.f32 v59, v56;
	[tilespmem:s26+$0x4890] =	vst v17;
	v17 =	vadd.f32 v8, v60;
	v60 =	vld [tilespmem:$0x1F4B0]  }
0x4a9: {  	v11 =	vadd.f32 v47, v11;
	v52 =	vld [tilespmem:$0x1F560];
	v14 =	vadd.f32 v55, v14  }
0x4aa: {  	v51 =	vld [tilespmem:$0x1F550];
	v15 =	vadd.f32 v40, v15;
	v10 =	vadd.f32 v53, v10  }
0x4ab: {  	[tilespmem:s26+$0x48A0] =	vst v12;
	v12 =	vadd.f32 v57, v17;
	v17 =	vadd.f32 v24, v44;
	v44 =	vld [tilespmem:$0x1F500]  }
0x4ac: {  	v56 =	vld [tilespmem:$0x1F5A0];
	v22 =	vadd.f32 v22, v50;
	v14 =	vadd.f32 v58, v14  }
0x4ad: {  	v59 =	vld [tilespmem:$0x1F5D0];
	[tilespmem:s26+$0x48B0] =	vst v10;
	v10 =	vadd.f32 v60, v12;
	v12 =	vadd.f32 v62, v17  }
0x4ae: {  	v55 =	vld [tilespmem:$0x1F590];
	[tilespmem:s26+$0x48C0] =	vst v14;
	v14 =	vadd.f32 v38, v6;
	v17 =	vadd.f32 v5, v0  }
0x4af: {  	v58 =	vld [tilespmem:$0x1F5C0];
	v11 =	vadd.f32 v51, v11;
	v12 =	vadd.f32 v7, v12;
	[tilespmem:s26+$0x48D0] =	vst v10  }
0x4b0: {  	v53 =	vld [tilespmem:$0x1F570];
	[tilespmem:s26+$0x48E0] =	vst v17;
	v17 =	vadd.f32 v41, v19;
	v10 =	vadd.f32 v44, v13  }
0x4b1: {  	v13 =	vadd.f32 v39, v16;
	[tilespmem:s26+$0x48F0] =	vst v12;
	v12 =	vadd.f32 v54, v18;
	v54 =	vld [tilespmem:$0x1F580]  }
0x4b2: {  	v57 =	vld [tilespmem:$0x1F5B0];
	v16 =	vadd.f32 v46, v14;
	v18 =	vadd.f32 v42, v20  }
0x4b3: {  	v60 =	vld [tilespmem:$0x1F5E0];
	v17 =	vadd.f32 v56, v17;
	v10 =	vadd.f32 v48, v10  }
0x4b4: {  	v62 =	vld [tilespmem:$0x1F5F0];
	v20 =	vadd.f32 v21, v45;
	v13 =	vadd.f32 v49, v13  }
0x4b5: {  	[tilespmem:s26+$0x4910] =	vst v10;
	v10 =	vadd.f32 v58, v18;
	v18 =	vadd.f32 v61, v63;
	v63 =	vld [tilespmem:$0x1F600]  }
0x4b6: {  	[tilespmem:s26+$0x4920] =	vst v11;
	v11 =	vld [tilespmem:s26+$0x49D0];
	v17 =	vadd.f32 v59, v17;
	v12 =	vadd.f32 v54, v12  }
0x4b7: {  	v14 =	vld [tilespmem:s26+$0x189E0];
	v4 =	vadd.f32 v52, v13;
	v13 =	vadd.f32 v53, v15  }
0x4b8: {  	[tilespmem:s26+$0x4900] =	vst v16;
	v61 =	vadd.f32 v43, v36;
	v16 =	vadd.f32 v57, v12;
	v12 =	vld [tilespmem:s26+$0x49C0]  }
0x4b9: {  	v15 =	vld [tilespmem:s26+$0x189F0];
	v13 =	vadd.f32 v55, v13;
	v19 =	vadd.f32 v62, v18  }
0x4ba: {  	s29 =	simm.s32 $0x800;
	v10 =	vadd.f32 v60, v10;
	[tilespmem:s26+$0x4930] =	vst v4;
	v18 =	vld [tilespmem:s26+$0x49E0];
	v21 =	vadd.f32 v63, v61  }
.LBB2_8:
0x4bb: {  	[tilespmem:s26+$0x4940] =	vst v13;
	v5 =	vadd.f32 v31, v19;
	v9 =	vadd.f32 v9, v20;
	v13 =	vld [tilespmem:s26+$0x49F0]  }
0x4bc: {  	[tilespmem:s26+$0x4950] =	vst v16;
	v4 =	vadd.f32 v30, v21;
	v16 =	vld [tilespmem:s26+$0x89E0];
	v8 =	vadd.f32 v35, v22  }
0x4bd: {  	[tilespmem:s26+$0x4960] =	vst v17;
	v3 =	vadd.f32 v29, v9;
	v9 =	vadd.f32 v27, v12;
	v12 =	vld [tilespmem:s26+$0x89F0]  }
0x4be: {  	[tilespmem:s26+$0x4970] =	vst v10;
	v10 =	vld [tilespmem:s26+$0xC9E0];
	v2 =	vadd.f32 v28, v8;
	v8 =	vadd.f32 v32, v11  }
0x4bf: {  	s30 =	sshra.s32 s29, $0x2;
	[tilespmem:s26+$0x4980] =	vst v5;
	v7 =	vadd.f32 v14, v18;
	v49 =	vadd.f32 v34, v9;
	v9 =	vld [tilespmem:s26+$0xC9F0]  }
0x4c0: {  	v36 =	vld [tilespmem:s30+$0xC800];
	[tilespmem:s26+$0x4990] =	vst v4;
	v6 =	vadd.f32 v15, v13;
	v50 =	vadd.f32 v33, v8  }
0x4c1: {  	v37 =	vld [tilespmem:s30+$0xC810];
	[tilespmem:s26+$0x49A0] =	vst v3;
	v51 =	vadd.f32 v16, v7;
	v1 =	vadd.f32 v26, v49  }
0x4c2: {  	v38 =	vld [tilespmem:s30+$0xC820];
	[tilespmem:s26+$0x49B0] =	vst v2;
	v52 =	vadd.f32 v12, v6;
	v0 =	vadd.f32 v25, v50  }
0x4c3: {  	v53 =	vadd.f32 v10, v51;
	v39 =	vld [tilespmem:s30+$0xC830];
	[tilespmem:s26+$0x49C0] =	vst v1  }
0x4c4: {  	v10 =	vld [tilespmem:s30+$0xC840];
	v54 =	vadd.f32 v9, v52;
	[tilespmem:s26+$0x49D0] =	vst v0  }
0x4c5: {  	v11 =	vld [tilespmem:s30+$0xC850];
	[tilespmem:s26+$0x49E0] =	vst v53  }
0x4c6: {  	v32 =	vld [tilespmem:s30+$0xC860];
	[tilespmem:s26+$0x49F0] =	vst v54;
	s26 =	smov.u32 s30  }
0x4c7: {  	v12 =	vld [tilespmem:s26+$0xC870]  }
0x4c8: {  	v15 =	vld [tilespmem:s26+$0xC880]  }
0x4c9: {  	v18 =	vld [tilespmem:s26+$0xC890]  }
0x4ca: {  	v19 =	vld [tilespmem:s26+$0xC8A0]  }
0x4cb: {  	v21 =	vld [tilespmem:s26+$0xC8B0]  }
0x4cc: {  	v0 =	vld [tilespmem:s26+$0xC8C0]  }
0x4cd: {  	v55 =	vld [tilespmem:s26+$0xC8D0]  }
0x4ce: {  	v56 =	vld [tilespmem:s26+$0xC8E0]  }
0x4cf: {  	v57 =	vld [tilespmem:s26+$0xC8F0]  }
0x4d0: {  	v58 =	vld [tilespmem:s26+$0xC900]  }
0x4d1: {  	v59 =	vld [tilespmem:s26+$0xC910]  }
0x4d2: {  	v60 =	vld [tilespmem:s26+$0xC920]  }
0x4d3: {  	v61 =	vld [tilespmem:s26+$0xC930]  }
0x4d4: {  	v62 =	vld [tilespmem:s26+$0xC940]  }
0x4d5: {  	v63 =	vld [tilespmem:s26+$0xC950]  }
0x4d6: {  	v4 =	vld [tilespmem:s26+$0xC960]  }
0x4d7: {  	v5 =	vld [tilespmem:s26+$0xC970]  }
0x4d8: {  	v20 =	vld [tilespmem:s26+$0xC980]  }
0x4d9: {  	v16 =	vld [tilespmem:s26+$0xC990]  }
0x4da: {  	v6 =	vld [tilespmem:s26+$0xC9A0]  }
0x4db: {  	v17 =	vld [tilespmem:s26+$0xC9B0]  }
0x4dc: {  	v7 =	vld [tilespmem:s26+$0xC9C0]  }
0x4dd: {  	v27 =	vld [tilespmem:s26+$0xC9D0]  }
0x4de: {  	v54 =	vld [tilespmem:s26+$0x8850]  }
0x4df: {  	v53 =	vld [tilespmem:s26+$0x8860]  }
0x4e0: {  	v52 =	vld [tilespmem:s26+$0x8870]  }
0x4e1: {  	v51 =	vld [tilespmem:s26+$0x8880]  }
0x4e2: {  	v50 =	vld [tilespmem:s26+$0x8890]  }
0x4e3: {  	v49 =	vld [tilespmem:s26+$0x88A0]  }
0x4e4: {  	v48 =	vld [tilespmem:s26+$0x88B0]  }
0x4e5: {  	v47 =	vld [tilespmem:s26+$0x88C0]  }
0x4e6: {  	v46 =	vld [tilespmem:s26+$0x88D0]  }
0x4e7: {  	v45 =	vld [tilespmem:s26+$0x88E0]  }
0x4e8: {  	v44 =	vld [tilespmem:s26+$0x88F0]  }
0x4e9: {  	v43 =	vld [tilespmem:s26+$0x8900]  }
0x4ea: {  	v42 =	vld [tilespmem:s26+$0x8910]  }
0x4eb: {  	v41 =	vld [tilespmem:s26+$0x8920]  }
0x4ec: {  	v40 =	vld [tilespmem:s26+$0x8930]  }
0x4ed: {  	v22 =	vld [tilespmem:s26+$0x8940]  }
0x4ee: {  	v33 =	vld [tilespmem:s26+$0x8950]  }
0x4ef: {  	v34 =	vld [tilespmem:s26+$0x8960]  }
0x4f0: {  	v35 =	vld [tilespmem:s26+$0x8970]  }
0x4f1: {  	v13 =	vld [tilespmem:s26+$0x89A0]  }
0x4f2: {  	v14 =	vld [tilespmem:s26+$0x89C0]  }
0x4f3: {  	v9 =	vld [tilespmem:s26+$0x89D0]  }
0x4f4: {  	v1 =	vld [tilespmem:s26+$0x18850]  }
0x4f5: {  	v2 =	vld [tilespmem:s26+$0x18860]  }
0x4f6: {  	v3 =	vld [tilespmem:s26+$0x18870]  }
0x4f7: {  	v23 =	vld [tilespmem:s26+$0x188B0]  }
0x4f8: {  	v24 =	vld [tilespmem:s26+$0x188C0]  }
0x4f9: {  	v25 =	vld [tilespmem:s26+$0x188D0]  }
0x4fa: {  	v26 =	vld [tilespmem:s26+$0x188E0]  }
0x4fb: {  	v28 =	vld [tilespmem:s26+$0x188F0]  }
0x4fc: {  	v29 =	vld [tilespmem:s26+$0x18900]  }
0x4fd: {  	v30 =	vld [tilespmem:s26+$0x4800]  }
0x4fe: {  	v8 =	vld [tilespmem:s26+$0x4810]  }
0x4ff: {  	v31 =	vld [tilespmem:s26+$0x4820]  }
0x500: {  	[tilespmem:$0x1F2D0] =	vst v55;
	v55 =	vld [tilespmem:s26+$0x8800]  }
0x501: {  	[tilespmem:$0x1F2E0] =	vst v56;
	v56 =	vld [tilespmem:s26+$0x8810]  }
0x502: {  	[tilespmem:$0x1F300] =	vst v57;
	v57 =	vld [tilespmem:s26+$0x8820]  }
0x503: {  	[tilespmem:$0x1F310] =	vst v58;
	v58 =	vld [tilespmem:s26+$0x8830]  }
0x504: {  	[tilespmem:$0x1F320] =	vst v59;
	v59 =	vld [tilespmem:s26+$0x8840]  }
0x505: {  	[tilespmem:$0x1F330] =	vst v60;
	v60 =	vld [tilespmem:s26+$0x8980]  }
0x506: {  	[tilespmem:$0x1F340] =	vst v61;
	v61 =	vld [tilespmem:s26+$0x8990]  }
0x507: {  	[tilespmem:$0x1F390] =	vst v35;
	v35 =	vld [tilespmem:s26+$0x89B0]  }
0x508: {  	[tilespmem:$0x1F360] =	vst v62;
	v62 =	vld [tilespmem:s26+$0x18820]  }
0x509: {  	[tilespmem:$0x1F380] =	vst v63;
	v63 =	vld [tilespmem:s26+$0x18830]  }
0x50a: {  	[tilespmem:$0x1F2C0] =	vst v0;
	v0 =	vld [tilespmem:s26+$0x18840]  }
0x50b: {  	[tilespmem:$0x1F3A0] =	vst v4;
	v4 =	vld [tilespmem:s26+$0x18880]  }
0x50c: {  	[tilespmem:$0x1F3B0] =	vst v5;
	v5 =	vld [tilespmem:s26+$0x18890]  }
0x50d: {  	[tilespmem:$0x1F2F0] =	vst v6;
	v6 =	vld [tilespmem:s26+$0x188A0]  }
0x50e: {  	[tilespmem:$0x1F3D0] =	vst v7;
	v7 =	vld [tilespmem:s26+$0x18910]  }
0x50f: {  	[tilespmem:$0x1F350] =	vst v33;
	v33 =	vld [tilespmem:s26+$0x4830]  }
0x510: {  	[tilespmem:$0x1F370] =	vst v34;
	v34 =	vld [tilespmem:s26+$0x18920]  }
0x511: {  	[tilespmem:$0x1F3C0] =	vst v60;
	v60 =	vld [tilespmem:s26+$0x18800]  }
0x512: {  	[tilespmem:$0x1F3E0] =	vst v61;
	v61 =	vld [tilespmem:s26+$0x18810]  }
0x513: {  	v31 =	vadd.f32 v62, v31;
	v62 =	vld [tilespmem:s26+$0x4850]  }
0x514: {  	v33 =	vadd.f32 v63, v33;
	v63 =	vld [tilespmem:s26+$0x4860]  }
0x515: {  	v31 =	vadd.f32 v57, v31;
	v57 =	vld [tilespmem:s26+$0x4870]  }
0x516: {  	v33 =	vadd.f32 v58, v33;
	v58 =	vld [tilespmem:s26+$0x48D0]  }
0x517: {  	v31 =	vadd.f32 v38, v31;
	v38 =	vld [tilespmem:s26+$0x18950]  }
0x518: {  	v30 =	vadd.f32 v60, v30;
	v60 =	vld [tilespmem:s26+$0x18930]  }
0x519: {  	v8 =	vadd.f32 v61, v8;
	v61 =	vld [tilespmem:s26+$0x4840]  }
0x51a: {  	v1 =	vadd.f32 v1, v62;
	v62 =	vld [tilespmem:s26+$0x4880]  }
0x51b: {  	v2 =	vadd.f32 v2, v63;
	v63 =	vld [tilespmem:s26+$0x4890]  }
0x51c: {  	v8 =	vadd.f32 v56, v8;
	v56 =	vld [tilespmem:s26+$0x48A0]  }
0x51d: {  	v33 =	vadd.f32 v39, v33;
	v3 =	vadd.f32 v3, v57;
	v57 =	vld [tilespmem:s26+$0x18970]  }
0x51e: {  	v2 =	vadd.f32 v53, v2;
	v53 =	vld [tilespmem:$0x1F360]  }
0x51f: {  	v1 =	vadd.f32 v54, v1;
	v54 =	vld [tilespmem:$0x1F370]  }
0x520: {  	v30 =	vadd.f32 v55, v30;
	v55 =	vld [tilespmem:s26+$0x49B0]  }
0x521: {  	[tilespmem:s26+$0x4830] =	vst v33;
	v33 =	vmov v9;
	v9 =	vmov v13;
	v13 =	vld [tilespmem:$0x1F2D0]  }
0x522: {  	v8 =	vadd.f32 v37, v8;
	v37 =	vld [tilespmem:s26+$0x18940]  }
0x523: {  	v1 =	vadd.f32 v11, v1;
	v11 =	vld [tilespmem:s26+$0x18960]  }
0x524: {  	v2 =	vadd.f32 v32, v2;
	v32 =	vld [tilespmem:s26+$0x189D0]  }
0x525: {  	v3 =	vadd.f32 v52, v3;
	v0 =	vadd.f32 v0, v61;
	v61 =	vld [tilespmem:$0x1F2E0]  }
0x526: {  	v4 =	vadd.f32 v4, v62;
	v62 =	vld [tilespmem:$0x1F300]  }
0x527: {  	v30 =	vadd.f32 v36, v30;
	v3 =	vadd.f32 v12, v3;
	v12 =	vld [tilespmem:s26+$0x48C0]  }
0x528: {  	v0 =	vadd.f32 v59, v0;
	v59 =	vld [tilespmem:s26+$0x18980]  }
0x529: {  	v4 =	vadd.f32 v51, v4;
	v51 =	vld [tilespmem:$0x1F340]  }
0x52a: {  	v5 =	vadd.f32 v5, v63;
	v6 =	vadd.f32 v6, v56;
	v56 =	vld [tilespmem:$0x1F380]  }
0x52b: {  	[tilespmem:s26+$0x4800] =	vst v30;
	v30 =	vmov v16;
	v16 =	vld [tilespmem:$0x1F2C0]  }
0x52c: {  	v5 =	vadd.f32 v50, v5;
	v0 =	vadd.f32 v10, v0;
	v10 =	vld [tilespmem:s26+$0x48B0]  }
0x52d: {  	v4 =	vadd.f32 v15, v4;
	v15 =	vld [tilespmem:s26+$0x48F0]  }
0x52e: {  	v5 =	vadd.f32 v18, v5;
	v18 =	vld [tilespmem:s26+$0x18990]  }
0x52f: {  	v6 =	vadd.f32 v49, v6;
	v49 =	vld [tilespmem:$0x1F330]  }
0x530: {  	v12 =	vadd.f32 v24, v12;
	v24 =	vld [tilespmem:s26+$0x4900]  }
0x531: {  	v6 =	vadd.f32 v19, v6;
	v19 =	vadd.f32 v25, v58;
	v25 =	vld [tilespmem:s26+$0x4910]  }
0x532: {  	v58 =	vld [tilespmem:$0x1F3A0]  }
0x533: {  	[tilespmem:s26+$0x4810] =	vst v8;
	v12 =	vadd.f32 v47, v12;
	v8 =	vadd.f32 v46, v19;
	v19 =	vld [tilespmem:s26+$0x4920]  }
0x534: {  	v10 =	vadd.f32 v23, v10;
	v23 =	vld [tilespmem:s26+$0x48E0]  }
0x535: {  	v47 =	vld [tilespmem:$0x1F320];
	v15 =	vadd.f32 v28, v15;
	v12 =	vadd.f32 v16, v12  }
0x536: {  	v8 =	vadd.f32 v13, v8;
	v7 =	vadd.f32 v7, v25;
	v25 =	vmov v27;
	v27 =	vld [tilespmem:s26+$0x189C0]  }
0x537: {  	v15 =	vadd.f32 v44, v15;
	[tilespmem:s26+$0x48C0] =	vst v12;
	v12 =	vld [tilespmem:s26+$0x4990]  }
0x538: {  	v10 =	vadd.f32 v48, v10;
	[tilespmem:s26+$0x48D0] =	vst v8;
	v8 =	vld [tilespmem:$0x1F350]  }
0x539: {  	[tilespmem:s26+$0x4850] =	vst v1;
	v1 =	vadd.f32 v62, v15;
	v15 =	vld [tilespmem:s26+$0x4940];
	v23 =	vadd.f32 v26, v23  }
0x53a: {  	v19 =	vadd.f32 v34, v19;
	v34 =	vmov v14;
	v14 =	vld [tilespmem:s26+$0x189E0]  }
0x53b: {  	v10 =	vadd.f32 v21, v10;
	v62 =	vld [tilespmem:$0x1F3C0];
	v21 =	vadd.f32 v45, v23  }
0x53c: {  	[tilespmem:s26+$0x4840] =	vst v0;
	v26 =	vld [tilespmem:s26+$0x189A0]  }
0x53d: {  	[tilespmem:s26+$0x48B0] =	vst v10;
	v10 =	vld [tilespmem:s26+$0x4980];
	v0 =	vadd.f32 v61, v21;
	v21 =	vadd.f32 v29, v24  }
0x53e: {  	v23 =	vld [tilespmem:s26+$0x4930]  }
0x53f: {  	v46 =	vadd.f32 v41, v19;
	v63 =	vadd.f32 v43, v21;
	v21 =	vld [tilespmem:s26+$0x4950]  }
0x540: {  	v45 =	vld [tilespmem:$0x1F310]  }
0x541: {  	[tilespmem:s26+$0x4880] =	vst v4;
	v19 =	vld [tilespmem:s26+$0x4970];
	v4 =	vadd.f32 v49, v46  }
0x542: {  	v29 =	vld [tilespmem:$0x1F2F0];
	v50 =	vadd.f32 v37, v15;
	v61 =	vadd.f32 v18, v12  }
0x543: {  	[tilespmem:s26+$0x4820] =	vst v31;
	v43 =	vadd.f32 v42, v7;
	v44 =	vadd.f32 v60, v23;
	v23 =	vld [tilespmem:s26+$0x4960]  }
0x544: {  	[tilespmem:s26+$0x48A0] =	vst v6;
	v24 =	vld [tilespmem:s26+$0x189B0];
	v6 =	vadd.f32 v22, v50;
	v52 =	vadd.f32 v38, v21  }
0x545: {  	[tilespmem:s26+$0x4860] =	vst v2;
	v59 =	vadd.f32 v59, v10;
	v60 =	vld [tilespmem:$0x1F3B0];
	v2 =	vadd.f32 v45, v63  }
0x546: {  	[tilespmem:s26+$0x4870] =	vst v3;
	v7 =	vadd.f32 v8, v52;
	v8 =	vadd.f32 v57, v19;
	v57 =	vld [tilespmem:$0x1F390]  }
0x547: {  	[tilespmem:s26+$0x4890] =	vst v5;
	v3 =	vadd.f32 v47, v43;
	v48 =	vadd.f32 v40, v44;
	v21 =	vld [tilespmem:s26+$0x49A0]  }
0x548: {  	p0 =	sne.s32 s29, $0xF800;
	[tilespmem:s26+$0x48F0] =	vst v1;
	v13 =	vadd.f32 v53, v6;
	v63 =	vld [tilespmem:$0x1F3E0];
	v11 =	vadd.f32 v11, v23  }
.Ltmp3:
0x549: {  	v15 =	vld [tilespmem:s26+$0x189F0];
	[tilespmem:s26+$0x4920] =	vst v4;
	v22 =	vadd.f32 v24, v55;
	v5 =	vadd.f32 v51, v48;
	(pc) =	sbr.rel @p0 .LBB2_8-.Ltmp3, $4  }
0x54a: {  	v12 =	vld [tilespmem:s26+$0x49C0];
	[tilespmem:s26+$0x48E0] =	vst v0;
	v19 =	vadd.f32 v62, v59;
	v0 =	vadd.f32 v54, v11  }
0x54b: {  	v18 =	vld [tilespmem:s26+$0x49E0];
	[tilespmem:s26+$0x4900] =	vst v2;
	v16 =	vadd.f32 v56, v7;
	v1 =	vadd.f32 v57, v8  }
0x54c: {  	v31 =	vmovc v20;
	v28 =	vmov v17;
	[tilespmem:s26+$0x4910] =	vst v3;
	v11 =	vld [tilespmem:s26+$0x49D0];
	v17 =	vadd.f32 v58, v0;
	v20 =	vadd.f32 v26, v21  }
0x54d: {  	s29 =	sadd.s32 $0x800, s29;
	[tilespmem:s26+$0x4930] =	vst v5;
	v26 =	vld [tilespmem:$0x1F3D0];
	v21 =	vadd.f32 v63, v61;
	v10 =	vadd.f32 v60, v1  }
0x54e: {  	[tilespmem:s26+$0x4940] =	vst v13;
	v0 =	vld [tilespmem:s26+$0x49F0];
	v2 =	vadd.f32 v31, v19;
	v3 =	vadd.f32 v9, v20  }
0x54f: {  	[tilespmem:s26+$0x4950] =	vst v16;
	v1 =	vld [tilespmem:s26+$0x89E0];
	v6 =	vadd.f32 v35, v22;
	v5 =	vadd.f32 v30, v21  }
0x550: {  	[tilespmem:s26+$0x4960] =	vst v17;
	v4 =	vld [tilespmem:s26+$0x89F0];
	v7 =	vadd.f32 v27, v12;
	v3 =	vadd.f32 v29, v3  }
0x551: {  	v8 =	vld [tilespmem:s26+$0xC9E0];
	[tilespmem:s26+$0x4970] =	vst v10;
	v6 =	vadd.f32 v28, v6;
	v58 =	vadd.f32 v32, v11  }
0x552: {  	v61 =	vld [tilespmem:s26+$0xC9F0];
	[tilespmem:s26+$0x4980] =	vst v2;
	v60 =	vadd.f32 v14, v18;
	v59 =	vadd.f32 v34, v7  }
0x553: {  	[tilespmem:s26+$0x4990] =	vst v5;
	v62 =	vadd.f32 v33, v58;
	v0 =	vadd.f32 v15, v0  }
0x554: {  	[tilespmem:s26+$0x49A0] =	vst v3;
	v2 =	vadd.f32 v26, v59;
	v1 =	vadd.f32 v1, v60  }
0x555: {  	[tilespmem:s26+$0x49B0] =	vst v6;
	v63 =	vadd.f32 v25, v62;
	v0 =	vadd.f32 v4, v0  }
0x556: {  	[tilespmem:s26+$0x49C0] =	vst v2;
	v1 =	vadd.f32 v8, v1  }
0x557: {  	[tilespmem:s26+$0x49D0] =	vst v63;
	v0 =	vadd.f32 v61, v0  }
0x558: {  	[tilespmem:s26+$0x49E0] =	vst v1  }
0x559: {  	s24 =	sadd.s32 $0x1, s24;
	[tilespmem:s26+$0x49F0] =	vst v0  }
0x55a: {  	[hbm4b:s8+s3] =	stream.linear.scatter [tilespmem:s23], [sflag:$0x9], $0x4000, $0x38;
	[tilespmem:$0x1C800] =	vst v63  }
0x55b: {  	p0 =	sne.s32 s24, s9;
	_ =	swait.ge [sflag:s16], $0x4000  }
.Ltmp4:
0x55c: {  	[sflag:s16] =	ssyncset.done $0x0;
	(pc) =	sbr.rel @p0 .LBB2_1-.Ltmp4, $4  }
0x55d: {  	[sflag:s16] =	ssyncadd.s32 $0xFFFFC000  }
0x55e: {  	_ =	swait.ge [sflag:s31], $0x4000  }
0x55f: {  	[sflag:s31] =	ssyncset.done $0x0  }
0x560: {  	[sflag:s31] =	ssyncadd.s32 $0xFFFFC000  }
0x561: {  	_ =	sfence.sel $0x180000  }
0x562: {  	[bflag:$0x0] =	sbarrier.arrive $0xFFFF  }
0x563: {  	_ =	strace $0x90000047  }
0x564: {  	s0 =	stileid.u32;
	[bflag:$0x2] =	sbarrier.arrive $0xFFFF  }
0x565: {  	p0 =	sne.s32 s0, $0x0;
	s0 =	rddreg [dreg:$0x3]  }
0x566: {  	s0 =	sadd.s32 @!p0 $0x100000, s0  }
0x567: {  	[sflag:s0] =	ssyncadd.tile.s32 @!p0 $0x1;
	_ =	shalt  }
.Lfunc_end2:
_tile_overlayer_lowered:
.L_overlay_start_2:
0x568: {  	(tag) =	ssettag $0x2  }
0x569: {  	s0 =	rddreg [dreg:$0x0];
	s2 =	stileid.u32  }
0x56a: {  	s1 =	rddreg [dreg:$0x1];
	p0 =	sne.s32 s2, $0x0  }
0x56b: {  	s3 =	rddreg [dreg:$0x2];
	[bflag:$0x3] =	sbarrier.arrive $0xFFFF;
	s2 =	simm.s32 @!p0 $0x1C0A  }
0x56c: {  	[timem:s3], [sflag:s2] =	dma.local @!p0 [hbm:s0], s1  }
0x56d: {  	s0 =	simm.s32 @!p0 $0xA  }
0x56e: {  	_ =	swait.ge @!p0 [sflag:s0], s1  }
0x56f: {  	s1 =	ssub.s32 @!p0 $0x0, s1;
	[sflag:s0] =	ssyncset.done @!p0 $0x0  }
0x570: {  	[sflag:s0] =	ssyncadd.s32 @!p0 s1  }
0x571: {  	[bflag:$0x3] =	sbarrier.arrive $0xFFFF  }
0x572: {  	_ =	shalt  }

</sc_bundles>
